<compile_context>
chip_gen: v7x
topology: tpu7x:2x2x1
jax: 0.10.2.dev20260603
libtpu: 0.0.44.dev20260713+nightly
codegen_flags: <defaults>
</compile_context>

<pallas_src>
import functools

import jax
import jax.numpy as jnp
from jax import lax
from jax.experimental import pallas as pl
from jax.experimental.pallas import tpu as pltpu
from jax.experimental.pallas import tpu_sc as plsc

_NC = 2
_NS = 16
_NW = _NC * _NS
_LANES = 16
_BATCH = 16384
_DIM = 128
_BPW = _BATCH // _NW
_CHUNK = 64
_NCHUNK = _BPW // _CHUNK
_NBUF = 4
_VECS = _DIM // _LANES


def _sc_body(ind_hbm, eeg_hbm, ir_hbm, b_hbm, out_hbm,
             idx_v, rows_v, eeg_v, ir_v, acc_v, sems):
    c = lax.axis_index("c")
    s = lax.axis_index("s")
    wid = c * _NS + s
    base = wid * _BPW

    pltpu.sync_copy(ind_hbm.at[pl.ds(wid * 4, 4)], idx_v)

    def fire(ch):
        buf = ch % _NBUF
        row0 = base + ch * _CHUNK
        return (
            pltpu.async_copy(
                b_hbm.at[idx_v.at[ch // 2, pl.ds((ch % 2) * _CHUNK, _CHUNK)]],
                rows_v.at[buf], sems.at[buf, 0]),
            pltpu.async_copy(eeg_hbm.at[pl.ds(row0, _CHUNK)], eeg_v.at[buf],
                             sems.at[buf, 1]),
            pltpu.async_copy(ir_hbm.at[pl.ds(row0, _CHUNK)], ir_v.at[buf],
                             sems.at[buf, 2]),
        )

    zero = jnp.zeros((_LANES,), jnp.float32)
    accs = (zero, zero, zero, zero)

    inflight = [fire(0), fire(1), fire(2)]
    for ch in range(_NCHUNK):
        buf = ch % _NBUF
        for cp in inflight[0]:
            cp.wait()
        inflight = inflight[1:]
        if ch + 3 < _NCHUNK:
            inflight.append(fire(ch + 3))

        @plsc.parallel_loop(0, _CHUNK, unroll=2, carry=accs)
        def _row(r, carry):
            a = list(carry)
            for j in range(_VECS):
                col = j * _LANES
                b = rows_v[buf, r, pl.ds(col, _LANES)]
                e = eeg_v[buf, r, pl.ds(col, _LANES)]
                i = ir_v[buf, r, pl.ds(col, _LANES)]
                de = b - e
                di = b - i
                a[j % 2] = a[j % 2] + de * de
                a[2 + j % 2] = a[2 + j % 2] + di * di
            return tuple(a)

        accs = _row

    acc_v[...] = (accs[0] + accs[1]) + (accs[2] + accs[3])
    pltpu.sync_copy(acc_v, out_hbm.at[wid])


@jax.jit
def _quant_loss(ind2, eeg, ir, b):
    mesh = plsc.VectorSubcoreMesh(
        core_axis_name="c", subcore_axis_name="s",
        num_cores=_NC, num_subcores=_NS)
    partials = pl.kernel(
        _sc_body,
        out_type=jax.ShapeDtypeStruct((_NW, _LANES), jnp.float32),
        mesh=mesh,
        scratch_types=[
            pltpu.VMEM((4, 128), jnp.int32),
            pltpu.VMEM((_NBUF, _CHUNK, _DIM), jnp.float32),
            pltpu.VMEM((_NBUF, _CHUNK, _DIM), jnp.float32),
            pltpu.VMEM((_NBUF, _CHUNK, _DIM), jnp.float32),
            pltpu.VMEM((_LANES,), jnp.float32),
            pltpu.SemaphoreType.DMA((_NBUF, 3)),
        ],
    )(ind2, eeg, ir, b)
    return jnp.sum(partials)


def kernel(eeg, ir, ind, B, un_eeg, un_ir, device):
    ind2 = ind.astype(jnp.int32).reshape(128, 128)
    return _quant_loss(ind2, eeg, ir, B)

# --- scband reference (transcript-rebuilt; emitter-appended) ---
"""Pipeline reference for scband-cal-quanization-loss-65833258713409 (READ-ONLY COPY).

The authoritative reference and input builder live on the scoring server;
editing this copy changes nothing except your own understanding.
"""

import jax, jax.numpy as jnp
import numpy as np


def setup_inputs(seed: int = 0) -> dict:
    key = jax.random.key(seed)
    k_eeg, k_ir, k_ind, k_B, k_ue, k_ui = jax.random.split(key, 6)
    batch, dim, nrows = 16384, 128, 100000
    eeg = jax.random.normal(k_eeg, (batch, dim), dtype=jnp.float32)
    ir = jax.random.normal(k_ir, (batch, dim), dtype=jnp.float32)
    ind = jax.random.randint(k_ind, (batch,), 0, nrows, dtype=jnp.int64 if jax.config.jax_enable_x64 else jnp.int32)
    B = jax.random.normal(k_B, (nrows, dim), dtype=jnp.float32)
    un_eeg = jax.random.normal(k_ue, (batch, dim), dtype=jnp.float32)
    un_ir = jax.random.normal(k_ui, (batch, dim), dtype=jnp.float32)
    device = 0
    return {"eeg": eeg, "ir": ir, "ind": ind, "B": B, "un_eeg": un_eeg, "un_ir": un_ir, "device": device}


def reference(eeg, ir, ind, B, un_eeg, un_ir, device):
    # Quantization loss: sum of squared distances between gathered codes B[ind] and continuous embeddings
    B_ind = jnp.take(B, ind, axis=0)  # gather rows of B
    loss_quant_eeg = jnp.sum(jnp.power(B_ind - eeg, 2))
    loss_quant_ir = jnp.sum(jnp.power(B_ind - ir, 2))
    loss_quant = loss_quant_eeg + loss_quant_ir
    return loss_quant

if __name__ == "__main__":
    import jax
    _d = setup_inputs()
    print(jax.jit(kernel)(*tuple(_d.values())))

</pallas_src>

<mosaic_0001>
#map = affine_map<(d0, d1) -> (0, 0)>
module attributes {stable_mosaic.version = 14 : i64} {
  func.func @_sc_body(%arg0: i32, %arg1: i32, %arg2: memref<128x128xi32, #tpu.memory_space<hbm>>, %arg3: memref<16384x128xf32, #tpu.memory_space<hbm>>, %arg4: memref<16384x128xf32, #tpu.memory_space<hbm>>, %arg5: memref<100000x128xf32, #tpu.memory_space<hbm>>, %arg6: memref<32x16xf32, #tpu.memory_space<hbm>>, %arg7: memref<4x128xi32, #tpu.memory_space<vmem>>, %arg8: memref<4x64x128xf32, #tpu.memory_space<vmem>>, %arg9: memref<4x64x128xf32, #tpu.memory_space<vmem>>, %arg10: memref<4x64x128xf32, #tpu.memory_space<vmem>>, %arg11: memref<16xf32, #tpu.memory_space<vmem>>, %arg12: memref<4x3x!tpu.dma_semaphore, #tpu.memory_space<semaphore_mem>>) attributes {dimension_semantics = [#tpu.dimension_semantics<core_parallel>, #tpu.dimension_semantics<subcore_parallel>], iteration_bounds = array<i64: 2, 16>, scalar_prefetch = 0 : i64, scratch_operands = 6 : i64, tpu.core_type = #tpu.core_type<sc_vector_subcore>, window_params = [{transform_indices = #map}, {transform_indices = #map}, {transform_indices = #map}, {transform_indices = #map}, {transform_indices = #map}]} {
    %mul3A = arith.constant 16 : i32
    %mul3A_0 = arith.muli %arg0, %mul3A : i32
    %add3A = arith.addi %mul3A_0, %arg1 : i32
    %mul3A_1 = arith.constant 512 : i32
    %mul3A_2 = arith.muli %add3A, %mul3A_1 : i32
    %mul3A_3 = arith.constant 4 : i32
    %mul3A_4 = arith.muli %add3A, %mul3A_3 : i32
    "tpu.region"() ({
      %run_scoped3A = tpu.sem_alloc : memref<!tpu.dma_semaphore, #tpu.memory_space<semaphore_mem>>
      %dma_start3A_857 = arith.constant 0 : i32
      %dma_start3A_858 = tpu.memref_slice %arg2[%mul3A_4, %dma_start3A_857] : memref<128x128xi32, #tpu.memory_space<hbm>> -> memref<4x128xi32, #tpu.memory_space<hbm>>
      %dma_start3A_859 = arith.constant 0 : i32
      %dma_start3A_860 = tpu.memref_slice %arg2[%mul3A_4, %dma_start3A_859] : memref<128x128xi32, #tpu.memory_space<hbm>> -> memref<4x128xi32, #tpu.memory_space<hbm>>
      tpu.enqueue_dma source(%dma_start3A_860 : memref<4x128xi32, #tpu.memory_space<hbm>>) target(%arg7 : memref<4x128xi32, #tpu.memory_space<vmem>>) target_semaphore(%run_scoped3A : memref<!tpu.dma_semaphore, #tpu.memory_space<semaphore_mem>>)
      %dma_wait3A_861 = arith.constant 0 : i32
      %dma_wait3A_862 = tpu.memref_slice %arg2[%mul3A_4, %dma_wait3A_861] : memref<128x128xi32, #tpu.memory_space<hbm>> -> memref<4x128xi32, #tpu.memory_space<hbm>>
      %dma_wait3A_863 = arith.constant 0 : i32
      %dma_wait3A_864 = tpu.memref_slice %arg2[%mul3A_4, %dma_wait3A_863] : memref<128x128xi32, #tpu.memory_space<hbm>> -> memref<4x128xi32, #tpu.memory_space<hbm>>
      tpu.wait_dma2 semaphore(%run_scoped3A : memref<!tpu.dma_semaphore, #tpu.memory_space<semaphore_mem>>) src(%dma_wait3A_864 : memref<4x128xi32, #tpu.memory_space<hbm>>) dst(%arg7 : memref<4x128xi32, #tpu.memory_space<vmem>>)
      tpu.yield
    }) : () -> ()
    %broadcast_in_dim3A = arith.constant 0.000000e+00 : f32
    %broadcast_in_dim3A_5 = vector.broadcast %broadcast_in_dim3A : f32 to vector<16xf32>
    %add3A_6 = arith.constant 0 : i32
    %add3A_7 = arith.addi %mul3A_2, %add3A_6 : i32
    %dma_start3A = arith.constant 0 : i32
    %dma_start3A_8 = arith.constant 0 : i32
    %dma_start3A_9 = arith.constant 0 : i32
    %dma_start3A_10 = arith.constant 0 : i32
    %dma_start3A_11 = arith.constant 0 : i32
    %dma_start3A_12 = arith.constant 0 : i32
    %dma_start3A_13 = tpu.memref_slice %arg8[%dma_start3A_8, %dma_start3A_11, %dma_start3A_12] : memref<4x64x128xf32, #tpu.memory_space<vmem>> -> memref<1x64x128xf32, #tpu.memory_space<vmem>>
    %dma_start3A_14 = tpu.memref_squeeze %dma_start3A_13 : memref<1x64x128xf32, #tpu.memory_space<vmem>> -> memref<64x128xf32, #tpu.memory_space<vmem>>
    %dma_start3A_15 = arith.constant 0 : i32
    %dma_start3A_16 = tpu.memref_slice %arg7[%dma_start3A, %dma_start3A_15] : memref<4x128xi32, #tpu.memory_space<vmem>> -> memref<1x64xi32, #tpu.memory_space<vmem>>
    %dma_start3A_17 = tpu.memref_squeeze %dma_start3A_16 : memref<1x64xi32, #tpu.memory_space<vmem>> -> memref<64xi32, #tpu.memory_space<vmem>>
    %dma_start3A_18 = arith.constant 0 : i32
    %dma_start3A_19 = arith.constant 0 : i32
    %dma_start3A_20 = tpu.memref_slice %arg5[%dma_start3A_18, %dma_start3A_19] : memref<100000x128xf32, #tpu.memory_space<hbm>> -> memref<100000x128xf32, #tpu.memory_space<hbm>>
    %dma_start3A_21 = tpu.memref_slice %arg12[%dma_start3A_9, %dma_start3A_10] : memref<4x3x!tpu.dma_semaphore, #tpu.memory_space<semaphore_mem>> -> memref<1x1x!tpu.dma_semaphore, #tpu.memory_space<semaphore_mem>>
    %dma_start3A_22 = tpu.memref_squeeze %dma_start3A_21 : memref<1x1x!tpu.dma_semaphore, #tpu.memory_space<semaphore_mem>> -> memref<!tpu.dma_semaphore, #tpu.memory_space<semaphore_mem>>
    tpu.enqueue_indirect_dma source(%dma_start3A_20 : memref<100000x128xf32, #tpu.memory_space<hbm>>) target(%dma_start3A_14 : memref<64x128xf32, #tpu.memory_space<vmem>>) offsets(%dma_start3A_17 : memref<64xi32, #tpu.memory_space<vmem>>) semaphore(%dma_start3A_22 : memref<!tpu.dma_semaphore, #tpu.memory_space<semaphore_mem>>)
    %dma_start3A_23 = arith.constant 0 : i32
    %dma_start3A_24 = arith.constant 0 : i32
    %dma_start3A_25 = arith.constant 1 : i32
    %dma_start3A_26 = arith.constant 0 : i32
    %dma_start3A_27 = arith.constant 0 : i32
    %dma_start3A_28 = tpu.memref_slice %arg9[%dma_start3A_23, %dma_start3A_26, %dma_start3A_27] : memref<4x64x128xf32, #tpu.memory_space<vmem>> -> memref<1x64x128xf32, #tpu.memory_space<vmem>>
    %dma_start3A_29 = tpu.memref_squeeze %dma_start3A_28 : memref<1x64x128xf32, #tpu.memory_space<vmem>> -> memref<64x128xf32, #tpu.memory_space<vmem>>
    %dma_start3A_30 = arith.constant 0 : i32
    %dma_start3A_31 = tpu.memref_slice %arg3[%add3A_7, %dma_start3A_30] : memref<16384x128xf32, #tpu.memory_space<hbm>> -> memref<64x128xf32, #tpu.memory_space<hbm>>
    %dma_start3A_32 = tpu.memref_slice %arg12[%dma_start3A_24, %dma_start3A_25] : memref<4x3x!tpu.dma_semaphore, #tpu.memory_space<semaphore_mem>> -> memref<1x1x!tpu.dma_semaphore, #tpu.memory_space<semaphore_mem>>
    %dma_start3A_33 = tpu.memref_squeeze %dma_start3A_32 : memref<1x1x!tpu.dma_semaphore, #tpu.memory_space<semaphore_mem>> -> memref<!tpu.dma_semaphore, #tpu.memory_space<semaphore_mem>>
    %dma_start3A_34 = arith.constant 0 : i32
    %dma_start3A_35 = arith.constant 0 : i32
    %dma_start3A_36 = tpu.memref_slice %arg9[%dma_start3A_23, %dma_start3A_34, %dma_start3A_35] : memref<4x64x128xf32, #tpu.memory_space<vmem>> -> memref<1x64x128xf32, #tpu.memory_space<vmem>>
    %dma_start3A_37 = tpu.memref_squeeze %dma_start3A_36 : memref<1x64x128xf32, #tpu.memory_space<vmem>> -> memref<64x128xf32, #tpu.memory_space<vmem>>
    %dma_start3A_38 = arith.constant 0 : i32
    %dma_start3A_39 = tpu.memref_slice %arg3[%add3A_7, %dma_start3A_38] : memref<16384x128xf32, #tpu.memory_space<hbm>> -> memref<64x128xf32, #tpu.memory_space<hbm>>
    tpu.enqueue_dma source(%dma_start3A_39 : memref<64x128xf32, #tpu.memory_space<hbm>>) target(%dma_start3A_37 : memref<64x128xf32, #tpu.memory_space<vmem>>) target_semaphore(%dma_start3A_33 : memref<!tpu.dma_semaphore, #tpu.memory_space<semaphore_mem>>)
    %dma_start3A_40 = arith.constant 0 : i32
    %dma_start3A_41 = arith.constant 0 : i32
    %dma_start3A_42 = arith.constant 2 : i32
    %dma_start3A_43 = arith.constant 0 : i32
    %dma_start3A_44 = arith.constant 0 : i32
    %dma_start3A_45 = tpu.memref_slice %arg10[%dma_start3A_40, %dma_start3A_43, %dma_start3A_44] : memref<4x64x128xf32, #tpu.memory_space<vmem>> -> memref<1x64x128xf32, #tpu.memory_space<vmem>>
    %dma_start3A_46 = tpu.memref_squeeze %dma_start3A_45 : memref<1x64x128xf32, #tpu.memory_space<vmem>> -> memref<64x128xf32, #tpu.memory_space<vmem>>
    %dma_start3A_47 = arith.constant 0 : i32
    %dma_start3A_48 = tpu.memref_slice %arg4[%add3A_7, %dma_start3A_47] : memref<16384x128xf32, #tpu.memory_space<hbm>> -> memref<64x128xf32, #tpu.memory_space<hbm>>
    %dma_start3A_49 = tpu.memref_slice %arg12[%dma_start3A_41, %dma_start3A_42] : memref<4x3x!tpu.dma_semaphore, #tpu.memory_space<semaphore_mem>> -> memref<1x1x!tpu.dma_semaphore, #tpu.memory_space<semaphore_mem>>
    %dma_start3A_50 = tpu.memref_squeeze %dma_start3A_49 : memref<1x1x!tpu.dma_semaphore, #tpu.memory_space<semaphore_mem>> -> memref<!tpu.dma_semaphore, #tpu.memory_space<semaphore_mem>>
    %dma_start3A_51 = arith.constant 0 : i32
    %dma_start3A_52 = arith.constant 0 : i32
    %dma_start3A_53 = tpu.memref_slice %arg10[%dma_start3A_40, %dma_start3A_51, %dma_start3A_52] : memref<4x64x128xf32, #tpu.memory_space<vmem>> -> memref<1x64x128xf32, #tpu.memory_space<vmem>>
    %dma_start3A_54 = tpu.memref_squeeze %dma_start3A_53 : memref<1x64x128xf32, #tpu.memory_space<vmem>> -> memref<64x128xf32, #tpu.memory_space<vmem>>
    %dma_start3A_55 = arith.constant 0 : i32
    %dma_start3A_56 = tpu.memref_slice %arg4[%add3A_7, %dma_start3A_55] : memref<16384x128xf32, #tpu.memory_space<hbm>> -> memref<64x128xf32, #tpu.memory_space<hbm>>
    tpu.enqueue_dma source(%dma_start3A_56 : memref<64x128xf32, #tpu.memory_space<hbm>>) target(%dma_start3A_54 : memref<64x128xf32, #tpu.memory_space<vmem>>) target_semaphore(%dma_start3A_50 : memref<!tpu.dma_semaphore, #tpu.memory_space<semaphore_mem>>)
    %add3A_57 = arith.constant 64 : i32
    %add3A_58 = arith.addi %mul3A_2, %add3A_57 : i32
    %dma_start3A_59 = arith.constant 0 : i32
    %dma_start3A_60 = arith.constant 1 : i32
    %dma_start3A_61 = arith.constant 1 : i32
    %dma_start3A_62 = arith.constant 0 : i32
    %dma_start3A_63 = arith.constant 0 : i32
    %dma_start3A_64 = arith.constant 0 : i32
    %dma_start3A_65 = tpu.memref_slice %arg8[%dma_start3A_60, %dma_start3A_63, %dma_start3A_64] : memref<4x64x128xf32, #tpu.memory_space<vmem>> -> memref<1x64x128xf32, #tpu.memory_space<vmem>>
    %dma_start3A_66 = tpu.memref_squeeze %dma_start3A_65 : memref<1x64x128xf32, #tpu.memory_space<vmem>> -> memref<64x128xf32, #tpu.memory_space<vmem>>
    %dma_start3A_67 = arith.constant 64 : i32
    %dma_start3A_68 = tpu.memref_slice %arg7[%dma_start3A_59, %dma_start3A_67] : memref<4x128xi32, #tpu.memory_space<vmem>> -> memref<1x64xi32, #tpu.memory_space<vmem>>
    %dma_start3A_69 = tpu.memref_squeeze %dma_start3A_68 : memref<1x64xi32, #tpu.memory_space<vmem>> -> memref<64xi32, #tpu.memory_space<vmem>>
    %dma_start3A_70 = arith.constant 0 : i32
    %dma_start3A_71 = arith.constant 0 : i32
    %dma_start3A_72 = tpu.memref_slice %arg5[%dma_start3A_70, %dma_start3A_71] : memref<100000x128xf32, #tpu.memory_space<hbm>> -> memref<100000x128xf32, #tpu.memory_space<hbm>>
    %dma_start3A_73 = tpu.memref_slice %arg12[%dma_start3A_61, %dma_start3A_62] : memref<4x3x!tpu.dma_semaphore, #tpu.memory_space<semaphore_mem>> -> memref<1x1x!tpu.dma_semaphore, #tpu.memory_space<semaphore_mem>>
    %dma_start3A_74 = tpu.memref_squeeze %dma_start3A_73 : memref<1x1x!tpu.dma_semaphore, #tpu.memory_space<semaphore_mem>> -> memref<!tpu.dma_semaphore, #tpu.memory_space<semaphore_mem>>
    tpu.enqueue_indirect_dma source(%dma_start3A_72 : memref<100000x128xf32, #tpu.memory_space<hbm>>) target(%dma_start3A_66 : memref<64x128xf32, #tpu.memory_space<vmem>>) offsets(%dma_start3A_69 : memref<64xi32, #tpu.memory_space<vmem>>) semaphore(%dma_start3A_74 : memref<!tpu.dma_semaphore, #tpu.memory_space<semaphore_mem>>)
    %dma_start3A_75 = arith.constant 1 : i32
    %dma_start3A_76 = arith.constant 1 : i32
    %dma_start3A_77 = arith.constant 1 : i32
    %dma_start3A_78 = arith.constant 0 : i32
    %dma_start3A_79 = arith.constant 0 : i32
    %dma_start3A_80 = tpu.memref_slice %arg9[%dma_start3A_75, %dma_start3A_78, %dma_start3A_79] : memref<4x64x128xf32, #tpu.memory_space<vmem>> -> memref<1x64x128xf32, #tpu.memory_space<vmem>>
    %dma_start3A_81 = tpu.memref_squeeze %dma_start3A_80 : memref<1x64x128xf32, #tpu.memory_space<vmem>> -> memref<64x128xf32, #tpu.memory_space<vmem>>
    %dma_start3A_82 = arith.constant 0 : i32
    %dma_start3A_83 = tpu.memref_slice %arg3[%add3A_58, %dma_start3A_82] : memref<16384x128xf32, #tpu.memory_space<hbm>> -> memref<64x128xf32, #tpu.memory_space<hbm>>
    %dma_start3A_84 = tpu.memref_slice %arg12[%dma_start3A_76, %dma_start3A_77] : memref<4x3x!tpu.dma_semaphore, #tpu.memory_space<semaphore_mem>> -> memref<1x1x!tpu.dma_semaphore, #tpu.memory_space<semaphore_mem>>
    %dma_start3A_85 = tpu.memref_squeeze %dma_start3A_84 : memref<1x1x!tpu.dma_semaphore, #tpu.memory_space<semaphore_mem>> -> memref<!tpu.dma_semaphore, #tpu.memory_space<semaphore_mem>>
    %dma_start3A_86 = arith.constant 0 : i32
    %dma_start3A_87 = arith.constant 0 : i32
    %dma_start3A_88 = tpu.memref_slice %arg9[%dma_start3A_75, %dma_start3A_86, %dma_start3A_87] : memref<4x64x128xf32, #tpu.memory_space<vmem>> -> memref<1x64x128xf32, #tpu.memory_space<vmem>>
    %dma_start3A_89 = tpu.memref_squeeze %dma_start3A_88 : memref<1x64x128xf32, #tpu.memory_space<vmem>> -> memref<64x128xf32, #tpu.memory_space<vmem>>
    %dma_start3A_90 = arith.constant 0 : i32
    %dma_start3A_91 = tpu.memref_slice %arg3[%add3A_58, %dma_start3A_90] : memref<16384x128xf32, #tpu.memory_space<hbm>> -> memref<64x128xf32, #tpu.memory_space<hbm>>
    tpu.enqueue_dma source(%dma_start3A_91 : memref<64x128xf32, #tpu.memory_space<hbm>>) target(%dma_start3A_89 : memref<64x128xf32, #tpu.memory_space<vmem>>) target_semaphore(%dma_start3A_85 : memref<!tpu.dma_semaphore, #tpu.memory_space<semaphore_mem>>)
    %dma_start3A_92 = arith.constant 1 : i32
    %dma_start3A_93 = arith.constant 1 : i32
    %dma_start3A_94 = arith.constant 2 : i32
    %dma_start3A_95 = arith.constant 0 : i32
    %dma_start3A_96 = arith.constant 0 : i32
    %dma_start3A_97 = tpu.memref_slice %arg10[%dma_start3A_92, %dma_start3A_95, %dma_start3A_96] : memref<4x64x128xf32, #tpu.memory_space<vmem>> -> memref<1x64x128xf32, #tpu.memory_space<vmem>>
    %dma_start3A_98 = tpu.memref_squeeze %dma_start3A_97 : memref<1x64x128xf32, #tpu.memory_space<vmem>> -> memref<64x128xf32, #tpu.memory_space<vmem>>
    %dma_start3A_99 = arith.constant 0 : i32
    %dma_start3A_100 = tpu.memref_slice %arg4[%add3A_58, %dma_start3A_99] : memref<16384x128xf32, #tpu.memory_space<hbm>> -> memref<64x128xf32, #tpu.memory_space<hbm>>
    %dma_start3A_101 = tpu.memref_slice %arg12[%dma_start3A_93, %dma_start3A_94] : memref<4x3x!tpu.dma_semaphore, #tpu.memory_space<semaphore_mem>> -> memref<1x1x!tpu.dma_semaphore, #tpu.memory_space<semaphore_mem>>
    %dma_start3A_102 = tpu.memref_squeeze %dma_start3A_101 : memref<1x1x!tpu.dma_semaphore, #tpu.memory_space<semaphore_mem>> -> memref<!tpu.dma_semaphore, #tpu.memory_space<semaphore_mem>>
    %dma_start3A_103 = arith.constant 0 : i32
    %dma_start3A_104 = arith.constant 0 : i32
    %dma_start3A_105 = tpu.memref_slice %arg10[%dma_start3A_92, %dma_start3A_103, %dma_start3A_104] : memref<4x64x128xf32, #tpu.memory_space<vmem>> -> memref<1x64x128xf32, #tpu.memory_space<vmem>>
    %dma_start3A_106 = tpu.memref_squeeze %dma_start3A_105 : memref<1x64x128xf32, #tpu.memory_space<vmem>> -> memref<64x128xf32, #tpu.memory_space<vmem>>
    %dma_start3A_107 = arith.constant 0 : i32
    %dma_start3A_108 = tpu.memref_slice %arg4[%add3A_58, %dma_start3A_107] : memref<16384x128xf32, #tpu.memory_space<hbm>> -> memref<64x128xf32, #tpu.memory_space<hbm>>
    tpu.enqueue_dma source(%dma_start3A_108 : memref<64x128xf32, #tpu.memory_space<hbm>>) target(%dma_start3A_106 : memref<64x128xf32, #tpu.memory_space<vmem>>) target_semaphore(%dma_start3A_102 : memref<!tpu.dma_semaphore, #tpu.memory_space<semaphore_mem>>)
    %add3A_109 = arith.constant 128 : i32
    %add3A_110 = arith.addi %mul3A_2, %add3A_109 : i32
    %dma_start3A_111 = arith.constant 1 : i32
    %dma_start3A_112 = arith.constant 2 : i32
    %dma_start3A_113 = arith.constant 2 : i32
    %dma_start3A_114 = arith.constant 0 : i32
    %dma_start3A_115 = arith.constant 0 : i32
    %dma_start3A_116 = arith.constant 0 : i32
    %dma_start3A_117 = tpu.memref_slice %arg8[%dma_start3A_112, %dma_start3A_115, %dma_start3A_116] : memref<4x64x128xf32, #tpu.memory_space<vmem>> -> memref<1x64x128xf32, #tpu.memory_space<vmem>>
    %dma_start3A_118 = tpu.memref_squeeze %dma_start3A_117 : memref<1x64x128xf32, #tpu.memory_space<vmem>> -> memref<64x128xf32, #tpu.memory_space<vmem>>
    %dma_start3A_119 = arith.constant 0 : i32
    %dma_start3A_120 = tpu.memref_slice %arg7[%dma_start3A_111, %dma_start3A_119] : memref<4x128xi32, #tpu.memory_space<vmem>> -> memref<1x64xi32, #tpu.memory_space<vmem>>
    %dma_start3A_121 = tpu.memref_squeeze %dma_start3A_120 : memref<1x64xi32, #tpu.memory_space<vmem>> -> memref<64xi32, #tpu.memory_space<vmem>>
    %dma_start3A_122 = arith.constant 0 : i32
    %dma_start3A_123 = arith.constant 0 : i32
    %dma_start3A_124 = tpu.memref_slice %arg5[%dma_start3A_122, %dma_start3A_123] : memref<100000x128xf32, #tpu.memory_space<hbm>> -> memref<100000x128xf32, #tpu.memory_space<hbm>>
    %dma_start3A_125 = tpu.memref_slice %arg12[%dma_start3A_113, %dma_start3A_114] : memref<4x3x!tpu.dma_semaphore, #tpu.memory_space<semaphore_mem>> -> memref<1x1x!tpu.dma_semaphore, #tpu.memory_space<semaphore_mem>>
    %dma_start3A_126 = tpu.memref_squeeze %dma_start3A_125 : memref<1x1x!tpu.dma_semaphore, #tpu.memory_space<semaphore_mem>> -> memref<!tpu.dma_semaphore, #tpu.memory_space<semaphore_mem>>
    tpu.enqueue_indirect_dma source(%dma_start3A_124 : memref<100000x128xf32, #tpu.memory_space<hbm>>) target(%dma_start3A_118 : memref<64x128xf32, #tpu.memory_space<vmem>>) offsets(%dma_start3A_121 : memref<64xi32, #tpu.memory_space<vmem>>) semaphore(%dma_start3A_126 : memref<!tpu.dma_semaphore, #tpu.memory_space<semaphore_mem>>)
    %dma_start3A_127 = arith.constant 2 : i32
    %dma_start3A_128 = arith.constant 2 : i32
    %dma_start3A_129 = arith.constant 1 : i32
    %dma_start3A_130 = arith.constant 0 : i32
    %dma_start3A_131 = arith.constant 0 : i32
    %dma_start3A_132 = tpu.memref_slice %arg9[%dma_start3A_127, %dma_start3A_130, %dma_start3A_131] : memref<4x64x128xf32, #tpu.memory_space<vmem>> -> memref<1x64x128xf32, #tpu.memory_space<vmem>>
    %dma_start3A_133 = tpu.memref_squeeze %dma_start3A_132 : memref<1x64x128xf32, #tpu.memory_space<vmem>> -> memref<64x128xf32, #tpu.memory_space<vmem>>
    %dma_start3A_134 = arith.constant 0 : i32
    %dma_start3A_135 = tpu.memref_slice %arg3[%add3A_110, %dma_start3A_134] : memref<16384x128xf32, #tpu.memory_space<hbm>> -> memref<64x128xf32, #tpu.memory_space<hbm>>
    %dma_start3A_136 = tpu.memref_slice %arg12[%dma_start3A_128, %dma_start3A_129] : memref<4x3x!tpu.dma_semaphore, #tpu.memory_space<semaphore_mem>> -> memref<1x1x!tpu.dma_semaphore, #tpu.memory_space<semaphore_mem>>
    %dma_start3A_137 = tpu.memref_squeeze %dma_start3A_136 : memref<1x1x!tpu.dma_semaphore, #tpu.memory_space<semaphore_mem>> -> memref<!tpu.dma_semaphore, #tpu.memory_space<semaphore_mem>>
    %dma_start3A_138 = arith.constant 0 : i32
    %dma_start3A_139 = arith.constant 0 : i32
    %dma_start3A_140 = tpu.memref_slice %arg9[%dma_start3A_127, %dma_start3A_138, %dma_start3A_139] : memref<4x64x128xf32, #tpu.memory_space<vmem>> -> memref<1x64x128xf32, #tpu.memory_space<vmem>>
    %dma_start3A_141 = tpu.memref_squeeze %dma_start3A_140 : memref<1x64x128xf32, #tpu.memory_space<vmem>> -> memref<64x128xf32, #tpu.memory_space<vmem>>
    %dma_start3A_142 = arith.constant 0 : i32
    %dma_start3A_143 = tpu.memref_slice %arg3[%add3A_110, %dma_start3A_142] : memref<16384x128xf32, #tpu.memory_space<hbm>> -> memref<64x128xf32, #tpu.memory_space<hbm>>
    tpu.enqueue_dma source(%dma_start3A_143 : memref<64x128xf32, #tpu.memory_space<hbm>>) target(%dma_start3A_141 : memref<64x128xf32, #tpu.memory_space<vmem>>) target_semaphore(%dma_start3A_137 : memref<!tpu.dma_semaphore, #tpu.memory_space<semaphore_mem>>)
    %dma_start3A_144 = arith.constant 2 : i32
    %dma_start3A_145 = arith.constant 2 : i32
    %dma_start3A_146 = arith.constant 2 : i32
    %dma_start3A_147 = arith.constant 0 : i32
    %dma_start3A_148 = arith.constant 0 : i32
    %dma_start3A_149 = tpu.memref_slice %arg10[%dma_start3A_144, %dma_start3A_147, %dma_start3A_148] : memref<4x64x128xf32, #tpu.memory_space<vmem>> -> memref<1x64x128xf32, #tpu.memory_space<vmem>>
    %dma_start3A_150 = tpu.memref_squeeze %dma_start3A_149 : memref<1x64x128xf32, #tpu.memory_space<vmem>> -> memref<64x128xf32, #tpu.memory_space<vmem>>
    %dma_start3A_151 = arith.constant 0 : i32
    %dma_start3A_152 = tpu.memref_slice %arg4[%add3A_110, %dma_start3A_151] : memref<16384x128xf32, #tpu.memory_space<hbm>> -> memref<64x128xf32, #tpu.memory_space<hbm>>
    %dma_start3A_153 = tpu.memref_slice %arg12[%dma_start3A_145, %dma_start3A_146] : memref<4x3x!tpu.dma_semaphore, #tpu.memory_space<semaphore_mem>> -> memref<1x1x!tpu.dma_semaphore, #tpu.memory_space<semaphore_mem>>
    %dma_start3A_154 = tpu.memref_squeeze %dma_start3A_153 : memref<1x1x!tpu.dma_semaphore, #tpu.memory_space<semaphore_mem>> -> memref<!tpu.dma_semaphore, #tpu.memory_space<semaphore_mem>>
    %dma_start3A_155 = arith.constant 0 : i32
    %dma_start3A_156 = arith.constant 0 : i32
    %dma_start3A_157 = tpu.memref_slice %arg10[%dma_start3A_144, %dma_start3A_155, %dma_start3A_156] : memref<4x64x128xf32, #tpu.memory_space<vmem>> -> memref<1x64x128xf32, #tpu.memory_space<vmem>>
    %dma_start3A_158 = tpu.memref_squeeze %dma_start3A_157 : memref<1x64x128xf32, #tpu.memory_space<vmem>> -> memref<64x128xf32, #tpu.memory_space<vmem>>
    %dma_start3A_159 = arith.constant 0 : i32
    %dma_start3A_160 = tpu.memref_slice %arg4[%add3A_110, %dma_start3A_159] : memref<16384x128xf32, #tpu.memory_space<hbm>> -> memref<64x128xf32, #tpu.memory_space<hbm>>
    tpu.enqueue_dma source(%dma_start3A_160 : memref<64x128xf32, #tpu.memory_space<hbm>>) target(%dma_start3A_158 : memref<64x128xf32, #tpu.memory_space<vmem>>) target_semaphore(%dma_start3A_154 : memref<!tpu.dma_semaphore, #tpu.memory_space<semaphore_mem>>)
    %dma_wait3A = arith.constant 0 : i32
    %dma_wait3A_161 = arith.constant 0 : i32
    %dma_wait3A_162 = arith.constant 0 : i32
    %dma_wait3A_163 = arith.constant 0 : i32
    %dma_wait3A_164 = arith.constant 0 : i32
    %dma_wait3A_165 = arith.constant 0 : i32
    %dma_wait3A_166 = tpu.memref_slice %arg8[%dma_wait3A_161, %dma_wait3A_164, %dma_wait3A_165] : memref<4x64x128xf32, #tpu.memory_space<vmem>> -> memref<1x64x128xf32, #tpu.memory_space<vmem>>
    %dma_wait3A_167 = tpu.memref_squeeze %dma_wait3A_166 : memref<1x64x128xf32, #tpu.memory_space<vmem>> -> memref<64x128xf32, #tpu.memory_space<vmem>>
    %dma_wait3A_168 = arith.constant 0 : i32
    %dma_wait3A_169 = tpu.memref_slice %arg7[%dma_wait3A, %dma_wait3A_168] : memref<4x128xi32, #tpu.memory_space<vmem>> -> memref<1x64xi32, #tpu.memory_space<vmem>>
    %dma_wait3A_170 = tpu.memref_squeeze %dma_wait3A_169 : memref<1x64xi32, #tpu.memory_space<vmem>> -> memref<64xi32, #tpu.memory_space<vmem>>
    %dma_wait3A_171 = arith.constant 0 : i32
    %dma_wait3A_172 = arith.constant 0 : i32
    %dma_wait3A_173 = tpu.memref_slice %arg5[%dma_wait3A_171, %dma_wait3A_172] : memref<100000x128xf32, #tpu.memory_space<hbm>> -> memref<100000x128xf32, #tpu.memory_space<hbm>>
    %dma_wait3A_174 = tpu.memref_slice %arg12[%dma_wait3A_162, %dma_wait3A_163] : memref<4x3x!tpu.dma_semaphore, #tpu.memory_space<semaphore_mem>> -> memref<1x1x!tpu.dma_semaphore, #tpu.memory_space<semaphore_mem>>
    %dma_wait3A_175 = tpu.memref_squeeze %dma_wait3A_174 : memref<1x1x!tpu.dma_semaphore, #tpu.memory_space<semaphore_mem>> -> memref<!tpu.dma_semaphore, #tpu.memory_space<semaphore_mem>>
    tpu.wait_indirect_dma semaphore(%dma_wait3A_175 : memref<!tpu.dma_semaphore, #tpu.memory_space<semaphore_mem>>) src(%dma_wait3A_173 : memref<100000x128xf32, #tpu.memory_space<hbm>>) dst(%dma_wait3A_167 : memref<64x128xf32, #tpu.memory_space<vmem>>)
    %dma_wait3A_176 = arith.constant 0 : i32
    %dma_wait3A_177 = arith.constant 0 : i32
    %dma_wait3A_178 = arith.constant 1 : i32
    %dma_wait3A_179 = arith.constant 0 : i32
    %dma_wait3A_180 = arith.constant 0 : i32
    %dma_wait3A_181 = tpu.memref_slice %arg9[%dma_wait3A_176, %dma_wait3A_179, %dma_wait3A_180] : memref<4x64x128xf32, #tpu.memory_space<vmem>> -> memref<1x64x128xf32, #tpu.memory_space<vmem>>
    %dma_wait3A_182 = tpu.memref_squeeze %dma_wait3A_181 : memref<1x64x128xf32, #tpu.memory_space<vmem>> -> memref<64x128xf32, #tpu.memory_space<vmem>>
    %dma_wait3A_183 = arith.constant 0 : i32
    %dma_wait3A_184 = tpu.memref_slice %arg3[%add3A_7, %dma_wait3A_183] : memref<16384x128xf32, #tpu.memory_space<hbm>> -> memref<64x128xf32, #tpu.memory_space<hbm>>
    %dma_wait3A_185 = tpu.memref_slice %arg12[%dma_wait3A_177, %dma_wait3A_178] : memref<4x3x!tpu.dma_semaphore, #tpu.memory_space<semaphore_mem>> -> memref<1x1x!tpu.dma_semaphore, #tpu.memory_space<semaphore_mem>>
    %dma_wait3A_186 = tpu.memref_squeeze %dma_wait3A_185 : memref<1x1x!tpu.dma_semaphore, #tpu.memory_space<semaphore_mem>> -> memref<!tpu.dma_semaphore, #tpu.memory_space<semaphore_mem>>
    %dma_wait3A_187 = arith.constant 0 : i32
    %dma_wait3A_188 = arith.constant 0 : i32
    %dma_wait3A_189 = tpu.memref_slice %arg9[%dma_wait3A_176, %dma_wait3A_187, %dma_wait3A_188] : memref<4x64x128xf32, #tpu.memory_space<vmem>> -> memref<1x64x128xf32, #tpu.memory_space<vmem>>
    %dma_wait3A_190 = tpu.memref_squeeze %dma_wait3A_189 : memref<1x64x128xf32, #tpu.memory_space<vmem>> -> memref<64x128xf32, #tpu.memory_space<vmem>>
    %dma_wait3A_191 = arith.constant 0 : i32
    %dma_wait3A_192 = tpu.memref_slice %arg3[%add3A_7, %dma_wait3A_191] : memref<16384x128xf32, #tpu.memory_space<hbm>> -> memref<64x128xf32, #tpu.memory_space<hbm>>
    tpu.wait_dma2 semaphore(%dma_wait3A_186 : memref<!tpu.dma_semaphore, #tpu.memory_space<semaphore_mem>>) src(%dma_wait3A_192 : memref<64x128xf32, #tpu.memory_space<hbm>>) dst(%dma_wait3A_190 : memref<64x128xf32, #tpu.memory_space<vmem>>)
    %dma_wait3A_193 = arith.constant 0 : i32
    %dma_wait3A_194 = arith.constant 0 : i32
    %dma_wait3A_195 = arith.constant 2 : i32
    %dma_wait3A_196 = arith.constant 0 : i32
    %dma_wait3A_197 = arith.constant 0 : i32
    %dma_wait3A_198 = tpu.memref_slice %arg10[%dma_wait3A_193, %dma_wait3A_196, %dma_wait3A_197] : memref<4x64x128xf32, #tpu.memory_space<vmem>> -> memref<1x64x128xf32, #tpu.memory_space<vmem>>
    %dma_wait3A_199 = tpu.memref_squeeze %dma_wait3A_198 : memref<1x64x128xf32, #tpu.memory_space<vmem>> -> memref<64x128xf32, #tpu.memory_space<vmem>>
    %dma_wait3A_200 = arith.constant 0 : i32
    %dma_wait3A_201 = tpu.memref_slice %arg4[%add3A_7, %dma_wait3A_200] : memref<16384x128xf32, #tpu.memory_space<hbm>> -> memref<64x128xf32, #tpu.memory_space<hbm>>
    %dma_wait3A_202 = tpu.memref_slice %arg12[%dma_wait3A_194, %dma_wait3A_195] : memref<4x3x!tpu.dma_semaphore, #tpu.memory_space<semaphore_mem>> -> memref<1x1x!tpu.dma_semaphore, #tpu.memory_space<semaphore_mem>>
    %dma_wait3A_203 = tpu.memref_squeeze %dma_wait3A_202 : memref<1x1x!tpu.dma_semaphore, #tpu.memory_space<semaphore_mem>> -> memref<!tpu.dma_semaphore, #tpu.memory_space<semaphore_mem>>
    %dma_wait3A_204 = arith.constant 0 : i32
    %dma_wait3A_205 = arith.constant 0 : i32
    %dma_wait3A_206 = tpu.memref_slice %arg10[%dma_wait3A_193, %dma_wait3A_204, %dma_wait3A_205] : memref<4x64x128xf32, #tpu.memory_space<vmem>> -> memref<1x64x128xf32, #tpu.memory_space<vmem>>
    %dma_wait3A_207 = tpu.memref_squeeze %dma_wait3A_206 : memref<1x64x128xf32, #tpu.memory_space<vmem>> -> memref<64x128xf32, #tpu.memory_space<vmem>>
    %dma_wait3A_208 = arith.constant 0 : i32
    %dma_wait3A_209 = tpu.memref_slice %arg4[%add3A_7, %dma_wait3A_208] : memref<16384x128xf32, #tpu.memory_space<hbm>> -> memref<64x128xf32, #tpu.memory_space<hbm>>
    tpu.wait_dma2 semaphore(%dma_wait3A_203 : memref<!tpu.dma_semaphore, #tpu.memory_space<semaphore_mem>>) src(%dma_wait3A_209 : memref<64x128xf32, #tpu.memory_space<hbm>>) dst(%dma_wait3A_207 : memref<64x128xf32, #tpu.memory_space<vmem>>)
    %add3A_210 = arith.constant 192 : i32
    %add3A_211 = arith.addi %mul3A_2, %add3A_210 : i32
    %dma_start3A_212 = arith.constant 1 : i32
    %dma_start3A_213 = arith.constant 3 : i32
    %dma_start3A_214 = arith.constant 3 : i32
    %dma_start3A_215 = arith.constant 0 : i32
    %dma_start3A_216 = arith.constant 0 : i32
    %dma_start3A_217 = arith.constant 0 : i32
    %dma_start3A_218 = tpu.memref_slice %arg8[%dma_start3A_213, %dma_start3A_216, %dma_start3A_217] : memref<4x64x128xf32, #tpu.memory_space<vmem>> -> memref<1x64x128xf32, #tpu.memory_space<vmem>>
    %dma_start3A_219 = tpu.memref_squeeze %dma_start3A_218 : memref<1x64x128xf32, #tpu.memory_space<vmem>> -> memref<64x128xf32, #tpu.memory_space<vmem>>
    %dma_start3A_220 = arith.constant 64 : i32
    %dma_start3A_221 = tpu.memref_slice %arg7[%dma_start3A_212, %dma_start3A_220] : memref<4x128xi32, #tpu.memory_space<vmem>> -> memref<1x64xi32, #tpu.memory_space<vmem>>
    %dma_start3A_222 = tpu.memref_squeeze %dma_start3A_221 : memref<1x64xi32, #tpu.memory_space<vmem>> -> memref<64xi32, #tpu.memory_space<vmem>>
    %dma_start3A_223 = arith.constant 0 : i32
    %dma_start3A_224 = arith.constant 0 : i32
    %dma_start3A_225 = tpu.memref_slice %arg5[%dma_start3A_223, %dma_start3A_224] : memref<100000x128xf32, #tpu.memory_space<hbm>> -> memref<100000x128xf32, #tpu.memory_space<hbm>>
    %dma_start3A_226 = tpu.memref_slice %arg12[%dma_start3A_214, %dma_start3A_215] : memref<4x3x!tpu.dma_semaphore, #tpu.memory_space<semaphore_mem>> -> memref<1x1x!tpu.dma_semaphore, #tpu.memory_space<semaphore_mem>>
    %dma_start3A_227 = tpu.memref_squeeze %dma_start3A_226 : memref<1x1x!tpu.dma_semaphore, #tpu.memory_space<semaphore_mem>> -> memref<!tpu.dma_semaphore, #tpu.memory_space<semaphore_mem>>
    tpu.enqueue_indirect_dma source(%dma_start3A_225 : memref<100000x128xf32, #tpu.memory_space<hbm>>) target(%dma_start3A_219 : memref<64x128xf32, #tpu.memory_space<vmem>>) offsets(%dma_start3A_222 : memref<64xi32, #tpu.memory_space<vmem>>) semaphore(%dma_start3A_227 : memref<!tpu.dma_semaphore, #tpu.memory_space<semaphore_mem>>)
    %dma_start3A_228 = arith.constant 3 : i32
    %dma_start3A_229 = arith.constant 3 : i32
    %dma_start3A_230 = arith.constant 1 : i32
    %dma_start3A_231 = arith.constant 0 : i32
    %dma_start3A_232 = arith.constant 0 : i32
    %dma_start3A_233 = tpu.memref_slice %arg9[%dma_start3A_228, %dma_start3A_231, %dma_start3A_232] : memref<4x64x128xf32, #tpu.memory_space<vmem>> -> memref<1x64x128xf32, #tpu.memory_space<vmem>>
    %dma_start3A_234 = tpu.memref_squeeze %dma_start3A_233 : memref<1x64x128xf32, #tpu.memory_space<vmem>> -> memref<64x128xf32, #tpu.memory_space<vmem>>
    %dma_start3A_235 = arith.constant 0 : i32
    %dma_start3A_236 = tpu.memref_slice %arg3[%add3A_211, %dma_start3A_235] : memref<16384x128xf32, #tpu.memory_space<hbm>> -> memref<64x128xf32, #tpu.memory_space<hbm>>
    %dma_start3A_237 = tpu.memref_slice %arg12[%dma_start3A_229, %dma_start3A_230] : memref<4x3x!tpu.dma_semaphore, #tpu.memory_space<semaphore_mem>> -> memref<1x1x!tpu.dma_semaphore, #tpu.memory_space<semaphore_mem>>
    %dma_start3A_238 = tpu.memref_squeeze %dma_start3A_237 : memref<1x1x!tpu.dma_semaphore, #tpu.memory_space<semaphore_mem>> -> memref<!tpu.dma_semaphore, #tpu.memory_space<semaphore_mem>>
    %dma_start3A_239 = arith.constant 0 : i32
    %dma_start3A_240 = arith.constant 0 : i32
    %dma_start3A_241 = tpu.memref_slice %arg9[%dma_start3A_228, %dma_start3A_239, %dma_start3A_240] : memref<4x64x128xf32, #tpu.memory_space<vmem>> -> memref<1x64x128xf32, #tpu.memory_space<vmem>>
    %dma_start3A_242 = tpu.memref_squeeze %dma_start3A_241 : memref<1x64x128xf32, #tpu.memory_space<vmem>> -> memref<64x128xf32, #tpu.memory_space<vmem>>
    %dma_start3A_243 = arith.constant 0 : i32
    %dma_start3A_244 = tpu.memref_slice %arg3[%add3A_211, %dma_start3A_243] : memref<16384x128xf32, #tpu.memory_space<hbm>> -> memref<64x128xf32, #tpu.memory_space<hbm>>
    tpu.enqueue_dma source(%dma_start3A_244 : memref<64x128xf32, #tpu.memory_space<hbm>>) target(%dma_start3A_242 : memref<64x128xf32, #tpu.memory_space<vmem>>) target_semaphore(%dma_start3A_238 : memref<!tpu.dma_semaphore, #tpu.memory_space<semaphore_mem>>)
    %dma_start3A_245 = arith.constant 3 : i32
    %dma_start3A_246 = arith.constant 3 : i32
    %dma_start3A_247 = arith.constant 2 : i32
    %dma_start3A_248 = arith.constant 0 : i32
    %dma_start3A_249 = arith.constant 0 : i32
    %dma_start3A_250 = tpu.memref_slice %arg10[%dma_start3A_245, %dma_start3A_248, %dma_start3A_249] : memref<4x64x128xf32, #tpu.memory_space<vmem>> -> memref<1x64x128xf32, #tpu.memory_space<vmem>>
    %dma_start3A_251 = tpu.memref_squeeze %dma_start3A_250 : memref<1x64x128xf32, #tpu.memory_space<vmem>> -> memref<64x128xf32, #tpu.memory_space<vmem>>
    %dma_start3A_252 = arith.constant 0 : i32
    %dma_start3A_253 = tpu.memref_slice %arg4[%add3A_211, %dma_start3A_252] : memref<16384x128xf32, #tpu.memory_space<hbm>> -> memref<64x128xf32, #tpu.memory_space<hbm>>
    %dma_start3A_254 = tpu.memref_slice %arg12[%dma_start3A_246, %dma_start3A_247] : memref<4x3x!tpu.dma_semaphore, #tpu.memory_space<semaphore_mem>> -> memref<1x1x!tpu.dma_semaphore, #tpu.memory_space<semaphore_mem>>
    %dma_start3A_255 = tpu.memref_squeeze %dma_start3A_254 : memref<1x1x!tpu.dma_semaphore, #tpu.memory_space<semaphore_mem>> -> memref<!tpu.dma_semaphore, #tpu.memory_space<semaphore_mem>>
    %dma_start3A_256 = arith.constant 0 : i32
    %dma_start3A_257 = arith.constant 0 : i32
    %dma_start3A_258 = tpu.memref_slice %arg10[%dma_start3A_245, %dma_start3A_256, %dma_start3A_257] : memref<4x64x128xf32, #tpu.memory_space<vmem>> -> memref<1x64x128xf32, #tpu.memory_space<vmem>>
    %dma_start3A_259 = tpu.memref_squeeze %dma_start3A_258 : memref<1x64x128xf32, #tpu.memory_space<vmem>> -> memref<64x128xf32, #tpu.memory_space<vmem>>
    %dma_start3A_260 = arith.constant 0 : i32
    %dma_start3A_261 = tpu.memref_slice %arg4[%add3A_211, %dma_start3A_260] : memref<16384x128xf32, #tpu.memory_space<hbm>> -> memref<64x128xf32, #tpu.memory_space<hbm>>
    tpu.enqueue_dma source(%dma_start3A_261 : memref<64x128xf32, #tpu.memory_space<hbm>>) target(%dma_start3A_259 : memref<64x128xf32, #tpu.memory_space<vmem>>) target_semaphore(%dma_start3A_255 : memref<!tpu.dma_semaphore, #tpu.memory_space<semaphore_mem>>)
    %parallel_loop3A = arith.constant 0 : i32
    %parallel_loop3A_262 = arith.constant 64 : i32
    %parallel_loop3A_263 = arith.constant 1 : i32
    %parallel_loop3A_264:4 = scf.for %parallel_loop3A_857 = %parallel_loop3A to %parallel_loop3A_262 step %parallel_loop3A_263 iter_args(%parallel_loop3A_858 = %broadcast_in_dim3A_5, %parallel_loop3A_859 = %broadcast_in_dim3A_5, %parallel_loop3A_860 = %broadcast_in_dim3A_5, %parallel_loop3A_861 = %broadcast_in_dim3A_5) -> (vector<16xf32>, vector<16xf32>, vector<16xf32>, vector<16xf32>)  : i32 {
      %parallel_loop3A_862 = arith.constant 0 : i32
      %parallel_loop3A_863 = arith.index_cast %parallel_loop3A_862 : i32 to index
      %parallel_loop3A_864 = arith.index_cast %parallel_loop3A_857 : i32 to index
      %parallel_loop3A_865 = arith.constant 0 : index
      %parallel_loop3A_866 = tpu.vector_load %arg8[%parallel_loop3A_863, %parallel_loop3A_864, %parallel_loop3A_865] {strides = array<i32>} : memref<4x64x128xf32, #tpu.memory_space<vmem>>, vector<1x1x16xf32>,
      %parallel_loop3A_867 = vector.shape_cast %parallel_loop3A_866 : vector<1x1x16xf32> to vector<16xf32>
      %parallel_loop3A_868 = arith.constant 0 : i32
      %parallel_loop3A_869 = arith.index_cast %parallel_loop3A_868 : i32 to index
      %parallel_loop3A_870 = arith.index_cast %parallel_loop3A_857 : i32 to index
      %parallel_loop3A_871 = arith.constant 0 : index
      %parallel_loop3A_872 = tpu.vector_load %arg9[%parallel_loop3A_869, %parallel_loop3A_870, %parallel_loop3A_871] {strides = array<i32>} : memref<4x64x128xf32, #tpu.memory_space<vmem>>, vector<1x1x16xf32>,
      %parallel_loop3A_873 = vector.shape_cast %parallel_loop3A_872 : vector<1x1x16xf32> to vector<16xf32>
      %parallel_loop3A_874 = arith.constant 0 : i32
      %parallel_loop3A_875 = arith.index_cast %parallel_loop3A_874 : i32 to index
      %parallel_loop3A_876 = arith.index_cast %parallel_loop3A_857 : i32 to index
      %parallel_loop3A_877 = arith.constant 0 : index
      %parallel_loop3A_878 = tpu.vector_load %arg10[%parallel_loop3A_875, %parallel_loop3A_876, %parallel_loop3A_877] {strides = array<i32>} : memref<4x64x128xf32, #tpu.memory_space<vmem>>, vector<1x1x16xf32>,
      %parallel_loop3A_879 = vector.shape_cast %parallel_loop3A_878 : vector<1x1x16xf32> to vector<16xf32>
      %parallel_loop3A_880 = arith.subf %parallel_loop3A_867, %parallel_loop3A_873 : vector<16xf32>
      %parallel_loop3A_881 = arith.subf %parallel_loop3A_867, %parallel_loop3A_879 : vector<16xf32>
      %parallel_loop3A_882 = arith.mulf %parallel_loop3A_880, %parallel_loop3A_880 : vector<16xf32>
      %parallel_loop3A_883 = arith.addf %parallel_loop3A_858, %parallel_loop3A_882 : vector<16xf32>
      %parallel_loop3A_884 = arith.mulf %parallel_loop3A_881, %parallel_loop3A_881 : vector<16xf32>
      %parallel_loop3A_885 = arith.addf %parallel_loop3A_860, %parallel_loop3A_884 : vector<16xf32>
      %parallel_loop3A_886 = arith.constant 0 : i32
      %parallel_loop3A_887 = arith.index_cast %parallel_loop3A_886 : i32 to index
      %parallel_loop3A_888 = arith.index_cast %parallel_loop3A_857 : i32 to index
      %parallel_loop3A_889 = arith.constant 16 : index
      %parallel_loop3A_890 = tpu.vector_load %arg8[%parallel_loop3A_887, %parallel_loop3A_888, %parallel_loop3A_889] {strides = array<i32>} : memref<4x64x128xf32, #tpu.memory_space<vmem>>, vector<1x1x16xf32>,
      %parallel_loop3A_891 = vector.shape_cast %parallel_loop3A_890 : vector<1x1x16xf32> to vector<16xf32>
      %parallel_loop3A_892 = arith.constant 0 : i32
      %parallel_loop3A_893 = arith.index_cast %parallel_loop3A_892 : i32 to index
      %parallel_loop3A_894 = arith.index_cast %parallel_loop3A_857 : i32 to index
      %parallel_loop3A_895 = arith.constant 16 : index
      %parallel_loop3A_896 = tpu.vector_load %arg9[%parallel_loop3A_893, %parallel_loop3A_894, %parallel_loop3A_895] {strides = array<i32>} : memref<4x64x128xf32, #tpu.memory_space<vmem>>, vector<1x1x16xf32>,
      %parallel_loop3A_897 = vector.shape_cast %parallel_loop3A_896 : vector<1x1x16xf32> to vector<16xf32>
      %parallel_loop3A_898 = arith.constant 0 : i32
      %parallel_loop3A_899 = arith.index_cast %parallel_loop3A_898 : i32 to index
      %parallel_loop3A_900 = arith.index_cast %parallel_loop3A_857 : i32 to index
      %parallel_loop3A_901 = arith.constant 16 : index
      %parallel_loop3A_902 = tpu.vector_load %arg10[%parallel_loop3A_899, %parallel_loop3A_900, %parallel_loop3A_901] {strides = array<i32>} : memref<4x64x128xf32, #tpu.memory_space<vmem>>, vector<1x1x16xf32>,
      %parallel_loop3A_903 = vector.shape_cast %parallel_loop3A_902 : vector<1x1x16xf32> to vector<16xf32>
      %parallel_loop3A_904 = arith.subf %parallel_loop3A_891, %parallel_loop3A_897 : vector<16xf32>
      %parallel_loop3A_905 = arith.subf %parallel_loop3A_891, %parallel_loop3A_903 : vector<16xf32>
      %parallel_loop3A_906 = arith.mulf %parallel_loop3A_904, %parallel_loop3A_904 : vector<16xf32>
      %parallel_loop3A_907 = arith.addf %parallel_loop3A_859, %parallel_loop3A_906 : vector<16xf32>
      %parallel_loop3A_908 = arith.mulf %parallel_loop3A_905, %parallel_loop3A_905 : vector<16xf32>
      %parallel_loop3A_909 = arith.addf %parallel_loop3A_861, %parallel_loop3A_908 : vector<16xf32>
      %parallel_loop3A_910 = arith.constant 0 : i32
      %parallel_loop3A_911 = arith.index_cast %parallel_loop3A_910 : i32 to index
      %parallel_loop3A_912 = arith.index_cast %parallel_loop3A_857 : i32 to index
      %parallel_loop3A_913 = arith.constant 32 : index
      %parallel_loop3A_914 = tpu.vector_load %arg8[%parallel_loop3A_911, %parallel_loop3A_912, %parallel_loop3A_913] {strides = array<i32>} : memref<4x64x128xf32, #tpu.memory_space<vmem>>, vector<1x1x16xf32>,
      %parallel_loop3A_915 = vector.shape_cast %parallel_loop3A_914 : vector<1x1x16xf32> to vector<16xf32>
      %parallel_loop3A_916 = arith.constant 0 : i32
      %parallel_loop3A_917 = arith.index_cast %parallel_loop3A_916 : i32 to index
      %parallel_loop3A_918 = arith.index_cast %parallel_loop3A_857 : i32 to index
      %parallel_loop3A_919 = arith.constant 32 : index
      %parallel_loop3A_920 = tpu.vector_load %arg9[%parallel_loop3A_917, %parallel_loop3A_918, %parallel_loop3A_919] {strides = array<i32>} : memref<4x64x128xf32, #tpu.memory_space<vmem>>, vector<1x1x16xf32>,
      %parallel_loop3A_921 = vector.shape_cast %parallel_loop3A_920 : vector<1x1x16xf32> to vector<16xf32>
      %parallel_loop3A_922 = arith.constant 0 : i32
      %parallel_loop3A_923 = arith.index_cast %parallel_loop3A_922 : i32 to index
      %parallel_loop3A_924 = arith.index_cast %parallel_loop3A_857 : i32 to index
      %parallel_loop3A_925 = arith.constant 32 : index
      %parallel_loop3A_926 = tpu.vector_load %arg10[%parallel_loop3A_923, %parallel_loop3A_924, %parallel_loop3A_925] {strides = array<i32>} : memref<4x64x128xf32, #tpu.memory_space<vmem>>, vector<1x1x16xf32>,
      %parallel_loop3A_927 = vector.shape_cast %parallel_loop3A_926 : vector<1x1x16xf32> to vector<16xf32>
      %parallel_loop3A_928 = arith.subf %parallel_loop3A_915, %parallel_loop3A_921 : vector<16xf32>
      %parallel_loop3A_929 = arith.subf %parallel_loop3A_915, %parallel_loop3A_927 : vector<16xf32>
      %parallel_loop3A_930 = arith.mulf %parallel_loop3A_928, %parallel_loop3A_928 : vector<16xf32>
      %parallel_loop3A_931 = arith.addf %parallel_loop3A_883, %parallel_loop3A_930 : vector<16xf32>
      %parallel_loop3A_932 = arith.mulf %parallel_loop3A_929, %parallel_loop3A_929 : vector<16xf32>
      %parallel_loop3A_933 = arith.addf %parallel_loop3A_885, %parallel_loop3A_932 : vector<16xf32>
      %parallel_loop3A_934 = arith.constant 0 : i32
      %parallel_loop3A_935 = arith.index_cast %parallel_loop3A_934 : i32 to index
      %parallel_loop3A_936 = arith.index_cast %parallel_loop3A_857 : i32 to index
      %parallel_loop3A_937 = arith.constant 48 : index
      %parallel_loop3A_938 = tpu.vector_load %arg8[%parallel_loop3A_935, %parallel_loop3A_936, %parallel_loop3A_937] {strides = array<i32>} : memref<4x64x128xf32, #tpu.memory_space<vmem>>, vector<1x1x16xf32>,
      %parallel_loop3A_939 = vector.shape_cast %parallel_loop3A_938 : vector<1x1x16xf32> to vector<16xf32>
      %parallel_loop3A_940 = arith.constant 0 : i32
      %parallel_loop3A_941 = arith.index_cast %parallel_loop3A_940 : i32 to index
      %parallel_loop3A_942 = arith.index_cast %parallel_loop3A_857 : i32 to index
      %parallel_loop3A_943 = arith.constant 48 : index
      %parallel_loop3A_944 = tpu.vector_load %arg9[%parallel_loop3A_941, %parallel_loop3A_942, %parallel_loop3A_943] {strides = array<i32>} : memref<4x64x128xf32, #tpu.memory_space<vmem>>, vector<1x1x16xf32>,
      %parallel_loop3A_945 = vector.shape_cast %parallel_loop3A_944 : vector<1x1x16xf32> to vector<16xf32>
      %parallel_loop3A_946 = arith.constant 0 : i32
      %parallel_loop3A_947 = arith.index_cast %parallel_loop3A_946 : i32 to index
      %parallel_loop3A_948 = arith.index_cast %parallel_loop3A_857 : i32 to index
      %parallel_loop3A_949 = arith.constant 48 : index
      %parallel_loop3A_950 = tpu.vector_load %arg10[%parallel_loop3A_947, %parallel_loop3A_948, %parallel_loop3A_949] {strides = array<i32>} : memref<4x64x128xf32, #tpu.memory_space<vmem>>, vector<1x1x16xf32>,
      %parallel_loop3A_951 = vector.shape_cast %parallel_loop3A_950 : vector<1x1x16xf32> to vector<16xf32>
      %parallel_loop3A_952 = arith.subf %parallel_loop3A_939, %parallel_loop3A_945 : vector<16xf32>
      %parallel_loop3A_953 = arith.subf %parallel_loop3A_939, %parallel_loop3A_951 : vector<16xf32>
      %parallel_loop3A_954 = arith.mulf %parallel_loop3A_952, %parallel_loop3A_952 : vector<16xf32>
      %parallel_loop3A_955 = arith.addf %parallel_loop3A_907, %parallel_loop3A_954 : vector<16xf32>
      %parallel_loop3A_956 = arith.mulf %parallel_loop3A_953, %parallel_loop3A_953 : vector<16xf32>
      %parallel_loop3A_957 = arith.addf %parallel_loop3A_909, %parallel_loop3A_956 : vector<16xf32>
      %parallel_loop3A_958 = arith.constant 0 : i32
      %parallel_loop3A_959 = arith.index_cast %parallel_loop3A_958 : i32 to index
      %parallel_loop3A_960 = arith.index_cast %parallel_loop3A_857 : i32 to index
      %parallel_loop3A_961 = arith.constant 64 : index
      %parallel_loop3A_962 = tpu.vector_load %arg8[%parallel_loop3A_959, %parallel_loop3A_960, %parallel_loop3A_961] {strides = array<i32>} : memref<4x64x128xf32, #tpu.memory_space<vmem>>, vector<1x1x16xf32>,
      %parallel_loop3A_963 = vector.shape_cast %parallel_loop3A_962 : vector<1x1x16xf32> to vector<16xf32>
      %parallel_loop3A_964 = arith.constant 0 : i32
      %parallel_loop3A_965 = arith.index_cast %parallel_loop3A_964 : i32 to index
      %parallel_loop3A_966 = arith.index_cast %parallel_loop3A_857 : i32 to index
      %parallel_loop3A_967 = arith.constant 64 : index
      %parallel_loop3A_968 = tpu.vector_load %arg9[%parallel_loop3A_965, %parallel_loop3A_966, %parallel_loop3A_967] {strides = array<i32>} : memref<4x64x128xf32, #tpu.memory_space<vmem>>, vector<1x1x16xf32>,
      %parallel_loop3A_969 = vector.shape_cast %parallel_loop3A_968 : vector<1x1x16xf32> to vector<16xf32>
      %parallel_loop3A_970 = arith.constant 0 : i32
      %parallel_loop3A_971 = arith.index_cast %parallel_loop3A_970 : i32 to index
      %parallel_loop3A_972 = arith.index_cast %parallel_loop3A_857 : i32 to index
      %parallel_loop3A_973 = arith.constant 64 : index
      %parallel_loop3A_974 = tpu.vector_load %arg10[%parallel_loop3A_971, %parallel_loop3A_972, %parallel_loop3A_973] {strides = array<i32>} : memref<4x64x128xf32, #tpu.memory_space<vmem>>, vector<1x1x16xf32>,
      %parallel_loop3A_975 = vector.shape_cast %parallel_loop3A_974 : vector<1x1x16xf32> to vector<16xf32>
      %parallel_loop3A_976 = arith.subf %parallel_loop3A_963, %parallel_loop3A_969 : vector<16xf32>
      %parallel_loop3A_977 = arith.subf %parallel_loop3A_963, %parallel_loop3A_975 : vector<16xf32>
      %parallel_loop3A_978 = arith.mulf %parallel_loop3A_976, %parallel_loop3A_976 : vector<16xf32>
      %parallel_loop3A_979 = arith.addf %parallel_loop3A_931, %parallel_loop3A_978 : vector<16xf32>
      %parallel_loop3A_980 = arith.mulf %parallel_loop3A_977, %parallel_loop3A_977 : vector<16xf32>
      %parallel_loop3A_981 = arith.addf %parallel_loop3A_933, %parallel_loop3A_980 : vector<16xf32>
      %parallel_loop3A_982 = arith.constant 0 : i32
      %parallel_loop3A_983 = arith.index_cast %parallel_loop3A_982 : i32 to index
      %parallel_loop3A_984 = arith.index_cast %parallel_loop3A_857 : i32 to index
      %parallel_loop3A_985 = arith.constant 80 : index
      %parallel_loop3A_986 = tpu.vector_load %arg8[%parallel_loop3A_983, %parallel_loop3A_984, %parallel_loop3A_985] {strides = array<i32>} : memref<4x64x128xf32, #tpu.memory_space<vmem>>, vector<1x1x16xf32>,
      %parallel_loop3A_987 = vector.shape_cast %parallel_loop3A_986 : vector<1x1x16xf32> to vector<16xf32>
      %parallel_loop3A_988 = arith.constant 0 : i32
      %parallel_loop3A_989 = arith.index_cast %parallel_loop3A_988 : i32 to index
      %parallel_loop3A_990 = arith.index_cast %parallel_loop3A_857 : i32 to index
      %parallel_loop3A_991 = arith.constant 80 : index
      %parallel_loop3A_992 = tpu.vector_load %arg9[%parallel_loop3A_989, %parallel_loop3A_990, %parallel_loop3A_991] {strides = array<i32>} : memref<4x64x128xf32, #tpu.memory_space<vmem>>, vector<1x1x16xf32>,
      %parallel_loop3A_993 = vector.shape_cast %parallel_loop3A_992 : vector<1x1x16xf32> to vector<16xf32>
      %parallel_loop3A_994 = arith.constant 0 : i32
      %parallel_loop3A_995 = arith.index_cast %parallel_loop3A_994 : i32 to index
      %parallel_loop3A_996 = arith.index_cast %parallel_loop3A_857 : i32 to index
      %parallel_loop3A_997 = arith.constant 80 : index
      %parallel_loop3A_998 = tpu.vector_load %arg10[%parallel_loop3A_995, %parallel_loop3A_996, %parallel_loop3A_997] {strides = array<i32>} : memref<4x64x128xf32, #tpu.memory_space<vmem>>, vector<1x1x16xf32>,
      %parallel_loop3A_999 = vector.shape_cast %parallel_loop3A_998 : vector<1x1x16xf32> to vector<16xf32>
      %parallel_loop3A_1000 = arith.subf %parallel_loop3A_987, %parallel_loop3A_993 : vector<16xf32>
      %parallel_loop3A_1001 = arith.subf %parallel_loop3A_987, %parallel_loop3A_999 : vector<16xf32>
      %parallel_loop3A_1002 = arith.mulf %parallel_loop3A_1000, %parallel_loop3A_1000 : vector<16xf32>
      %parallel_loop3A_1003 = arith.addf %parallel_loop3A_955, %parallel_loop3A_1002 : vector<16xf32>
      %parallel_loop3A_1004 = arith.mulf %parallel_loop3A_1001, %parallel_loop3A_1001 : vector<16xf32>
      %parallel_loop3A_1005 = arith.addf %parallel_loop3A_957, %parallel_loop3A_1004 : vector<16xf32>
      %parallel_loop3A_1006 = arith.constant 0 : i32
      %parallel_loop3A_1007 = arith.index_cast %parallel_loop3A_1006 : i32 to index
      %parallel_loop3A_1008 = arith.index_cast %parallel_loop3A_857 : i32 to index
      %parallel_loop3A_1009 = arith.constant 96 : index
      %parallel_loop3A_1010 = tpu.vector_load %arg8[%parallel_loop3A_1007, %parallel_loop3A_1008, %parallel_loop3A_1009] {strides = array<i32>} : memref<4x64x128xf32, #tpu.memory_space<vmem>>, vector<1x1x16xf32>,
      %parallel_loop3A_1011 = vector.shape_cast %parallel_loop3A_1010 : vector<1x1x16xf32> to vector<16xf32>
      %parallel_loop3A_1012 = arith.constant 0 : i32
      %parallel_loop3A_1013 = arith.index_cast %parallel_loop3A_1012 : i32 to index
      %parallel_loop3A_1014 = arith.index_cast %parallel_loop3A_857 : i32 to index
      %parallel_loop3A_1015 = arith.constant 96 : index
      %parallel_loop3A_1016 = tpu.vector_load %arg9[%parallel_loop3A_1013, %parallel_loop3A_1014, %parallel_loop3A_1015] {strides = array<i32>} : memref<4x64x128xf32, #tpu.memory_space<vmem>>, vector<1x1x16xf32>,
      %parallel_loop3A_1017 = vector.shape_cast %parallel_loop3A_1016 : vector<1x1x16xf32> to vector<16xf32>
      %parallel_loop3A_1018 = arith.constant 0 : i32
      %parallel_loop3A_1019 = arith.index_cast %parallel_loop3A_1018 : i32 to index
      %parallel_loop3A_1020 = arith.index_cast %parallel_loop3A_857 : i32 to index
      %parallel_loop3A_1021 = arith.constant 96 : index
      %parallel_loop3A_1022 = tpu.vector_load %arg10[%parallel_loop3A_1019, %parallel_loop3A_1020, %parallel_loop3A_1021] {strides = array<i32>} : memref<4x64x128xf32, #tpu.memory_space<vmem>>, vector<1x1x16xf32>,
      %parallel_loop3A_1023 = vector.shape_cast %parallel_loop3A_1022 : vector<1x1x16xf32> to vector<16xf32>
      %parallel_loop3A_1024 = arith.subf %parallel_loop3A_1011, %parallel_loop3A_1017 : vector<16xf32>
      %parallel_loop3A_1025 = arith.subf %parallel_loop3A_1011, %parallel_loop3A_1023 : vector<16xf32>
      %parallel_loop3A_1026 = arith.mulf %parallel_loop3A_1024, %parallel_loop3A_1024 : vector<16xf32>
      %parallel_loop3A_1027 = arith.addf %parallel_loop3A_979, %parallel_loop3A_1026 : vector<16xf32>
      %parallel_loop3A_1028 = arith.mulf %parallel_loop3A_1025, %parallel_loop3A_1025 : vector<16xf32>
      %parallel_loop3A_1029 = arith.addf %parallel_loop3A_981, %parallel_loop3A_1028 : vector<16xf32>
      %parallel_loop3A_1030 = arith.constant 0 : i32
      %parallel_loop3A_1031 = arith.index_cast %parallel_loop3A_1030 : i32 to index
      %parallel_loop3A_1032 = arith.index_cast %parallel_loop3A_857 : i32 to index
      %parallel_loop3A_1033 = arith.constant 112 : index
      %parallel_loop3A_1034 = tpu.vector_load %arg8[%parallel_loop3A_1031, %parallel_loop3A_1032, %parallel_loop3A_1033] {strides = array<i32>} : memref<4x64x128xf32, #tpu.memory_space<vmem>>, vector<1x1x16xf32>,
      %parallel_loop3A_1035 = vector.shape_cast %parallel_loop3A_1034 : vector<1x1x16xf32> to vector<16xf32>
      %parallel_loop3A_1036 = arith.constant 0 : i32
      %parallel_loop3A_1037 = arith.index_cast %parallel_loop3A_1036 : i32 to index
      %parallel_loop3A_1038 = arith.index_cast %parallel_loop3A_857 : i32 to index
      %parallel_loop3A_1039 = arith.constant 112 : index
      %parallel_loop3A_1040 = tpu.vector_load %arg9[%parallel_loop3A_1037, %parallel_loop3A_1038, %parallel_loop3A_1039] {strides = array<i32>} : memref<4x64x128xf32, #tpu.memory_space<vmem>>, vector<1x1x16xf32>,
      %parallel_loop3A_1041 = vector.shape_cast %parallel_loop3A_1040 : vector<1x1x16xf32> to vector<16xf32>
      %parallel_loop3A_1042 = arith.constant 0 : i32
      %parallel_loop3A_1043 = arith.index_cast %parallel_loop3A_1042 : i32 to index
      %parallel_loop3A_1044 = arith.index_cast %parallel_loop3A_857 : i32 to index
      %parallel_loop3A_1045 = arith.constant 112 : index
      %parallel_loop3A_1046 = tpu.vector_load %arg10[%parallel_loop3A_1043, %parallel_loop3A_1044, %parallel_loop3A_1045] {strides = array<i32>} : memref<4x64x128xf32, #tpu.memory_space<vmem>>, vector<1x1x16xf32>,
      %parallel_loop3A_1047 = vector.shape_cast %parallel_loop3A_1046 : vector<1x1x16xf32> to vector<16xf32>
      %parallel_loop3A_1048 = arith.subf %parallel_loop3A_1035, %parallel_loop3A_1041 : vector<16xf32>
      %parallel_loop3A_1049 = arith.subf %parallel_loop3A_1035, %parallel_loop3A_1047 : vector<16xf32>
      %parallel_loop3A_1050 = arith.mulf %parallel_loop3A_1048, %parallel_loop3A_1048 : vector<16xf32>
      %parallel_loop3A_1051 = arith.addf %parallel_loop3A_1003, %parallel_loop3A_1050 : vector<16xf32>
      %parallel_loop3A_1052 = arith.mulf %parallel_loop3A_1049, %parallel_loop3A_1049 : vector<16xf32>
      %parallel_loop3A_1053 = arith.addf %parallel_loop3A_1005, %parallel_loop3A_1052 : vector<16xf32>
      scf.yield %parallel_loop3A_1027, %parallel_loop3A_1051, %parallel_loop3A_1029, %parallel_loop3A_1053 : vector<16xf32>, vector<16xf32>, vector<16xf32>, vector<16xf32>
    } {sc.loop_unroll_factor = 2 : i64, sc.parallel_access}
    %dma_wait3A_265 = arith.constant 0 : i32
    %dma_wait3A_266 = arith.constant 1 : i32
    %dma_wait3A_267 = arith.constant 1 : i32
    %dma_wait3A_268 = arith.constant 0 : i32
    %dma_wait3A_269 = arith.constant 0 : i32
    %dma_wait3A_270 = arith.constant 0 : i32
    %dma_wait3A_271 = tpu.memref_slice %arg8[%dma_wait3A_266, %dma_wait3A_269, %dma_wait3A_270] : memref<4x64x128xf32, #tpu.memory_space<vmem>> -> memref<1x64x128xf32, #tpu.memory_space<vmem>>
    %dma_wait3A_272 = tpu.memref_squeeze %dma_wait3A_271 : memref<1x64x128xf32, #tpu.memory_space<vmem>> -> memref<64x128xf32, #tpu.memory_space<vmem>>
    %dma_wait3A_273 = arith.constant 64 : i32
    %dma_wait3A_274 = tpu.memref_slice %arg7[%dma_wait3A_265, %dma_wait3A_273] : memref<4x128xi32, #tpu.memory_space<vmem>> -> memref<1x64xi32, #tpu.memory_space<vmem>>
    %dma_wait3A_275 = tpu.memref_squeeze %dma_wait3A_274 : memref<1x64xi32, #tpu.memory_space<vmem>> -> memref<64xi32, #tpu.memory_space<vmem>>
    %dma_wait3A_276 = arith.constant 0 : i32
    %dma_wait3A_277 = arith.constant 0 : i32
    %dma_wait3A_278 = tpu.memref_slice %arg5[%dma_wait3A_276, %dma_wait3A_277] : memref<100000x128xf32, #tpu.memory_space<hbm>> -> memref<100000x128xf32, #tpu.memory_space<hbm>>
    %dma_wait3A_279 = tpu.memref_slice %arg12[%dma_wait3A_267, %dma_wait3A_268] : memref<4x3x!tpu.dma_semaphore, #tpu.memory_space<semaphore_mem>> -> memref<1x1x!tpu.dma_semaphore, #tpu.memory_space<semaphore_mem>>
    %dma_wait3A_280 = tpu.memref_squeeze %dma_wait3A_279 : memref<1x1x!tpu.dma_semaphore, #tpu.memory_space<semaphore_mem>> -> memref<!tpu.dma_semaphore, #tpu.memory_space<semaphore_mem>>
    tpu.wait_indirect_dma semaphore(%dma_wait3A_280 : memref<!tpu.dma_semaphore, #tpu.memory_space<semaphore_mem>>) src(%dma_wait3A_278 : memref<100000x128xf32, #tpu.memory_space<hbm>>) dst(%dma_wait3A_272 : memref<64x128xf32, #tpu.memory_space<vmem>>)
    %dma_wait3A_281 = arith.constant 1 : i32
    %dma_wait3A_282 = arith.constant 1 : i32
    %dma_wait3A_283 = arith.constant 1 : i32
    %dma_wait3A_284 = arith.constant 0 : i32
    %dma_wait3A_285 = arith.constant 0 : i32
    %dma_wait3A_286 = tpu.memref_slice %arg9[%dma_wait3A_281, %dma_wait3A_284, %dma_wait3A_285] : memref<4x64x128xf32, #tpu.memory_space<vmem>> -> memref<1x64x128xf32, #tpu.memory_space<vmem>>
    %dma_wait3A_287 = tpu.memref_squeeze %dma_wait3A_286 : memref<1x64x128xf32, #tpu.memory_space<vmem>> -> memref<64x128xf32, #tpu.memory_space<vmem>>
    %dma_wait3A_288 = arith.constant 0 : i32
    %dma_wait3A_289 = tpu.memref_slice %arg3[%add3A_58, %dma_wait3A_288] : memref<16384x128xf32, #tpu.memory_space<hbm>> -> memref<64x128xf32, #tpu.memory_space<hbm>>
    %dma_wait3A_290 = tpu.memref_slice %arg12[%dma_wait3A_282, %dma_wait3A_283] : memref<4x3x!tpu.dma_semaphore, #tpu.memory_space<semaphore_mem>> -> memref<1x1x!tpu.dma_semaphore, #tpu.memory_space<semaphore_mem>>
    %dma_wait3A_291 = tpu.memref_squeeze %dma_wait3A_290 : memref<1x1x!tpu.dma_semaphore, #tpu.memory_space<semaphore_mem>> -> memref<!tpu.dma_semaphore, #tpu.memory_space<semaphore_mem>>
    %dma_wait3A_292 = arith.constant 0 : i32
    %dma_wait3A_293 = arith.constant 0 : i32
    %dma_wait3A_294 = tpu.memref_slice %arg9[%dma_wait3A_281, %dma_wait3A_292, %dma_wait3A_293] : memref<4x64x128xf32, #tpu.memory_space<vmem>> -> memref<1x64x128xf32, #tpu.memory_space<vmem>>
    %dma_wait3A_295 = tpu.memref_squeeze %dma_wait3A_294 : memref<1x64x128xf32, #tpu.memory_space<vmem>> -> memref<64x128xf32, #tpu.memory_space<vmem>>
    %dma_wait3A_296 = arith.constant 0 : i32
    %dma_wait3A_297 = tpu.memref_slice %arg3[%add3A_58, %dma_wait3A_296] : memref<16384x128xf32, #tpu.memory_space<hbm>> -> memref<64x128xf32, #tpu.memory_space<hbm>>
    tpu.wait_dma2 semaphore(%dma_wait3A_291 : memref<!tpu.dma_semaphore, #tpu.memory_space<semaphore_mem>>) src(%dma_wait3A_297 : memref<64x128xf32, #tpu.memory_space<hbm>>) dst(%dma_wait3A_295 : memref<64x128xf32, #tpu.memory_space<vmem>>)
    %dma_wait3A_298 = arith.constant 1 : i32
    %dma_wait3A_299 = arith.constant 1 : i32
    %dma_wait3A_300 = arith.constant 2 : i32
    %dma_wait3A_301 = arith.constant 0 : i32
    %dma_wait3A_302 = arith.constant 0 : i32
    %dma_wait3A_303 = tpu.memref_slice %arg10[%dma_wait3A_298, %dma_wait3A_301, %dma_wait3A_302] : memref<4x64x128xf32, #tpu.memory_space<vmem>> -> memref<1x64x128xf32, #tpu.memory_space<vmem>>
    %dma_wait3A_304 = tpu.memref_squeeze %dma_wait3A_303 : memref<1x64x128xf32, #tpu.memory_space<vmem>> -> memref<64x128xf32, #tpu.memory_space<vmem>>
    %dma_wait3A_305 = arith.constant 0 : i32
    %dma_wait3A_306 = tpu.memref_slice %arg4[%add3A_58, %dma_wait3A_305] : memref<16384x128xf32, #tpu.memory_space<hbm>> -> memref<64x128xf32, #tpu.memory_space<hbm>>
    %dma_wait3A_307 = tpu.memref_slice %arg12[%dma_wait3A_299, %dma_wait3A_300] : memref<4x3x!tpu.dma_semaphore, #tpu.memory_space<semaphore_mem>> -> memref<1x1x!tpu.dma_semaphore, #tpu.memory_space<semaphore_mem>>
    %dma_wait3A_308 = tpu.memref_squeeze %dma_wait3A_307 : memref<1x1x!tpu.dma_semaphore, #tpu.memory_space<semaphore_mem>> -> memref<!tpu.dma_semaphore, #tpu.memory_space<semaphore_mem>>
    %dma_wait3A_309 = arith.constant 0 : i32
    %dma_wait3A_310 = arith.constant 0 : i32
    %dma_wait3A_311 = tpu.memref_slice %arg10[%dma_wait3A_298, %dma_wait3A_309, %dma_wait3A_310] : memref<4x64x128xf32, #tpu.memory_space<vmem>> -> memref<1x64x128xf32, #tpu.memory_space<vmem>>
    %dma_wait3A_312 = tpu.memref_squeeze %dma_wait3A_311 : memref<1x64x128xf32, #tpu.memory_space<vmem>> -> memref<64x128xf32, #tpu.memory_space<vmem>>
    %dma_wait3A_313 = arith.constant 0 : i32
    %dma_wait3A_314 = tpu.memref_slice %arg4[%add3A_58, %dma_wait3A_313] : memref<16384x128xf32, #tpu.memory_space<hbm>> -> memref<64x128xf32, #tpu.memory_space<hbm>>
    tpu.wait_dma2 semaphore(%dma_wait3A_308 : memref<!tpu.dma_semaphore, #tpu.memory_space<semaphore_mem>>) src(%dma_wait3A_314 : memref<64x128xf32, #tpu.memory_space<hbm>>) dst(%dma_wait3A_312 : memref<64x128xf32, #tpu.memory_space<vmem>>)
    %add3A_315 = arith.constant 256 : i32
    %add3A_316 = arith.addi %mul3A_2, %add3A_315 : i32
    %dma_start3A_317 = arith.constant 2 : i32
    %dma_start3A_318 = arith.constant 0 : i32
    %dma_start3A_319 = arith.constant 0 : i32
    %dma_start3A_320 = arith.constant 0 : i32
    %dma_start3A_321 = arith.constant 0 : i32
    %dma_start3A_322 = arith.constant 0 : i32
    %dma_start3A_323 = tpu.memref_slice %arg8[%dma_start3A_318, %dma_start3A_321, %dma_start3A_322] : memref<4x64x128xf32, #tpu.memory_space<vmem>> -> memref<1x64x128xf32, #tpu.memory_space<vmem>>
    %dma_start3A_324 = tpu.memref_squeeze %dma_start3A_323 : memref<1x64x128xf32, #tpu.memory_space<vmem>> -> memref<64x128xf32, #tpu.memory_space<vmem>>
    %dma_start3A_325 = arith.constant 0 : i32
    %dma_start3A_326 = tpu.memref_slice %arg7[%dma_start3A_317, %dma_start3A_325] : memref<4x128xi32, #tpu.memory_space<vmem>> -> memref<1x64xi32, #tpu.memory_space<vmem>>
    %dma_start3A_327 = tpu.memref_squeeze %dma_start3A_326 : memref<1x64xi32, #tpu.memory_space<vmem>> -> memref<64xi32, #tpu.memory_space<vmem>>
    %dma_start3A_328 = arith.constant 0 : i32
    %dma_start3A_329 = arith.constant 0 : i32
    %dma_start3A_330 = tpu.memref_slice %arg5[%dma_start3A_328, %dma_start3A_329] : memref<100000x128xf32, #tpu.memory_space<hbm>> -> memref<100000x128xf32, #tpu.memory_space<hbm>>
    %dma_start3A_331 = tpu.memref_slice %arg12[%dma_start3A_319, %dma_start3A_320] : memref<4x3x!tpu.dma_semaphore, #tpu.memory_space<semaphore_mem>> -> memref<1x1x!tpu.dma_semaphore, #tpu.memory_space<semaphore_mem>>
    %dma_start3A_332 = tpu.memref_squeeze %dma_start3A_331 : memref<1x1x!tpu.dma_semaphore, #tpu.memory_space<semaphore_mem>> -> memref<!tpu.dma_semaphore, #tpu.memory_space<semaphore_mem>>
    tpu.enqueue_indirect_dma source(%dma_start3A_330 : memref<100000x128xf32, #tpu.memory_space<hbm>>) target(%dma_start3A_324 : memref<64x128xf32, #tpu.memory_space<vmem>>) offsets(%dma_start3A_327 : memref<64xi32, #tpu.memory_space<vmem>>) semaphore(%dma_start3A_332 : memref<!tpu.dma_semaphore, #tpu.memory_space<semaphore_mem>>)
    %dma_start3A_333 = arith.constant 0 : i32
    %dma_start3A_334 = arith.constant 0 : i32
    %dma_start3A_335 = arith.constant 1 : i32
    %dma_start3A_336 = arith.constant 0 : i32
    %dma_start3A_337 = arith.constant 0 : i32
    %dma_start3A_338 = tpu.memref_slice %arg9[%dma_start3A_333, %dma_start3A_336, %dma_start3A_337] : memref<4x64x128xf32, #tpu.memory_space<vmem>> -> memref<1x64x128xf32, #tpu.memory_space<vmem>>
    %dma_start3A_339 = tpu.memref_squeeze %dma_start3A_338 : memref<1x64x128xf32, #tpu.memory_space<vmem>> -> memref<64x128xf32, #tpu.memory_space<vmem>>
    %dma_start3A_340 = arith.constant 0 : i32
    %dma_start3A_341 = tpu.memref_slice %arg3[%add3A_316, %dma_start3A_340] : memref<16384x128xf32, #tpu.memory_space<hbm>> -> memref<64x128xf32, #tpu.memory_space<hbm>>
    %dma_start3A_342 = tpu.memref_slice %arg12[%dma_start3A_334, %dma_start3A_335] : memref<4x3x!tpu.dma_semaphore, #tpu.memory_space<semaphore_mem>> -> memref<1x1x!tpu.dma_semaphore, #tpu.memory_space<semaphore_mem>>
    %dma_start3A_343 = tpu.memref_squeeze %dma_start3A_342 : memref<1x1x!tpu.dma_semaphore, #tpu.memory_space<semaphore_mem>> -> memref<!tpu.dma_semaphore, #tpu.memory_space<semaphore_mem>>
    %dma_start3A_344 = arith.constant 0 : i32
    %dma_start3A_345 = arith.constant 0 : i32
    %dma_start3A_346 = tpu.memref_slice %arg9[%dma_start3A_333, %dma_start3A_344, %dma_start3A_345] : memref<4x64x128xf32, #tpu.memory_space<vmem>> -> memref<1x64x128xf32, #tpu.memory_space<vmem>>
    %dma_start3A_347 = tpu.memref_squeeze %dma_start3A_346 : memref<1x64x128xf32, #tpu.memory_space<vmem>> -> memref<64x128xf32, #tpu.memory_space<vmem>>
    %dma_start3A_348 = arith.constant 0 : i32
    %dma_start3A_349 = tpu.memref_slice %arg3[%add3A_316, %dma_start3A_348] : memref<16384x128xf32, #tpu.memory_space<hbm>> -> memref<64x128xf32, #tpu.memory_space<hbm>>
    tpu.enqueue_dma source(%dma_start3A_349 : memref<64x128xf32, #tpu.memory_space<hbm>>) target(%dma_start3A_347 : memref<64x128xf32, #tpu.memory_space<vmem>>) target_semaphore(%dma_start3A_343 : memref<!tpu.dma_semaphore, #tpu.memory_space<semaphore_mem>>)
    %dma_start3A_350 = arith.constant 0 : i32
    %dma_start3A_351 = arith.constant 0 : i32
    %dma_start3A_352 = arith.constant 2 : i32
    %dma_start3A_353 = arith.constant 0 : i32
    %dma_start3A_354 = arith.constant 0 : i32
    %dma_start3A_355 = tpu.memref_slice %arg10[%dma_start3A_350, %dma_start3A_353, %dma_start3A_354] : memref<4x64x128xf32, #tpu.memory_space<vmem>> -> memref<1x64x128xf32, #tpu.memory_space<vmem>>
    %dma_start3A_356 = tpu.memref_squeeze %dma_start3A_355 : memref<1x64x128xf32, #tpu.memory_space<vmem>> -> memref<64x128xf32, #tpu.memory_space<vmem>>
    %dma_start3A_357 = arith.constant 0 : i32
    %dma_start3A_358 = tpu.memref_slice %arg4[%add3A_316, %dma_start3A_357] : memref<16384x128xf32, #tpu.memory_space<hbm>> -> memref<64x128xf32, #tpu.memory_space<hbm>>
    %dma_start3A_359 = tpu.memref_slice %arg12[%dma_start3A_351, %dma_start3A_352] : memref<4x3x!tpu.dma_semaphore, #tpu.memory_space<semaphore_mem>> -> memref<1x1x!tpu.dma_semaphore, #tpu.memory_space<semaphore_mem>>
    %dma_start3A_360 = tpu.memref_squeeze %dma_start3A_359 : memref<1x1x!tpu.dma_semaphore, #tpu.memory_space<semaphore_mem>> -> memref<!tpu.dma_semaphore, #tpu.memory_space<semaphore_mem>>
    %dma_start3A_361 = arith.constant 0 : i32
    %dma_start3A_362 = arith.constant 0 : i32
    %dma_start3A_363 = tpu.memref_slice %arg10[%dma_start3A_350, %dma_start3A_361, %dma_start3A_362] : memref<4x64x128xf32, #tpu.memory_space<vmem>> -> memref<1x64x128xf32, #tpu.memory_space<vmem>>
    %dma_start3A_364 = tpu.memref_squeeze %dma_start3A_363 : memref<1x64x128xf32, #tpu.memory_space<vmem>> -> memref<64x128xf32, #tpu.memory_space<vmem>>
    %dma_start3A_365 = arith.constant 0 : i32
    %dma_start3A_366 = tpu.memref_slice %arg4[%add3A_316, %dma_start3A_365] : memref<16384x128xf32, #tpu.memory_space<hbm>> -> memref<64x128xf32, #tpu.memory_space<hbm>>
    tpu.enqueue_dma source(%dma_start3A_366 : memref<64x128xf32, #tpu.memory_space<hbm>>) target(%dma_start3A_364 : memref<64x128xf32, #tpu.memory_space<vmem>>) target_semaphore(%dma_start3A_360 : memref<!tpu.dma_semaphore, #tpu.memory_space<semaphore_mem>>)
    %parallel_loop3A_367 = arith.constant 0 : i32
    %parallel_loop3A_368 = arith.constant 64 : i32
    %parallel_loop3A_369 = arith.constant 1 : i32
    %parallel_loop3A_370:4 = scf.for %parallel_loop3A_857 = %parallel_loop3A_367 to %parallel_loop3A_368 step %parallel_loop3A_369 iter_args(%parallel_loop3A_858 = %parallel_loop3A_264#0, %parallel_loop3A_859 = %parallel_loop3A_264#1, %parallel_loop3A_860 = %parallel_loop3A_264#2, %parallel_loop3A_861 = %parallel_loop3A_264#3) -> (vector<16xf32>, vector<16xf32>, vector<16xf32>, vector<16xf32>)  : i32 {
      %parallel_loop3A_862 = arith.constant 1 : i32
      %parallel_loop3A_863 = arith.index_cast %parallel_loop3A_862 : i32 to index
      %parallel_loop3A_864 = arith.index_cast %parallel_loop3A_857 : i32 to index
      %parallel_loop3A_865 = arith.constant 0 : index
      %parallel_loop3A_866 = tpu.vector_load %arg8[%parallel_loop3A_863, %parallel_loop3A_864, %parallel_loop3A_865] {strides = array<i32>} : memref<4x64x128xf32, #tpu.memory_space<vmem>>, vector<1x1x16xf32>,
      %parallel_loop3A_867 = vector.shape_cast %parallel_loop3A_866 : vector<1x1x16xf32> to vector<16xf32>
      %parallel_loop3A_868 = arith.constant 1 : i32
      %parallel_loop3A_869 = arith.index_cast %parallel_loop3A_868 : i32 to index
      %parallel_loop3A_870 = arith.index_cast %parallel_loop3A_857 : i32 to index
      %parallel_loop3A_871 = arith.constant 0 : index
      %parallel_loop3A_872 = tpu.vector_load %arg9[%parallel_loop3A_869, %parallel_loop3A_870, %parallel_loop3A_871] {strides = array<i32>} : memref<4x64x128xf32, #tpu.memory_space<vmem>>, vector<1x1x16xf32>,
      %parallel_loop3A_873 = vector.shape_cast %parallel_loop3A_872 : vector<1x1x16xf32> to vector<16xf32>
      %parallel_loop3A_874 = arith.constant 1 : i32
      %parallel_loop3A_875 = arith.index_cast %parallel_loop3A_874 : i32 to index
      %parallel_loop3A_876 = arith.index_cast %parallel_loop3A_857 : i32 to index
      %parallel_loop3A_877 = arith.constant 0 : index
      %parallel_loop3A_878 = tpu.vector_load %arg10[%parallel_loop3A_875, %parallel_loop3A_876, %parallel_loop3A_877] {strides = array<i32>} : memref<4x64x128xf32, #tpu.memory_space<vmem>>, vector<1x1x16xf32>,
      %parallel_loop3A_879 = vector.shape_cast %parallel_loop3A_878 : vector<1x1x16xf32> to vector<16xf32>
      %parallel_loop3A_880 = arith.subf %parallel_loop3A_867, %parallel_loop3A_873 : vector<16xf32>
      %parallel_loop3A_881 = arith.subf %parallel_loop3A_867, %parallel_loop3A_879 : vector<16xf32>
      %parallel_loop3A_882 = arith.mulf %parallel_loop3A_880, %parallel_loop3A_880 : vector<16xf32>
      %parallel_loop3A_883 = arith.addf %parallel_loop3A_858, %parallel_loop3A_882 : vector<16xf32>
      %parallel_loop3A_884 = arith.mulf %parallel_loop3A_881, %parallel_loop3A_881 : vector<16xf32>
      %parallel_loop3A_885 = arith.addf %parallel_loop3A_860, %parallel_loop3A_884 : vector<16xf32>
      %parallel_loop3A_886 = arith.constant 1 : i32
      %parallel_loop3A_887 = arith.index_cast %parallel_loop3A_886 : i32 to index
      %parallel_loop3A_888 = arith.index_cast %parallel_loop3A_857 : i32 to index
      %parallel_loop3A_889 = arith.constant 16 : index
      %parallel_loop3A_890 = tpu.vector_load %arg8[%parallel_loop3A_887, %parallel_loop3A_888, %parallel_loop3A_889] {strides = array<i32>} : memref<4x64x128xf32, #tpu.memory_space<vmem>>, vector<1x1x16xf32>,
      %parallel_loop3A_891 = vector.shape_cast %parallel_loop3A_890 : vector<1x1x16xf32> to vector<16xf32>
      %parallel_loop3A_892 = arith.constant 1 : i32
      %parallel_loop3A_893 = arith.index_cast %parallel_loop3A_892 : i32 to index
      %parallel_loop3A_894 = arith.index_cast %parallel_loop3A_857 : i32 to index
      %parallel_loop3A_895 = arith.constant 16 : index
      %parallel_loop3A_896 = tpu.vector_load %arg9[%parallel_loop3A_893, %parallel_loop3A_894, %parallel_loop3A_895] {strides = array<i32>} : memref<4x64x128xf32, #tpu.memory_space<vmem>>, vector<1x1x16xf32>,
      %parallel_loop3A_897 = vector.shape_cast %parallel_loop3A_896 : vector<1x1x16xf32> to vector<16xf32>
      %parallel_loop3A_898 = arith.constant 1 : i32
      %parallel_loop3A_899 = arith.index_cast %parallel_loop3A_898 : i32 to index
      %parallel_loop3A_900 = arith.index_cast %parallel_loop3A_857 : i32 to index
      %parallel_loop3A_901 = arith.constant 16 : index
      %parallel_loop3A_902 = tpu.vector_load %arg10[%parallel_loop3A_899, %parallel_loop3A_900, %parallel_loop3A_901] {strides = array<i32>} : memref<4x64x128xf32, #tpu.memory_space<vmem>>, vector<1x1x16xf32>,
      %parallel_loop3A_903 = vector.shape_cast %parallel_loop3A_902 : vector<1x1x16xf32> to vector<16xf32>
      %parallel_loop3A_904 = arith.subf %parallel_loop3A_891, %parallel_loop3A_897 : vector<16xf32>
      %parallel_loop3A_905 = arith.subf %parallel_loop3A_891, %parallel_loop3A_903 : vector<16xf32>
      %parallel_loop3A_906 = arith.mulf %parallel_loop3A_904, %parallel_loop3A_904 : vector<16xf32>
      %parallel_loop3A_907 = arith.addf %parallel_loop3A_859, %parallel_loop3A_906 : vector<16xf32>
      %parallel_loop3A_908 = arith.mulf %parallel_loop3A_905, %parallel_loop3A_905 : vector<16xf32>
      %parallel_loop3A_909 = arith.addf %parallel_loop3A_861, %parallel_loop3A_908 : vector<16xf32>
      %parallel_loop3A_910 = arith.constant 1 : i32
      %parallel_loop3A_911 = arith.index_cast %parallel_loop3A_910 : i32 to index
      %parallel_loop3A_912 = arith.index_cast %parallel_loop3A_857 : i32 to index
      %parallel_loop3A_913 = arith.constant 32 : index
      %parallel_loop3A_914 = tpu.vector_load %arg8[%parallel_loop3A_911, %parallel_loop3A_912, %parallel_loop3A_913] {strides = array<i32>} : memref<4x64x128xf32, #tpu.memory_space<vmem>>, vector<1x1x16xf32>,
      %parallel_loop3A_915 = vector.shape_cast %parallel_loop3A_914 : vector<1x1x16xf32> to vector<16xf32>
      %parallel_loop3A_916 = arith.constant 1 : i32
      %parallel_loop3A_917 = arith.index_cast %parallel_loop3A_916 : i32 to index
      %parallel_loop3A_918 = arith.index_cast %parallel_loop3A_857 : i32 to index
      %parallel_loop3A_919 = arith.constant 32 : index
      %parallel_loop3A_920 = tpu.vector_load %arg9[%parallel_loop3A_917, %parallel_loop3A_918, %parallel_loop3A_919] {strides = array<i32>} : memref<4x64x128xf32, #tpu.memory_space<vmem>>, vector<1x1x16xf32>,
      %parallel_loop3A_921 = vector.shape_cast %parallel_loop3A_920 : vector<1x1x16xf32> to vector<16xf32>
      %parallel_loop3A_922 = arith.constant 1 : i32
      %parallel_loop3A_923 = arith.index_cast %parallel_loop3A_922 : i32 to index
      %parallel_loop3A_924 = arith.index_cast %parallel_loop3A_857 : i32 to index
      %parallel_loop3A_925 = arith.constant 32 : index
      %parallel_loop3A_926 = tpu.vector_load %arg10[%parallel_loop3A_923, %parallel_loop3A_924, %parallel_loop3A_925] {strides = array<i32>} : memref<4x64x128xf32, #tpu.memory_space<vmem>>, vector<1x1x16xf32>,
      %parallel_loop3A_927 = vector.shape_cast %parallel_loop3A_926 : vector<1x1x16xf32> to vector<16xf32>
      %parallel_loop3A_928 = arith.subf %parallel_loop3A_915, %parallel_loop3A_921 : vector<16xf32>
      %parallel_loop3A_929 = arith.subf %parallel_loop3A_915, %parallel_loop3A_927 : vector<16xf32>
      %parallel_loop3A_930 = arith.mulf %parallel_loop3A_928, %parallel_loop3A_928 : vector<16xf32>
      %parallel_loop3A_931 = arith.addf %parallel_loop3A_883, %parallel_loop3A_930 : vector<16xf32>
      %parallel_loop3A_932 = arith.mulf %parallel_loop3A_929, %parallel_loop3A_929 : vector<16xf32>
      %parallel_loop3A_933 = arith.addf %parallel_loop3A_885, %parallel_loop3A_932 : vector<16xf32>
      %parallel_loop3A_934 = arith.constant 1 : i32
      %parallel_loop3A_935 = arith.index_cast %parallel_loop3A_934 : i32 to index
      %parallel_loop3A_936 = arith.index_cast %parallel_loop3A_857 : i32 to index
      %parallel_loop3A_937 = arith.constant 48 : index
      %parallel_loop3A_938 = tpu.vector_load %arg8[%parallel_loop3A_935, %parallel_loop3A_936, %parallel_loop3A_937] {strides = array<i32>} : memref<4x64x128xf32, #tpu.memory_space<vmem>>, vector<1x1x16xf32>,
      %parallel_loop3A_939 = vector.shape_cast %parallel_loop3A_938 : vector<1x1x16xf32> to vector<16xf32>
      %parallel_loop3A_940 = arith.constant 1 : i32
      %parallel_loop3A_941 = arith.index_cast %parallel_loop3A_940 : i32 to index
      %parallel_loop3A_942 = arith.index_cast %parallel_loop3A_857 : i32 to index
      %parallel_loop3A_943 = arith.constant 48 : index
      %parallel_loop3A_944 = tpu.vector_load %arg9[%parallel_loop3A_941, %parallel_loop3A_942, %parallel_loop3A_943] {strides = array<i32>} : memref<4x64x128xf32, #tpu.memory_space<vmem>>, vector<1x1x16xf32>,
      %parallel_loop3A_945 = vector.shape_cast %parallel_loop3A_944 : vector<1x1x16xf32> to vector<16xf32>
      %parallel_loop3A_946 = arith.constant 1 : i32
      %parallel_loop3A_947 = arith.index_cast %parallel_loop3A_946 : i32 to index
      %parallel_loop3A_948 = arith.index_cast %parallel_loop3A_857 : i32 to index
      %parallel_loop3A_949 = arith.constant 48 : index
      %parallel_loop3A_950 = tpu.vector_load %arg10[%parallel_loop3A_947, %parallel_loop3A_948, %parallel_loop3A_949] {strides = array<i32>} : memref<4x64x128xf32, #tpu.memory_space<vmem>>, vector<1x1x16xf32>,
      %parallel_loop3A_951 = vector.shape_cast %parallel_loop3A_950 : vector<1x1x16xf32> to vector<16xf32>
      %parallel_loop3A_952 = arith.subf %parallel_loop3A_939, %parallel_loop3A_945 : vector<16xf32>
      %parallel_loop3A_953 = arith.subf %parallel_loop3A_939, %parallel_loop3A_951 : vector<16xf32>
      %parallel_loop3A_954 = arith.mulf %parallel_loop3A_952, %parallel_loop3A_952 : vector<16xf32>
      %parallel_loop3A_955 = arith.addf %parallel_loop3A_907, %parallel_loop3A_954 : vector<16xf32>
      %parallel_loop3A_956 = arith.mulf %parallel_loop3A_953, %parallel_loop3A_953 : vector<16xf32>
      %parallel_loop3A_957 = arith.addf %parallel_loop3A_909, %parallel_loop3A_956 : vector<16xf32>
      %parallel_loop3A_958 = arith.constant 1 : i32
      %parallel_loop3A_959 = arith.index_cast %parallel_loop3A_958 : i32 to index
      %parallel_loop3A_960 = arith.index_cast %parallel_loop3A_857 : i32 to index
      %parallel_loop3A_961 = arith.constant 64 : index
      %parallel_loop3A_962 = tpu.vector_load %arg8[%parallel_loop3A_959, %parallel_loop3A_960, %parallel_loop3A_961] {strides = array<i32>} : memref<4x64x128xf32, #tpu.memory_space<vmem>>, vector<1x1x16xf32>,
      %parallel_loop3A_963 = vector.shape_cast %parallel_loop3A_962 : vector<1x1x16xf32> to vector<16xf32>
      %parallel_loop3A_964 = arith.constant 1 : i32
      %parallel_loop3A_965 = arith.index_cast %parallel_loop3A_964 : i32 to index
      %parallel_loop3A_966 = arith.index_cast %parallel_loop3A_857 : i32 to index
      %parallel_loop3A_967 = arith.constant 64 : index
      %parallel_loop3A_968 = tpu.vector_load %arg9[%parallel_loop3A_965, %parallel_loop3A_966, %parallel_loop3A_967] {strides = array<i32>} : memref<4x64x128xf32, #tpu.memory_space<vmem>>, vector<1x1x16xf32>,
      %parallel_loop3A_969 = vector.shape_cast %parallel_loop3A_968 : vector<1x1x16xf32> to vector<16xf32>
      %parallel_loop3A_970 = arith.constant 1 : i32
      %parallel_loop3A_971 = arith.index_cast %parallel_loop3A_970 : i32 to index
      %parallel_loop3A_972 = arith.index_cast %parallel_loop3A_857 : i32 to index
      %parallel_loop3A_973 = arith.constant 64 : index
      %parallel_loop3A_974 = tpu.vector_load %arg10[%parallel_loop3A_971, %parallel_loop3A_972, %parallel_loop3A_973] {strides = array<i32>} : memref<4x64x128xf32, #tpu.memory_space<vmem>>, vector<1x1x16xf32>,
      %parallel_loop3A_975 = vector.shape_cast %parallel_loop3A_974 : vector<1x1x16xf32> to vector<16xf32>
      %parallel_loop3A_976 = arith.subf %parallel_loop3A_963, %parallel_loop3A_969 : vector<16xf32>
      %parallel_loop3A_977 = arith.subf %parallel_loop3A_963, %parallel_loop3A_975 : vector<16xf32>
      %parallel_loop3A_978 = arith.mulf %parallel_loop3A_976, %parallel_loop3A_976 : vector<16xf32>
      %parallel_loop3A_979 = arith.addf %parallel_loop3A_931, %parallel_loop3A_978 : vector<16xf32>
      %parallel_loop3A_980 = arith.mulf %parallel_loop3A_977, %parallel_loop3A_977 : vector<16xf32>
      %parallel_loop3A_981 = arith.addf %parallel_loop3A_933, %parallel_loop3A_980 : vector<16xf32>
      %parallel_loop3A_982 = arith.constant 1 : i32
      %parallel_loop3A_983 = arith.index_cast %parallel_loop3A_982 : i32 to index
      %parallel_loop3A_984 = arith.index_cast %parallel_loop3A_857 : i32 to index
      %parallel_loop3A_985 = arith.constant 80 : index
      %parallel_loop3A_986 = tpu.vector_load %arg8[%parallel_loop3A_983, %parallel_loop3A_984, %parallel_loop3A_985] {strides = array<i32>} : memref<4x64x128xf32, #tpu.memory_space<vmem>>, vector<1x1x16xf32>,
      %parallel_loop3A_987 = vector.shape_cast %parallel_loop3A_986 : vector<1x1x16xf32> to vector<16xf32>
      %parallel_loop3A_988 = arith.constant 1 : i32
      %parallel_loop3A_989 = arith.index_cast %parallel_loop3A_988 : i32 to index
      %parallel_loop3A_990 = arith.index_cast %parallel_loop3A_857 : i32 to index
      %parallel_loop3A_991 = arith.constant 80 : index
      %parallel_loop3A_992 = tpu.vector_load %arg9[%parallel_loop3A_989, %parallel_loop3A_990, %parallel_loop3A_991] {strides = array<i32>} : memref<4x64x128xf32, #tpu.memory_space<vmem>>, vector<1x1x16xf32>,
      %parallel_loop3A_993 = vector.shape_cast %parallel_loop3A_992 : vector<1x1x16xf32> to vector<16xf32>
      %parallel_loop3A_994 = arith.constant 1 : i32
      %parallel_loop3A_995 = arith.index_cast %parallel_loop3A_994 : i32 to index
      %parallel_loop3A_996 = arith.index_cast %parallel_loop3A_857 : i32 to index
      %parallel_loop3A_997 = arith.constant 80 : index
      %parallel_loop3A_998 = tpu.vector_load %arg10[%parallel_loop3A_995, %parallel_loop3A_996, %parallel_loop3A_997] {strides = array<i32>} : memref<4x64x128xf32, #tpu.memory_space<vmem>>, vector<1x1x16xf32>,
      %parallel_loop3A_999 = vector.shape_cast %parallel_loop3A_998 : vector<1x1x16xf32> to vector<16xf32>
      %parallel_loop3A_1000 = arith.subf %parallel_loop3A_987, %parallel_loop3A_993 : vector<16xf32>
      %parallel_loop3A_1001 = arith.subf %parallel_loop3A_987, %parallel_loop3A_999 : vector<16xf32>
      %parallel_loop3A_1002 = arith.mulf %parallel_loop3A_1000, %parallel_loop3A_1000 : vector<16xf32>
      %parallel_loop3A_1003 = arith.addf %parallel_loop3A_955, %parallel_loop3A_1002 : vector<16xf32>
      %parallel_loop3A_1004 = arith.mulf %parallel_loop3A_1001, %parallel_loop3A_1001 : vector<16xf32>
      %parallel_loop3A_1005 = arith.addf %parallel_loop3A_957, %parallel_loop3A_1004 : vector<16xf32>
      %parallel_loop3A_1006 = arith.constant 1 : i32
      %parallel_loop3A_1007 = arith.index_cast %parallel_loop3A_1006 : i32 to index
      %parallel_loop3A_1008 = arith.index_cast %parallel_loop3A_857 : i32 to index
      %parallel_loop3A_1009 = arith.constant 96 : index
      %parallel_loop3A_1010 = tpu.vector_load %arg8[%parallel_loop3A_1007, %parallel_loop3A_1008, %parallel_loop3A_1009] {strides = array<i32>} : memref<4x64x128xf32, #tpu.memory_space<vmem>>, vector<1x1x16xf32>,
      %parallel_loop3A_1011 = vector.shape_cast %parallel_loop3A_1010 : vector<1x1x16xf32> to vector<16xf32>
      %parallel_loop3A_1012 = arith.constant 1 : i32
      %parallel_loop3A_1013 = arith.index_cast %parallel_loop3A_1012 : i32 to index
      %parallel_loop3A_1014 = arith.index_cast %parallel_loop3A_857 : i32 to index
      %parallel_loop3A_1015 = arith.constant 96 : index
      %parallel_loop3A_1016 = tpu.vector_load %arg9[%parallel_loop3A_1013, %parallel_loop3A_1014, %parallel_loop3A_1015] {strides = array<i32>} : memref<4x64x128xf32, #tpu.memory_space<vmem>>, vector<1x1x16xf32>,
      %parallel_loop3A_1017 = vector.shape_cast %parallel_loop3A_1016 : vector<1x1x16xf32> to vector<16xf32>
      %parallel_loop3A_1018 = arith.constant 1 : i32
      %parallel_loop3A_1019 = arith.index_cast %parallel_loop3A_1018 : i32 to index
      %parallel_loop3A_1020 = arith.index_cast %parallel_loop3A_857 : i32 to index
      %parallel_loop3A_1021 = arith.constant 96 : index
      %parallel_loop3A_1022 = tpu.vector_load %arg10[%parallel_loop3A_1019, %parallel_loop3A_1020, %parallel_loop3A_1021] {strides = array<i32>} : memref<4x64x128xf32, #tpu.memory_space<vmem>>, vector<1x1x16xf32>,
      %parallel_loop3A_1023 = vector.shape_cast %parallel_loop3A_1022 : vector<1x1x16xf32> to vector<16xf32>
      %parallel_loop3A_1024 = arith.subf %parallel_loop3A_1011, %parallel_loop3A_1017 : vector<16xf32>
      %parallel_loop3A_1025 = arith.subf %parallel_loop3A_1011, %parallel_loop3A_1023 : vector<16xf32>
      %parallel_loop3A_1026 = arith.mulf %parallel_loop3A_1024, %parallel_loop3A_1024 : vector<16xf32>
      %parallel_loop3A_1027 = arith.addf %parallel_loop3A_979, %parallel_loop3A_1026 : vector<16xf32>
      %parallel_loop3A_1028 = arith.mulf %parallel_loop3A_1025, %parallel_loop3A_1025 : vector<16xf32>
      %parallel_loop3A_1029 = arith.addf %parallel_loop3A_981, %parallel_loop3A_1028 : vector<16xf32>
      %parallel_loop3A_1030 = arith.constant 1 : i32
      %parallel_loop3A_1031 = arith.index_cast %parallel_loop3A_1030 : i32 to index
      %parallel_loop3A_1032 = arith.index_cast %parallel_loop3A_857 : i32 to index
      %parallel_loop3A_1033 = arith.constant 112 : index
      %parallel_loop3A_1034 = tpu.vector_load %arg8[%parallel_loop3A_1031, %parallel_loop3A_1032, %parallel_loop3A_1033] {strides = array<i32>} : memref<4x64x128xf32, #tpu.memory_space<vmem>>, vector<1x1x16xf32>,
      %parallel_loop3A_1035 = vector.shape_cast %parallel_loop3A_1034 : vector<1x1x16xf32> to vector<16xf32>
      %parallel_loop3A_1036 = arith.constant 1 : i32
      %parallel_loop3A_1037 = arith.index_cast %parallel_loop3A_1036 : i32 to index
      %parallel_loop3A_1038 = arith.index_cast %parallel_loop3A_857 : i32 to index
      %parallel_loop3A_1039 = arith.constant 112 : index
      %parallel_loop3A_1040 = tpu.vector_load %arg9[%parallel_loop3A_1037, %parallel_loop3A_1038, %parallel_loop3A_1039] {strides = array<i32>} : memref<4x64x128xf32, #tpu.memory_space<vmem>>, vector<1x1x16xf32>,
      %parallel_loop3A_1041 = vector.shape_cast %parallel_loop3A_1040 : vector<1x1x16xf32> to vector<16xf32>
      %parallel_loop3A_1042 = arith.constant 1 : i32
      %parallel_loop3A_1043 = arith.index_cast %parallel_loop3A_1042 : i32 to index
      %parallel_loop3A_1044 = arith.index_cast %parallel_loop3A_857 : i32 to index
      %parallel_loop3A_1045 = arith.constant 112 : index
      %parallel_loop3A_1046 = tpu.vector_load %arg10[%parallel_loop3A_1043, %parallel_loop3A_1044, %parallel_loop3A_1045] {strides = array<i32>} : memref<4x64x128xf32, #tpu.memory_space<vmem>>, vector<1x1x16xf32>,
      %parallel_loop3A_1047 = vector.shape_cast %parallel_loop3A_1046 : vector<1x1x16xf32> to vector<16xf32>
      %parallel_loop3A_1048 = arith.subf %parallel_loop3A_1035, %parallel_loop3A_1041 : vector<16xf32>
      %parallel_loop3A_1049 = arith.subf %parallel_loop3A_1035, %parallel_loop3A_1047 : vector<16xf32>
      %parallel_loop3A_1050 = arith.mulf %parallel_loop3A_1048, %parallel_loop3A_1048 : vector<16xf32>
      %parallel_loop3A_1051 = arith.addf %parallel_loop3A_1003, %parallel_loop3A_1050 : vector<16xf32>
      %parallel_loop3A_1052 = arith.mulf %parallel_loop3A_1049, %parallel_loop3A_1049 : vector<16xf32>
      %parallel_loop3A_1053 = arith.addf %parallel_loop3A_1005, %parallel_loop3A_1052 : vector<16xf32>
      scf.yield %parallel_loop3A_1027, %parallel_loop3A_1051, %parallel_loop3A_1029, %parallel_loop3A_1053 : vector<16xf32>, vector<16xf32>, vector<16xf32>, vector<16xf32>
    } {sc.loop_unroll_factor = 2 : i64, sc.parallel_access}
    %dma_wait3A_371 = arith.constant 1 : i32
    %dma_wait3A_372 = arith.constant 2 : i32
    %dma_wait3A_373 = arith.constant 2 : i32
    %dma_wait3A_374 = arith.constant 0 : i32
    %dma_wait3A_375 = arith.constant 0 : i32
    %dma_wait3A_376 = arith.constant 0 : i32
    %dma_wait3A_377 = tpu.memref_slice %arg8[%dma_wait3A_372, %dma_wait3A_375, %dma_wait3A_376] : memref<4x64x128xf32, #tpu.memory_space<vmem>> -> memref<1x64x128xf32, #tpu.memory_space<vmem>>
    %dma_wait3A_378 = tpu.memref_squeeze %dma_wait3A_377 : memref<1x64x128xf32, #tpu.memory_space<vmem>> -> memref<64x128xf32, #tpu.memory_space<vmem>>
    %dma_wait3A_379 = arith.constant 0 : i32
    %dma_wait3A_380 = tpu.memref_slice %arg7[%dma_wait3A_371, %dma_wait3A_379] : memref<4x128xi32, #tpu.memory_space<vmem>> -> memref<1x64xi32, #tpu.memory_space<vmem>>
    %dma_wait3A_381 = tpu.memref_squeeze %dma_wait3A_380 : memref<1x64xi32, #tpu.memory_space<vmem>> -> memref<64xi32, #tpu.memory_space<vmem>>
    %dma_wait3A_382 = arith.constant 0 : i32
    %dma_wait3A_383 = arith.constant 0 : i32
    %dma_wait3A_384 = tpu.memref_slice %arg5[%dma_wait3A_382, %dma_wait3A_383] : memref<100000x128xf32, #tpu.memory_space<hbm>> -> memref<100000x128xf32, #tpu.memory_space<hbm>>
    %dma_wait3A_385 = tpu.memref_slice %arg12[%dma_wait3A_373, %dma_wait3A_374] : memref<4x3x!tpu.dma_semaphore, #tpu.memory_space<semaphore_mem>> -> memref<1x1x!tpu.dma_semaphore, #tpu.memory_space<semaphore_mem>>
    %dma_wait3A_386 = tpu.memref_squeeze %dma_wait3A_385 : memref<1x1x!tpu.dma_semaphore, #tpu.memory_space<semaphore_mem>> -> memref<!tpu.dma_semaphore, #tpu.memory_space<semaphore_mem>>
    tpu.wait_indirect_dma semaphore(%dma_wait3A_386 : memref<!tpu.dma_semaphore, #tpu.memory_space<semaphore_mem>>) src(%dma_wait3A_384 : memref<100000x128xf32, #tpu.memory_space<hbm>>) dst(%dma_wait3A_378 : memref<64x128xf32, #tpu.memory_space<vmem>>)
    %dma_wait3A_387 = arith.constant 2 : i32
    %dma_wait3A_388 = arith.constant 2 : i32
    %dma_wait3A_389 = arith.constant 1 : i32
    %dma_wait3A_390 = arith.constant 0 : i32
    %dma_wait3A_391 = arith.constant 0 : i32
    %dma_wait3A_392 = tpu.memref_slice %arg9[%dma_wait3A_387, %dma_wait3A_390, %dma_wait3A_391] : memref<4x64x128xf32, #tpu.memory_space<vmem>> -> memref<1x64x128xf32, #tpu.memory_space<vmem>>
    %dma_wait3A_393 = tpu.memref_squeeze %dma_wait3A_392 : memref<1x64x128xf32, #tpu.memory_space<vmem>> -> memref<64x128xf32, #tpu.memory_space<vmem>>
    %dma_wait3A_394 = arith.constant 0 : i32
    %dma_wait3A_395 = tpu.memref_slice %arg3[%add3A_110, %dma_wait3A_394] : memref<16384x128xf32, #tpu.memory_space<hbm>> -> memref<64x128xf32, #tpu.memory_space<hbm>>
    %dma_wait3A_396 = tpu.memref_slice %arg12[%dma_wait3A_388, %dma_wait3A_389] : memref<4x3x!tpu.dma_semaphore, #tpu.memory_space<semaphore_mem>> -> memref<1x1x!tpu.dma_semaphore, #tpu.memory_space<semaphore_mem>>
    %dma_wait3A_397 = tpu.memref_squeeze %dma_wait3A_396 : memref<1x1x!tpu.dma_semaphore, #tpu.memory_space<semaphore_mem>> -> memref<!tpu.dma_semaphore, #tpu.memory_space<semaphore_mem>>
    %dma_wait3A_398 = arith.constant 0 : i32
    %dma_wait3A_399 = arith.constant 0 : i32
    %dma_wait3A_400 = tpu.memref_slice %arg9[%dma_wait3A_387, %dma_wait3A_398, %dma_wait3A_399] : memref<4x64x128xf32, #tpu.memory_space<vmem>> -> memref<1x64x128xf32, #tpu.memory_space<vmem>>
    %dma_wait3A_401 = tpu.memref_squeeze %dma_wait3A_400 : memref<1x64x128xf32, #tpu.memory_space<vmem>> -> memref<64x128xf32, #tpu.memory_space<vmem>>
    %dma_wait3A_402 = arith.constant 0 : i32
    %dma_wait3A_403 = tpu.memref_slice %arg3[%add3A_110, %dma_wait3A_402] : memref<16384x128xf32, #tpu.memory_space<hbm>> -> memref<64x128xf32, #tpu.memory_space<hbm>>
    tpu.wait_dma2 semaphore(%dma_wait3A_397 : memref<!tpu.dma_semaphore, #tpu.memory_space<semaphore_mem>>) src(%dma_wait3A_403 : memref<64x128xf32, #tpu.memory_space<hbm>>) dst(%dma_wait3A_401 : memref<64x128xf32, #tpu.memory_space<vmem>>)
    %dma_wait3A_404 = arith.constant 2 : i32
    %dma_wait3A_405 = arith.constant 2 : i32
    %dma_wait3A_406 = arith.constant 2 : i32
    %dma_wait3A_407 = arith.constant 0 : i32
    %dma_wait3A_408 = arith.constant 0 : i32
    %dma_wait3A_409 = tpu.memref_slice %arg10[%dma_wait3A_404, %dma_wait3A_407, %dma_wait3A_408] : memref<4x64x128xf32, #tpu.memory_space<vmem>> -> memref<1x64x128xf32, #tpu.memory_space<vmem>>
    %dma_wait3A_410 = tpu.memref_squeeze %dma_wait3A_409 : memref<1x64x128xf32, #tpu.memory_space<vmem>> -> memref<64x128xf32, #tpu.memory_space<vmem>>
    %dma_wait3A_411 = arith.constant 0 : i32
    %dma_wait3A_412 = tpu.memref_slice %arg4[%add3A_110, %dma_wait3A_411] : memref<16384x128xf32, #tpu.memory_space<hbm>> -> memref<64x128xf32, #tpu.memory_space<hbm>>
    %dma_wait3A_413 = tpu.memref_slice %arg12[%dma_wait3A_405, %dma_wait3A_406] : memref<4x3x!tpu.dma_semaphore, #tpu.memory_space<semaphore_mem>> -> memref<1x1x!tpu.dma_semaphore, #tpu.memory_space<semaphore_mem>>
    %dma_wait3A_414 = tpu.memref_squeeze %dma_wait3A_413 : memref<1x1x!tpu.dma_semaphore, #tpu.memory_space<semaphore_mem>> -> memref<!tpu.dma_semaphore, #tpu.memory_space<semaphore_mem>>
    %dma_wait3A_415 = arith.constant 0 : i32
    %dma_wait3A_416 = arith.constant 0 : i32
    %dma_wait3A_417 = tpu.memref_slice %arg10[%dma_wait3A_404, %dma_wait3A_415, %dma_wait3A_416] : memref<4x64x128xf32, #tpu.memory_space<vmem>> -> memref<1x64x128xf32, #tpu.memory_space<vmem>>
    %dma_wait3A_418 = tpu.memref_squeeze %dma_wait3A_417 : memref<1x64x128xf32, #tpu.memory_space<vmem>> -> memref<64x128xf32, #tpu.memory_space<vmem>>
    %dma_wait3A_419 = arith.constant 0 : i32
    %dma_wait3A_420 = tpu.memref_slice %arg4[%add3A_110, %dma_wait3A_419] : memref<16384x128xf32, #tpu.memory_space<hbm>> -> memref<64x128xf32, #tpu.memory_space<hbm>>
    tpu.wait_dma2 semaphore(%dma_wait3A_414 : memref<!tpu.dma_semaphore, #tpu.memory_space<semaphore_mem>>) src(%dma_wait3A_420 : memref<64x128xf32, #tpu.memory_space<hbm>>) dst(%dma_wait3A_418 : memref<64x128xf32, #tpu.memory_space<vmem>>)
    %add3A_421 = arith.constant 320 : i32
    %add3A_422 = arith.addi %mul3A_2, %add3A_421 : i32
    %dma_start3A_423 = arith.constant 2 : i32
    %dma_start3A_424 = arith.constant 1 : i32
    %dma_start3A_425 = arith.constant 1 : i32
    %dma_start3A_426 = arith.constant 0 : i32
    %dma_start3A_427 = arith.constant 0 : i32
    %dma_start3A_428 = arith.constant 0 : i32
    %dma_start3A_429 = tpu.memref_slice %arg8[%dma_start3A_424, %dma_start3A_427, %dma_start3A_428] : memref<4x64x128xf32, #tpu.memory_space<vmem>> -> memref<1x64x128xf32, #tpu.memory_space<vmem>>
    %dma_start3A_430 = tpu.memref_squeeze %dma_start3A_429 : memref<1x64x128xf32, #tpu.memory_space<vmem>> -> memref<64x128xf32, #tpu.memory_space<vmem>>
    %dma_start3A_431 = arith.constant 64 : i32
    %dma_start3A_432 = tpu.memref_slice %arg7[%dma_start3A_423, %dma_start3A_431] : memref<4x128xi32, #tpu.memory_space<vmem>> -> memref<1x64xi32, #tpu.memory_space<vmem>>
    %dma_start3A_433 = tpu.memref_squeeze %dma_start3A_432 : memref<1x64xi32, #tpu.memory_space<vmem>> -> memref<64xi32, #tpu.memory_space<vmem>>
    %dma_start3A_434 = arith.constant 0 : i32
    %dma_start3A_435 = arith.constant 0 : i32
    %dma_start3A_436 = tpu.memref_slice %arg5[%dma_start3A_434, %dma_start3A_435] : memref<100000x128xf32, #tpu.memory_space<hbm>> -> memref<100000x128xf32, #tpu.memory_space<hbm>>
    %dma_start3A_437 = tpu.memref_slice %arg12[%dma_start3A_425, %dma_start3A_426] : memref<4x3x!tpu.dma_semaphore, #tpu.memory_space<semaphore_mem>> -> memref<1x1x!tpu.dma_semaphore, #tpu.memory_space<semaphore_mem>>
    %dma_start3A_438 = tpu.memref_squeeze %dma_start3A_437 : memref<1x1x!tpu.dma_semaphore, #tpu.memory_space<semaphore_mem>> -> memref<!tpu.dma_semaphore, #tpu.memory_space<semaphore_mem>>
    tpu.enqueue_indirect_dma source(%dma_start3A_436 : memref<100000x128xf32, #tpu.memory_space<hbm>>) target(%dma_start3A_430 : memref<64x128xf32, #tpu.memory_space<vmem>>) offsets(%dma_start3A_433 : memref<64xi32, #tpu.memory_space<vmem>>) semaphore(%dma_start3A_438 : memref<!tpu.dma_semaphore, #tpu.memory_space<semaphore_mem>>)
    %dma_start3A_439 = arith.constant 1 : i32
    %dma_start3A_440 = arith.constant 1 : i32
    %dma_start3A_441 = arith.constant 1 : i32
    %dma_start3A_442 = arith.constant 0 : i32
    %dma_start3A_443 = arith.constant 0 : i32
    %dma_start3A_444 = tpu.memref_slice %arg9[%dma_start3A_439, %dma_start3A_442, %dma_start3A_443] : memref<4x64x128xf32, #tpu.memory_space<vmem>> -> memref<1x64x128xf32, #tpu.memory_space<vmem>>
    %dma_start3A_445 = tpu.memref_squeeze %dma_start3A_444 : memref<1x64x128xf32, #tpu.memory_space<vmem>> -> memref<64x128xf32, #tpu.memory_space<vmem>>
    %dma_start3A_446 = arith.constant 0 : i32
    %dma_start3A_447 = tpu.memref_slice %arg3[%add3A_422, %dma_start3A_446] : memref<16384x128xf32, #tpu.memory_space<hbm>> -> memref<64x128xf32, #tpu.memory_space<hbm>>
    %dma_start3A_448 = tpu.memref_slice %arg12[%dma_start3A_440, %dma_start3A_441] : memref<4x3x!tpu.dma_semaphore, #tpu.memory_space<semaphore_mem>> -> memref<1x1x!tpu.dma_semaphore, #tpu.memory_space<semaphore_mem>>
    %dma_start3A_449 = tpu.memref_squeeze %dma_start3A_448 : memref<1x1x!tpu.dma_semaphore, #tpu.memory_space<semaphore_mem>> -> memref<!tpu.dma_semaphore, #tpu.memory_space<semaphore_mem>>
    %dma_start3A_450 = arith.constant 0 : i32
    %dma_start3A_451 = arith.constant 0 : i32
    %dma_start3A_452 = tpu.memref_slice %arg9[%dma_start3A_439, %dma_start3A_450, %dma_start3A_451] : memref<4x64x128xf32, #tpu.memory_space<vmem>> -> memref<1x64x128xf32, #tpu.memory_space<vmem>>
    %dma_start3A_453 = tpu.memref_squeeze %dma_start3A_452 : memref<1x64x128xf32, #tpu.memory_space<vmem>> -> memref<64x128xf32, #tpu.memory_space<vmem>>
    %dma_start3A_454 = arith.constant 0 : i32
    %dma_start3A_455 = tpu.memref_slice %arg3[%add3A_422, %dma_start3A_454] : memref<16384x128xf32, #tpu.memory_space<hbm>> -> memref<64x128xf32, #tpu.memory_space<hbm>>
    tpu.enqueue_dma source(%dma_start3A_455 : memref<64x128xf32, #tpu.memory_space<hbm>>) target(%dma_start3A_453 : memref<64x128xf32, #tpu.memory_space<vmem>>) target_semaphore(%dma_start3A_449 : memref<!tpu.dma_semaphore, #tpu.memory_space<semaphore_mem>>)
    %dma_start3A_456 = arith.constant 1 : i32
    %dma_start3A_457 = arith.constant 1 : i32
    %dma_start3A_458 = arith.constant 2 : i32
    %dma_start3A_459 = arith.constant 0 : i32
    %dma_start3A_460 = arith.constant 0 : i32
    %dma_start3A_461 = tpu.memref_slice %arg10[%dma_start3A_456, %dma_start3A_459, %dma_start3A_460] : memref<4x64x128xf32, #tpu.memory_space<vmem>> -> memref<1x64x128xf32, #tpu.memory_space<vmem>>
    %dma_start3A_462 = tpu.memref_squeeze %dma_start3A_461 : memref<1x64x128xf32, #tpu.memory_space<vmem>> -> memref<64x128xf32, #tpu.memory_space<vmem>>
    %dma_start3A_463 = arith.constant 0 : i32
    %dma_start3A_464 = tpu.memref_slice %arg4[%add3A_422, %dma_start3A_463] : memref<16384x128xf32, #tpu.memory_space<hbm>> -> memref<64x128xf32, #tpu.memory_space<hbm>>
    %dma_start3A_465 = tpu.memref_slice %arg12[%dma_start3A_457, %dma_start3A_458] : memref<4x3x!tpu.dma_semaphore, #tpu.memory_space<semaphore_mem>> -> memref<1x1x!tpu.dma_semaphore, #tpu.memory_space<semaphore_mem>>
    %dma_start3A_466 = tpu.memref_squeeze %dma_start3A_465 : memref<1x1x!tpu.dma_semaphore, #tpu.memory_space<semaphore_mem>> -> memref<!tpu.dma_semaphore, #tpu.memory_space<semaphore_mem>>
    %dma_start3A_467 = arith.constant 0 : i32
    %dma_start3A_468 = arith.constant 0 : i32
    %dma_start3A_469 = tpu.memref_slice %arg10[%dma_start3A_456, %dma_start3A_467, %dma_start3A_468] : memref<4x64x128xf32, #tpu.memory_space<vmem>> -> memref<1x64x128xf32, #tpu.memory_space<vmem>>
    %dma_start3A_470 = tpu.memref_squeeze %dma_start3A_469 : memref<1x64x128xf32, #tpu.memory_space<vmem>> -> memref<64x128xf32, #tpu.memory_space<vmem>>
    %dma_start3A_471 = arith.constant 0 : i32
    %dma_start3A_472 = tpu.memref_slice %arg4[%add3A_422, %dma_start3A_471] : memref<16384x128xf32, #tpu.memory_space<hbm>> -> memref<64x128xf32, #tpu.memory_space<hbm>>
    tpu.enqueue_dma source(%dma_start3A_472 : memref<64x128xf32, #tpu.memory_space<hbm>>) target(%dma_start3A_470 : memref<64x128xf32, #tpu.memory_space<vmem>>) target_semaphore(%dma_start3A_466 : memref<!tpu.dma_semaphore, #tpu.memory_space<semaphore_mem>>)
    %parallel_loop3A_473 = arith.constant 0 : i32
    %parallel_loop3A_474 = arith.constant 64 : i32
    %parallel_loop3A_475 = arith.constant 1 : i32
    %parallel_loop3A_476:4 = scf.for %parallel_loop3A_857 = %parallel_loop3A_473 to %parallel_loop3A_474 step %parallel_loop3A_475 iter_args(%parallel_loop3A_858 = %parallel_loop3A_370#0, %parallel_loop3A_859 = %parallel_loop3A_370#1, %parallel_loop3A_860 = %parallel_loop3A_370#2, %parallel_loop3A_861 = %parallel_loop3A_370#3) -> (vector<16xf32>, vector<16xf32>, vector<16xf32>, vector<16xf32>)  : i32 {
      %parallel_loop3A_862 = arith.constant 2 : i32
      %parallel_loop3A_863 = arith.index_cast %parallel_loop3A_862 : i32 to index
      %parallel_loop3A_864 = arith.index_cast %parallel_loop3A_857 : i32 to index
      %parallel_loop3A_865 = arith.constant 0 : index
      %parallel_loop3A_866 = tpu.vector_load %arg8[%parallel_loop3A_863, %parallel_loop3A_864, %parallel_loop3A_865] {strides = array<i32>} : memref<4x64x128xf32, #tpu.memory_space<vmem>>, vector<1x1x16xf32>,
      %parallel_loop3A_867 = vector.shape_cast %parallel_loop3A_866 : vector<1x1x16xf32> to vector<16xf32>
      %parallel_loop3A_868 = arith.constant 2 : i32
      %parallel_loop3A_869 = arith.index_cast %parallel_loop3A_868 : i32 to index
      %parallel_loop3A_870 = arith.index_cast %parallel_loop3A_857 : i32 to index
      %parallel_loop3A_871 = arith.constant 0 : index
      %parallel_loop3A_872 = tpu.vector_load %arg9[%parallel_loop3A_869, %parallel_loop3A_870, %parallel_loop3A_871] {strides = array<i32>} : memref<4x64x128xf32, #tpu.memory_space<vmem>>, vector<1x1x16xf32>,
      %parallel_loop3A_873 = vector.shape_cast %parallel_loop3A_872 : vector<1x1x16xf32> to vector<16xf32>
      %parallel_loop3A_874 = arith.constant 2 : i32
      %parallel_loop3A_875 = arith.index_cast %parallel_loop3A_874 : i32 to index
      %parallel_loop3A_876 = arith.index_cast %parallel_loop3A_857 : i32 to index
      %parallel_loop3A_877 = arith.constant 0 : index
      %parallel_loop3A_878 = tpu.vector_load %arg10[%parallel_loop3A_875, %parallel_loop3A_876, %parallel_loop3A_877] {strides = array<i32>} : memref<4x64x128xf32, #tpu.memory_space<vmem>>, vector<1x1x16xf32>,
      %parallel_loop3A_879 = vector.shape_cast %parallel_loop3A_878 : vector<1x1x16xf32> to vector<16xf32>
      %parallel_loop3A_880 = arith.subf %parallel_loop3A_867, %parallel_loop3A_873 : vector<16xf32>
      %parallel_loop3A_881 = arith.subf %parallel_loop3A_867, %parallel_loop3A_879 : vector<16xf32>
      %parallel_loop3A_882 = arith.mulf %parallel_loop3A_880, %parallel_loop3A_880 : vector<16xf32>
      %parallel_loop3A_883 = arith.addf %parallel_loop3A_858, %parallel_loop3A_882 : vector<16xf32>
      %parallel_loop3A_884 = arith.mulf %parallel_loop3A_881, %parallel_loop3A_881 : vector<16xf32>
      %parallel_loop3A_885 = arith.addf %parallel_loop3A_860, %parallel_loop3A_884 : vector<16xf32>
      %parallel_loop3A_886 = arith.constant 2 : i32
      %parallel_loop3A_887 = arith.index_cast %parallel_loop3A_886 : i32 to index
      %parallel_loop3A_888 = arith.index_cast %parallel_loop3A_857 : i32 to index
      %parallel_loop3A_889 = arith.constant 16 : index
      %parallel_loop3A_890 = tpu.vector_load %arg8[%parallel_loop3A_887, %parallel_loop3A_888, %parallel_loop3A_889] {strides = array<i32>} : memref<4x64x128xf32, #tpu.memory_space<vmem>>, vector<1x1x16xf32>,
      %parallel_loop3A_891 = vector.shape_cast %parallel_loop3A_890 : vector<1x1x16xf32> to vector<16xf32>
      %parallel_loop3A_892 = arith.constant 2 : i32
      %parallel_loop3A_893 = arith.index_cast %parallel_loop3A_892 : i32 to index
      %parallel_loop3A_894 = arith.index_cast %parallel_loop3A_857 : i32 to index
      %parallel_loop3A_895 = arith.constant 16 : index
      %parallel_loop3A_896 = tpu.vector_load %arg9[%parallel_loop3A_893, %parallel_loop3A_894, %parallel_loop3A_895] {strides = array<i32>} : memref<4x64x128xf32, #tpu.memory_space<vmem>>, vector<1x1x16xf32>,
      %parallel_loop3A_897 = vector.shape_cast %parallel_loop3A_896 : vector<1x1x16xf32> to vector<16xf32>
      %parallel_loop3A_898 = arith.constant 2 : i32
      %parallel_loop3A_899 = arith.index_cast %parallel_loop3A_898 : i32 to index
      %parallel_loop3A_900 = arith.index_cast %parallel_loop3A_857 : i32 to index
      %parallel_loop3A_901 = arith.constant 16 : index
      %parallel_loop3A_902 = tpu.vector_load %arg10[%parallel_loop3A_899, %parallel_loop3A_900, %parallel_loop3A_901] {strides = array<i32>} : memref<4x64x128xf32, #tpu.memory_space<vmem>>, vector<1x1x16xf32>,
      %parallel_loop3A_903 = vector.shape_cast %parallel_loop3A_902 : vector<1x1x16xf32> to vector<16xf32>
      %parallel_loop3A_904 = arith.subf %parallel_loop3A_891, %parallel_loop3A_897 : vector<16xf32>
      %parallel_loop3A_905 = arith.subf %parallel_loop3A_891, %parallel_loop3A_903 : vector<16xf32>
      %parallel_loop3A_906 = arith.mulf %parallel_loop3A_904, %parallel_loop3A_904 : vector<16xf32>
      %parallel_loop3A_907 = arith.addf %parallel_loop3A_859, %parallel_loop3A_906 : vector<16xf32>
      %parallel_loop3A_908 = arith.mulf %parallel_loop3A_905, %parallel_loop3A_905 : vector<16xf32>
      %parallel_loop3A_909 = arith.addf %parallel_loop3A_861, %parallel_loop3A_908 : vector<16xf32>
      %parallel_loop3A_910 = arith.constant 2 : i32
      %parallel_loop3A_911 = arith.index_cast %parallel_loop3A_910 : i32 to index
      %parallel_loop3A_912 = arith.index_cast %parallel_loop3A_857 : i32 to index
      %parallel_loop3A_913 = arith.constant 32 : index
      %parallel_loop3A_914 = tpu.vector_load %arg8[%parallel_loop3A_911, %parallel_loop3A_912, %parallel_loop3A_913] {strides = array<i32>} : memref<4x64x128xf32, #tpu.memory_space<vmem>>, vector<1x1x16xf32>,
      %parallel_loop3A_915 = vector.shape_cast %parallel_loop3A_914 : vector<1x1x16xf32> to vector<16xf32>
      %parallel_loop3A_916 = arith.constant 2 : i32
      %parallel_loop3A_917 = arith.index_cast %parallel_loop3A_916 : i32 to index
      %parallel_loop3A_918 = arith.index_cast %parallel_loop3A_857 : i32 to index
      %parallel_loop3A_919 = arith.constant 32 : index
      %parallel_loop3A_920 = tpu.vector_load %arg9[%parallel_loop3A_917, %parallel_loop3A_918, %parallel_loop3A_919] {strides = array<i32>} : memref<4x64x128xf32, #tpu.memory_space<vmem>>, vector<1x1x16xf32>,
      %parallel_loop3A_921 = vector.shape_cast %parallel_loop3A_920 : vector<1x1x16xf32> to vector<16xf32>
      %parallel_loop3A_922 = arith.constant 2 : i32
      %parallel_loop3A_923 = arith.index_cast %parallel_loop3A_922 : i32 to index
      %parallel_loop3A_924 = arith.index_cast %parallel_loop3A_857 : i32 to index
      %parallel_loop3A_925 = arith.constant 32 : index
      %parallel_loop3A_926 = tpu.vector_load %arg10[%parallel_loop3A_923, %parallel_loop3A_924, %parallel_loop3A_925] {strides = array<i32>} : memref<4x64x128xf32, #tpu.memory_space<vmem>>, vector<1x1x16xf32>,
      %parallel_loop3A_927 = vector.shape_cast %parallel_loop3A_926 : vector<1x1x16xf32> to vector<16xf32>
      %parallel_loop3A_928 = arith.subf %parallel_loop3A_915, %parallel_loop3A_921 : vector<16xf32>
      %parallel_loop3A_929 = arith.subf %parallel_loop3A_915, %parallel_loop3A_927 : vector<16xf32>
      %parallel_loop3A_930 = arith.mulf %parallel_loop3A_928, %parallel_loop3A_928 : vector<16xf32>
      %parallel_loop3A_931 = arith.addf %parallel_loop3A_883, %parallel_loop3A_930 : vector<16xf32>
      %parallel_loop3A_932 = arith.mulf %parallel_loop3A_929, %parallel_loop3A_929 : vector<16xf32>
      %parallel_loop3A_933 = arith.addf %parallel_loop3A_885, %parallel_loop3A_932 : vector<16xf32>
      %parallel_loop3A_934 = arith.constant 2 : i32
      %parallel_loop3A_935 = arith.index_cast %parallel_loop3A_934 : i32 to index
      %parallel_loop3A_936 = arith.index_cast %parallel_loop3A_857 : i32 to index
      %parallel_loop3A_937 = arith.constant 48 : index
      %parallel_loop3A_938 = tpu.vector_load %arg8[%parallel_loop3A_935, %parallel_loop3A_936, %parallel_loop3A_937] {strides = array<i32>} : memref<4x64x128xf32, #tpu.memory_space<vmem>>, vector<1x1x16xf32>,
      %parallel_loop3A_939 = vector.shape_cast %parallel_loop3A_938 : vector<1x1x16xf32> to vector<16xf32>
      %parallel_loop3A_940 = arith.constant 2 : i32
      %parallel_loop3A_941 = arith.index_cast %parallel_loop3A_940 : i32 to index
      %parallel_loop3A_942 = arith.index_cast %parallel_loop3A_857 : i32 to index
      %parallel_loop3A_943 = arith.constant 48 : index
      %parallel_loop3A_944 = tpu.vector_load %arg9[%parallel_loop3A_941, %parallel_loop3A_942, %parallel_loop3A_943] {strides = array<i32>} : memref<4x64x128xf32, #tpu.memory_space<vmem>>, vector<1x1x16xf32>,
      %parallel_loop3A_945 = vector.shape_cast %parallel_loop3A_944 : vector<1x1x16xf32> to vector<16xf32>
      %parallel_loop3A_946 = arith.constant 2 : i32
      %parallel_loop3A_947 = arith.index_cast %parallel_loop3A_946 : i32 to index
      %parallel_loop3A_948 = arith.index_cast %parallel_loop3A_857 : i32 to index
      %parallel_loop3A_949 = arith.constant 48 : index
      %parallel_loop3A_950 = tpu.vector_load %arg10[%parallel_loop3A_947, %parallel_loop3A_948, %parallel_loop3A_949] {strides = array<i32>} : memref<4x64x128xf32, #tpu.memory_space<vmem>>, vector<1x1x16xf32>,
      %parallel_loop3A_951 = vector.shape_cast %parallel_loop3A_950 : vector<1x1x16xf32> to vector<16xf32>
      %parallel_loop3A_952 = arith.subf %parallel_loop3A_939, %parallel_loop3A_945 : vector<16xf32>
      %parallel_loop3A_953 = arith.subf %parallel_loop3A_939, %parallel_loop3A_951 : vector<16xf32>
      %parallel_loop3A_954 = arith.mulf %parallel_loop3A_952, %parallel_loop3A_952 : vector<16xf32>
      %parallel_loop3A_955 = arith.addf %parallel_loop3A_907, %parallel_loop3A_954 : vector<16xf32>
      %parallel_loop3A_956 = arith.mulf %parallel_loop3A_953, %parallel_loop3A_953 : vector<16xf32>
      %parallel_loop3A_957 = arith.addf %parallel_loop3A_909, %parallel_loop3A_956 : vector<16xf32>
      %parallel_loop3A_958 = arith.constant 2 : i32
      %parallel_loop3A_959 = arith.index_cast %parallel_loop3A_958 : i32 to index
      %parallel_loop3A_960 = arith.index_cast %parallel_loop3A_857 : i32 to index
      %parallel_loop3A_961 = arith.constant 64 : index
      %parallel_loop3A_962 = tpu.vector_load %arg8[%parallel_loop3A_959, %parallel_loop3A_960, %parallel_loop3A_961] {strides = array<i32>} : memref<4x64x128xf32, #tpu.memory_space<vmem>>, vector<1x1x16xf32>,
      %parallel_loop3A_963 = vector.shape_cast %parallel_loop3A_962 : vector<1x1x16xf32> to vector<16xf32>
      %parallel_loop3A_964 = arith.constant 2 : i32
      %parallel_loop3A_965 = arith.index_cast %parallel_loop3A_964 : i32 to index
      %parallel_loop3A_966 = arith.index_cast %parallel_loop3A_857 : i32 to index
      %parallel_loop3A_967 = arith.constant 64 : index
      %parallel_loop3A_968 = tpu.vector_load %arg9[%parallel_loop3A_965, %parallel_loop3A_966, %parallel_loop3A_967] {strides = array<i32>} : memref<4x64x128xf32, #tpu.memory_space<vmem>>, vector<1x1x16xf32>,
      %parallel_loop3A_969 = vector.shape_cast %parallel_loop3A_968 : vector<1x1x16xf32> to vector<16xf32>
      %parallel_loop3A_970 = arith.constant 2 : i32
      %parallel_loop3A_971 = arith.index_cast %parallel_loop3A_970 : i32 to index
      %parallel_loop3A_972 = arith.index_cast %parallel_loop3A_857 : i32 to index
      %parallel_loop3A_973 = arith.constant 64 : index
      %parallel_loop3A_974 = tpu.vector_load %arg10[%parallel_loop3A_971, %parallel_loop3A_972, %parallel_loop3A_973] {strides = array<i32>} : memref<4x64x128xf32, #tpu.memory_space<vmem>>, vector<1x1x16xf32>,
      %parallel_loop3A_975 = vector.shape_cast %parallel_loop3A_974 : vector<1x1x16xf32> to vector<16xf32>
      %parallel_loop3A_976 = arith.subf %parallel_loop3A_963, %parallel_loop3A_969 : vector<16xf32>
      %parallel_loop3A_977 = arith.subf %parallel_loop3A_963, %parallel_loop3A_975 : vector<16xf32>
      %parallel_loop3A_978 = arith.mulf %parallel_loop3A_976, %parallel_loop3A_976 : vector<16xf32>
      %parallel_loop3A_979 = arith.addf %parallel_loop3A_931, %parallel_loop3A_978 : vector<16xf32>
      %parallel_loop3A_980 = arith.mulf %parallel_loop3A_977, %parallel_loop3A_977 : vector<16xf32>
      %parallel_loop3A_981 = arith.addf %parallel_loop3A_933, %parallel_loop3A_980 : vector<16xf32>
      %parallel_loop3A_982 = arith.constant 2 : i32
      %parallel_loop3A_983 = arith.index_cast %parallel_loop3A_982 : i32 to index
      %parallel_loop3A_984 = arith.index_cast %parallel_loop3A_857 : i32 to index
      %parallel_loop3A_985 = arith.constant 80 : index
      %parallel_loop3A_986 = tpu.vector_load %arg8[%parallel_loop3A_983, %parallel_loop3A_984, %parallel_loop3A_985] {strides = array<i32>} : memref<4x64x128xf32, #tpu.memory_space<vmem>>, vector<1x1x16xf32>,
      %parallel_loop3A_987 = vector.shape_cast %parallel_loop3A_986 : vector<1x1x16xf32> to vector<16xf32>
      %parallel_loop3A_988 = arith.constant 2 : i32
      %parallel_loop3A_989 = arith.index_cast %parallel_loop3A_988 : i32 to index
      %parallel_loop3A_990 = arith.index_cast %parallel_loop3A_857 : i32 to index
      %parallel_loop3A_991 = arith.constant 80 : index
      %parallel_loop3A_992 = tpu.vector_load %arg9[%parallel_loop3A_989, %parallel_loop3A_990, %parallel_loop3A_991] {strides = array<i32>} : memref<4x64x128xf32, #tpu.memory_space<vmem>>, vector<1x1x16xf32>,
      %parallel_loop3A_993 = vector.shape_cast %parallel_loop3A_992 : vector<1x1x16xf32> to vector<16xf32>
      %parallel_loop3A_994 = arith.constant 2 : i32
      %parallel_loop3A_995 = arith.index_cast %parallel_loop3A_994 : i32 to index
      %parallel_loop3A_996 = arith.index_cast %parallel_loop3A_857 : i32 to index
      %parallel_loop3A_997 = arith.constant 80 : index
      %parallel_loop3A_998 = tpu.vector_load %arg10[%parallel_loop3A_995, %parallel_loop3A_996, %parallel_loop3A_997] {strides = array<i32>} : memref<4x64x128xf32, #tpu.memory_space<vmem>>, vector<1x1x16xf32>,
      %parallel_loop3A_999 = vector.shape_cast %parallel_loop3A_998 : vector<1x1x16xf32> to vector<16xf32>
      %parallel_loop3A_1000 = arith.subf %parallel_loop3A_987, %parallel_loop3A_993 : vector<16xf32>
      %parallel_loop3A_1001 = arith.subf %parallel_loop3A_987, %parallel_loop3A_999 : vector<16xf32>
      %parallel_loop3A_1002 = arith.mulf %parallel_loop3A_1000, %parallel_loop3A_1000 : vector<16xf32>
      %parallel_loop3A_1003 = arith.addf %parallel_loop3A_955, %parallel_loop3A_1002 : vector<16xf32>
      %parallel_loop3A_1004 = arith.mulf %parallel_loop3A_1001, %parallel_loop3A_1001 : vector<16xf32>
      %parallel_loop3A_1005 = arith.addf %parallel_loop3A_957, %parallel_loop3A_1004 : vector<16xf32>
      %parallel_loop3A_1006 = arith.constant 2 : i32
      %parallel_loop3A_1007 = arith.index_cast %parallel_loop3A_1006 : i32 to index
      %parallel_loop3A_1008 = arith.index_cast %parallel_loop3A_857 : i32 to index
      %parallel_loop3A_1009 = arith.constant 96 : index
      %parallel_loop3A_1010 = tpu.vector_load %arg8[%parallel_loop3A_1007, %parallel_loop3A_1008, %parallel_loop3A_1009] {strides = array<i32>} : memref<4x64x128xf32, #tpu.memory_space<vmem>>, vector<1x1x16xf32>,
      %parallel_loop3A_1011 = vector.shape_cast %parallel_loop3A_1010 : vector<1x1x16xf32> to vector<16xf32>
      %parallel_loop3A_1012 = arith.constant 2 : i32
      %parallel_loop3A_1013 = arith.index_cast %parallel_loop3A_1012 : i32 to index
      %parallel_loop3A_1014 = arith.index_cast %parallel_loop3A_857 : i32 to index
      %parallel_loop3A_1015 = arith.constant 96 : index
      %parallel_loop3A_1016 = tpu.vector_load %arg9[%parallel_loop3A_1013, %parallel_loop3A_1014, %parallel_loop3A_1015] {strides = array<i32>} : memref<4x64x128xf32, #tpu.memory_space<vmem>>, vector<1x1x16xf32>,
      %parallel_loop3A_1017 = vector.shape_cast %parallel_loop3A_1016 : vector<1x1x16xf32> to vector<16xf32>
      %parallel_loop3A_1018 = arith.constant 2 : i32
      %parallel_loop3A_1019 = arith.index_cast %parallel_loop3A_1018 : i32 to index
      %parallel_loop3A_1020 = arith.index_cast %parallel_loop3A_857 : i32 to index
      %parallel_loop3A_1021 = arith.constant 96 : index
      %parallel_loop3A_1022 = tpu.vector_load %arg10[%parallel_loop3A_1019, %parallel_loop3A_1020, %parallel_loop3A_1021] {strides = array<i32>} : memref<4x64x128xf32, #tpu.memory_space<vmem>>, vector<1x1x16xf32>,
      %parallel_loop3A_1023 = vector.shape_cast %parallel_loop3A_1022 : vector<1x1x16xf32> to vector<16xf32>
      %parallel_loop3A_1024 = arith.subf %parallel_loop3A_1011, %parallel_loop3A_1017 : vector<16xf32>
      %parallel_loop3A_1025 = arith.subf %parallel_loop3A_1011, %parallel_loop3A_1023 : vector<16xf32>
      %parallel_loop3A_1026 = arith.mulf %parallel_loop3A_1024, %parallel_loop3A_1024 : vector<16xf32>
      %parallel_loop3A_1027 = arith.addf %parallel_loop3A_979, %parallel_loop3A_1026 : vector<16xf32>
      %parallel_loop3A_1028 = arith.mulf %parallel_loop3A_1025, %parallel_loop3A_1025 : vector<16xf32>
      %parallel_loop3A_1029 = arith.addf %parallel_loop3A_981, %parallel_loop3A_1028 : vector<16xf32>
      %parallel_loop3A_1030 = arith.constant 2 : i32
      %parallel_loop3A_1031 = arith.index_cast %parallel_loop3A_1030 : i32 to index
      %parallel_loop3A_1032 = arith.index_cast %parallel_loop3A_857 : i32 to index
      %parallel_loop3A_1033 = arith.constant 112 : index
      %parallel_loop3A_1034 = tpu.vector_load %arg8[%parallel_loop3A_1031, %parallel_loop3A_1032, %parallel_loop3A_1033] {strides = array<i32>} : memref<4x64x128xf32, #tpu.memory_space<vmem>>, vector<1x1x16xf32>,
      %parallel_loop3A_1035 = vector.shape_cast %parallel_loop3A_1034 : vector<1x1x16xf32> to vector<16xf32>
      %parallel_loop3A_1036 = arith.constant 2 : i32
      %parallel_loop3A_1037 = arith.index_cast %parallel_loop3A_1036 : i32 to index
      %parallel_loop3A_1038 = arith.index_cast %parallel_loop3A_857 : i32 to index
      %parallel_loop3A_1039 = arith.constant 112 : index
      %parallel_loop3A_1040 = tpu.vector_load %arg9[%parallel_loop3A_1037, %parallel_loop3A_1038, %parallel_loop3A_1039] {strides = array<i32>} : memref<4x64x128xf32, #tpu.memory_space<vmem>>, vector<1x1x16xf32>,
      %parallel_loop3A_1041 = vector.shape_cast %parallel_loop3A_1040 : vector<1x1x16xf32> to vector<16xf32>
      %parallel_loop3A_1042 = arith.constant 2 : i32
      %parallel_loop3A_1043 = arith.index_cast %parallel_loop3A_1042 : i32 to index
      %parallel_loop3A_1044 = arith.index_cast %parallel_loop3A_857 : i32 to index
      %parallel_loop3A_1045 = arith.constant 112 : index
      %parallel_loop3A_1046 = tpu.vector_load %arg10[%parallel_loop3A_1043, %parallel_loop3A_1044, %parallel_loop3A_1045] {strides = array<i32>} : memref<4x64x128xf32, #tpu.memory_space<vmem>>, vector<1x1x16xf32>,
      %parallel_loop3A_1047 = vector.shape_cast %parallel_loop3A_1046 : vector<1x1x16xf32> to vector<16xf32>
      %parallel_loop3A_1048 = arith.subf %parallel_loop3A_1035, %parallel_loop3A_1041 : vector<16xf32>
      %parallel_loop3A_1049 = arith.subf %parallel_loop3A_1035, %parallel_loop3A_1047 : vector<16xf32>
      %parallel_loop3A_1050 = arith.mulf %parallel_loop3A_1048, %parallel_loop3A_1048 : vector<16xf32>
      %parallel_loop3A_1051 = arith.addf %parallel_loop3A_1003, %parallel_loop3A_1050 : vector<16xf32>
      %parallel_loop3A_1052 = arith.mulf %parallel_loop3A_1049, %parallel_loop3A_1049 : vector<16xf32>
      %parallel_loop3A_1053 = arith.addf %parallel_loop3A_1005, %parallel_loop3A_1052 : vector<16xf32>
      scf.yield %parallel_loop3A_1027, %parallel_loop3A_1051, %parallel_loop3A_1029, %parallel_loop3A_1053 : vector<16xf32>, vector<16xf32>, vector<16xf32>, vector<16xf32>
    } {sc.loop_unroll_factor = 2 : i64, sc.parallel_access}
    %dma_wait3A_477 = arith.constant 1 : i32
    %dma_wait3A_478 = arith.constant 3 : i32
    %dma_wait3A_479 = arith.constant 3 : i32
    %dma_wait3A_480 = arith.constant 0 : i32
    %dma_wait3A_481 = arith.constant 0 : i32
    %dma_wait3A_482 = arith.constant 0 : i32
    %dma_wait3A_483 = tpu.memref_slice %arg8[%dma_wait3A_478, %dma_wait3A_481, %dma_wait3A_482] : memref<4x64x128xf32, #tpu.memory_space<vmem>> -> memref<1x64x128xf32, #tpu.memory_space<vmem>>
    %dma_wait3A_484 = tpu.memref_squeeze %dma_wait3A_483 : memref<1x64x128xf32, #tpu.memory_space<vmem>> -> memref<64x128xf32, #tpu.memory_space<vmem>>
    %dma_wait3A_485 = arith.constant 64 : i32
    %dma_wait3A_486 = tpu.memref_slice %arg7[%dma_wait3A_477, %dma_wait3A_485] : memref<4x128xi32, #tpu.memory_space<vmem>> -> memref<1x64xi32, #tpu.memory_space<vmem>>
    %dma_wait3A_487 = tpu.memref_squeeze %dma_wait3A_486 : memref<1x64xi32, #tpu.memory_space<vmem>> -> memref<64xi32, #tpu.memory_space<vmem>>
    %dma_wait3A_488 = arith.constant 0 : i32
    %dma_wait3A_489 = arith.constant 0 : i32
    %dma_wait3A_490 = tpu.memref_slice %arg5[%dma_wait3A_488, %dma_wait3A_489] : memref<100000x128xf32, #tpu.memory_space<hbm>> -> memref<100000x128xf32, #tpu.memory_space<hbm>>
    %dma_wait3A_491 = tpu.memref_slice %arg12[%dma_wait3A_479, %dma_wait3A_480] : memref<4x3x!tpu.dma_semaphore, #tpu.memory_space<semaphore_mem>> -> memref<1x1x!tpu.dma_semaphore, #tpu.memory_space<semaphore_mem>>
    %dma_wait3A_492 = tpu.memref_squeeze %dma_wait3A_491 : memref<1x1x!tpu.dma_semaphore, #tpu.memory_space<semaphore_mem>> -> memref<!tpu.dma_semaphore, #tpu.memory_space<semaphore_mem>>
    tpu.wait_indirect_dma semaphore(%dma_wait3A_492 : memref<!tpu.dma_semaphore, #tpu.memory_space<semaphore_mem>>) src(%dma_wait3A_490 : memref<100000x128xf32, #tpu.memory_space<hbm>>) dst(%dma_wait3A_484 : memref<64x128xf32, #tpu.memory_space<vmem>>)
    %dma_wait3A_493 = arith.constant 3 : i32
    %dma_wait3A_494 = arith.constant 3 : i32
    %dma_wait3A_495 = arith.constant 1 : i32
    %dma_wait3A_496 = arith.constant 0 : i32
    %dma_wait3A_497 = arith.constant 0 : i32
    %dma_wait3A_498 = tpu.memref_slice %arg9[%dma_wait3A_493, %dma_wait3A_496, %dma_wait3A_497] : memref<4x64x128xf32, #tpu.memory_space<vmem>> -> memref<1x64x128xf32, #tpu.memory_space<vmem>>
    %dma_wait3A_499 = tpu.memref_squeeze %dma_wait3A_498 : memref<1x64x128xf32, #tpu.memory_space<vmem>> -> memref<64x128xf32, #tpu.memory_space<vmem>>
    %dma_wait3A_500 = arith.constant 0 : i32
    %dma_wait3A_501 = tpu.memref_slice %arg3[%add3A_211, %dma_wait3A_500] : memref<16384x128xf32, #tpu.memory_space<hbm>> -> memref<64x128xf32, #tpu.memory_space<hbm>>
    %dma_wait3A_502 = tpu.memref_slice %arg12[%dma_wait3A_494, %dma_wait3A_495] : memref<4x3x!tpu.dma_semaphore, #tpu.memory_space<semaphore_mem>> -> memref<1x1x!tpu.dma_semaphore, #tpu.memory_space<semaphore_mem>>
    %dma_wait3A_503 = tpu.memref_squeeze %dma_wait3A_502 : memref<1x1x!tpu.dma_semaphore, #tpu.memory_space<semaphore_mem>> -> memref<!tpu.dma_semaphore, #tpu.memory_space<semaphore_mem>>
    %dma_wait3A_504 = arith.constant 0 : i32
    %dma_wait3A_505 = arith.constant 0 : i32
    %dma_wait3A_506 = tpu.memref_slice %arg9[%dma_wait3A_493, %dma_wait3A_504, %dma_wait3A_505] : memref<4x64x128xf32, #tpu.memory_space<vmem>> -> memref<1x64x128xf32, #tpu.memory_space<vmem>>
    %dma_wait3A_507 = tpu.memref_squeeze %dma_wait3A_506 : memref<1x64x128xf32, #tpu.memory_space<vmem>> -> memref<64x128xf32, #tpu.memory_space<vmem>>
    %dma_wait3A_508 = arith.constant 0 : i32
    %dma_wait3A_509 = tpu.memref_slice %arg3[%add3A_211, %dma_wait3A_508] : memref<16384x128xf32, #tpu.memory_space<hbm>> -> memref<64x128xf32, #tpu.memory_space<hbm>>
    tpu.wait_dma2 semaphore(%dma_wait3A_503 : memref<!tpu.dma_semaphore, #tpu.memory_space<semaphore_mem>>) src(%dma_wait3A_509 : memref<64x128xf32, #tpu.memory_space<hbm>>) dst(%dma_wait3A_507 : memref<64x128xf32, #tpu.memory_space<vmem>>)
    %dma_wait3A_510 = arith.constant 3 : i32
    %dma_wait3A_511 = arith.constant 3 : i32
    %dma_wait3A_512 = arith.constant 2 : i32
    %dma_wait3A_513 = arith.constant 0 : i32
    %dma_wait3A_514 = arith.constant 0 : i32
    %dma_wait3A_515 = tpu.memref_slice %arg10[%dma_wait3A_510, %dma_wait3A_513, %dma_wait3A_514] : memref<4x64x128xf32, #tpu.memory_space<vmem>> -> memref<1x64x128xf32, #tpu.memory_space<vmem>>
    %dma_wait3A_516 = tpu.memref_squeeze %dma_wait3A_515 : memref<1x64x128xf32, #tpu.memory_space<vmem>> -> memref<64x128xf32, #tpu.memory_space<vmem>>
    %dma_wait3A_517 = arith.constant 0 : i32
    %dma_wait3A_518 = tpu.memref_slice %arg4[%add3A_211, %dma_wait3A_517] : memref<16384x128xf32, #tpu.memory_space<hbm>> -> memref<64x128xf32, #tpu.memory_space<hbm>>
    %dma_wait3A_519 = tpu.memref_slice %arg12[%dma_wait3A_511, %dma_wait3A_512] : memref<4x3x!tpu.dma_semaphore, #tpu.memory_space<semaphore_mem>> -> memref<1x1x!tpu.dma_semaphore, #tpu.memory_space<semaphore_mem>>
    %dma_wait3A_520 = tpu.memref_squeeze %dma_wait3A_519 : memref<1x1x!tpu.dma_semaphore, #tpu.memory_space<semaphore_mem>> -> memref<!tpu.dma_semaphore, #tpu.memory_space<semaphore_mem>>
    %dma_wait3A_521 = arith.constant 0 : i32
    %dma_wait3A_522 = arith.constant 0 : i32
    %dma_wait3A_523 = tpu.memref_slice %arg10[%dma_wait3A_510, %dma_wait3A_521, %dma_wait3A_522] : memref<4x64x128xf32, #tpu.memory_space<vmem>> -> memref<1x64x128xf32, #tpu.memory_space<vmem>>
    %dma_wait3A_524 = tpu.memref_squeeze %dma_wait3A_523 : memref<1x64x128xf32, #tpu.memory_space<vmem>> -> memref<64x128xf32, #tpu.memory_space<vmem>>
    %dma_wait3A_525 = arith.constant 0 : i32
    %dma_wait3A_526 = tpu.memref_slice %arg4[%add3A_211, %dma_wait3A_525] : memref<16384x128xf32, #tpu.memory_space<hbm>> -> memref<64x128xf32, #tpu.memory_space<hbm>>
    tpu.wait_dma2 semaphore(%dma_wait3A_520 : memref<!tpu.dma_semaphore, #tpu.memory_space<semaphore_mem>>) src(%dma_wait3A_526 : memref<64x128xf32, #tpu.memory_space<hbm>>) dst(%dma_wait3A_524 : memref<64x128xf32, #tpu.memory_space<vmem>>)
    %add3A_527 = arith.constant 384 : i32
    %add3A_528 = arith.addi %mul3A_2, %add3A_527 : i32
    %dma_start3A_529 = arith.constant 3 : i32
    %dma_start3A_530 = arith.constant 2 : i32
    %dma_start3A_531 = arith.constant 2 : i32
    %dma_start3A_532 = arith.constant 0 : i32
    %dma_start3A_533 = arith.constant 0 : i32
    %dma_start3A_534 = arith.constant 0 : i32
    %dma_start3A_535 = tpu.memref_slice %arg8[%dma_start3A_530, %dma_start3A_533, %dma_start3A_534] : memref<4x64x128xf32, #tpu.memory_space<vmem>> -> memref<1x64x128xf32, #tpu.memory_space<vmem>>
    %dma_start3A_536 = tpu.memref_squeeze %dma_start3A_535 : memref<1x64x128xf32, #tpu.memory_space<vmem>> -> memref<64x128xf32, #tpu.memory_space<vmem>>
    %dma_start3A_537 = arith.constant 0 : i32
    %dma_start3A_538 = tpu.memref_slice %arg7[%dma_start3A_529, %dma_start3A_537] : memref<4x128xi32, #tpu.memory_space<vmem>> -> memref<1x64xi32, #tpu.memory_space<vmem>>
    %dma_start3A_539 = tpu.memref_squeeze %dma_start3A_538 : memref<1x64xi32, #tpu.memory_space<vmem>> -> memref<64xi32, #tpu.memory_space<vmem>>
    %dma_start3A_540 = arith.constant 0 : i32
    %dma_start3A_541 = arith.constant 0 : i32
    %dma_start3A_542 = tpu.memref_slice %arg5[%dma_start3A_540, %dma_start3A_541] : memref<100000x128xf32, #tpu.memory_space<hbm>> -> memref<100000x128xf32, #tpu.memory_space<hbm>>
    %dma_start3A_543 = tpu.memref_slice %arg12[%dma_start3A_531, %dma_start3A_532] : memref<4x3x!tpu.dma_semaphore, #tpu.memory_space<semaphore_mem>> -> memref<1x1x!tpu.dma_semaphore, #tpu.memory_space<semaphore_mem>>
    %dma_start3A_544 = tpu.memref_squeeze %dma_start3A_543 : memref<1x1x!tpu.dma_semaphore, #tpu.memory_space<semaphore_mem>> -> memref<!tpu.dma_semaphore, #tpu.memory_space<semaphore_mem>>
    tpu.enqueue_indirect_dma source(%dma_start3A_542 : memref<100000x128xf32, #tpu.memory_space<hbm>>) target(%dma_start3A_536 : memref<64x128xf32, #tpu.memory_space<vmem>>) offsets(%dma_start3A_539 : memref<64xi32, #tpu.memory_space<vmem>>) semaphore(%dma_start3A_544 : memref<!tpu.dma_semaphore, #tpu.memory_space<semaphore_mem>>)
    %dma_start3A_545 = arith.constant 2 : i32
    %dma_start3A_546 = arith.constant 2 : i32
    %dma_start3A_547 = arith.constant 1 : i32
    %dma_start3A_548 = arith.constant 0 : i32
    %dma_start3A_549 = arith.constant 0 : i32
    %dma_start3A_550 = tpu.memref_slice %arg9[%dma_start3A_545, %dma_start3A_548, %dma_start3A_549] : memref<4x64x128xf32, #tpu.memory_space<vmem>> -> memref<1x64x128xf32, #tpu.memory_space<vmem>>
    %dma_start3A_551 = tpu.memref_squeeze %dma_start3A_550 : memref<1x64x128xf32, #tpu.memory_space<vmem>> -> memref<64x128xf32, #tpu.memory_space<vmem>>
    %dma_start3A_552 = arith.constant 0 : i32
    %dma_start3A_553 = tpu.memref_slice %arg3[%add3A_528, %dma_start3A_552] : memref<16384x128xf32, #tpu.memory_space<hbm>> -> memref<64x128xf32, #tpu.memory_space<hbm>>
    %dma_start3A_554 = tpu.memref_slice %arg12[%dma_start3A_546, %dma_start3A_547] : memref<4x3x!tpu.dma_semaphore, #tpu.memory_space<semaphore_mem>> -> memref<1x1x!tpu.dma_semaphore, #tpu.memory_space<semaphore_mem>>
    %dma_start3A_555 = tpu.memref_squeeze %dma_start3A_554 : memref<1x1x!tpu.dma_semaphore, #tpu.memory_space<semaphore_mem>> -> memref<!tpu.dma_semaphore, #tpu.memory_space<semaphore_mem>>
    %dma_start3A_556 = arith.constant 0 : i32
    %dma_start3A_557 = arith.constant 0 : i32
    %dma_start3A_558 = tpu.memref_slice %arg9[%dma_start3A_545, %dma_start3A_556, %dma_start3A_557] : memref<4x64x128xf32, #tpu.memory_space<vmem>> -> memref<1x64x128xf32, #tpu.memory_space<vmem>>
    %dma_start3A_559 = tpu.memref_squeeze %dma_start3A_558 : memref<1x64x128xf32, #tpu.memory_space<vmem>> -> memref<64x128xf32, #tpu.memory_space<vmem>>
    %dma_start3A_560 = arith.constant 0 : i32
    %dma_start3A_561 = tpu.memref_slice %arg3[%add3A_528, %dma_start3A_560] : memref<16384x128xf32, #tpu.memory_space<hbm>> -> memref<64x128xf32, #tpu.memory_space<hbm>>
    tpu.enqueue_dma source(%dma_start3A_561 : memref<64x128xf32, #tpu.memory_space<hbm>>) target(%dma_start3A_559 : memref<64x128xf32, #tpu.memory_space<vmem>>) target_semaphore(%dma_start3A_555 : memref<!tpu.dma_semaphore, #tpu.memory_space<semaphore_mem>>)
    %dma_start3A_562 = arith.constant 2 : i32
    %dma_start3A_563 = arith.constant 2 : i32
    %dma_start3A_564 = arith.constant 2 : i32
    %dma_start3A_565 = arith.constant 0 : i32
    %dma_start3A_566 = arith.constant 0 : i32
    %dma_start3A_567 = tpu.memref_slice %arg10[%dma_start3A_562, %dma_start3A_565, %dma_start3A_566] : memref<4x64x128xf32, #tpu.memory_space<vmem>> -> memref<1x64x128xf32, #tpu.memory_space<vmem>>
    %dma_start3A_568 = tpu.memref_squeeze %dma_start3A_567 : memref<1x64x128xf32, #tpu.memory_space<vmem>> -> memref<64x128xf32, #tpu.memory_space<vmem>>
    %dma_start3A_569 = arith.constant 0 : i32
    %dma_start3A_570 = tpu.memref_slice %arg4[%add3A_528, %dma_start3A_569] : memref<16384x128xf32, #tpu.memory_space<hbm>> -> memref<64x128xf32, #tpu.memory_space<hbm>>
    %dma_start3A_571 = tpu.memref_slice %arg12[%dma_start3A_563, %dma_start3A_564] : memref<4x3x!tpu.dma_semaphore, #tpu.memory_space<semaphore_mem>> -> memref<1x1x!tpu.dma_semaphore, #tpu.memory_space<semaphore_mem>>
    %dma_start3A_572 = tpu.memref_squeeze %dma_start3A_571 : memref<1x1x!tpu.dma_semaphore, #tpu.memory_space<semaphore_mem>> -> memref<!tpu.dma_semaphore, #tpu.memory_space<semaphore_mem>>
    %dma_start3A_573 = arith.constant 0 : i32
    %dma_start3A_574 = arith.constant 0 : i32
    %dma_start3A_575 = tpu.memref_slice %arg10[%dma_start3A_562, %dma_start3A_573, %dma_start3A_574] : memref<4x64x128xf32, #tpu.memory_space<vmem>> -> memref<1x64x128xf32, #tpu.memory_space<vmem>>
    %dma_start3A_576 = tpu.memref_squeeze %dma_start3A_575 : memref<1x64x128xf32, #tpu.memory_space<vmem>> -> memref<64x128xf32, #tpu.memory_space<vmem>>
    %dma_start3A_577 = arith.constant 0 : i32
    %dma_start3A_578 = tpu.memref_slice %arg4[%add3A_528, %dma_start3A_577] : memref<16384x128xf32, #tpu.memory_space<hbm>> -> memref<64x128xf32, #tpu.memory_space<hbm>>
    tpu.enqueue_dma source(%dma_start3A_578 : memref<64x128xf32, #tpu.memory_space<hbm>>) target(%dma_start3A_576 : memref<64x128xf32, #tpu.memory_space<vmem>>) target_semaphore(%dma_start3A_572 : memref<!tpu.dma_semaphore, #tpu.memory_space<semaphore_mem>>)
    %parallel_loop3A_579 = arith.constant 0 : i32
    %parallel_loop3A_580 = arith.constant 64 : i32
    %parallel_loop3A_581 = arith.constant 1 : i32
    %parallel_loop3A_582:4 = scf.for %parallel_loop3A_857 = %parallel_loop3A_579 to %parallel_loop3A_580 step %parallel_loop3A_581 iter_args(%parallel_loop3A_858 = %parallel_loop3A_476#0, %parallel_loop3A_859 = %parallel_loop3A_476#1, %parallel_loop3A_860 = %parallel_loop3A_476#2, %parallel_loop3A_861 = %parallel_loop3A_476#3) -> (vector<16xf32>, vector<16xf32>, vector<16xf32>, vector<16xf32>)  : i32 {
      %parallel_loop3A_862 = arith.constant 3 : i32
      %parallel_loop3A_863 = arith.index_cast %parallel_loop3A_862 : i32 to index
      %parallel_loop3A_864 = arith.index_cast %parallel_loop3A_857 : i32 to index
      %parallel_loop3A_865 = arith.constant 0 : index
      %parallel_loop3A_866 = tpu.vector_load %arg8[%parallel_loop3A_863, %parallel_loop3A_864, %parallel_loop3A_865] {strides = array<i32>} : memref<4x64x128xf32, #tpu.memory_space<vmem>>, vector<1x1x16xf32>,
      %parallel_loop3A_867 = vector.shape_cast %parallel_loop3A_866 : vector<1x1x16xf32> to vector<16xf32>
      %parallel_loop3A_868 = arith.constant 3 : i32
      %parallel_loop3A_869 = arith.index_cast %parallel_loop3A_868 : i32 to index
      %parallel_loop3A_870 = arith.index_cast %parallel_loop3A_857 : i32 to index
      %parallel_loop3A_871 = arith.constant 0 : index
      %parallel_loop3A_872 = tpu.vector_load %arg9[%parallel_loop3A_869, %parallel_loop3A_870, %parallel_loop3A_871] {strides = array<i32>} : memref<4x64x128xf32, #tpu.memory_space<vmem>>, vector<1x1x16xf32>,
      %parallel_loop3A_873 = vector.shape_cast %parallel_loop3A_872 : vector<1x1x16xf32> to vector<16xf32>
      %parallel_loop3A_874 = arith.constant 3 : i32
      %parallel_loop3A_875 = arith.index_cast %parallel_loop3A_874 : i32 to index
      %parallel_loop3A_876 = arith.index_cast %parallel_loop3A_857 : i32 to index
      %parallel_loop3A_877 = arith.constant 0 : index
      %parallel_loop3A_878 = tpu.vector_load %arg10[%parallel_loop3A_875, %parallel_loop3A_876, %parallel_loop3A_877] {strides = array<i32>} : memref<4x64x128xf32, #tpu.memory_space<vmem>>, vector<1x1x16xf32>,
      %parallel_loop3A_879 = vector.shape_cast %parallel_loop3A_878 : vector<1x1x16xf32> to vector<16xf32>
      %parallel_loop3A_880 = arith.subf %parallel_loop3A_867, %parallel_loop3A_873 : vector<16xf32>
      %parallel_loop3A_881 = arith.subf %parallel_loop3A_867, %parallel_loop3A_879 : vector<16xf32>
      %parallel_loop3A_882 = arith.mulf %parallel_loop3A_880, %parallel_loop3A_880 : vector<16xf32>
      %parallel_loop3A_883 = arith.addf %parallel_loop3A_858, %parallel_loop3A_882 : vector<16xf32>
      %parallel_loop3A_884 = arith.mulf %parallel_loop3A_881, %parallel_loop3A_881 : vector<16xf32>
      %parallel_loop3A_885 = arith.addf %parallel_loop3A_860, %parallel_loop3A_884 : vector<16xf32>
      %parallel_loop3A_886 = arith.constant 3 : i32
      %parallel_loop3A_887 = arith.index_cast %parallel_loop3A_886 : i32 to index
      %parallel_loop3A_888 = arith.index_cast %parallel_loop3A_857 : i32 to index
      %parallel_loop3A_889 = arith.constant 16 : index
      %parallel_loop3A_890 = tpu.vector_load %arg8[%parallel_loop3A_887, %parallel_loop3A_888, %parallel_loop3A_889] {strides = array<i32>} : memref<4x64x128xf32, #tpu.memory_space<vmem>>, vector<1x1x16xf32>,
      %parallel_loop3A_891 = vector.shape_cast %parallel_loop3A_890 : vector<1x1x16xf32> to vector<16xf32>
      %parallel_loop3A_892 = arith.constant 3 : i32
      %parallel_loop3A_893 = arith.index_cast %parallel_loop3A_892 : i32 to index
      %parallel_loop3A_894 = arith.index_cast %parallel_loop3A_857 : i32 to index
      %parallel_loop3A_895 = arith.constant 16 : index
      %parallel_loop3A_896 = tpu.vector_load %arg9[%parallel_loop3A_893, %parallel_loop3A_894, %parallel_loop3A_895] {strides = array<i32>} : memref<4x64x128xf32, #tpu.memory_space<vmem>>, vector<1x1x16xf32>,
      %parallel_loop3A_897 = vector.shape_cast %parallel_loop3A_896 : vector<1x1x16xf32> to vector<16xf32>
      %parallel_loop3A_898 = arith.constant 3 : i32
      %parallel_loop3A_899 = arith.index_cast %parallel_loop3A_898 : i32 to index
      %parallel_loop3A_900 = arith.index_cast %parallel_loop3A_857 : i32 to index
      %parallel_loop3A_901 = arith.constant 16 : index
      %parallel_loop3A_902 = tpu.vector_load %arg10[%parallel_loop3A_899, %parallel_loop3A_900, %parallel_loop3A_901] {strides = array<i32>} : memref<4x64x128xf32, #tpu.memory_space<vmem>>, vector<1x1x16xf32>,
      %parallel_loop3A_903 = vector.shape_cast %parallel_loop3A_902 : vector<1x1x16xf32> to vector<16xf32>
      %parallel_loop3A_904 = arith.subf %parallel_loop3A_891, %parallel_loop3A_897 : vector<16xf32>
      %parallel_loop3A_905 = arith.subf %parallel_loop3A_891, %parallel_loop3A_903 : vector<16xf32>
      %parallel_loop3A_906 = arith.mulf %parallel_loop3A_904, %parallel_loop3A_904 : vector<16xf32>
      %parallel_loop3A_907 = arith.addf %parallel_loop3A_859, %parallel_loop3A_906 : vector<16xf32>
      %parallel_loop3A_908 = arith.mulf %parallel_loop3A_905, %parallel_loop3A_905 : vector<16xf32>
      %parallel_loop3A_909 = arith.addf %parallel_loop3A_861, %parallel_loop3A_908 : vector<16xf32>
      %parallel_loop3A_910 = arith.constant 3 : i32
      %parallel_loop3A_911 = arith.index_cast %parallel_loop3A_910 : i32 to index
      %parallel_loop3A_912 = arith.index_cast %parallel_loop3A_857 : i32 to index
      %parallel_loop3A_913 = arith.constant 32 : index
      %parallel_loop3A_914 = tpu.vector_load %arg8[%parallel_loop3A_911, %parallel_loop3A_912, %parallel_loop3A_913] {strides = array<i32>} : memref<4x64x128xf32, #tpu.memory_space<vmem>>, vector<1x1x16xf32>,
      %parallel_loop3A_915 = vector.shape_cast %parallel_loop3A_914 : vector<1x1x16xf32> to vector<16xf32>
      %parallel_loop3A_916 = arith.constant 3 : i32
      %parallel_loop3A_917 = arith.index_cast %parallel_loop3A_916 : i32 to index
      %parallel_loop3A_918 = arith.index_cast %parallel_loop3A_857 : i32 to index
      %parallel_loop3A_919 = arith.constant 32 : index
      %parallel_loop3A_920 = tpu.vector_load %arg9[%parallel_loop3A_917, %parallel_loop3A_918, %parallel_loop3A_919] {strides = array<i32>} : memref<4x64x128xf32, #tpu.memory_space<vmem>>, vector<1x1x16xf32>,
      %parallel_loop3A_921 = vector.shape_cast %parallel_loop3A_920 : vector<1x1x16xf32> to vector<16xf32>
      %parallel_loop3A_922 = arith.constant 3 : i32
      %parallel_loop3A_923 = arith.index_cast %parallel_loop3A_922 : i32 to index
      %parallel_loop3A_924 = arith.index_cast %parallel_loop3A_857 : i32 to index
      %parallel_loop3A_925 = arith.constant 32 : index
      %parallel_loop3A_926 = tpu.vector_load %arg10[%parallel_loop3A_923, %parallel_loop3A_924, %parallel_loop3A_925] {strides = array<i32>} : memref<4x64x128xf32, #tpu.memory_space<vmem>>, vector<1x1x16xf32>,
      %parallel_loop3A_927 = vector.shape_cast %parallel_loop3A_926 : vector<1x1x16xf32> to vector<16xf32>
      %parallel_loop3A_928 = arith.subf %parallel_loop3A_915, %parallel_loop3A_921 : vector<16xf32>
      %parallel_loop3A_929 = arith.subf %parallel_loop3A_915, %parallel_loop3A_927 : vector<16xf32>
      %parallel_loop3A_930 = arith.mulf %parallel_loop3A_928, %parallel_loop3A_928 : vector<16xf32>
      %parallel_loop3A_931 = arith.addf %parallel_loop3A_883, %parallel_loop3A_930 : vector<16xf32>
      %parallel_loop3A_932 = arith.mulf %parallel_loop3A_929, %parallel_loop3A_929 : vector<16xf32>
      %parallel_loop3A_933 = arith.addf %parallel_loop3A_885, %parallel_loop3A_932 : vector<16xf32>
      %parallel_loop3A_934 = arith.constant 3 : i32
      %parallel_loop3A_935 = arith.index_cast %parallel_loop3A_934 : i32 to index
      %parallel_loop3A_936 = arith.index_cast %parallel_loop3A_857 : i32 to index
      %parallel_loop3A_937 = arith.constant 48 : index
      %parallel_loop3A_938 = tpu.vector_load %arg8[%parallel_loop3A_935, %parallel_loop3A_936, %parallel_loop3A_937] {strides = array<i32>} : memref<4x64x128xf32, #tpu.memory_space<vmem>>, vector<1x1x16xf32>,
      %parallel_loop3A_939 = vector.shape_cast %parallel_loop3A_938 : vector<1x1x16xf32> to vector<16xf32>
      %parallel_loop3A_940 = arith.constant 3 : i32
      %parallel_loop3A_941 = arith.index_cast %parallel_loop3A_940 : i32 to index
      %parallel_loop3A_942 = arith.index_cast %parallel_loop3A_857 : i32 to index
      %parallel_loop3A_943 = arith.constant 48 : index
      %parallel_loop3A_944 = tpu.vector_load %arg9[%parallel_loop3A_941, %parallel_loop3A_942, %parallel_loop3A_943] {strides = array<i32>} : memref<4x64x128xf32, #tpu.memory_space<vmem>>, vector<1x1x16xf32>,
      %parallel_loop3A_945 = vector.shape_cast %parallel_loop3A_944 : vector<1x1x16xf32> to vector<16xf32>
      %parallel_loop3A_946 = arith.constant 3 : i32
      %parallel_loop3A_947 = arith.index_cast %parallel_loop3A_946 : i32 to index
      %parallel_loop3A_948 = arith.index_cast %parallel_loop3A_857 : i32 to index
      %parallel_loop3A_949 = arith.constant 48 : index
      %parallel_loop3A_950 = tpu.vector_load %arg10[%parallel_loop3A_947, %parallel_loop3A_948, %parallel_loop3A_949] {strides = array<i32>} : memref<4x64x128xf32, #tpu.memory_space<vmem>>, vector<1x1x16xf32>,
      %parallel_loop3A_951 = vector.shape_cast %parallel_loop3A_950 : vector<1x1x16xf32> to vector<16xf32>
      %parallel_loop3A_952 = arith.subf %parallel_loop3A_939, %parallel_loop3A_945 : vector<16xf32>
      %parallel_loop3A_953 = arith.subf %parallel_loop3A_939, %parallel_loop3A_951 : vector<16xf32>
      %parallel_loop3A_954 = arith.mulf %parallel_loop3A_952, %parallel_loop3A_952 : vector<16xf32>
      %parallel_loop3A_955 = arith.addf %parallel_loop3A_907, %parallel_loop3A_954 : vector<16xf32>
      %parallel_loop3A_956 = arith.mulf %parallel_loop3A_953, %parallel_loop3A_953 : vector<16xf32>
      %parallel_loop3A_957 = arith.addf %parallel_loop3A_909, %parallel_loop3A_956 : vector<16xf32>
      %parallel_loop3A_958 = arith.constant 3 : i32
      %parallel_loop3A_959 = arith.index_cast %parallel_loop3A_958 : i32 to index
      %parallel_loop3A_960 = arith.index_cast %parallel_loop3A_857 : i32 to index
      %parallel_loop3A_961 = arith.constant 64 : index
      %parallel_loop3A_962 = tpu.vector_load %arg8[%parallel_loop3A_959, %parallel_loop3A_960, %parallel_loop3A_961] {strides = array<i32>} : memref<4x64x128xf32, #tpu.memory_space<vmem>>, vector<1x1x16xf32>,
      %parallel_loop3A_963 = vector.shape_cast %parallel_loop3A_962 : vector<1x1x16xf32> to vector<16xf32>
      %parallel_loop3A_964 = arith.constant 3 : i32
      %parallel_loop3A_965 = arith.index_cast %parallel_loop3A_964 : i32 to index
      %parallel_loop3A_966 = arith.index_cast %parallel_loop3A_857 : i32 to index
      %parallel_loop3A_967 = arith.constant 64 : index
      %parallel_loop3A_968 = tpu.vector_load %arg9[%parallel_loop3A_965, %parallel_loop3A_966, %parallel_loop3A_967] {strides = array<i32>} : memref<4x64x128xf32, #tpu.memory_space<vmem>>, vector<1x1x16xf32>,
      %parallel_loop3A_969 = vector.shape_cast %parallel_loop3A_968 : vector<1x1x16xf32> to vector<16xf32>
      %parallel_loop3A_970 = arith.constant 3 : i32
      %parallel_loop3A_971 = arith.index_cast %parallel_loop3A_970 : i32 to index
      %parallel_loop3A_972 = arith.index_cast %parallel_loop3A_857 : i32 to index
      %parallel_loop3A_973 = arith.constant 64 : index
      %parallel_loop3A_974 = tpu.vector_load %arg10[%parallel_loop3A_971, %parallel_loop3A_972, %parallel_loop3A_973] {strides = array<i32>} : memref<4x64x128xf32, #tpu.memory_space<vmem>>, vector<1x1x16xf32>,
      %parallel_loop3A_975 = vector.shape_cast %parallel_loop3A_974 : vector<1x1x16xf32> to vector<16xf32>
      %parallel_loop3A_976 = arith.subf %parallel_loop3A_963, %parallel_loop3A_969 : vector<16xf32>
      %parallel_loop3A_977 = arith.subf %parallel_loop3A_963, %parallel_loop3A_975 : vector<16xf32>
      %parallel_loop3A_978 = arith.mulf %parallel_loop3A_976, %parallel_loop3A_976 : vector<16xf32>
      %parallel_loop3A_979 = arith.addf %parallel_loop3A_931, %parallel_loop3A_978 : vector<16xf32>
      %parallel_loop3A_980 = arith.mulf %parallel_loop3A_977, %parallel_loop3A_977 : vector<16xf32>
      %parallel_loop3A_981 = arith.addf %parallel_loop3A_933, %parallel_loop3A_980 : vector<16xf32>
      %parallel_loop3A_982 = arith.constant 3 : i32
      %parallel_loop3A_983 = arith.index_cast %parallel_loop3A_982 : i32 to index
      %parallel_loop3A_984 = arith.index_cast %parallel_loop3A_857 : i32 to index
      %parallel_loop3A_985 = arith.constant 80 : index
      %parallel_loop3A_986 = tpu.vector_load %arg8[%parallel_loop3A_983, %parallel_loop3A_984, %parallel_loop3A_985] {strides = array<i32>} : memref<4x64x128xf32, #tpu.memory_space<vmem>>, vector<1x1x16xf32>,
      %parallel_loop3A_987 = vector.shape_cast %parallel_loop3A_986 : vector<1x1x16xf32> to vector<16xf32>
      %parallel_loop3A_988 = arith.constant 3 : i32
      %parallel_loop3A_989 = arith.index_cast %parallel_loop3A_988 : i32 to index
      %parallel_loop3A_990 = arith.index_cast %parallel_loop3A_857 : i32 to index
      %parallel_loop3A_991 = arith.constant 80 : index
      %parallel_loop3A_992 = tpu.vector_load %arg9[%parallel_loop3A_989, %parallel_loop3A_990, %parallel_loop3A_991] {strides = array<i32>} : memref<4x64x128xf32, #tpu.memory_space<vmem>>, vector<1x1x16xf32>,
      %parallel_loop3A_993 = vector.shape_cast %parallel_loop3A_992 : vector<1x1x16xf32> to vector<16xf32>
      %parallel_loop3A_994 = arith.constant 3 : i32
      %parallel_loop3A_995 = arith.index_cast %parallel_loop3A_994 : i32 to index
      %parallel_loop3A_996 = arith.index_cast %parallel_loop3A_857 : i32 to index
      %parallel_loop3A_997 = arith.constant 80 : index
      %parallel_loop3A_998 = tpu.vector_load %arg10[%parallel_loop3A_995, %parallel_loop3A_996, %parallel_loop3A_997] {strides = array<i32>} : memref<4x64x128xf32, #tpu.memory_space<vmem>>, vector<1x1x16xf32>,
      %parallel_loop3A_999 = vector.shape_cast %parallel_loop3A_998 : vector<1x1x16xf32> to vector<16xf32>
      %parallel_loop3A_1000 = arith.subf %parallel_loop3A_987, %parallel_loop3A_993 : vector<16xf32>
      %parallel_loop3A_1001 = arith.subf %parallel_loop3A_987, %parallel_loop3A_999 : vector<16xf32>
      %parallel_loop3A_1002 = arith.mulf %parallel_loop3A_1000, %parallel_loop3A_1000 : vector<16xf32>
      %parallel_loop3A_1003 = arith.addf %parallel_loop3A_955, %parallel_loop3A_1002 : vector<16xf32>
      %parallel_loop3A_1004 = arith.mulf %parallel_loop3A_1001, %parallel_loop3A_1001 : vector<16xf32>
      %parallel_loop3A_1005 = arith.addf %parallel_loop3A_957, %parallel_loop3A_1004 : vector<16xf32>
      %parallel_loop3A_1006 = arith.constant 3 : i32
      %parallel_loop3A_1007 = arith.index_cast %parallel_loop3A_1006 : i32 to index
      %parallel_loop3A_1008 = arith.index_cast %parallel_loop3A_857 : i32 to index
      %parallel_loop3A_1009 = arith.constant 96 : index
      %parallel_loop3A_1010 = tpu.vector_load %arg8[%parallel_loop3A_1007, %parallel_loop3A_1008, %parallel_loop3A_1009] {strides = array<i32>} : memref<4x64x128xf32, #tpu.memory_space<vmem>>, vector<1x1x16xf32>,
      %parallel_loop3A_1011 = vector.shape_cast %parallel_loop3A_1010 : vector<1x1x16xf32> to vector<16xf32>
      %parallel_loop3A_1012 = arith.constant 3 : i32
      %parallel_loop3A_1013 = arith.index_cast %parallel_loop3A_1012 : i32 to index
      %parallel_loop3A_1014 = arith.index_cast %parallel_loop3A_857 : i32 to index
      %parallel_loop3A_1015 = arith.constant 96 : index
      %parallel_loop3A_1016 = tpu.vector_load %arg9[%parallel_loop3A_1013, %parallel_loop3A_1014, %parallel_loop3A_1015] {strides = array<i32>} : memref<4x64x128xf32, #tpu.memory_space<vmem>>, vector<1x1x16xf32>,
      %parallel_loop3A_1017 = vector.shape_cast %parallel_loop3A_1016 : vector<1x1x16xf32> to vector<16xf32>
      %parallel_loop3A_1018 = arith.constant 3 : i32
      %parallel_loop3A_1019 = arith.index_cast %parallel_loop3A_1018 : i32 to index
      %parallel_loop3A_1020 = arith.index_cast %parallel_loop3A_857 : i32 to index
      %parallel_loop3A_1021 = arith.constant 96 : index
      %parallel_loop3A_1022 = tpu.vector_load %arg10[%parallel_loop3A_1019, %parallel_loop3A_1020, %parallel_loop3A_1021] {strides = array<i32>} : memref<4x64x128xf32, #tpu.memory_space<vmem>>, vector<1x1x16xf32>,
      %parallel_loop3A_1023 = vector.shape_cast %parallel_loop3A_1022 : vector<1x1x16xf32> to vector<16xf32>
      %parallel_loop3A_1024 = arith.subf %parallel_loop3A_1011, %parallel_loop3A_1017 : vector<16xf32>
      %parallel_loop3A_1025 = arith.subf %parallel_loop3A_1011, %parallel_loop3A_1023 : vector<16xf32>
      %parallel_loop3A_1026 = arith.mulf %parallel_loop3A_1024, %parallel_loop3A_1024 : vector<16xf32>
      %parallel_loop3A_1027 = arith.addf %parallel_loop3A_979, %parallel_loop3A_1026 : vector<16xf32>
      %parallel_loop3A_1028 = arith.mulf %parallel_loop3A_1025, %parallel_loop3A_1025 : vector<16xf32>
      %parallel_loop3A_1029 = arith.addf %parallel_loop3A_981, %parallel_loop3A_1028 : vector<16xf32>
      %parallel_loop3A_1030 = arith.constant 3 : i32
      %parallel_loop3A_1031 = arith.index_cast %parallel_loop3A_1030 : i32 to index
      %parallel_loop3A_1032 = arith.index_cast %parallel_loop3A_857 : i32 to index
      %parallel_loop3A_1033 = arith.constant 112 : index
      %parallel_loop3A_1034 = tpu.vector_load %arg8[%parallel_loop3A_1031, %parallel_loop3A_1032, %parallel_loop3A_1033] {strides = array<i32>} : memref<4x64x128xf32, #tpu.memory_space<vmem>>, vector<1x1x16xf32>,
      %parallel_loop3A_1035 = vector.shape_cast %parallel_loop3A_1034 : vector<1x1x16xf32> to vector<16xf32>
      %parallel_loop3A_1036 = arith.constant 3 : i32
      %parallel_loop3A_1037 = arith.index_cast %parallel_loop3A_1036 : i32 to index
      %parallel_loop3A_1038 = arith.index_cast %parallel_loop3A_857 : i32 to index
      %parallel_loop3A_1039 = arith.constant 112 : index
      %parallel_loop3A_1040 = tpu.vector_load %arg9[%parallel_loop3A_1037, %parallel_loop3A_1038, %parallel_loop3A_1039] {strides = array<i32>} : memref<4x64x128xf32, #tpu.memory_space<vmem>>, vector<1x1x16xf32>,
      %parallel_loop3A_1041 = vector.shape_cast %parallel_loop3A_1040 : vector<1x1x16xf32> to vector<16xf32>
      %parallel_loop3A_1042 = arith.constant 3 : i32
      %parallel_loop3A_1043 = arith.index_cast %parallel_loop3A_1042 : i32 to index
      %parallel_loop3A_1044 = arith.index_cast %parallel_loop3A_857 : i32 to index
      %parallel_loop3A_1045 = arith.constant 112 : index
      %parallel_loop3A_1046 = tpu.vector_load %arg10[%parallel_loop3A_1043, %parallel_loop3A_1044, %parallel_loop3A_1045] {strides = array<i32>} : memref<4x64x128xf32, #tpu.memory_space<vmem>>, vector<1x1x16xf32>,
      %parallel_loop3A_1047 = vector.shape_cast %parallel_loop3A_1046 : vector<1x1x16xf32> to vector<16xf32>
      %parallel_loop3A_1048 = arith.subf %parallel_loop3A_1035, %parallel_loop3A_1041 : vector<16xf32>
      %parallel_loop3A_1049 = arith.subf %parallel_loop3A_1035, %parallel_loop3A_1047 : vector<16xf32>
      %parallel_loop3A_1050 = arith.mulf %parallel_loop3A_1048, %parallel_loop3A_1048 : vector<16xf32>
      %parallel_loop3A_1051 = arith.addf %parallel_loop3A_1003, %parallel_loop3A_1050 : vector<16xf32>
      %parallel_loop3A_1052 = arith.mulf %parallel_loop3A_1049, %parallel_loop3A_1049 : vector<16xf32>
      %parallel_loop3A_1053 = arith.addf %parallel_loop3A_1005, %parallel_loop3A_1052 : vector<16xf32>
      scf.yield %parallel_loop3A_1027, %parallel_loop3A_1051, %parallel_loop3A_1029, %parallel_loop3A_1053 : vector<16xf32>, vector<16xf32>, vector<16xf32>, vector<16xf32>
    } {sc.loop_unroll_factor = 2 : i64, sc.parallel_access}
    %dma_wait3A_583 = arith.constant 2 : i32
    %dma_wait3A_584 = arith.constant 0 : i32
    %dma_wait3A_585 = arith.constant 0 : i32
    %dma_wait3A_586 = arith.constant 0 : i32
    %dma_wait3A_587 = arith.constant 0 : i32
    %dma_wait3A_588 = arith.constant 0 : i32
    %dma_wait3A_589 = tpu.memref_slice %arg8[%dma_wait3A_584, %dma_wait3A_587, %dma_wait3A_588] : memref<4x64x128xf32, #tpu.memory_space<vmem>> -> memref<1x64x128xf32, #tpu.memory_space<vmem>>
    %dma_wait3A_590 = tpu.memref_squeeze %dma_wait3A_589 : memref<1x64x128xf32, #tpu.memory_space<vmem>> -> memref<64x128xf32, #tpu.memory_space<vmem>>
    %dma_wait3A_591 = arith.constant 0 : i32
    %dma_wait3A_592 = tpu.memref_slice %arg7[%dma_wait3A_583, %dma_wait3A_591] : memref<4x128xi32, #tpu.memory_space<vmem>> -> memref<1x64xi32, #tpu.memory_space<vmem>>
    %dma_wait3A_593 = tpu.memref_squeeze %dma_wait3A_592 : memref<1x64xi32, #tpu.memory_space<vmem>> -> memref<64xi32, #tpu.memory_space<vmem>>
    %dma_wait3A_594 = arith.constant 0 : i32
    %dma_wait3A_595 = arith.constant 0 : i32
    %dma_wait3A_596 = tpu.memref_slice %arg5[%dma_wait3A_594, %dma_wait3A_595] : memref<100000x128xf32, #tpu.memory_space<hbm>> -> memref<100000x128xf32, #tpu.memory_space<hbm>>
    %dma_wait3A_597 = tpu.memref_slice %arg12[%dma_wait3A_585, %dma_wait3A_586] : memref<4x3x!tpu.dma_semaphore, #tpu.memory_space<semaphore_mem>> -> memref<1x1x!tpu.dma_semaphore, #tpu.memory_space<semaphore_mem>>
    %dma_wait3A_598 = tpu.memref_squeeze %dma_wait3A_597 : memref<1x1x!tpu.dma_semaphore, #tpu.memory_space<semaphore_mem>> -> memref<!tpu.dma_semaphore, #tpu.memory_space<semaphore_mem>>
    tpu.wait_indirect_dma semaphore(%dma_wait3A_598 : memref<!tpu.dma_semaphore, #tpu.memory_space<semaphore_mem>>) src(%dma_wait3A_596 : memref<100000x128xf32, #tpu.memory_space<hbm>>) dst(%dma_wait3A_590 : memref<64x128xf32, #tpu.memory_space<vmem>>)
    %dma_wait3A_599 = arith.constant 0 : i32
    %dma_wait3A_600 = arith.constant 0 : i32
    %dma_wait3A_601 = arith.constant 1 : i32
    %dma_wait3A_602 = arith.constant 0 : i32
    %dma_wait3A_603 = arith.constant 0 : i32
    %dma_wait3A_604 = tpu.memref_slice %arg9[%dma_wait3A_599, %dma_wait3A_602, %dma_wait3A_603] : memref<4x64x128xf32, #tpu.memory_space<vmem>> -> memref<1x64x128xf32, #tpu.memory_space<vmem>>
    %dma_wait3A_605 = tpu.memref_squeeze %dma_wait3A_604 : memref<1x64x128xf32, #tpu.memory_space<vmem>> -> memref<64x128xf32, #tpu.memory_space<vmem>>
    %dma_wait3A_606 = arith.constant 0 : i32
    %dma_wait3A_607 = tpu.memref_slice %arg3[%add3A_316, %dma_wait3A_606] : memref<16384x128xf32, #tpu.memory_space<hbm>> -> memref<64x128xf32, #tpu.memory_space<hbm>>
    %dma_wait3A_608 = tpu.memref_slice %arg12[%dma_wait3A_600, %dma_wait3A_601] : memref<4x3x!tpu.dma_semaphore, #tpu.memory_space<semaphore_mem>> -> memref<1x1x!tpu.dma_semaphore, #tpu.memory_space<semaphore_mem>>
    %dma_wait3A_609 = tpu.memref_squeeze %dma_wait3A_608 : memref<1x1x!tpu.dma_semaphore, #tpu.memory_space<semaphore_mem>> -> memref<!tpu.dma_semaphore, #tpu.memory_space<semaphore_mem>>
    %dma_wait3A_610 = arith.constant 0 : i32
    %dma_wait3A_611 = arith.constant 0 : i32
    %dma_wait3A_612 = tpu.memref_slice %arg9[%dma_wait3A_599, %dma_wait3A_610, %dma_wait3A_611] : memref<4x64x128xf32, #tpu.memory_space<vmem>> -> memref<1x64x128xf32, #tpu.memory_space<vmem>>
    %dma_wait3A_613 = tpu.memref_squeeze %dma_wait3A_612 : memref<1x64x128xf32, #tpu.memory_space<vmem>> -> memref<64x128xf32, #tpu.memory_space<vmem>>
    %dma_wait3A_614 = arith.constant 0 : i32
    %dma_wait3A_615 = tpu.memref_slice %arg3[%add3A_316, %dma_wait3A_614] : memref<16384x128xf32, #tpu.memory_space<hbm>> -> memref<64x128xf32, #tpu.memory_space<hbm>>
    tpu.wait_dma2 semaphore(%dma_wait3A_609 : memref<!tpu.dma_semaphore, #tpu.memory_space<semaphore_mem>>) src(%dma_wait3A_615 : memref<64x128xf32, #tpu.memory_space<hbm>>) dst(%dma_wait3A_613 : memref<64x128xf32, #tpu.memory_space<vmem>>)
    %dma_wait3A_616 = arith.constant 0 : i32
    %dma_wait3A_617 = arith.constant 0 : i32
    %dma_wait3A_618 = arith.constant 2 : i32
    %dma_wait3A_619 = arith.constant 0 : i32
    %dma_wait3A_620 = arith.constant 0 : i32
    %dma_wait3A_621 = tpu.memref_slice %arg10[%dma_wait3A_616, %dma_wait3A_619, %dma_wait3A_620] : memref<4x64x128xf32, #tpu.memory_space<vmem>> -> memref<1x64x128xf32, #tpu.memory_space<vmem>>
    %dma_wait3A_622 = tpu.memref_squeeze %dma_wait3A_621 : memref<1x64x128xf32, #tpu.memory_space<vmem>> -> memref<64x128xf32, #tpu.memory_space<vmem>>
    %dma_wait3A_623 = arith.constant 0 : i32
    %dma_wait3A_624 = tpu.memref_slice %arg4[%add3A_316, %dma_wait3A_623] : memref<16384x128xf32, #tpu.memory_space<hbm>> -> memref<64x128xf32, #tpu.memory_space<hbm>>
    %dma_wait3A_625 = tpu.memref_slice %arg12[%dma_wait3A_617, %dma_wait3A_618] : memref<4x3x!tpu.dma_semaphore, #tpu.memory_space<semaphore_mem>> -> memref<1x1x!tpu.dma_semaphore, #tpu.memory_space<semaphore_mem>>
    %dma_wait3A_626 = tpu.memref_squeeze %dma_wait3A_625 : memref<1x1x!tpu.dma_semaphore, #tpu.memory_space<semaphore_mem>> -> memref<!tpu.dma_semaphore, #tpu.memory_space<semaphore_mem>>
    %dma_wait3A_627 = arith.constant 0 : i32
    %dma_wait3A_628 = arith.constant 0 : i32
    %dma_wait3A_629 = tpu.memref_slice %arg10[%dma_wait3A_616, %dma_wait3A_627, %dma_wait3A_628] : memref<4x64x128xf32, #tpu.memory_space<vmem>> -> memref<1x64x128xf32, #tpu.memory_space<vmem>>
    %dma_wait3A_630 = tpu.memref_squeeze %dma_wait3A_629 : memref<1x64x128xf32, #tpu.memory_space<vmem>> -> memref<64x128xf32, #tpu.memory_space<vmem>>
    %dma_wait3A_631 = arith.constant 0 : i32
    %dma_wait3A_632 = tpu.memref_slice %arg4[%add3A_316, %dma_wait3A_631] : memref<16384x128xf32, #tpu.memory_space<hbm>> -> memref<64x128xf32, #tpu.memory_space<hbm>>
    tpu.wait_dma2 semaphore(%dma_wait3A_626 : memref<!tpu.dma_semaphore, #tpu.memory_space<semaphore_mem>>) src(%dma_wait3A_632 : memref<64x128xf32, #tpu.memory_space<hbm>>) dst(%dma_wait3A_630 : memref<64x128xf32, #tpu.memory_space<vmem>>)
    %add3A_633 = arith.constant 448 : i32
    %add3A_634 = arith.addi %mul3A_2, %add3A_633 : i32
    %dma_start3A_635 = arith.constant 3 : i32
    %dma_start3A_636 = arith.constant 3 : i32
    %dma_start3A_637 = arith.constant 3 : i32
    %dma_start3A_638 = arith.constant 0 : i32
    %dma_start3A_639 = arith.constant 0 : i32
    %dma_start3A_640 = arith.constant 0 : i32
    %dma_start3A_641 = tpu.memref_slice %arg8[%dma_start3A_636, %dma_start3A_639, %dma_start3A_640] : memref<4x64x128xf32, #tpu.memory_space<vmem>> -> memref<1x64x128xf32, #tpu.memory_space<vmem>>
    %dma_start3A_642 = tpu.memref_squeeze %dma_start3A_641 : memref<1x64x128xf32, #tpu.memory_space<vmem>> -> memref<64x128xf32, #tpu.memory_space<vmem>>
    %dma_start3A_643 = arith.constant 64 : i32
    %dma_start3A_644 = tpu.memref_slice %arg7[%dma_start3A_635, %dma_start3A_643] : memref<4x128xi32, #tpu.memory_space<vmem>> -> memref<1x64xi32, #tpu.memory_space<vmem>>
    %dma_start3A_645 = tpu.memref_squeeze %dma_start3A_644 : memref<1x64xi32, #tpu.memory_space<vmem>> -> memref<64xi32, #tpu.memory_space<vmem>>
    %dma_start3A_646 = arith.constant 0 : i32
    %dma_start3A_647 = arith.constant 0 : i32
    %dma_start3A_648 = tpu.memref_slice %arg5[%dma_start3A_646, %dma_start3A_647] : memref<100000x128xf32, #tpu.memory_space<hbm>> -> memref<100000x128xf32, #tpu.memory_space<hbm>>
    %dma_start3A_649 = tpu.memref_slice %arg12[%dma_start3A_637, %dma_start3A_638] : memref<4x3x!tpu.dma_semaphore, #tpu.memory_space<semaphore_mem>> -> memref<1x1x!tpu.dma_semaphore, #tpu.memory_space<semaphore_mem>>
    %dma_start3A_650 = tpu.memref_squeeze %dma_start3A_649 : memref<1x1x!tpu.dma_semaphore, #tpu.memory_space<semaphore_mem>> -> memref<!tpu.dma_semaphore, #tpu.memory_space<semaphore_mem>>
    tpu.enqueue_indirect_dma source(%dma_start3A_648 : memref<100000x128xf32, #tpu.memory_space<hbm>>) target(%dma_start3A_642 : memref<64x128xf32, #tpu.memory_space<vmem>>) offsets(%dma_start3A_645 : memref<64xi32, #tpu.memory_space<vmem>>) semaphore(%dma_start3A_650 : memref<!tpu.dma_semaphore, #tpu.memory_space<semaphore_mem>>)
    %dma_start3A_651 = arith.constant 3 : i32
    %dma_start3A_652 = arith.constant 3 : i32
    %dma_start3A_653 = arith.constant 1 : i32
    %dma_start3A_654 = arith.constant 0 : i32
    %dma_start3A_655 = arith.constant 0 : i32
    %dma_start3A_656 = tpu.memref_slice %arg9[%dma_start3A_651, %dma_start3A_654, %dma_start3A_655] : memref<4x64x128xf32, #tpu.memory_space<vmem>> -> memref<1x64x128xf32, #tpu.memory_space<vmem>>
    %dma_start3A_657 = tpu.memref_squeeze %dma_start3A_656 : memref<1x64x128xf32, #tpu.memory_space<vmem>> -> memref<64x128xf32, #tpu.memory_space<vmem>>
    %dma_start3A_658 = arith.constant 0 : i32
    %dma_start3A_659 = tpu.memref_slice %arg3[%add3A_634, %dma_start3A_658] : memref<16384x128xf32, #tpu.memory_space<hbm>> -> memref<64x128xf32, #tpu.memory_space<hbm>>
    %dma_start3A_660 = tpu.memref_slice %arg12[%dma_start3A_652, %dma_start3A_653] : memref<4x3x!tpu.dma_semaphore, #tpu.memory_space<semaphore_mem>> -> memref<1x1x!tpu.dma_semaphore, #tpu.memory_space<semaphore_mem>>
    %dma_start3A_661 = tpu.memref_squeeze %dma_start3A_660 : memref<1x1x!tpu.dma_semaphore, #tpu.memory_space<semaphore_mem>> -> memref<!tpu.dma_semaphore, #tpu.memory_space<semaphore_mem>>
    %dma_start3A_662 = arith.constant 0 : i32
    %dma_start3A_663 = arith.constant 0 : i32
    %dma_start3A_664 = tpu.memref_slice %arg9[%dma_start3A_651, %dma_start3A_662, %dma_start3A_663] : memref<4x64x128xf32, #tpu.memory_space<vmem>> -> memref<1x64x128xf32, #tpu.memory_space<vmem>>
    %dma_start3A_665 = tpu.memref_squeeze %dma_start3A_664 : memref<1x64x128xf32, #tpu.memory_space<vmem>> -> memref<64x128xf32, #tpu.memory_space<vmem>>
    %dma_start3A_666 = arith.constant 0 : i32
    %dma_start3A_667 = tpu.memref_slice %arg3[%add3A_634, %dma_start3A_666] : memref<16384x128xf32, #tpu.memory_space<hbm>> -> memref<64x128xf32, #tpu.memory_space<hbm>>
    tpu.enqueue_dma source(%dma_start3A_667 : memref<64x128xf32, #tpu.memory_space<hbm>>) target(%dma_start3A_665 : memref<64x128xf32, #tpu.memory_space<vmem>>) target_semaphore(%dma_start3A_661 : memref<!tpu.dma_semaphore, #tpu.memory_space<semaphore_mem>>)
    %dma_start3A_668 = arith.constant 3 : i32
    %dma_start3A_669 = arith.constant 3 : i32
    %dma_start3A_670 = arith.constant 2 : i32
    %dma_start3A_671 = arith.constant 0 : i32
    %dma_start3A_672 = arith.constant 0 : i32
    %dma_start3A_673 = tpu.memref_slice %arg10[%dma_start3A_668, %dma_start3A_671, %dma_start3A_672] : memref<4x64x128xf32, #tpu.memory_space<vmem>> -> memref<1x64x128xf32, #tpu.memory_space<vmem>>
    %dma_start3A_674 = tpu.memref_squeeze %dma_start3A_673 : memref<1x64x128xf32, #tpu.memory_space<vmem>> -> memref<64x128xf32, #tpu.memory_space<vmem>>
    %dma_start3A_675 = arith.constant 0 : i32
    %dma_start3A_676 = tpu.memref_slice %arg4[%add3A_634, %dma_start3A_675] : memref<16384x128xf32, #tpu.memory_space<hbm>> -> memref<64x128xf32, #tpu.memory_space<hbm>>
    %dma_start3A_677 = tpu.memref_slice %arg12[%dma_start3A_669, %dma_start3A_670] : memref<4x3x!tpu.dma_semaphore, #tpu.memory_space<semaphore_mem>> -> memref<1x1x!tpu.dma_semaphore, #tpu.memory_space<semaphore_mem>>
    %dma_start3A_678 = tpu.memref_squeeze %dma_start3A_677 : memref<1x1x!tpu.dma_semaphore, #tpu.memory_space<semaphore_mem>> -> memref<!tpu.dma_semaphore, #tpu.memory_space<semaphore_mem>>
    %dma_start3A_679 = arith.constant 0 : i32
    %dma_start3A_680 = arith.constant 0 : i32
    %dma_start3A_681 = tpu.memref_slice %arg10[%dma_start3A_668, %dma_start3A_679, %dma_start3A_680] : memref<4x64x128xf32, #tpu.memory_space<vmem>> -> memref<1x64x128xf32, #tpu.memory_space<vmem>>
    %dma_start3A_682 = tpu.memref_squeeze %dma_start3A_681 : memref<1x64x128xf32, #tpu.memory_space<vmem>> -> memref<64x128xf32, #tpu.memory_space<vmem>>
    %dma_start3A_683 = arith.constant 0 : i32
    %dma_start3A_684 = tpu.memref_slice %arg4[%add3A_634, %dma_start3A_683] : memref<16384x128xf32, #tpu.memory_space<hbm>> -> memref<64x128xf32, #tpu.memory_space<hbm>>
    tpu.enqueue_dma source(%dma_start3A_684 : memref<64x128xf32, #tpu.memory_space<hbm>>) target(%dma_start3A_682 : memref<64x128xf32, #tpu.memory_space<vmem>>) target_semaphore(%dma_start3A_678 : memref<!tpu.dma_semaphore, #tpu.memory_space<semaphore_mem>>)
    %parallel_loop3A_685 = arith.constant 0 : i32
    %parallel_loop3A_686 = arith.constant 64 : i32
    %parallel_loop3A_687 = arith.constant 1 : i32
    %parallel_loop3A_688:4 = scf.for %parallel_loop3A_857 = %parallel_loop3A_685 to %parallel_loop3A_686 step %parallel_loop3A_687 iter_args(%parallel_loop3A_858 = %parallel_loop3A_582#0, %parallel_loop3A_859 = %parallel_loop3A_582#1, %parallel_loop3A_860 = %parallel_loop3A_582#2, %parallel_loop3A_861 = %parallel_loop3A_582#3) -> (vector<16xf32>, vector<16xf32>, vector<16xf32>, vector<16xf32>)  : i32 {
      %parallel_loop3A_862 = arith.constant 0 : i32
      %parallel_loop3A_863 = arith.index_cast %parallel_loop3A_862 : i32 to index
      %parallel_loop3A_864 = arith.index_cast %parallel_loop3A_857 : i32 to index
      %parallel_loop3A_865 = arith.constant 0 : index
      %parallel_loop3A_866 = tpu.vector_load %arg8[%parallel_loop3A_863, %parallel_loop3A_864, %parallel_loop3A_865] {strides = array<i32>} : memref<4x64x128xf32, #tpu.memory_space<vmem>>, vector<1x1x16xf32>,
      %parallel_loop3A_867 = vector.shape_cast %parallel_loop3A_866 : vector<1x1x16xf32> to vector<16xf32>
      %parallel_loop3A_868 = arith.constant 0 : i32
      %parallel_loop3A_869 = arith.index_cast %parallel_loop3A_868 : i32 to index
      %parallel_loop3A_870 = arith.index_cast %parallel_loop3A_857 : i32 to index
      %parallel_loop3A_871 = arith.constant 0 : index
      %parallel_loop3A_872 = tpu.vector_load %arg9[%parallel_loop3A_869, %parallel_loop3A_870, %parallel_loop3A_871] {strides = array<i32>} : memref<4x64x128xf32, #tpu.memory_space<vmem>>, vector<1x1x16xf32>,
      %parallel_loop3A_873 = vector.shape_cast %parallel_loop3A_872 : vector<1x1x16xf32> to vector<16xf32>
      %parallel_loop3A_874 = arith.constant 0 : i32
      %parallel_loop3A_875 = arith.index_cast %parallel_loop3A_874 : i32 to index
      %parallel_loop3A_876 = arith.index_cast %parallel_loop3A_857 : i32 to index
      %parallel_loop3A_877 = arith.constant 0 : index
      %parallel_loop3A_878 = tpu.vector_load %arg10[%parallel_loop3A_875, %parallel_loop3A_876, %parallel_loop3A_877] {strides = array<i32>} : memref<4x64x128xf32, #tpu.memory_space<vmem>>, vector<1x1x16xf32>,
      %parallel_loop3A_879 = vector.shape_cast %parallel_loop3A_878 : vector<1x1x16xf32> to vector<16xf32>
      %parallel_loop3A_880 = arith.subf %parallel_loop3A_867, %parallel_loop3A_873 : vector<16xf32>
      %parallel_loop3A_881 = arith.subf %parallel_loop3A_867, %parallel_loop3A_879 : vector<16xf32>
      %parallel_loop3A_882 = arith.mulf %parallel_loop3A_880, %parallel_loop3A_880 : vector<16xf32>
      %parallel_loop3A_883 = arith.addf %parallel_loop3A_858, %parallel_loop3A_882 : vector<16xf32>
      %parallel_loop3A_884 = arith.mulf %parallel_loop3A_881, %parallel_loop3A_881 : vector<16xf32>
      %parallel_loop3A_885 = arith.addf %parallel_loop3A_860, %parallel_loop3A_884 : vector<16xf32>
      %parallel_loop3A_886 = arith.constant 0 : i32
      %parallel_loop3A_887 = arith.index_cast %parallel_loop3A_886 : i32 to index
      %parallel_loop3A_888 = arith.index_cast %parallel_loop3A_857 : i32 to index
      %parallel_loop3A_889 = arith.constant 16 : index
      %parallel_loop3A_890 = tpu.vector_load %arg8[%parallel_loop3A_887, %parallel_loop3A_888, %parallel_loop3A_889] {strides = array<i32>} : memref<4x64x128xf32, #tpu.memory_space<vmem>>, vector<1x1x16xf32>,
      %parallel_loop3A_891 = vector.shape_cast %parallel_loop3A_890 : vector<1x1x16xf32> to vector<16xf32>
      %parallel_loop3A_892 = arith.constant 0 : i32
      %parallel_loop3A_893 = arith.index_cast %parallel_loop3A_892 : i32 to index
      %parallel_loop3A_894 = arith.index_cast %parallel_loop3A_857 : i32 to index
      %parallel_loop3A_895 = arith.constant 16 : index
      %parallel_loop3A_896 = tpu.vector_load %arg9[%parallel_loop3A_893, %parallel_loop3A_894, %parallel_loop3A_895] {strides = array<i32>} : memref<4x64x128xf32, #tpu.memory_space<vmem>>, vector<1x1x16xf32>,
      %parallel_loop3A_897 = vector.shape_cast %parallel_loop3A_896 : vector<1x1x16xf32> to vector<16xf32>
      %parallel_loop3A_898 = arith.constant 0 : i32
      %parallel_loop3A_899 = arith.index_cast %parallel_loop3A_898 : i32 to index
      %parallel_loop3A_900 = arith.index_cast %parallel_loop3A_857 : i32 to index
      %parallel_loop3A_901 = arith.constant 16 : index
      %parallel_loop3A_902 = tpu.vector_load %arg10[%parallel_loop3A_899, %parallel_loop3A_900, %parallel_loop3A_901] {strides = array<i32>} : memref<4x64x128xf32, #tpu.memory_space<vmem>>, vector<1x1x16xf32>,
      %parallel_loop3A_903 = vector.shape_cast %parallel_loop3A_902 : vector<1x1x16xf32> to vector<16xf32>
      %parallel_loop3A_904 = arith.subf %parallel_loop3A_891, %parallel_loop3A_897 : vector<16xf32>
      %parallel_loop3A_905 = arith.subf %parallel_loop3A_891, %parallel_loop3A_903 : vector<16xf32>
      %parallel_loop3A_906 = arith.mulf %parallel_loop3A_904, %parallel_loop3A_904 : vector<16xf32>
      %parallel_loop3A_907 = arith.addf %parallel_loop3A_859, %parallel_loop3A_906 : vector<16xf32>
      %parallel_loop3A_908 = arith.mulf %parallel_loop3A_905, %parallel_loop3A_905 : vector<16xf32>
      %parallel_loop3A_909 = arith.addf %parallel_loop3A_861, %parallel_loop3A_908 : vector<16xf32>
      %parallel_loop3A_910 = arith.constant 0 : i32
      %parallel_loop3A_911 = arith.index_cast %parallel_loop3A_910 : i32 to index
      %parallel_loop3A_912 = arith.index_cast %parallel_loop3A_857 : i32 to index
      %parallel_loop3A_913 = arith.constant 32 : index
      %parallel_loop3A_914 = tpu.vector_load %arg8[%parallel_loop3A_911, %parallel_loop3A_912, %parallel_loop3A_913] {strides = array<i32>} : memref<4x64x128xf32, #tpu.memory_space<vmem>>, vector<1x1x16xf32>,
      %parallel_loop3A_915 = vector.shape_cast %parallel_loop3A_914 : vector<1x1x16xf32> to vector<16xf32>
      %parallel_loop3A_916 = arith.constant 0 : i32
      %parallel_loop3A_917 = arith.index_cast %parallel_loop3A_916 : i32 to index
      %parallel_loop3A_918 = arith.index_cast %parallel_loop3A_857 : i32 to index
      %parallel_loop3A_919 = arith.constant 32 : index
      %parallel_loop3A_920 = tpu.vector_load %arg9[%parallel_loop3A_917, %parallel_loop3A_918, %parallel_loop3A_919] {strides = array<i32>} : memref<4x64x128xf32, #tpu.memory_space<vmem>>, vector<1x1x16xf32>,
      %parallel_loop3A_921 = vector.shape_cast %parallel_loop3A_920 : vector<1x1x16xf32> to vector<16xf32>
      %parallel_loop3A_922 = arith.constant 0 : i32
      %parallel_loop3A_923 = arith.index_cast %parallel_loop3A_922 : i32 to index
      %parallel_loop3A_924 = arith.index_cast %parallel_loop3A_857 : i32 to index
      %parallel_loop3A_925 = arith.constant 32 : index
      %parallel_loop3A_926 = tpu.vector_load %arg10[%parallel_loop3A_923, %parallel_loop3A_924, %parallel_loop3A_925] {strides = array<i32>} : memref<4x64x128xf32, #tpu.memory_space<vmem>>, vector<1x1x16xf32>,
      %parallel_loop3A_927 = vector.shape_cast %parallel_loop3A_926 : vector<1x1x16xf32> to vector<16xf32>
      %parallel_loop3A_928 = arith.subf %parallel_loop3A_915, %parallel_loop3A_921 : vector<16xf32>
      %parallel_loop3A_929 = arith.subf %parallel_loop3A_915, %parallel_loop3A_927 : vector<16xf32>
      %parallel_loop3A_930 = arith.mulf %parallel_loop3A_928, %parallel_loop3A_928 : vector<16xf32>
      %parallel_loop3A_931 = arith.addf %parallel_loop3A_883, %parallel_loop3A_930 : vector<16xf32>
      %parallel_loop3A_932 = arith.mulf %parallel_loop3A_929, %parallel_loop3A_929 : vector<16xf32>
      %parallel_loop3A_933 = arith.addf %parallel_loop3A_885, %parallel_loop3A_932 : vector<16xf32>
      %parallel_loop3A_934 = arith.constant 0 : i32
      %parallel_loop3A_935 = arith.index_cast %parallel_loop3A_934 : i32 to index
      %parallel_loop3A_936 = arith.index_cast %parallel_loop3A_857 : i32 to index
      %parallel_loop3A_937 = arith.constant 48 : index
      %parallel_loop3A_938 = tpu.vector_load %arg8[%parallel_loop3A_935, %parallel_loop3A_936, %parallel_loop3A_937] {strides = array<i32>} : memref<4x64x128xf32, #tpu.memory_space<vmem>>, vector<1x1x16xf32>,
      %parallel_loop3A_939 = vector.shape_cast %parallel_loop3A_938 : vector<1x1x16xf32> to vector<16xf32>
      %parallel_loop3A_940 = arith.constant 0 : i32
      %parallel_loop3A_941 = arith.index_cast %parallel_loop3A_940 : i32 to index
      %parallel_loop3A_942 = arith.index_cast %parallel_loop3A_857 : i32 to index
      %parallel_loop3A_943 = arith.constant 48 : index
      %parallel_loop3A_944 = tpu.vector_load %arg9[%parallel_loop3A_941, %parallel_loop3A_942, %parallel_loop3A_943] {strides = array<i32>} : memref<4x64x128xf32, #tpu.memory_space<vmem>>, vector<1x1x16xf32>,
      %parallel_loop3A_945 = vector.shape_cast %parallel_loop3A_944 : vector<1x1x16xf32> to vector<16xf32>
      %parallel_loop3A_946 = arith.constant 0 : i32
      %parallel_loop3A_947 = arith.index_cast %parallel_loop3A_946 : i32 to index
      %parallel_loop3A_948 = arith.index_cast %parallel_loop3A_857 : i32 to index
      %parallel_loop3A_949 = arith.constant 48 : index
      %parallel_loop3A_950 = tpu.vector_load %arg10[%parallel_loop3A_947, %parallel_loop3A_948, %parallel_loop3A_949] {strides = array<i32>} : memref<4x64x128xf32, #tpu.memory_space<vmem>>, vector<1x1x16xf32>,
      %parallel_loop3A_951 = vector.shape_cast %parallel_loop3A_950 : vector<1x1x16xf32> to vector<16xf32>
      %parallel_loop3A_952 = arith.subf %parallel_loop3A_939, %parallel_loop3A_945 : vector<16xf32>
      %parallel_loop3A_953 = arith.subf %parallel_loop3A_939, %parallel_loop3A_951 : vector<16xf32>
      %parallel_loop3A_954 = arith.mulf %parallel_loop3A_952, %parallel_loop3A_952 : vector<16xf32>
      %parallel_loop3A_955 = arith.addf %parallel_loop3A_907, %parallel_loop3A_954 : vector<16xf32>
      %parallel_loop3A_956 = arith.mulf %parallel_loop3A_953, %parallel_loop3A_953 : vector<16xf32>
      %parallel_loop3A_957 = arith.addf %parallel_loop3A_909, %parallel_loop3A_956 : vector<16xf32>
      %parallel_loop3A_958 = arith.constant 0 : i32
      %parallel_loop3A_959 = arith.index_cast %parallel_loop3A_958 : i32 to index
      %parallel_loop3A_960 = arith.index_cast %parallel_loop3A_857 : i32 to index
      %parallel_loop3A_961 = arith.constant 64 : index
      %parallel_loop3A_962 = tpu.vector_load %arg8[%parallel_loop3A_959, %parallel_loop3A_960, %parallel_loop3A_961] {strides = array<i32>} : memref<4x64x128xf32, #tpu.memory_space<vmem>>, vector<1x1x16xf32>,
      %parallel_loop3A_963 = vector.shape_cast %parallel_loop3A_962 : vector<1x1x16xf32> to vector<16xf32>
      %parallel_loop3A_964 = arith.constant 0 : i32
      %parallel_loop3A_965 = arith.index_cast %parallel_loop3A_964 : i32 to index
      %parallel_loop3A_966 = arith.index_cast %parallel_loop3A_857 : i32 to index
      %parallel_loop3A_967 = arith.constant 64 : index
      %parallel_loop3A_968 = tpu.vector_load %arg9[%parallel_loop3A_965, %parallel_loop3A_966, %parallel_loop3A_967] {strides = array<i32>} : memref<4x64x128xf32, #tpu.memory_space<vmem>>, vector<1x1x16xf32>,
      %parallel_loop3A_969 = vector.shape_cast %parallel_loop3A_968 : vector<1x1x16xf32> to vector<16xf32>
      %parallel_loop3A_970 = arith.constant 0 : i32
      %parallel_loop3A_971 = arith.index_cast %parallel_loop3A_970 : i32 to index
      %parallel_loop3A_972 = arith.index_cast %parallel_loop3A_857 : i32 to index
      %parallel_loop3A_973 = arith.constant 64 : index
      %parallel_loop3A_974 = tpu.vector_load %arg10[%parallel_loop3A_971, %parallel_loop3A_972, %parallel_loop3A_973] {strides = array<i32>} : memref<4x64x128xf32, #tpu.memory_space<vmem>>, vector<1x1x16xf32>,
      %parallel_loop3A_975 = vector.shape_cast %parallel_loop3A_974 : vector<1x1x16xf32> to vector<16xf32>
      %parallel_loop3A_976 = arith.subf %parallel_loop3A_963, %parallel_loop3A_969 : vector<16xf32>
      %parallel_loop3A_977 = arith.subf %parallel_loop3A_963, %parallel_loop3A_975 : vector<16xf32>
      %parallel_loop3A_978 = arith.mulf %parallel_loop3A_976, %parallel_loop3A_976 : vector<16xf32>
      %parallel_loop3A_979 = arith.addf %parallel_loop3A_931, %parallel_loop3A_978 : vector<16xf32>
      %parallel_loop3A_980 = arith.mulf %parallel_loop3A_977, %parallel_loop3A_977 : vector<16xf32>
      %parallel_loop3A_981 = arith.addf %parallel_loop3A_933, %parallel_loop3A_980 : vector<16xf32>
      %parallel_loop3A_982 = arith.constant 0 : i32
      %parallel_loop3A_983 = arith.index_cast %parallel_loop3A_982 : i32 to index
      %parallel_loop3A_984 = arith.index_cast %parallel_loop3A_857 : i32 to index
      %parallel_loop3A_985 = arith.constant 80 : index
      %parallel_loop3A_986 = tpu.vector_load %arg8[%parallel_loop3A_983, %parallel_loop3A_984, %parallel_loop3A_985] {strides = array<i32>} : memref<4x64x128xf32, #tpu.memory_space<vmem>>, vector<1x1x16xf32>,
      %parallel_loop3A_987 = vector.shape_cast %parallel_loop3A_986 : vector<1x1x16xf32> to vector<16xf32>
      %parallel_loop3A_988 = arith.constant 0 : i32
      %parallel_loop3A_989 = arith.index_cast %parallel_loop3A_988 : i32 to index
      %parallel_loop3A_990 = arith.index_cast %parallel_loop3A_857 : i32 to index
      %parallel_loop3A_991 = arith.constant 80 : index
      %parallel_loop3A_992 = tpu.vector_load %arg9[%parallel_loop3A_989, %parallel_loop3A_990, %parallel_loop3A_991] {strides = array<i32>} : memref<4x64x128xf32, #tpu.memory_space<vmem>>, vector<1x1x16xf32>,
      %parallel_loop3A_993 = vector.shape_cast %parallel_loop3A_992 : vector<1x1x16xf32> to vector<16xf32>
      %parallel_loop3A_994 = arith.constant 0 : i32
      %parallel_loop3A_995 = arith.index_cast %parallel_loop3A_994 : i32 to index
      %parallel_loop3A_996 = arith.index_cast %parallel_loop3A_857 : i32 to index
      %parallel_loop3A_997 = arith.constant 80 : index
      %parallel_loop3A_998 = tpu.vector_load %arg10[%parallel_loop3A_995, %parallel_loop3A_996, %parallel_loop3A_997] {strides = array<i32>} : memref<4x64x128xf32, #tpu.memory_space<vmem>>, vector<1x1x16xf32>,
      %parallel_loop3A_999 = vector.shape_cast %parallel_loop3A_998 : vector<1x1x16xf32> to vector<16xf32>
      %parallel_loop3A_1000 = arith.subf %parallel_loop3A_987, %parallel_loop3A_993 : vector<16xf32>
      %parallel_loop3A_1001 = arith.subf %parallel_loop3A_987, %parallel_loop3A_999 : vector<16xf32>
      %parallel_loop3A_1002 = arith.mulf %parallel_loop3A_1000, %parallel_loop3A_1000 : vector<16xf32>
      %parallel_loop3A_1003 = arith.addf %parallel_loop3A_955, %parallel_loop3A_1002 : vector<16xf32>
      %parallel_loop3A_1004 = arith.mulf %parallel_loop3A_1001, %parallel_loop3A_1001 : vector<16xf32>
      %parallel_loop3A_1005 = arith.addf %parallel_loop3A_957, %parallel_loop3A_1004 : vector<16xf32>
      %parallel_loop3A_1006 = arith.constant 0 : i32
      %parallel_loop3A_1007 = arith.index_cast %parallel_loop3A_1006 : i32 to index
      %parallel_loop3A_1008 = arith.index_cast %parallel_loop3A_857 : i32 to index
      %parallel_loop3A_1009 = arith.constant 96 : index
      %parallel_loop3A_1010 = tpu.vector_load %arg8[%parallel_loop3A_1007, %parallel_loop3A_1008, %parallel_loop3A_1009] {strides = array<i32>} : memref<4x64x128xf32, #tpu.memory_space<vmem>>, vector<1x1x16xf32>,
      %parallel_loop3A_1011 = vector.shape_cast %parallel_loop3A_1010 : vector<1x1x16xf32> to vector<16xf32>
      %parallel_loop3A_1012 = arith.constant 0 : i32
      %parallel_loop3A_1013 = arith.index_cast %parallel_loop3A_1012 : i32 to index
      %parallel_loop3A_1014 = arith.index_cast %parallel_loop3A_857 : i32 to index
      %parallel_loop3A_1015 = arith.constant 96 : index
      %parallel_loop3A_1016 = tpu.vector_load %arg9[%parallel_loop3A_1013, %parallel_loop3A_1014, %parallel_loop3A_1015] {strides = array<i32>} : memref<4x64x128xf32, #tpu.memory_space<vmem>>, vector<1x1x16xf32>,
      %parallel_loop3A_1017 = vector.shape_cast %parallel_loop3A_1016 : vector<1x1x16xf32> to vector<16xf32>
      %parallel_loop3A_1018 = arith.constant 0 : i32
      %parallel_loop3A_1019 = arith.index_cast %parallel_loop3A_1018 : i32 to index
      %parallel_loop3A_1020 = arith.index_cast %parallel_loop3A_857 : i32 to index
      %parallel_loop3A_1021 = arith.constant 96 : index
      %parallel_loop3A_1022 = tpu.vector_load %arg10[%parallel_loop3A_1019, %parallel_loop3A_1020, %parallel_loop3A_1021] {strides = array<i32>} : memref<4x64x128xf32, #tpu.memory_space<vmem>>, vector<1x1x16xf32>,
      %parallel_loop3A_1023 = vector.shape_cast %parallel_loop3A_1022 : vector<1x1x16xf32> to vector<16xf32>
      %parallel_loop3A_1024 = arith.subf %parallel_loop3A_1011, %parallel_loop3A_1017 : vector<16xf32>
      %parallel_loop3A_1025 = arith.subf %parallel_loop3A_1011, %parallel_loop3A_1023 : vector<16xf32>
      %parallel_loop3A_1026 = arith.mulf %parallel_loop3A_1024, %parallel_loop3A_1024 : vector<16xf32>
      %parallel_loop3A_1027 = arith.addf %parallel_loop3A_979, %parallel_loop3A_1026 : vector<16xf32>
      %parallel_loop3A_1028 = arith.mulf %parallel_loop3A_1025, %parallel_loop3A_1025 : vector<16xf32>
      %parallel_loop3A_1029 = arith.addf %parallel_loop3A_981, %parallel_loop3A_1028 : vector<16xf32>
      %parallel_loop3A_1030 = arith.constant 0 : i32
      %parallel_loop3A_1031 = arith.index_cast %parallel_loop3A_1030 : i32 to index
      %parallel_loop3A_1032 = arith.index_cast %parallel_loop3A_857 : i32 to index
      %parallel_loop3A_1033 = arith.constant 112 : index
      %parallel_loop3A_1034 = tpu.vector_load %arg8[%parallel_loop3A_1031, %parallel_loop3A_1032, %parallel_loop3A_1033] {strides = array<i32>} : memref<4x64x128xf32, #tpu.memory_space<vmem>>, vector<1x1x16xf32>,
      %parallel_loop3A_1035 = vector.shape_cast %parallel_loop3A_1034 : vector<1x1x16xf32> to vector<16xf32>
      %parallel_loop3A_1036 = arith.constant 0 : i32
      %parallel_loop3A_1037 = arith.index_cast %parallel_loop3A_1036 : i32 to index
      %parallel_loop3A_1038 = arith.index_cast %parallel_loop3A_857 : i32 to index
      %parallel_loop3A_1039 = arith.constant 112 : index
      %parallel_loop3A_1040 = tpu.vector_load %arg9[%parallel_loop3A_1037, %parallel_loop3A_1038, %parallel_loop3A_1039] {strides = array<i32>} : memref<4x64x128xf32, #tpu.memory_space<vmem>>, vector<1x1x16xf32>,
      %parallel_loop3A_1041 = vector.shape_cast %parallel_loop3A_1040 : vector<1x1x16xf32> to vector<16xf32>
      %parallel_loop3A_1042 = arith.constant 0 : i32
      %parallel_loop3A_1043 = arith.index_cast %parallel_loop3A_1042 : i32 to index
      %parallel_loop3A_1044 = arith.index_cast %parallel_loop3A_857 : i32 to index
      %parallel_loop3A_1045 = arith.constant 112 : index
      %parallel_loop3A_1046 = tpu.vector_load %arg10[%parallel_loop3A_1043, %parallel_loop3A_1044, %parallel_loop3A_1045] {strides = array<i32>} : memref<4x64x128xf32, #tpu.memory_space<vmem>>, vector<1x1x16xf32>,
      %parallel_loop3A_1047 = vector.shape_cast %parallel_loop3A_1046 : vector<1x1x16xf32> to vector<16xf32>
      %parallel_loop3A_1048 = arith.subf %parallel_loop3A_1035, %parallel_loop3A_1041 : vector<16xf32>
      %parallel_loop3A_1049 = arith.subf %parallel_loop3A_1035, %parallel_loop3A_1047 : vector<16xf32>
      %parallel_loop3A_1050 = arith.mulf %parallel_loop3A_1048, %parallel_loop3A_1048 : vector<16xf32>
      %parallel_loop3A_1051 = arith.addf %parallel_loop3A_1003, %parallel_loop3A_1050 : vector<16xf32>
      %parallel_loop3A_1052 = arith.mulf %parallel_loop3A_1049, %parallel_loop3A_1049 : vector<16xf32>
      %parallel_loop3A_1053 = arith.addf %parallel_loop3A_1005, %parallel_loop3A_1052 : vector<16xf32>
      scf.yield %parallel_loop3A_1027, %parallel_loop3A_1051, %parallel_loop3A_1029, %parallel_loop3A_1053 : vector<16xf32>, vector<16xf32>, vector<16xf32>, vector<16xf32>
    } {sc.loop_unroll_factor = 2 : i64, sc.parallel_access}
    %dma_wait3A_689 = arith.constant 2 : i32
    %dma_wait3A_690 = arith.constant 1 : i32
    %dma_wait3A_691 = arith.constant 1 : i32
    %dma_wait3A_692 = arith.constant 0 : i32
    %dma_wait3A_693 = arith.constant 0 : i32
    %dma_wait3A_694 = arith.constant 0 : i32
    %dma_wait3A_695 = tpu.memref_slice %arg8[%dma_wait3A_690, %dma_wait3A_693, %dma_wait3A_694] : memref<4x64x128xf32, #tpu.memory_space<vmem>> -> memref<1x64x128xf32, #tpu.memory_space<vmem>>
    %dma_wait3A_696 = tpu.memref_squeeze %dma_wait3A_695 : memref<1x64x128xf32, #tpu.memory_space<vmem>> -> memref<64x128xf32, #tpu.memory_space<vmem>>
    %dma_wait3A_697 = arith.constant 64 : i32
    %dma_wait3A_698 = tpu.memref_slice %arg7[%dma_wait3A_689, %dma_wait3A_697] : memref<4x128xi32, #tpu.memory_space<vmem>> -> memref<1x64xi32, #tpu.memory_space<vmem>>
    %dma_wait3A_699 = tpu.memref_squeeze %dma_wait3A_698 : memref<1x64xi32, #tpu.memory_space<vmem>> -> memref<64xi32, #tpu.memory_space<vmem>>
    %dma_wait3A_700 = arith.constant 0 : i32
    %dma_wait3A_701 = arith.constant 0 : i32
    %dma_wait3A_702 = tpu.memref_slice %arg5[%dma_wait3A_700, %dma_wait3A_701] : memref<100000x128xf32, #tpu.memory_space<hbm>> -> memref<100000x128xf32, #tpu.memory_space<hbm>>
    %dma_wait3A_703 = tpu.memref_slice %arg12[%dma_wait3A_691, %dma_wait3A_692] : memref<4x3x!tpu.dma_semaphore, #tpu.memory_space<semaphore_mem>> -> memref<1x1x!tpu.dma_semaphore, #tpu.memory_space<semaphore_mem>>
    %dma_wait3A_704 = tpu.memref_squeeze %dma_wait3A_703 : memref<1x1x!tpu.dma_semaphore, #tpu.memory_space<semaphore_mem>> -> memref<!tpu.dma_semaphore, #tpu.memory_space<semaphore_mem>>
    tpu.wait_indirect_dma semaphore(%dma_wait3A_704 : memref<!tpu.dma_semaphore, #tpu.memory_space<semaphore_mem>>) src(%dma_wait3A_702 : memref<100000x128xf32, #tpu.memory_space<hbm>>) dst(%dma_wait3A_696 : memref<64x128xf32, #tpu.memory_space<vmem>>)
    %dma_wait3A_705 = arith.constant 1 : i32
    %dma_wait3A_706 = arith.constant 1 : i32
    %dma_wait3A_707 = arith.constant 1 : i32
    %dma_wait3A_708 = arith.constant 0 : i32
    %dma_wait3A_709 = arith.constant 0 : i32
    %dma_wait3A_710 = tpu.memref_slice %arg9[%dma_wait3A_705, %dma_wait3A_708, %dma_wait3A_709] : memref<4x64x128xf32, #tpu.memory_space<vmem>> -> memref<1x64x128xf32, #tpu.memory_space<vmem>>
    %dma_wait3A_711 = tpu.memref_squeeze %dma_wait3A_710 : memref<1x64x128xf32, #tpu.memory_space<vmem>> -> memref<64x128xf32, #tpu.memory_space<vmem>>
    %dma_wait3A_712 = arith.constant 0 : i32
    %dma_wait3A_713 = tpu.memref_slice %arg3[%add3A_422, %dma_wait3A_712] : memref<16384x128xf32, #tpu.memory_space<hbm>> -> memref<64x128xf32, #tpu.memory_space<hbm>>
    %dma_wait3A_714 = tpu.memref_slice %arg12[%dma_wait3A_706, %dma_wait3A_707] : memref<4x3x!tpu.dma_semaphore, #tpu.memory_space<semaphore_mem>> -> memref<1x1x!tpu.dma_semaphore, #tpu.memory_space<semaphore_mem>>
    %dma_wait3A_715 = tpu.memref_squeeze %dma_wait3A_714 : memref<1x1x!tpu.dma_semaphore, #tpu.memory_space<semaphore_mem>> -> memref<!tpu.dma_semaphore, #tpu.memory_space<semaphore_mem>>
    %dma_wait3A_716 = arith.constant 0 : i32
    %dma_wait3A_717 = arith.constant 0 : i32
    %dma_wait3A_718 = tpu.memref_slice %arg9[%dma_wait3A_705, %dma_wait3A_716, %dma_wait3A_717] : memref<4x64x128xf32, #tpu.memory_space<vmem>> -> memref<1x64x128xf32, #tpu.memory_space<vmem>>
    %dma_wait3A_719 = tpu.memref_squeeze %dma_wait3A_718 : memref<1x64x128xf32, #tpu.memory_space<vmem>> -> memref<64x128xf32, #tpu.memory_space<vmem>>
    %dma_wait3A_720 = arith.constant 0 : i32
    %dma_wait3A_721 = tpu.memref_slice %arg3[%add3A_422, %dma_wait3A_720] : memref<16384x128xf32, #tpu.memory_space<hbm>> -> memref<64x128xf32, #tpu.memory_space<hbm>>
    tpu.wait_dma2 semaphore(%dma_wait3A_715 : memref<!tpu.dma_semaphore, #tpu.memory_space<semaphore_mem>>) src(%dma_wait3A_721 : memref<64x128xf32, #tpu.memory_space<hbm>>) dst(%dma_wait3A_719 : memref<64x128xf32, #tpu.memory_space<vmem>>)
    %dma_wait3A_722 = arith.constant 1 : i32
    %dma_wait3A_723 = arith.constant 1 : i32
    %dma_wait3A_724 = arith.constant 2 : i32
    %dma_wait3A_725 = arith.constant 0 : i32
    %dma_wait3A_726 = arith.constant 0 : i32
    %dma_wait3A_727 = tpu.memref_slice %arg10[%dma_wait3A_722, %dma_wait3A_725, %dma_wait3A_726] : memref<4x64x128xf32, #tpu.memory_space<vmem>> -> memref<1x64x128xf32, #tpu.memory_space<vmem>>
    %dma_wait3A_728 = tpu.memref_squeeze %dma_wait3A_727 : memref<1x64x128xf32, #tpu.memory_space<vmem>> -> memref<64x128xf32, #tpu.memory_space<vmem>>
    %dma_wait3A_729 = arith.constant 0 : i32
    %dma_wait3A_730 = tpu.memref_slice %arg4[%add3A_422, %dma_wait3A_729] : memref<16384x128xf32, #tpu.memory_space<hbm>> -> memref<64x128xf32, #tpu.memory_space<hbm>>
    %dma_wait3A_731 = tpu.memref_slice %arg12[%dma_wait3A_723, %dma_wait3A_724] : memref<4x3x!tpu.dma_semaphore, #tpu.memory_space<semaphore_mem>> -> memref<1x1x!tpu.dma_semaphore, #tpu.memory_space<semaphore_mem>>
    %dma_wait3A_732 = tpu.memref_squeeze %dma_wait3A_731 : memref<1x1x!tpu.dma_semaphore, #tpu.memory_space<semaphore_mem>> -> memref<!tpu.dma_semaphore, #tpu.memory_space<semaphore_mem>>
    %dma_wait3A_733 = arith.constant 0 : i32
    %dma_wait3A_734 = arith.constant 0 : i32
    %dma_wait3A_735 = tpu.memref_slice %arg10[%dma_wait3A_722, %dma_wait3A_733, %dma_wait3A_734] : memref<4x64x128xf32, #tpu.memory_space<vmem>> -> memref<1x64x128xf32, #tpu.memory_space<vmem>>
    %dma_wait3A_736 = tpu.memref_squeeze %dma_wait3A_735 : memref<1x64x128xf32, #tpu.memory_space<vmem>> -> memref<64x128xf32, #tpu.memory_space<vmem>>
    %dma_wait3A_737 = arith.constant 0 : i32
    %dma_wait3A_738 = tpu.memref_slice %arg4[%add3A_422, %dma_wait3A_737] : memref<16384x128xf32, #tpu.memory_space<hbm>> -> memref<64x128xf32, #tpu.memory_space<hbm>>
    tpu.wait_dma2 semaphore(%dma_wait3A_732 : memref<!tpu.dma_semaphore, #tpu.memory_space<semaphore_mem>>) src(%dma_wait3A_738 : memref<64x128xf32, #tpu.memory_space<hbm>>) dst(%dma_wait3A_736 : memref<64x128xf32, #tpu.memory_space<vmem>>)
    %parallel_loop3A_739 = arith.constant 0 : i32
    %parallel_loop3A_740 = arith.constant 64 : i32
    %parallel_loop3A_741 = arith.constant 1 : i32
    %parallel_loop3A_742:4 = scf.for %parallel_loop3A_857 = %parallel_loop3A_739 to %parallel_loop3A_740 step %parallel_loop3A_741 iter_args(%parallel_loop3A_858 = %parallel_loop3A_688#0, %parallel_loop3A_859 = %parallel_loop3A_688#1, %parallel_loop3A_860 = %parallel_loop3A_688#2, %parallel_loop3A_861 = %parallel_loop3A_688#3) -> (vector<16xf32>, vector<16xf32>, vector<16xf32>, vector<16xf32>)  : i32 {
      %parallel_loop3A_862 = arith.constant 1 : i32
      %parallel_loop3A_863 = arith.index_cast %parallel_loop3A_862 : i32 to index
      %parallel_loop3A_864 = arith.index_cast %parallel_loop3A_857 : i32 to index
      %parallel_loop3A_865 = arith.constant 0 : index
      %parallel_loop3A_866 = tpu.vector_load %arg8[%parallel_loop3A_863, %parallel_loop3A_864, %parallel_loop3A_865] {strides = array<i32>} : memref<4x64x128xf32, #tpu.memory_space<vmem>>, vector<1x1x16xf32>,
      %parallel_loop3A_867 = vector.shape_cast %parallel_loop3A_866 : vector<1x1x16xf32> to vector<16xf32>
      %parallel_loop3A_868 = arith.constant 1 : i32
      %parallel_loop3A_869 = arith.index_cast %parallel_loop3A_868 : i32 to index
      %parallel_loop3A_870 = arith.index_cast %parallel_loop3A_857 : i32 to index
      %parallel_loop3A_871 = arith.constant 0 : index
      %parallel_loop3A_872 = tpu.vector_load %arg9[%parallel_loop3A_869, %parallel_loop3A_870, %parallel_loop3A_871] {strides = array<i32>} : memref<4x64x128xf32, #tpu.memory_space<vmem>>, vector<1x1x16xf32>,
      %parallel_loop3A_873 = vector.shape_cast %parallel_loop3A_872 : vector<1x1x16xf32> to vector<16xf32>
      %parallel_loop3A_874 = arith.constant 1 : i32
      %parallel_loop3A_875 = arith.index_cast %parallel_loop3A_874 : i32 to index
      %parallel_loop3A_876 = arith.index_cast %parallel_loop3A_857 : i32 to index
      %parallel_loop3A_877 = arith.constant 0 : index
      %parallel_loop3A_878 = tpu.vector_load %arg10[%parallel_loop3A_875, %parallel_loop3A_876, %parallel_loop3A_877] {strides = array<i32>} : memref<4x64x128xf32, #tpu.memory_space<vmem>>, vector<1x1x16xf32>,
      %parallel_loop3A_879 = vector.shape_cast %parallel_loop3A_878 : vector<1x1x16xf32> to vector<16xf32>
      %parallel_loop3A_880 = arith.subf %parallel_loop3A_867, %parallel_loop3A_873 : vector<16xf32>
      %parallel_loop3A_881 = arith.subf %parallel_loop3A_867, %parallel_loop3A_879 : vector<16xf32>
      %parallel_loop3A_882 = arith.mulf %parallel_loop3A_880, %parallel_loop3A_880 : vector<16xf32>
      %parallel_loop3A_883 = arith.addf %parallel_loop3A_858, %parallel_loop3A_882 : vector<16xf32>
      %parallel_loop3A_884 = arith.mulf %parallel_loop3A_881, %parallel_loop3A_881 : vector<16xf32>
      %parallel_loop3A_885 = arith.addf %parallel_loop3A_860, %parallel_loop3A_884 : vector<16xf32>
      %parallel_loop3A_886 = arith.constant 1 : i32
      %parallel_loop3A_887 = arith.index_cast %parallel_loop3A_886 : i32 to index
      %parallel_loop3A_888 = arith.index_cast %parallel_loop3A_857 : i32 to index
      %parallel_loop3A_889 = arith.constant 16 : index
      %parallel_loop3A_890 = tpu.vector_load %arg8[%parallel_loop3A_887, %parallel_loop3A_888, %parallel_loop3A_889] {strides = array<i32>} : memref<4x64x128xf32, #tpu.memory_space<vmem>>, vector<1x1x16xf32>,
      %parallel_loop3A_891 = vector.shape_cast %parallel_loop3A_890 : vector<1x1x16xf32> to vector<16xf32>
      %parallel_loop3A_892 = arith.constant 1 : i32
      %parallel_loop3A_893 = arith.index_cast %parallel_loop3A_892 : i32 to index
      %parallel_loop3A_894 = arith.index_cast %parallel_loop3A_857 : i32 to index
      %parallel_loop3A_895 = arith.constant 16 : index
      %parallel_loop3A_896 = tpu.vector_load %arg9[%parallel_loop3A_893, %parallel_loop3A_894, %parallel_loop3A_895] {strides = array<i32>} : memref<4x64x128xf32, #tpu.memory_space<vmem>>, vector<1x1x16xf32>,
      %parallel_loop3A_897 = vector.shape_cast %parallel_loop3A_896 : vector<1x1x16xf32> to vector<16xf32>
      %parallel_loop3A_898 = arith.constant 1 : i32
      %parallel_loop3A_899 = arith.index_cast %parallel_loop3A_898 : i32 to index
      %parallel_loop3A_900 = arith.index_cast %parallel_loop3A_857 : i32 to index
      %parallel_loop3A_901 = arith.constant 16 : index
      %parallel_loop3A_902 = tpu.vector_load %arg10[%parallel_loop3A_899, %parallel_loop3A_900, %parallel_loop3A_901] {strides = array<i32>} : memref<4x64x128xf32, #tpu.memory_space<vmem>>, vector<1x1x16xf32>,
      %parallel_loop3A_903 = vector.shape_cast %parallel_loop3A_902 : vector<1x1x16xf32> to vector<16xf32>
      %parallel_loop3A_904 = arith.subf %parallel_loop3A_891, %parallel_loop3A_897 : vector<16xf32>
      %parallel_loop3A_905 = arith.subf %parallel_loop3A_891, %parallel_loop3A_903 : vector<16xf32>
      %parallel_loop3A_906 = arith.mulf %parallel_loop3A_904, %parallel_loop3A_904 : vector<16xf32>
      %parallel_loop3A_907 = arith.addf %parallel_loop3A_859, %parallel_loop3A_906 : vector<16xf32>
      %parallel_loop3A_908 = arith.mulf %parallel_loop3A_905, %parallel_loop3A_905 : vector<16xf32>
      %parallel_loop3A_909 = arith.addf %parallel_loop3A_861, %parallel_loop3A_908 : vector<16xf32>
      %parallel_loop3A_910 = arith.constant 1 : i32
      %parallel_loop3A_911 = arith.index_cast %parallel_loop3A_910 : i32 to index
      %parallel_loop3A_912 = arith.index_cast %parallel_loop3A_857 : i32 to index
      %parallel_loop3A_913 = arith.constant 32 : index
      %parallel_loop3A_914 = tpu.vector_load %arg8[%parallel_loop3A_911, %parallel_loop3A_912, %parallel_loop3A_913] {strides = array<i32>} : memref<4x64x128xf32, #tpu.memory_space<vmem>>, vector<1x1x16xf32>,
      %parallel_loop3A_915 = vector.shape_cast %parallel_loop3A_914 : vector<1x1x16xf32> to vector<16xf32>
      %parallel_loop3A_916 = arith.constant 1 : i32
      %parallel_loop3A_917 = arith.index_cast %parallel_loop3A_916 : i32 to index
      %parallel_loop3A_918 = arith.index_cast %parallel_loop3A_857 : i32 to index
      %parallel_loop3A_919 = arith.constant 32 : index
      %parallel_loop3A_920 = tpu.vector_load %arg9[%parallel_loop3A_917, %parallel_loop3A_918, %parallel_loop3A_919] {strides = array<i32>} : memref<4x64x128xf32, #tpu.memory_space<vmem>>, vector<1x1x16xf32>,
      %parallel_loop3A_921 = vector.shape_cast %parallel_loop3A_920 : vector<1x1x16xf32> to vector<16xf32>
      %parallel_loop3A_922 = arith.constant 1 : i32
      %parallel_loop3A_923 = arith.index_cast %parallel_loop3A_922 : i32 to index
      %parallel_loop3A_924 = arith.index_cast %parallel_loop3A_857 : i32 to index
      %parallel_loop3A_925 = arith.constant 32 : index
      %parallel_loop3A_926 = tpu.vector_load %arg10[%parallel_loop3A_923, %parallel_loop3A_924, %parallel_loop3A_925] {strides = array<i32>} : memref<4x64x128xf32, #tpu.memory_space<vmem>>, vector<1x1x16xf32>,
      %parallel_loop3A_927 = vector.shape_cast %parallel_loop3A_926 : vector<1x1x16xf32> to vector<16xf32>
      %parallel_loop3A_928 = arith.subf %parallel_loop3A_915, %parallel_loop3A_921 : vector<16xf32>
      %parallel_loop3A_929 = arith.subf %parallel_loop3A_915, %parallel_loop3A_927 : vector<16xf32>
      %parallel_loop3A_930 = arith.mulf %parallel_loop3A_928, %parallel_loop3A_928 : vector<16xf32>
      %parallel_loop3A_931 = arith.addf %parallel_loop3A_883, %parallel_loop3A_930 : vector<16xf32>
      %parallel_loop3A_932 = arith.mulf %parallel_loop3A_929, %parallel_loop3A_929 : vector<16xf32>
      %parallel_loop3A_933 = arith.addf %parallel_loop3A_885, %parallel_loop3A_932 : vector<16xf32>
      %parallel_loop3A_934 = arith.constant 1 : i32
      %parallel_loop3A_935 = arith.index_cast %parallel_loop3A_934 : i32 to index
      %parallel_loop3A_936 = arith.index_cast %parallel_loop3A_857 : i32 to index
      %parallel_loop3A_937 = arith.constant 48 : index
      %parallel_loop3A_938 = tpu.vector_load %arg8[%parallel_loop3A_935, %parallel_loop3A_936, %parallel_loop3A_937] {strides = array<i32>} : memref<4x64x128xf32, #tpu.memory_space<vmem>>, vector<1x1x16xf32>,
      %parallel_loop3A_939 = vector.shape_cast %parallel_loop3A_938 : vector<1x1x16xf32> to vector<16xf32>
      %parallel_loop3A_940 = arith.constant 1 : i32
      %parallel_loop3A_941 = arith.index_cast %parallel_loop3A_940 : i32 to index
      %parallel_loop3A_942 = arith.index_cast %parallel_loop3A_857 : i32 to index
      %parallel_loop3A_943 = arith.constant 48 : index
      %parallel_loop3A_944 = tpu.vector_load %arg9[%parallel_loop3A_941, %parallel_loop3A_942, %parallel_loop3A_943] {strides = array<i32>} : memref<4x64x128xf32, #tpu.memory_space<vmem>>, vector<1x1x16xf32>,
      %parallel_loop3A_945 = vector.shape_cast %parallel_loop3A_944 : vector<1x1x16xf32> to vector<16xf32>
      %parallel_loop3A_946 = arith.constant 1 : i32
      %parallel_loop3A_947 = arith.index_cast %parallel_loop3A_946 : i32 to index
      %parallel_loop3A_948 = arith.index_cast %parallel_loop3A_857 : i32 to index
      %parallel_loop3A_949 = arith.constant 48 : index
      %parallel_loop3A_950 = tpu.vector_load %arg10[%parallel_loop3A_947, %parallel_loop3A_948, %parallel_loop3A_949] {strides = array<i32>} : memref<4x64x128xf32, #tpu.memory_space<vmem>>, vector<1x1x16xf32>,
      %parallel_loop3A_951 = vector.shape_cast %parallel_loop3A_950 : vector<1x1x16xf32> to vector<16xf32>
      %parallel_loop3A_952 = arith.subf %parallel_loop3A_939, %parallel_loop3A_945 : vector<16xf32>
      %parallel_loop3A_953 = arith.subf %parallel_loop3A_939, %parallel_loop3A_951 : vector<16xf32>
      %parallel_loop3A_954 = arith.mulf %parallel_loop3A_952, %parallel_loop3A_952 : vector<16xf32>
      %parallel_loop3A_955 = arith.addf %parallel_loop3A_907, %parallel_loop3A_954 : vector<16xf32>
      %parallel_loop3A_956 = arith.mulf %parallel_loop3A_953, %parallel_loop3A_953 : vector<16xf32>
      %parallel_loop3A_957 = arith.addf %parallel_loop3A_909, %parallel_loop3A_956 : vector<16xf32>
      %parallel_loop3A_958 = arith.constant 1 : i32
      %parallel_loop3A_959 = arith.index_cast %parallel_loop3A_958 : i32 to index
      %parallel_loop3A_960 = arith.index_cast %parallel_loop3A_857 : i32 to index
      %parallel_loop3A_961 = arith.constant 64 : index
      %parallel_loop3A_962 = tpu.vector_load %arg8[%parallel_loop3A_959, %parallel_loop3A_960, %parallel_loop3A_961] {strides = array<i32>} : memref<4x64x128xf32, #tpu.memory_space<vmem>>, vector<1x1x16xf32>,
      %parallel_loop3A_963 = vector.shape_cast %parallel_loop3A_962 : vector<1x1x16xf32> to vector<16xf32>
      %parallel_loop3A_964 = arith.constant 1 : i32
      %parallel_loop3A_965 = arith.index_cast %parallel_loop3A_964 : i32 to index
      %parallel_loop3A_966 = arith.index_cast %parallel_loop3A_857 : i32 to index
      %parallel_loop3A_967 = arith.constant 64 : index
      %parallel_loop3A_968 = tpu.vector_load %arg9[%parallel_loop3A_965, %parallel_loop3A_966, %parallel_loop3A_967] {strides = array<i32>} : memref<4x64x128xf32, #tpu.memory_space<vmem>>, vector<1x1x16xf32>,
      %parallel_loop3A_969 = vector.shape_cast %parallel_loop3A_968 : vector<1x1x16xf32> to vector<16xf32>
      %parallel_loop3A_970 = arith.constant 1 : i32
      %parallel_loop3A_971 = arith.index_cast %parallel_loop3A_970 : i32 to index
      %parallel_loop3A_972 = arith.index_cast %parallel_loop3A_857 : i32 to index
      %parallel_loop3A_973 = arith.constant 64 : index
      %parallel_loop3A_974 = tpu.vector_load %arg10[%parallel_loop3A_971, %parallel_loop3A_972, %parallel_loop3A_973] {strides = array<i32>} : memref<4x64x128xf32, #tpu.memory_space<vmem>>, vector<1x1x16xf32>,
      %parallel_loop3A_975 = vector.shape_cast %parallel_loop3A_974 : vector<1x1x16xf32> to vector<16xf32>
      %parallel_loop3A_976 = arith.subf %parallel_loop3A_963, %parallel_loop3A_969 : vector<16xf32>
      %parallel_loop3A_977 = arith.subf %parallel_loop3A_963, %parallel_loop3A_975 : vector<16xf32>
      %parallel_loop3A_978 = arith.mulf %parallel_loop3A_976, %parallel_loop3A_976 : vector<16xf32>
      %parallel_loop3A_979 = arith.addf %parallel_loop3A_931, %parallel_loop3A_978 : vector<16xf32>
      %parallel_loop3A_980 = arith.mulf %parallel_loop3A_977, %parallel_loop3A_977 : vector<16xf32>
      %parallel_loop3A_981 = arith.addf %parallel_loop3A_933, %parallel_loop3A_980 : vector<16xf32>
      %parallel_loop3A_982 = arith.constant 1 : i32
      %parallel_loop3A_983 = arith.index_cast %parallel_loop3A_982 : i32 to index
      %parallel_loop3A_984 = arith.index_cast %parallel_loop3A_857 : i32 to index
      %parallel_loop3A_985 = arith.constant 80 : index
      %parallel_loop3A_986 = tpu.vector_load %arg8[%parallel_loop3A_983, %parallel_loop3A_984, %parallel_loop3A_985] {strides = array<i32>} : memref<4x64x128xf32, #tpu.memory_space<vmem>>, vector<1x1x16xf32>,
      %parallel_loop3A_987 = vector.shape_cast %parallel_loop3A_986 : vector<1x1x16xf32> to vector<16xf32>
      %parallel_loop3A_988 = arith.constant 1 : i32
      %parallel_loop3A_989 = arith.index_cast %parallel_loop3A_988 : i32 to index
      %parallel_loop3A_990 = arith.index_cast %parallel_loop3A_857 : i32 to index
      %parallel_loop3A_991 = arith.constant 80 : index
      %parallel_loop3A_992 = tpu.vector_load %arg9[%parallel_loop3A_989, %parallel_loop3A_990, %parallel_loop3A_991] {strides = array<i32>} : memref<4x64x128xf32, #tpu.memory_space<vmem>>, vector<1x1x16xf32>,
      %parallel_loop3A_993 = vector.shape_cast %parallel_loop3A_992 : vector<1x1x16xf32> to vector<16xf32>
      %parallel_loop3A_994 = arith.constant 1 : i32
      %parallel_loop3A_995 = arith.index_cast %parallel_loop3A_994 : i32 to index
      %parallel_loop3A_996 = arith.index_cast %parallel_loop3A_857 : i32 to index
      %parallel_loop3A_997 = arith.constant 80 : index
      %parallel_loop3A_998 = tpu.vector_load %arg10[%parallel_loop3A_995, %parallel_loop3A_996, %parallel_loop3A_997] {strides = array<i32>} : memref<4x64x128xf32, #tpu.memory_space<vmem>>, vector<1x1x16xf32>,
      %parallel_loop3A_999 = vector.shape_cast %parallel_loop3A_998 : vector<1x1x16xf32> to vector<16xf32>
      %parallel_loop3A_1000 = arith.subf %parallel_loop3A_987, %parallel_loop3A_993 : vector<16xf32>
      %parallel_loop3A_1001 = arith.subf %parallel_loop3A_987, %parallel_loop3A_999 : vector<16xf32>
      %parallel_loop3A_1002 = arith.mulf %parallel_loop3A_1000, %parallel_loop3A_1000 : vector<16xf32>
      %parallel_loop3A_1003 = arith.addf %parallel_loop3A_955, %parallel_loop3A_1002 : vector<16xf32>
      %parallel_loop3A_1004 = arith.mulf %parallel_loop3A_1001, %parallel_loop3A_1001 : vector<16xf32>
      %parallel_loop3A_1005 = arith.addf %parallel_loop3A_957, %parallel_loop3A_1004 : vector<16xf32>
      %parallel_loop3A_1006 = arith.constant 1 : i32
      %parallel_loop3A_1007 = arith.index_cast %parallel_loop3A_1006 : i32 to index
      %parallel_loop3A_1008 = arith.index_cast %parallel_loop3A_857 : i32 to index
      %parallel_loop3A_1009 = arith.constant 96 : index
      %parallel_loop3A_1010 = tpu.vector_load %arg8[%parallel_loop3A_1007, %parallel_loop3A_1008, %parallel_loop3A_1009] {strides = array<i32>} : memref<4x64x128xf32, #tpu.memory_space<vmem>>, vector<1x1x16xf32>,
      %parallel_loop3A_1011 = vector.shape_cast %parallel_loop3A_1010 : vector<1x1x16xf32> to vector<16xf32>
      %parallel_loop3A_1012 = arith.constant 1 : i32
      %parallel_loop3A_1013 = arith.index_cast %parallel_loop3A_1012 : i32 to index
      %parallel_loop3A_1014 = arith.index_cast %parallel_loop3A_857 : i32 to index
      %parallel_loop3A_1015 = arith.constant 96 : index
      %parallel_loop3A_1016 = tpu.vector_load %arg9[%parallel_loop3A_1013, %parallel_loop3A_1014, %parallel_loop3A_1015] {strides = array<i32>} : memref<4x64x128xf32, #tpu.memory_space<vmem>>, vector<1x1x16xf32>,
      %parallel_loop3A_1017 = vector.shape_cast %parallel_loop3A_1016 : vector<1x1x16xf32> to vector<16xf32>
      %parallel_loop3A_1018 = arith.constant 1 : i32
      %parallel_loop3A_1019 = arith.index_cast %parallel_loop3A_1018 : i32 to index
      %parallel_loop3A_1020 = arith.index_cast %parallel_loop3A_857 : i32 to index
      %parallel_loop3A_1021 = arith.constant 96 : index
      %parallel_loop3A_1022 = tpu.vector_load %arg10[%parallel_loop3A_1019, %parallel_loop3A_1020, %parallel_loop3A_1021] {strides = array<i32>} : memref<4x64x128xf32, #tpu.memory_space<vmem>>, vector<1x1x16xf32>,
      %parallel_loop3A_1023 = vector.shape_cast %parallel_loop3A_1022 : vector<1x1x16xf32> to vector<16xf32>
      %parallel_loop3A_1024 = arith.subf %parallel_loop3A_1011, %parallel_loop3A_1017 : vector<16xf32>
      %parallel_loop3A_1025 = arith.subf %parallel_loop3A_1011, %parallel_loop3A_1023 : vector<16xf32>
      %parallel_loop3A_1026 = arith.mulf %parallel_loop3A_1024, %parallel_loop3A_1024 : vector<16xf32>
      %parallel_loop3A_1027 = arith.addf %parallel_loop3A_979, %parallel_loop3A_1026 : vector<16xf32>
      %parallel_loop3A_1028 = arith.mulf %parallel_loop3A_1025, %parallel_loop3A_1025 : vector<16xf32>
      %parallel_loop3A_1029 = arith.addf %parallel_loop3A_981, %parallel_loop3A_1028 : vector<16xf32>
      %parallel_loop3A_1030 = arith.constant 1 : i32
      %parallel_loop3A_1031 = arith.index_cast %parallel_loop3A_1030 : i32 to index
      %parallel_loop3A_1032 = arith.index_cast %parallel_loop3A_857 : i32 to index
      %parallel_loop3A_1033 = arith.constant 112 : index
      %parallel_loop3A_1034 = tpu.vector_load %arg8[%parallel_loop3A_1031, %parallel_loop3A_1032, %parallel_loop3A_1033] {strides = array<i32>} : memref<4x64x128xf32, #tpu.memory_space<vmem>>, vector<1x1x16xf32>,
      %parallel_loop3A_1035 = vector.shape_cast %parallel_loop3A_1034 : vector<1x1x16xf32> to vector<16xf32>
      %parallel_loop3A_1036 = arith.constant 1 : i32
      %parallel_loop3A_1037 = arith.index_cast %parallel_loop3A_1036 : i32 to index
      %parallel_loop3A_1038 = arith.index_cast %parallel_loop3A_857 : i32 to index
      %parallel_loop3A_1039 = arith.constant 112 : index
      %parallel_loop3A_1040 = tpu.vector_load %arg9[%parallel_loop3A_1037, %parallel_loop3A_1038, %parallel_loop3A_1039] {strides = array<i32>} : memref<4x64x128xf32, #tpu.memory_space<vmem>>, vector<1x1x16xf32>,
      %parallel_loop3A_1041 = vector.shape_cast %parallel_loop3A_1040 : vector<1x1x16xf32> to vector<16xf32>
      %parallel_loop3A_1042 = arith.constant 1 : i32
      %parallel_loop3A_1043 = arith.index_cast %parallel_loop3A_1042 : i32 to index
      %parallel_loop3A_1044 = arith.index_cast %parallel_loop3A_857 : i32 to index
      %parallel_loop3A_1045 = arith.constant 112 : index
      %parallel_loop3A_1046 = tpu.vector_load %arg10[%parallel_loop3A_1043, %parallel_loop3A_1044, %parallel_loop3A_1045] {strides = array<i32>} : memref<4x64x128xf32, #tpu.memory_space<vmem>>, vector<1x1x16xf32>,
      %parallel_loop3A_1047 = vector.shape_cast %parallel_loop3A_1046 : vector<1x1x16xf32> to vector<16xf32>
      %parallel_loop3A_1048 = arith.subf %parallel_loop3A_1035, %parallel_loop3A_1041 : vector<16xf32>
      %parallel_loop3A_1049 = arith.subf %parallel_loop3A_1035, %parallel_loop3A_1047 : vector<16xf32>
      %parallel_loop3A_1050 = arith.mulf %parallel_loop3A_1048, %parallel_loop3A_1048 : vector<16xf32>
      %parallel_loop3A_1051 = arith.addf %parallel_loop3A_1003, %parallel_loop3A_1050 : vector<16xf32>
      %parallel_loop3A_1052 = arith.mulf %parallel_loop3A_1049, %parallel_loop3A_1049 : vector<16xf32>
      %parallel_loop3A_1053 = arith.addf %parallel_loop3A_1005, %parallel_loop3A_1052 : vector<16xf32>
      scf.yield %parallel_loop3A_1027, %parallel_loop3A_1051, %parallel_loop3A_1029, %parallel_loop3A_1053 : vector<16xf32>, vector<16xf32>, vector<16xf32>, vector<16xf32>
    } {sc.loop_unroll_factor = 2 : i64, sc.parallel_access}
    %dma_wait3A_743 = arith.constant 3 : i32
    %dma_wait3A_744 = arith.constant 2 : i32
    %dma_wait3A_745 = arith.constant 2 : i32
    %dma_wait3A_746 = arith.constant 0 : i32
    %dma_wait3A_747 = arith.constant 0 : i32
    %dma_wait3A_748 = arith.constant 0 : i32
    %dma_wait3A_749 = tpu.memref_slice %arg8[%dma_wait3A_744, %dma_wait3A_747, %dma_wait3A_748] : memref<4x64x128xf32, #tpu.memory_space<vmem>> -> memref<1x64x128xf32, #tpu.memory_space<vmem>>
    %dma_wait3A_750 = tpu.memref_squeeze %dma_wait3A_749 : memref<1x64x128xf32, #tpu.memory_space<vmem>> -> memref<64x128xf32, #tpu.memory_space<vmem>>
    %dma_wait3A_751 = arith.constant 0 : i32
    %dma_wait3A_752 = tpu.memref_slice %arg7[%dma_wait3A_743, %dma_wait3A_751] : memref<4x128xi32, #tpu.memory_space<vmem>> -> memref<1x64xi32, #tpu.memory_space<vmem>>
    %dma_wait3A_753 = tpu.memref_squeeze %dma_wait3A_752 : memref<1x64xi32, #tpu.memory_space<vmem>> -> memref<64xi32, #tpu.memory_space<vmem>>
    %dma_wait3A_754 = arith.constant 0 : i32
    %dma_wait3A_755 = arith.constant 0 : i32
    %dma_wait3A_756 = tpu.memref_slice %arg5[%dma_wait3A_754, %dma_wait3A_755] : memref<100000x128xf32, #tpu.memory_space<hbm>> -> memref<100000x128xf32, #tpu.memory_space<hbm>>
    %dma_wait3A_757 = tpu.memref_slice %arg12[%dma_wait3A_745, %dma_wait3A_746] : memref<4x3x!tpu.dma_semaphore, #tpu.memory_space<semaphore_mem>> -> memref<1x1x!tpu.dma_semaphore, #tpu.memory_space<semaphore_mem>>
    %dma_wait3A_758 = tpu.memref_squeeze %dma_wait3A_757 : memref<1x1x!tpu.dma_semaphore, #tpu.memory_space<semaphore_mem>> -> memref<!tpu.dma_semaphore, #tpu.memory_space<semaphore_mem>>
    tpu.wait_indirect_dma semaphore(%dma_wait3A_758 : memref<!tpu.dma_semaphore, #tpu.memory_space<semaphore_mem>>) src(%dma_wait3A_756 : memref<100000x128xf32, #tpu.memory_space<hbm>>) dst(%dma_wait3A_750 : memref<64x128xf32, #tpu.memory_space<vmem>>)
    %dma_wait3A_759 = arith.constant 2 : i32
    %dma_wait3A_760 = arith.constant 2 : i32
    %dma_wait3A_761 = arith.constant 1 : i32
    %dma_wait3A_762 = arith.constant 0 : i32
    %dma_wait3A_763 = arith.constant 0 : i32
    %dma_wait3A_764 = tpu.memref_slice %arg9[%dma_wait3A_759, %dma_wait3A_762, %dma_wait3A_763] : memref<4x64x128xf32, #tpu.memory_space<vmem>> -> memref<1x64x128xf32, #tpu.memory_space<vmem>>
    %dma_wait3A_765 = tpu.memref_squeeze %dma_wait3A_764 : memref<1x64x128xf32, #tpu.memory_space<vmem>> -> memref<64x128xf32, #tpu.memory_space<vmem>>
    %dma_wait3A_766 = arith.constant 0 : i32
    %dma_wait3A_767 = tpu.memref_slice %arg3[%add3A_528, %dma_wait3A_766] : memref<16384x128xf32, #tpu.memory_space<hbm>> -> memref<64x128xf32, #tpu.memory_space<hbm>>
    %dma_wait3A_768 = tpu.memref_slice %arg12[%dma_wait3A_760, %dma_wait3A_761] : memref<4x3x!tpu.dma_semaphore, #tpu.memory_space<semaphore_mem>> -> memref<1x1x!tpu.dma_semaphore, #tpu.memory_space<semaphore_mem>>
    %dma_wait3A_769 = tpu.memref_squeeze %dma_wait3A_768 : memref<1x1x!tpu.dma_semaphore, #tpu.memory_space<semaphore_mem>> -> memref<!tpu.dma_semaphore, #tpu.memory_space<semaphore_mem>>
    %dma_wait3A_770 = arith.constant 0 : i32
    %dma_wait3A_771 = arith.constant 0 : i32
    %dma_wait3A_772 = tpu.memref_slice %arg9[%dma_wait3A_759, %dma_wait3A_770, %dma_wait3A_771] : memref<4x64x128xf32, #tpu.memory_space<vmem>> -> memref<1x64x128xf32, #tpu.memory_space<vmem>>
    %dma_wait3A_773 = tpu.memref_squeeze %dma_wait3A_772 : memref<1x64x128xf32, #tpu.memory_space<vmem>> -> memref<64x128xf32, #tpu.memory_space<vmem>>
    %dma_wait3A_774 = arith.constant 0 : i32
    %dma_wait3A_775 = tpu.memref_slice %arg3[%add3A_528, %dma_wait3A_774] : memref<16384x128xf32, #tpu.memory_space<hbm>> -> memref<64x128xf32, #tpu.memory_space<hbm>>
    tpu.wait_dma2 semaphore(%dma_wait3A_769 : memref<!tpu.dma_semaphore, #tpu.memory_space<semaphore_mem>>) src(%dma_wait3A_775 : memref<64x128xf32, #tpu.memory_space<hbm>>) dst(%dma_wait3A_773 : memref<64x128xf32, #tpu.memory_space<vmem>>)
    %dma_wait3A_776 = arith.constant 2 : i32
    %dma_wait3A_777 = arith.constant 2 : i32
    %dma_wait3A_778 = arith.constant 2 : i32
    %dma_wait3A_779 = arith.constant 0 : i32
    %dma_wait3A_780 = arith.constant 0 : i32
    %dma_wait3A_781 = tpu.memref_slice %arg10[%dma_wait3A_776, %dma_wait3A_779, %dma_wait3A_780] : memref<4x64x128xf32, #tpu.memory_space<vmem>> -> memref<1x64x128xf32, #tpu.memory_space<vmem>>
    %dma_wait3A_782 = tpu.memref_squeeze %dma_wait3A_781 : memref<1x64x128xf32, #tpu.memory_space<vmem>> -> memref<64x128xf32, #tpu.memory_space<vmem>>
    %dma_wait3A_783 = arith.constant 0 : i32
    %dma_wait3A_784 = tpu.memref_slice %arg4[%add3A_528, %dma_wait3A_783] : memref<16384x128xf32, #tpu.memory_space<hbm>> -> memref<64x128xf32, #tpu.memory_space<hbm>>
    %dma_wait3A_785 = tpu.memref_slice %arg12[%dma_wait3A_777, %dma_wait3A_778] : memref<4x3x!tpu.dma_semaphore, #tpu.memory_space<semaphore_mem>> -> memref<1x1x!tpu.dma_semaphore, #tpu.memory_space<semaphore_mem>>
    %dma_wait3A_786 = tpu.memref_squeeze %dma_wait3A_785 : memref<1x1x!tpu.dma_semaphore, #tpu.memory_space<semaphore_mem>> -> memref<!tpu.dma_semaphore, #tpu.memory_space<semaphore_mem>>
    %dma_wait3A_787 = arith.constant 0 : i32
    %dma_wait3A_788 = arith.constant 0 : i32
    %dma_wait3A_789 = tpu.memref_slice %arg10[%dma_wait3A_776, %dma_wait3A_787, %dma_wait3A_788] : memref<4x64x128xf32, #tpu.memory_space<vmem>> -> memref<1x64x128xf32, #tpu.memory_space<vmem>>
    %dma_wait3A_790 = tpu.memref_squeeze %dma_wait3A_789 : memref<1x64x128xf32, #tpu.memory_space<vmem>> -> memref<64x128xf32, #tpu.memory_space<vmem>>
    %dma_wait3A_791 = arith.constant 0 : i32
    %dma_wait3A_792 = tpu.memref_slice %arg4[%add3A_528, %dma_wait3A_791] : memref<16384x128xf32, #tpu.memory_space<hbm>> -> memref<64x128xf32, #tpu.memory_space<hbm>>
    tpu.wait_dma2 semaphore(%dma_wait3A_786 : memref<!tpu.dma_semaphore, #tpu.memory_space<semaphore_mem>>) src(%dma_wait3A_792 : memref<64x128xf32, #tpu.memory_space<hbm>>) dst(%dma_wait3A_790 : memref<64x128xf32, #tpu.memory_space<vmem>>)
    %parallel_loop3A_793 = arith.constant 0 : i32
    %parallel_loop3A_794 = arith.constant 64 : i32
    %parallel_loop3A_795 = arith.constant 1 : i32
    %parallel_loop3A_796:4 = scf.for %parallel_loop3A_857 = %parallel_loop3A_793 to %parallel_loop3A_794 step %parallel_loop3A_795 iter_args(%parallel_loop3A_858 = %parallel_loop3A_742#0, %parallel_loop3A_859 = %parallel_loop3A_742#1, %parallel_loop3A_860 = %parallel_loop3A_742#2, %parallel_loop3A_861 = %parallel_loop3A_742#3) -> (vector<16xf32>, vector<16xf32>, vector<16xf32>, vector<16xf32>)  : i32 {
      %parallel_loop3A_862 = arith.constant 2 : i32
      %parallel_loop3A_863 = arith.index_cast %parallel_loop3A_862 : i32 to index
      %parallel_loop3A_864 = arith.index_cast %parallel_loop3A_857 : i32 to index
      %parallel_loop3A_865 = arith.constant 0 : index
      %parallel_loop3A_866 = tpu.vector_load %arg8[%parallel_loop3A_863, %parallel_loop3A_864, %parallel_loop3A_865] {strides = array<i32>} : memref<4x64x128xf32, #tpu.memory_space<vmem>>, vector<1x1x16xf32>,
      %parallel_loop3A_867 = vector.shape_cast %parallel_loop3A_866 : vector<1x1x16xf32> to vector<16xf32>
      %parallel_loop3A_868 = arith.constant 2 : i32
      %parallel_loop3A_869 = arith.index_cast %parallel_loop3A_868 : i32 to index
      %parallel_loop3A_870 = arith.index_cast %parallel_loop3A_857 : i32 to index
      %parallel_loop3A_871 = arith.constant 0 : index
      %parallel_loop3A_872 = tpu.vector_load %arg9[%parallel_loop3A_869, %parallel_loop3A_870, %parallel_loop3A_871] {strides = array<i32>} : memref<4x64x128xf32, #tpu.memory_space<vmem>>, vector<1x1x16xf32>,
      %parallel_loop3A_873 = vector.shape_cast %parallel_loop3A_872 : vector<1x1x16xf32> to vector<16xf32>
      %parallel_loop3A_874 = arith.constant 2 : i32
      %parallel_loop3A_875 = arith.index_cast %parallel_loop3A_874 : i32 to index
      %parallel_loop3A_876 = arith.index_cast %parallel_loop3A_857 : i32 to index
      %parallel_loop3A_877 = arith.constant 0 : index
      %parallel_loop3A_878 = tpu.vector_load %arg10[%parallel_loop3A_875, %parallel_loop3A_876, %parallel_loop3A_877] {strides = array<i32>} : memref<4x64x128xf32, #tpu.memory_space<vmem>>, vector<1x1x16xf32>,
      %parallel_loop3A_879 = vector.shape_cast %parallel_loop3A_878 : vector<1x1x16xf32> to vector<16xf32>
      %parallel_loop3A_880 = arith.subf %parallel_loop3A_867, %parallel_loop3A_873 : vector<16xf32>
      %parallel_loop3A_881 = arith.subf %parallel_loop3A_867, %parallel_loop3A_879 : vector<16xf32>
      %parallel_loop3A_882 = arith.mulf %parallel_loop3A_880, %parallel_loop3A_880 : vector<16xf32>
      %parallel_loop3A_883 = arith.addf %parallel_loop3A_858, %parallel_loop3A_882 : vector<16xf32>
      %parallel_loop3A_884 = arith.mulf %parallel_loop3A_881, %parallel_loop3A_881 : vector<16xf32>
      %parallel_loop3A_885 = arith.addf %parallel_loop3A_860, %parallel_loop3A_884 : vector<16xf32>
      %parallel_loop3A_886 = arith.constant 2 : i32
      %parallel_loop3A_887 = arith.index_cast %parallel_loop3A_886 : i32 to index
      %parallel_loop3A_888 = arith.index_cast %parallel_loop3A_857 : i32 to index
      %parallel_loop3A_889 = arith.constant 16 : index
      %parallel_loop3A_890 = tpu.vector_load %arg8[%parallel_loop3A_887, %parallel_loop3A_888, %parallel_loop3A_889] {strides = array<i32>} : memref<4x64x128xf32, #tpu.memory_space<vmem>>, vector<1x1x16xf32>,
      %parallel_loop3A_891 = vector.shape_cast %parallel_loop3A_890 : vector<1x1x16xf32> to vector<16xf32>
      %parallel_loop3A_892 = arith.constant 2 : i32
      %parallel_loop3A_893 = arith.index_cast %parallel_loop3A_892 : i32 to index
      %parallel_loop3A_894 = arith.index_cast %parallel_loop3A_857 : i32 to index
      %parallel_loop3A_895 = arith.constant 16 : index
      %parallel_loop3A_896 = tpu.vector_load %arg9[%parallel_loop3A_893, %parallel_loop3A_894, %parallel_loop3A_895] {strides = array<i32>} : memref<4x64x128xf32, #tpu.memory_space<vmem>>, vector<1x1x16xf32>,
      %parallel_loop3A_897 = vector.shape_cast %parallel_loop3A_896 : vector<1x1x16xf32> to vector<16xf32>
      %parallel_loop3A_898 = arith.constant 2 : i32
      %parallel_loop3A_899 = arith.index_cast %parallel_loop3A_898 : i32 to index
      %parallel_loop3A_900 = arith.index_cast %parallel_loop3A_857 : i32 to index
      %parallel_loop3A_901 = arith.constant 16 : index
      %parallel_loop3A_902 = tpu.vector_load %arg10[%parallel_loop3A_899, %parallel_loop3A_900, %parallel_loop3A_901] {strides = array<i32>} : memref<4x64x128xf32, #tpu.memory_space<vmem>>, vector<1x1x16xf32>,
      %parallel_loop3A_903 = vector.shape_cast %parallel_loop3A_902 : vector<1x1x16xf32> to vector<16xf32>
      %parallel_loop3A_904 = arith.subf %parallel_loop3A_891, %parallel_loop3A_897 : vector<16xf32>
      %parallel_loop3A_905 = arith.subf %parallel_loop3A_891, %parallel_loop3A_903 : vector<16xf32>
      %parallel_loop3A_906 = arith.mulf %parallel_loop3A_904, %parallel_loop3A_904 : vector<16xf32>
      %parallel_loop3A_907 = arith.addf %parallel_loop3A_859, %parallel_loop3A_906 : vector<16xf32>
      %parallel_loop3A_908 = arith.mulf %parallel_loop3A_905, %parallel_loop3A_905 : vector<16xf32>
      %parallel_loop3A_909 = arith.addf %parallel_loop3A_861, %parallel_loop3A_908 : vector<16xf32>
      %parallel_loop3A_910 = arith.constant 2 : i32
      %parallel_loop3A_911 = arith.index_cast %parallel_loop3A_910 : i32 to index
      %parallel_loop3A_912 = arith.index_cast %parallel_loop3A_857 : i32 to index
      %parallel_loop3A_913 = arith.constant 32 : index
      %parallel_loop3A_914 = tpu.vector_load %arg8[%parallel_loop3A_911, %parallel_loop3A_912, %parallel_loop3A_913] {strides = array<i32>} : memref<4x64x128xf32, #tpu.memory_space<vmem>>, vector<1x1x16xf32>,
      %parallel_loop3A_915 = vector.shape_cast %parallel_loop3A_914 : vector<1x1x16xf32> to vector<16xf32>
      %parallel_loop3A_916 = arith.constant 2 : i32
      %parallel_loop3A_917 = arith.index_cast %parallel_loop3A_916 : i32 to index
      %parallel_loop3A_918 = arith.index_cast %parallel_loop3A_857 : i32 to index
      %parallel_loop3A_919 = arith.constant 32 : index
      %parallel_loop3A_920 = tpu.vector_load %arg9[%parallel_loop3A_917, %parallel_loop3A_918, %parallel_loop3A_919] {strides = array<i32>} : memref<4x64x128xf32, #tpu.memory_space<vmem>>, vector<1x1x16xf32>,
      %parallel_loop3A_921 = vector.shape_cast %parallel_loop3A_920 : vector<1x1x16xf32> to vector<16xf32>
      %parallel_loop3A_922 = arith.constant 2 : i32
      %parallel_loop3A_923 = arith.index_cast %parallel_loop3A_922 : i32 to index
      %parallel_loop3A_924 = arith.index_cast %parallel_loop3A_857 : i32 to index
      %parallel_loop3A_925 = arith.constant 32 : index
      %parallel_loop3A_926 = tpu.vector_load %arg10[%parallel_loop3A_923, %parallel_loop3A_924, %parallel_loop3A_925] {strides = array<i32>} : memref<4x64x128xf32, #tpu.memory_space<vmem>>, vector<1x1x16xf32>,
      %parallel_loop3A_927 = vector.shape_cast %parallel_loop3A_926 : vector<1x1x16xf32> to vector<16xf32>
      %parallel_loop3A_928 = arith.subf %parallel_loop3A_915, %parallel_loop3A_921 : vector<16xf32>
      %parallel_loop3A_929 = arith.subf %parallel_loop3A_915, %parallel_loop3A_927 : vector<16xf32>
      %parallel_loop3A_930 = arith.mulf %parallel_loop3A_928, %parallel_loop3A_928 : vector<16xf32>
      %parallel_loop3A_931 = arith.addf %parallel_loop3A_883, %parallel_loop3A_930 : vector<16xf32>
      %parallel_loop3A_932 = arith.mulf %parallel_loop3A_929, %parallel_loop3A_929 : vector<16xf32>
      %parallel_loop3A_933 = arith.addf %parallel_loop3A_885, %parallel_loop3A_932 : vector<16xf32>
      %parallel_loop3A_934 = arith.constant 2 : i32
      %parallel_loop3A_935 = arith.index_cast %parallel_loop3A_934 : i32 to index
      %parallel_loop3A_936 = arith.index_cast %parallel_loop3A_857 : i32 to index
      %parallel_loop3A_937 = arith.constant 48 : index
      %parallel_loop3A_938 = tpu.vector_load %arg8[%parallel_loop3A_935, %parallel_loop3A_936, %parallel_loop3A_937] {strides = array<i32>} : memref<4x64x128xf32, #tpu.memory_space<vmem>>, vector<1x1x16xf32>,
      %parallel_loop3A_939 = vector.shape_cast %parallel_loop3A_938 : vector<1x1x16xf32> to vector<16xf32>
      %parallel_loop3A_940 = arith.constant 2 : i32
      %parallel_loop3A_941 = arith.index_cast %parallel_loop3A_940 : i32 to index
      %parallel_loop3A_942 = arith.index_cast %parallel_loop3A_857 : i32 to index
      %parallel_loop3A_943 = arith.constant 48 : index
      %parallel_loop3A_944 = tpu.vector_load %arg9[%parallel_loop3A_941, %parallel_loop3A_942, %parallel_loop3A_943] {strides = array<i32>} : memref<4x64x128xf32, #tpu.memory_space<vmem>>, vector<1x1x16xf32>,
      %parallel_loop3A_945 = vector.shape_cast %parallel_loop3A_944 : vector<1x1x16xf32> to vector<16xf32>
      %parallel_loop3A_946 = arith.constant 2 : i32
      %parallel_loop3A_947 = arith.index_cast %parallel_loop3A_946 : i32 to index
      %parallel_loop3A_948 = arith.index_cast %parallel_loop3A_857 : i32 to index
      %parallel_loop3A_949 = arith.constant 48 : index
      %parallel_loop3A_950 = tpu.vector_load %arg10[%parallel_loop3A_947, %parallel_loop3A_948, %parallel_loop3A_949] {strides = array<i32>} : memref<4x64x128xf32, #tpu.memory_space<vmem>>, vector<1x1x16xf32>,
      %parallel_loop3A_951 = vector.shape_cast %parallel_loop3A_950 : vector<1x1x16xf32> to vector<16xf32>
      %parallel_loop3A_952 = arith.subf %parallel_loop3A_939, %parallel_loop3A_945 : vector<16xf32>
      %parallel_loop3A_953 = arith.subf %parallel_loop3A_939, %parallel_loop3A_951 : vector<16xf32>
      %parallel_loop3A_954 = arith.mulf %parallel_loop3A_952, %parallel_loop3A_952 : vector<16xf32>
      %parallel_loop3A_955 = arith.addf %parallel_loop3A_907, %parallel_loop3A_954 : vector<16xf32>
      %parallel_loop3A_956 = arith.mulf %parallel_loop3A_953, %parallel_loop3A_953 : vector<16xf32>
      %parallel_loop3A_957 = arith.addf %parallel_loop3A_909, %parallel_loop3A_956 : vector<16xf32>
      %parallel_loop3A_958 = arith.constant 2 : i32
      %parallel_loop3A_959 = arith.index_cast %parallel_loop3A_958 : i32 to index
      %parallel_loop3A_960 = arith.index_cast %parallel_loop3A_857 : i32 to index
      %parallel_loop3A_961 = arith.constant 64 : index
      %parallel_loop3A_962 = tpu.vector_load %arg8[%parallel_loop3A_959, %parallel_loop3A_960, %parallel_loop3A_961] {strides = array<i32>} : memref<4x64x128xf32, #tpu.memory_space<vmem>>, vector<1x1x16xf32>,
      %parallel_loop3A_963 = vector.shape_cast %parallel_loop3A_962 : vector<1x1x16xf32> to vector<16xf32>
      %parallel_loop3A_964 = arith.constant 2 : i32
      %parallel_loop3A_965 = arith.index_cast %parallel_loop3A_964 : i32 to index
      %parallel_loop3A_966 = arith.index_cast %parallel_loop3A_857 : i32 to index
      %parallel_loop3A_967 = arith.constant 64 : index
      %parallel_loop3A_968 = tpu.vector_load %arg9[%parallel_loop3A_965, %parallel_loop3A_966, %parallel_loop3A_967] {strides = array<i32>} : memref<4x64x128xf32, #tpu.memory_space<vmem>>, vector<1x1x16xf32>,
      %parallel_loop3A_969 = vector.shape_cast %parallel_loop3A_968 : vector<1x1x16xf32> to vector<16xf32>
      %parallel_loop3A_970 = arith.constant 2 : i32
      %parallel_loop3A_971 = arith.index_cast %parallel_loop3A_970 : i32 to index
      %parallel_loop3A_972 = arith.index_cast %parallel_loop3A_857 : i32 to index
      %parallel_loop3A_973 = arith.constant 64 : index
      %parallel_loop3A_974 = tpu.vector_load %arg10[%parallel_loop3A_971, %parallel_loop3A_972, %parallel_loop3A_973] {strides = array<i32>} : memref<4x64x128xf32, #tpu.memory_space<vmem>>, vector<1x1x16xf32>,
      %parallel_loop3A_975 = vector.shape_cast %parallel_loop3A_974 : vector<1x1x16xf32> to vector<16xf32>
      %parallel_loop3A_976 = arith.subf %parallel_loop3A_963, %parallel_loop3A_969 : vector<16xf32>
      %parallel_loop3A_977 = arith.subf %parallel_loop3A_963, %parallel_loop3A_975 : vector<16xf32>
      %parallel_loop3A_978 = arith.mulf %parallel_loop3A_976, %parallel_loop3A_976 : vector<16xf32>
      %parallel_loop3A_979 = arith.addf %parallel_loop3A_931, %parallel_loop3A_978 : vector<16xf32>
      %parallel_loop3A_980 = arith.mulf %parallel_loop3A_977, %parallel_loop3A_977 : vector<16xf32>
      %parallel_loop3A_981 = arith.addf %parallel_loop3A_933, %parallel_loop3A_980 : vector<16xf32>
      %parallel_loop3A_982 = arith.constant 2 : i32
      %parallel_loop3A_983 = arith.index_cast %parallel_loop3A_982 : i32 to index
      %parallel_loop3A_984 = arith.index_cast %parallel_loop3A_857 : i32 to index
      %parallel_loop3A_985 = arith.constant 80 : index
      %parallel_loop3A_986 = tpu.vector_load %arg8[%parallel_loop3A_983, %parallel_loop3A_984, %parallel_loop3A_985] {strides = array<i32>} : memref<4x64x128xf32, #tpu.memory_space<vmem>>, vector<1x1x16xf32>,
      %parallel_loop3A_987 = vector.shape_cast %parallel_loop3A_986 : vector<1x1x16xf32> to vector<16xf32>
      %parallel_loop3A_988 = arith.constant 2 : i32
      %parallel_loop3A_989 = arith.index_cast %parallel_loop3A_988 : i32 to index
      %parallel_loop3A_990 = arith.index_cast %parallel_loop3A_857 : i32 to index
      %parallel_loop3A_991 = arith.constant 80 : index
      %parallel_loop3A_992 = tpu.vector_load %arg9[%parallel_loop3A_989, %parallel_loop3A_990, %parallel_loop3A_991] {strides = array<i32>} : memref<4x64x128xf32, #tpu.memory_space<vmem>>, vector<1x1x16xf32>,
      %parallel_loop3A_993 = vector.shape_cast %parallel_loop3A_992 : vector<1x1x16xf32> to vector<16xf32>
      %parallel_loop3A_994 = arith.constant 2 : i32
      %parallel_loop3A_995 = arith.index_cast %parallel_loop3A_994 : i32 to index
      %parallel_loop3A_996 = arith.index_cast %parallel_loop3A_857 : i32 to index
      %parallel_loop3A_997 = arith.constant 80 : index
      %parallel_loop3A_998 = tpu.vector_load %arg10[%parallel_loop3A_995, %parallel_loop3A_996, %parallel_loop3A_997] {strides = array<i32>} : memref<4x64x128xf32, #tpu.memory_space<vmem>>, vector<1x1x16xf32>,
      %parallel_loop3A_999 = vector.shape_cast %parallel_loop3A_998 : vector<1x1x16xf32> to vector<16xf32>
      %parallel_loop3A_1000 = arith.subf %parallel_loop3A_987, %parallel_loop3A_993 : vector<16xf32>
      %parallel_loop3A_1001 = arith.subf %parallel_loop3A_987, %parallel_loop3A_999 : vector<16xf32>
      %parallel_loop3A_1002 = arith.mulf %parallel_loop3A_1000, %parallel_loop3A_1000 : vector<16xf32>
      %parallel_loop3A_1003 = arith.addf %parallel_loop3A_955, %parallel_loop3A_1002 : vector<16xf32>
      %parallel_loop3A_1004 = arith.mulf %parallel_loop3A_1001, %parallel_loop3A_1001 : vector<16xf32>
      %parallel_loop3A_1005 = arith.addf %parallel_loop3A_957, %parallel_loop3A_1004 : vector<16xf32>
      %parallel_loop3A_1006 = arith.constant 2 : i32
      %parallel_loop3A_1007 = arith.index_cast %parallel_loop3A_1006 : i32 to index
      %parallel_loop3A_1008 = arith.index_cast %parallel_loop3A_857 : i32 to index
      %parallel_loop3A_1009 = arith.constant 96 : index
      %parallel_loop3A_1010 = tpu.vector_load %arg8[%parallel_loop3A_1007, %parallel_loop3A_1008, %parallel_loop3A_1009] {strides = array<i32>} : memref<4x64x128xf32, #tpu.memory_space<vmem>>, vector<1x1x16xf32>,
      %parallel_loop3A_1011 = vector.shape_cast %parallel_loop3A_1010 : vector<1x1x16xf32> to vector<16xf32>
      %parallel_loop3A_1012 = arith.constant 2 : i32
      %parallel_loop3A_1013 = arith.index_cast %parallel_loop3A_1012 : i32 to index
      %parallel_loop3A_1014 = arith.index_cast %parallel_loop3A_857 : i32 to index
      %parallel_loop3A_1015 = arith.constant 96 : index
      %parallel_loop3A_1016 = tpu.vector_load %arg9[%parallel_loop3A_1013, %parallel_loop3A_1014, %parallel_loop3A_1015] {strides = array<i32>} : memref<4x64x128xf32, #tpu.memory_space<vmem>>, vector<1x1x16xf32>,
      %parallel_loop3A_1017 = vector.shape_cast %parallel_loop3A_1016 : vector<1x1x16xf32> to vector<16xf32>
      %parallel_loop3A_1018 = arith.constant 2 : i32
      %parallel_loop3A_1019 = arith.index_cast %parallel_loop3A_1018 : i32 to index
      %parallel_loop3A_1020 = arith.index_cast %parallel_loop3A_857 : i32 to index
      %parallel_loop3A_1021 = arith.constant 96 : index
      %parallel_loop3A_1022 = tpu.vector_load %arg10[%parallel_loop3A_1019, %parallel_loop3A_1020, %parallel_loop3A_1021] {strides = array<i32>} : memref<4x64x128xf32, #tpu.memory_space<vmem>>, vector<1x1x16xf32>,
      %parallel_loop3A_1023 = vector.shape_cast %parallel_loop3A_1022 : vector<1x1x16xf32> to vector<16xf32>
      %parallel_loop3A_1024 = arith.subf %parallel_loop3A_1011, %parallel_loop3A_1017 : vector<16xf32>
      %parallel_loop3A_1025 = arith.subf %parallel_loop3A_1011, %parallel_loop3A_1023 : vector<16xf32>
      %parallel_loop3A_1026 = arith.mulf %parallel_loop3A_1024, %parallel_loop3A_1024 : vector<16xf32>
      %parallel_loop3A_1027 = arith.addf %parallel_loop3A_979, %parallel_loop3A_1026 : vector<16xf32>
      %parallel_loop3A_1028 = arith.mulf %parallel_loop3A_1025, %parallel_loop3A_1025 : vector<16xf32>
      %parallel_loop3A_1029 = arith.addf %parallel_loop3A_981, %parallel_loop3A_1028 : vector<16xf32>
      %parallel_loop3A_1030 = arith.constant 2 : i32
      %parallel_loop3A_1031 = arith.index_cast %parallel_loop3A_1030 : i32 to index
      %parallel_loop3A_1032 = arith.index_cast %parallel_loop3A_857 : i32 to index
      %parallel_loop3A_1033 = arith.constant 112 : index
      %parallel_loop3A_1034 = tpu.vector_load %arg8[%parallel_loop3A_1031, %parallel_loop3A_1032, %parallel_loop3A_1033] {strides = array<i32>} : memref<4x64x128xf32, #tpu.memory_space<vmem>>, vector<1x1x16xf32>,
      %parallel_loop3A_1035 = vector.shape_cast %parallel_loop3A_1034 : vector<1x1x16xf32> to vector<16xf32>
      %parallel_loop3A_1036 = arith.constant 2 : i32
      %parallel_loop3A_1037 = arith.index_cast %parallel_loop3A_1036 : i32 to index
      %parallel_loop3A_1038 = arith.index_cast %parallel_loop3A_857 : i32 to index
      %parallel_loop3A_1039 = arith.constant 112 : index
      %parallel_loop3A_1040 = tpu.vector_load %arg9[%parallel_loop3A_1037, %parallel_loop3A_1038, %parallel_loop3A_1039] {strides = array<i32>} : memref<4x64x128xf32, #tpu.memory_space<vmem>>, vector<1x1x16xf32>,
      %parallel_loop3A_1041 = vector.shape_cast %parallel_loop3A_1040 : vector<1x1x16xf32> to vector<16xf32>
      %parallel_loop3A_1042 = arith.constant 2 : i32
      %parallel_loop3A_1043 = arith.index_cast %parallel_loop3A_1042 : i32 to index
      %parallel_loop3A_1044 = arith.index_cast %parallel_loop3A_857 : i32 to index
      %parallel_loop3A_1045 = arith.constant 112 : index
      %parallel_loop3A_1046 = tpu.vector_load %arg10[%parallel_loop3A_1043, %parallel_loop3A_1044, %parallel_loop3A_1045] {strides = array<i32>} : memref<4x64x128xf32, #tpu.memory_space<vmem>>, vector<1x1x16xf32>,
      %parallel_loop3A_1047 = vector.shape_cast %parallel_loop3A_1046 : vector<1x1x16xf32> to vector<16xf32>
      %parallel_loop3A_1048 = arith.subf %parallel_loop3A_1035, %parallel_loop3A_1041 : vector<16xf32>
      %parallel_loop3A_1049 = arith.subf %parallel_loop3A_1035, %parallel_loop3A_1047 : vector<16xf32>
      %parallel_loop3A_1050 = arith.mulf %parallel_loop3A_1048, %parallel_loop3A_1048 : vector<16xf32>
      %parallel_loop3A_1051 = arith.addf %parallel_loop3A_1003, %parallel_loop3A_1050 : vector<16xf32>
      %parallel_loop3A_1052 = arith.mulf %parallel_loop3A_1049, %parallel_loop3A_1049 : vector<16xf32>
      %parallel_loop3A_1053 = arith.addf %parallel_loop3A_1005, %parallel_loop3A_1052 : vector<16xf32>
      scf.yield %parallel_loop3A_1027, %parallel_loop3A_1051, %parallel_loop3A_1029, %parallel_loop3A_1053 : vector<16xf32>, vector<16xf32>, vector<16xf32>, vector<16xf32>
    } {sc.loop_unroll_factor = 2 : i64, sc.parallel_access}
    %dma_wait3A_797 = arith.constant 3 : i32
    %dma_wait3A_798 = arith.constant 3 : i32
    %dma_wait3A_799 = arith.constant 3 : i32
    %dma_wait3A_800 = arith.constant 0 : i32
    %dma_wait3A_801 = arith.constant 0 : i32
    %dma_wait3A_802 = arith.constant 0 : i32
    %dma_wait3A_803 = tpu.memref_slice %arg8[%dma_wait3A_798, %dma_wait3A_801, %dma_wait3A_802] : memref<4x64x128xf32, #tpu.memory_space<vmem>> -> memref<1x64x128xf32, #tpu.memory_space<vmem>>
    %dma_wait3A_804 = tpu.memref_squeeze %dma_wait3A_803 : memref<1x64x128xf32, #tpu.memory_space<vmem>> -> memref<64x128xf32, #tpu.memory_space<vmem>>
    %dma_wait3A_805 = arith.constant 64 : i32
    %dma_wait3A_806 = tpu.memref_slice %arg7[%dma_wait3A_797, %dma_wait3A_805] : memref<4x128xi32, #tpu.memory_space<vmem>> -> memref<1x64xi32, #tpu.memory_space<vmem>>
    %dma_wait3A_807 = tpu.memref_squeeze %dma_wait3A_806 : memref<1x64xi32, #tpu.memory_space<vmem>> -> memref<64xi32, #tpu.memory_space<vmem>>
    %dma_wait3A_808 = arith.constant 0 : i32
    %dma_wait3A_809 = arith.constant 0 : i32
    %dma_wait3A_810 = tpu.memref_slice %arg5[%dma_wait3A_808, %dma_wait3A_809] : memref<100000x128xf32, #tpu.memory_space<hbm>> -> memref<100000x128xf32, #tpu.memory_space<hbm>>
    %dma_wait3A_811 = tpu.memref_slice %arg12[%dma_wait3A_799, %dma_wait3A_800] : memref<4x3x!tpu.dma_semaphore, #tpu.memory_space<semaphore_mem>> -> memref<1x1x!tpu.dma_semaphore, #tpu.memory_space<semaphore_mem>>
    %dma_wait3A_812 = tpu.memref_squeeze %dma_wait3A_811 : memref<1x1x!tpu.dma_semaphore, #tpu.memory_space<semaphore_mem>> -> memref<!tpu.dma_semaphore, #tpu.memory_space<semaphore_mem>>
    tpu.wait_indirect_dma semaphore(%dma_wait3A_812 : memref<!tpu.dma_semaphore, #tpu.memory_space<semaphore_mem>>) src(%dma_wait3A_810 : memref<100000x128xf32, #tpu.memory_space<hbm>>) dst(%dma_wait3A_804 : memref<64x128xf32, #tpu.memory_space<vmem>>)
    %dma_wait3A_813 = arith.constant 3 : i32
    %dma_wait3A_814 = arith.constant 3 : i32
    %dma_wait3A_815 = arith.constant 1 : i32
    %dma_wait3A_816 = arith.constant 0 : i32
    %dma_wait3A_817 = arith.constant 0 : i32
    %dma_wait3A_818 = tpu.memref_slice %arg9[%dma_wait3A_813, %dma_wait3A_816, %dma_wait3A_817] : memref<4x64x128xf32, #tpu.memory_space<vmem>> -> memref<1x64x128xf32, #tpu.memory_space<vmem>>
    %dma_wait3A_819 = tpu.memref_squeeze %dma_wait3A_818 : memref<1x64x128xf32, #tpu.memory_space<vmem>> -> memref<64x128xf32, #tpu.memory_space<vmem>>
    %dma_wait3A_820 = arith.constant 0 : i32
    %dma_wait3A_821 = tpu.memref_slice %arg3[%add3A_634, %dma_wait3A_820] : memref<16384x128xf32, #tpu.memory_space<hbm>> -> memref<64x128xf32, #tpu.memory_space<hbm>>
    %dma_wait3A_822 = tpu.memref_slice %arg12[%dma_wait3A_814, %dma_wait3A_815] : memref<4x3x!tpu.dma_semaphore, #tpu.memory_space<semaphore_mem>> -> memref<1x1x!tpu.dma_semaphore, #tpu.memory_space<semaphore_mem>>
    %dma_wait3A_823 = tpu.memref_squeeze %dma_wait3A_822 : memref<1x1x!tpu.dma_semaphore, #tpu.memory_space<semaphore_mem>> -> memref<!tpu.dma_semaphore, #tpu.memory_space<semaphore_mem>>
    %dma_wait3A_824 = arith.constant 0 : i32
    %dma_wait3A_825 = arith.constant 0 : i32
    %dma_wait3A_826 = tpu.memref_slice %arg9[%dma_wait3A_813, %dma_wait3A_824, %dma_wait3A_825] : memref<4x64x128xf32, #tpu.memory_space<vmem>> -> memref<1x64x128xf32, #tpu.memory_space<vmem>>
    %dma_wait3A_827 = tpu.memref_squeeze %dma_wait3A_826 : memref<1x64x128xf32, #tpu.memory_space<vmem>> -> memref<64x128xf32, #tpu.memory_space<vmem>>
    %dma_wait3A_828 = arith.constant 0 : i32
    %dma_wait3A_829 = tpu.memref_slice %arg3[%add3A_634, %dma_wait3A_828] : memref<16384x128xf32, #tpu.memory_space<hbm>> -> memref<64x128xf32, #tpu.memory_space<hbm>>
    tpu.wait_dma2 semaphore(%dma_wait3A_823 : memref<!tpu.dma_semaphore, #tpu.memory_space<semaphore_mem>>) src(%dma_wait3A_829 : memref<64x128xf32, #tpu.memory_space<hbm>>) dst(%dma_wait3A_827 : memref<64x128xf32, #tpu.memory_space<vmem>>)
    %dma_wait3A_830 = arith.constant 3 : i32
    %dma_wait3A_831 = arith.constant 3 : i32
    %dma_wait3A_832 = arith.constant 2 : i32
    %dma_wait3A_833 = arith.constant 0 : i32
    %dma_wait3A_834 = arith.constant 0 : i32
    %dma_wait3A_835 = tpu.memref_slice %arg10[%dma_wait3A_830, %dma_wait3A_833, %dma_wait3A_834] : memref<4x64x128xf32, #tpu.memory_space<vmem>> -> memref<1x64x128xf32, #tpu.memory_space<vmem>>
    %dma_wait3A_836 = tpu.memref_squeeze %dma_wait3A_835 : memref<1x64x128xf32, #tpu.memory_space<vmem>> -> memref<64x128xf32, #tpu.memory_space<vmem>>
    %dma_wait3A_837 = arith.constant 0 : i32
    %dma_wait3A_838 = tpu.memref_slice %arg4[%add3A_634, %dma_wait3A_837] : memref<16384x128xf32, #tpu.memory_space<hbm>> -> memref<64x128xf32, #tpu.memory_space<hbm>>
    %dma_wait3A_839 = tpu.memref_slice %arg12[%dma_wait3A_831, %dma_wait3A_832] : memref<4x3x!tpu.dma_semaphore, #tpu.memory_space<semaphore_mem>> -> memref<1x1x!tpu.dma_semaphore, #tpu.memory_space<semaphore_mem>>
    %dma_wait3A_840 = tpu.memref_squeeze %dma_wait3A_839 : memref<1x1x!tpu.dma_semaphore, #tpu.memory_space<semaphore_mem>> -> memref<!tpu.dma_semaphore, #tpu.memory_space<semaphore_mem>>
    %dma_wait3A_841 = arith.constant 0 : i32
    %dma_wait3A_842 = arith.constant 0 : i32
    %dma_wait3A_843 = tpu.memref_slice %arg10[%dma_wait3A_830, %dma_wait3A_841, %dma_wait3A_842] : memref<4x64x128xf32, #tpu.memory_space<vmem>> -> memref<1x64x128xf32, #tpu.memory_space<vmem>>
    %dma_wait3A_844 = tpu.memref_squeeze %dma_wait3A_843 : memref<1x64x128xf32, #tpu.memory_space<vmem>> -> memref<64x128xf32, #tpu.memory_space<vmem>>
    %dma_wait3A_845 = arith.constant 0 : i32
    %dma_wait3A_846 = tpu.memref_slice %arg4[%add3A_634, %dma_wait3A_845] : memref<16384x128xf32, #tpu.memory_space<hbm>> -> memref<64x128xf32, #tpu.memory_space<hbm>>
    tpu.wait_dma2 semaphore(%dma_wait3A_840 : memref<!tpu.dma_semaphore, #tpu.memory_space<semaphore_mem>>) src(%dma_wait3A_846 : memref<64x128xf32, #tpu.memory_space<hbm>>) dst(%dma_wait3A_844 : memref<64x128xf32, #tpu.memory_space<vmem>>)
    %parallel_loop3A_847 = arith.constant 0 : i32
    %parallel_loop3A_848 = arith.constant 64 : i32
    %parallel_loop3A_849 = arith.constant 1 : i32
    %parallel_loop3A_850:4 = scf.for %parallel_loop3A_857 = %parallel_loop3A_847 to %parallel_loop3A_848 step %parallel_loop3A_849 iter_args(%parallel_loop3A_858 = %parallel_loop3A_796#0, %parallel_loop3A_859 = %parallel_loop3A_796#1, %parallel_loop3A_860 = %parallel_loop3A_796#2, %parallel_loop3A_861 = %parallel_loop3A_796#3) -> (vector<16xf32>, vector<16xf32>, vector<16xf32>, vector<16xf32>)  : i32 {
      %parallel_loop3A_862 = arith.constant 3 : i32
      %parallel_loop3A_863 = arith.index_cast %parallel_loop3A_862 : i32 to index
      %parallel_loop3A_864 = arith.index_cast %parallel_loop3A_857 : i32 to index
      %parallel_loop3A_865 = arith.constant 0 : index
      %parallel_loop3A_866 = tpu.vector_load %arg8[%parallel_loop3A_863, %parallel_loop3A_864, %parallel_loop3A_865] {strides = array<i32>} : memref<4x64x128xf32, #tpu.memory_space<vmem>>, vector<1x1x16xf32>,
      %parallel_loop3A_867 = vector.shape_cast %parallel_loop3A_866 : vector<1x1x16xf32> to vector<16xf32>
      %parallel_loop3A_868 = arith.constant 3 : i32
      %parallel_loop3A_869 = arith.index_cast %parallel_loop3A_868 : i32 to index
      %parallel_loop3A_870 = arith.index_cast %parallel_loop3A_857 : i32 to index
      %parallel_loop3A_871 = arith.constant 0 : index
      %parallel_loop3A_872 = tpu.vector_load %arg9[%parallel_loop3A_869, %parallel_loop3A_870, %parallel_loop3A_871] {strides = array<i32>} : memref<4x64x128xf32, #tpu.memory_space<vmem>>, vector<1x1x16xf32>,
      %parallel_loop3A_873 = vector.shape_cast %parallel_loop3A_872 : vector<1x1x16xf32> to vector<16xf32>
      %parallel_loop3A_874 = arith.constant 3 : i32
      %parallel_loop3A_875 = arith.index_cast %parallel_loop3A_874 : i32 to index
      %parallel_loop3A_876 = arith.index_cast %parallel_loop3A_857 : i32 to index
      %parallel_loop3A_877 = arith.constant 0 : index
      %parallel_loop3A_878 = tpu.vector_load %arg10[%parallel_loop3A_875, %parallel_loop3A_876, %parallel_loop3A_877] {strides = array<i32>} : memref<4x64x128xf32, #tpu.memory_space<vmem>>, vector<1x1x16xf32>,
      %parallel_loop3A_879 = vector.shape_cast %parallel_loop3A_878 : vector<1x1x16xf32> to vector<16xf32>
      %parallel_loop3A_880 = arith.subf %parallel_loop3A_867, %parallel_loop3A_873 : vector<16xf32>
      %parallel_loop3A_881 = arith.subf %parallel_loop3A_867, %parallel_loop3A_879 : vector<16xf32>
      %parallel_loop3A_882 = arith.mulf %parallel_loop3A_880, %parallel_loop3A_880 : vector<16xf32>
      %parallel_loop3A_883 = arith.addf %parallel_loop3A_858, %parallel_loop3A_882 : vector<16xf32>
      %parallel_loop3A_884 = arith.mulf %parallel_loop3A_881, %parallel_loop3A_881 : vector<16xf32>
      %parallel_loop3A_885 = arith.addf %parallel_loop3A_860, %parallel_loop3A_884 : vector<16xf32>
      %parallel_loop3A_886 = arith.constant 3 : i32
      %parallel_loop3A_887 = arith.index_cast %parallel_loop3A_886 : i32 to index
      %parallel_loop3A_888 = arith.index_cast %parallel_loop3A_857 : i32 to index
      %parallel_loop3A_889 = arith.constant 16 : index
      %parallel_loop3A_890 = tpu.vector_load %arg8[%parallel_loop3A_887, %parallel_loop3A_888, %parallel_loop3A_889] {strides = array<i32>} : memref<4x64x128xf32, #tpu.memory_space<vmem>>, vector<1x1x16xf32>,
      %parallel_loop3A_891 = vector.shape_cast %parallel_loop3A_890 : vector<1x1x16xf32> to vector<16xf32>
      %parallel_loop3A_892 = arith.constant 3 : i32
      %parallel_loop3A_893 = arith.index_cast %parallel_loop3A_892 : i32 to index
      %parallel_loop3A_894 = arith.index_cast %parallel_loop3A_857 : i32 to index
      %parallel_loop3A_895 = arith.constant 16 : index
      %parallel_loop3A_896 = tpu.vector_load %arg9[%parallel_loop3A_893, %parallel_loop3A_894, %parallel_loop3A_895] {strides = array<i32>} : memref<4x64x128xf32, #tpu.memory_space<vmem>>, vector<1x1x16xf32>,
      %parallel_loop3A_897 = vector.shape_cast %parallel_loop3A_896 : vector<1x1x16xf32> to vector<16xf32>
      %parallel_loop3A_898 = arith.constant 3 : i32
      %parallel_loop3A_899 = arith.index_cast %parallel_loop3A_898 : i32 to index
      %parallel_loop3A_900 = arith.index_cast %parallel_loop3A_857 : i32 to index
      %parallel_loop3A_901 = arith.constant 16 : index
      %parallel_loop3A_902 = tpu.vector_load %arg10[%parallel_loop3A_899, %parallel_loop3A_900, %parallel_loop3A_901] {strides = array<i32>} : memref<4x64x128xf32, #tpu.memory_space<vmem>>, vector<1x1x16xf32>,
      %parallel_loop3A_903 = vector.shape_cast %parallel_loop3A_902 : vector<1x1x16xf32> to vector<16xf32>
      %parallel_loop3A_904 = arith.subf %parallel_loop3A_891, %parallel_loop3A_897 : vector<16xf32>
      %parallel_loop3A_905 = arith.subf %parallel_loop3A_891, %parallel_loop3A_903 : vector<16xf32>
      %parallel_loop3A_906 = arith.mulf %parallel_loop3A_904, %parallel_loop3A_904 : vector<16xf32>
      %parallel_loop3A_907 = arith.addf %parallel_loop3A_859, %parallel_loop3A_906 : vector<16xf32>
      %parallel_loop3A_908 = arith.mulf %parallel_loop3A_905, %parallel_loop3A_905 : vector<16xf32>
      %parallel_loop3A_909 = arith.addf %parallel_loop3A_861, %parallel_loop3A_908 : vector<16xf32>
      %parallel_loop3A_910 = arith.constant 3 : i32
      %parallel_loop3A_911 = arith.index_cast %parallel_loop3A_910 : i32 to index
      %parallel_loop3A_912 = arith.index_cast %parallel_loop3A_857 : i32 to index
      %parallel_loop3A_913 = arith.constant 32 : index
      %parallel_loop3A_914 = tpu.vector_load %arg8[%parallel_loop3A_911, %parallel_loop3A_912, %parallel_loop3A_913] {strides = array<i32>} : memref<4x64x128xf32, #tpu.memory_space<vmem>>, vector<1x1x16xf32>,
      %parallel_loop3A_915 = vector.shape_cast %parallel_loop3A_914 : vector<1x1x16xf32> to vector<16xf32>
      %parallel_loop3A_916 = arith.constant 3 : i32
      %parallel_loop3A_917 = arith.index_cast %parallel_loop3A_916 : i32 to index
      %parallel_loop3A_918 = arith.index_cast %parallel_loop3A_857 : i32 to index
      %parallel_loop3A_919 = arith.constant 32 : index
      %parallel_loop3A_920 = tpu.vector_load %arg9[%parallel_loop3A_917, %parallel_loop3A_918, %parallel_loop3A_919] {strides = array<i32>} : memref<4x64x128xf32, #tpu.memory_space<vmem>>, vector<1x1x16xf32>,
      %parallel_loop3A_921 = vector.shape_cast %parallel_loop3A_920 : vector<1x1x16xf32> to vector<16xf32>
      %parallel_loop3A_922 = arith.constant 3 : i32
      %parallel_loop3A_923 = arith.index_cast %parallel_loop3A_922 : i32 to index
      %parallel_loop3A_924 = arith.index_cast %parallel_loop3A_857 : i32 to index
      %parallel_loop3A_925 = arith.constant 32 : index
      %parallel_loop3A_926 = tpu.vector_load %arg10[%parallel_loop3A_923, %parallel_loop3A_924, %parallel_loop3A_925] {strides = array<i32>} : memref<4x64x128xf32, #tpu.memory_space<vmem>>, vector<1x1x16xf32>,
      %parallel_loop3A_927 = vector.shape_cast %parallel_loop3A_926 : vector<1x1x16xf32> to vector<16xf32>
      %parallel_loop3A_928 = arith.subf %parallel_loop3A_915, %parallel_loop3A_921 : vector<16xf32>
      %parallel_loop3A_929 = arith.subf %parallel_loop3A_915, %parallel_loop3A_927 : vector<16xf32>
      %parallel_loop3A_930 = arith.mulf %parallel_loop3A_928, %parallel_loop3A_928 : vector<16xf32>
      %parallel_loop3A_931 = arith.addf %parallel_loop3A_883, %parallel_loop3A_930 : vector<16xf32>
      %parallel_loop3A_932 = arith.mulf %parallel_loop3A_929, %parallel_loop3A_929 : vector<16xf32>
      %parallel_loop3A_933 = arith.addf %parallel_loop3A_885, %parallel_loop3A_932 : vector<16xf32>
      %parallel_loop3A_934 = arith.constant 3 : i32
      %parallel_loop3A_935 = arith.index_cast %parallel_loop3A_934 : i32 to index
      %parallel_loop3A_936 = arith.index_cast %parallel_loop3A_857 : i32 to index
      %parallel_loop3A_937 = arith.constant 48 : index
      %parallel_loop3A_938 = tpu.vector_load %arg8[%parallel_loop3A_935, %parallel_loop3A_936, %parallel_loop3A_937] {strides = array<i32>} : memref<4x64x128xf32, #tpu.memory_space<vmem>>, vector<1x1x16xf32>,
      %parallel_loop3A_939 = vector.shape_cast %parallel_loop3A_938 : vector<1x1x16xf32> to vector<16xf32>
      %parallel_loop3A_940 = arith.constant 3 : i32
      %parallel_loop3A_941 = arith.index_cast %parallel_loop3A_940 : i32 to index
      %parallel_loop3A_942 = arith.index_cast %parallel_loop3A_857 : i32 to index
      %parallel_loop3A_943 = arith.constant 48 : index
      %parallel_loop3A_944 = tpu.vector_load %arg9[%parallel_loop3A_941, %parallel_loop3A_942, %parallel_loop3A_943] {strides = array<i32>} : memref<4x64x128xf32, #tpu.memory_space<vmem>>, vector<1x1x16xf32>,
      %parallel_loop3A_945 = vector.shape_cast %parallel_loop3A_944 : vector<1x1x16xf32> to vector<16xf32>
      %parallel_loop3A_946 = arith.constant 3 : i32
      %parallel_loop3A_947 = arith.index_cast %parallel_loop3A_946 : i32 to index
      %parallel_loop3A_948 = arith.index_cast %parallel_loop3A_857 : i32 to index
      %parallel_loop3A_949 = arith.constant 48 : index
      %parallel_loop3A_950 = tpu.vector_load %arg10[%parallel_loop3A_947, %parallel_loop3A_948, %parallel_loop3A_949] {strides = array<i32>} : memref<4x64x128xf32, #tpu.memory_space<vmem>>, vector<1x1x16xf32>,
      %parallel_loop3A_951 = vector.shape_cast %parallel_loop3A_950 : vector<1x1x16xf32> to vector<16xf32>
      %parallel_loop3A_952 = arith.subf %parallel_loop3A_939, %parallel_loop3A_945 : vector<16xf32>
      %parallel_loop3A_953 = arith.subf %parallel_loop3A_939, %parallel_loop3A_951 : vector<16xf32>
      %parallel_loop3A_954 = arith.mulf %parallel_loop3A_952, %parallel_loop3A_952 : vector<16xf32>
      %parallel_loop3A_955 = arith.addf %parallel_loop3A_907, %parallel_loop3A_954 : vector<16xf32>
      %parallel_loop3A_956 = arith.mulf %parallel_loop3A_953, %parallel_loop3A_953 : vector<16xf32>
      %parallel_loop3A_957 = arith.addf %parallel_loop3A_909, %parallel_loop3A_956 : vector<16xf32>
      %parallel_loop3A_958 = arith.constant 3 : i32
      %parallel_loop3A_959 = arith.index_cast %parallel_loop3A_958 : i32 to index
      %parallel_loop3A_960 = arith.index_cast %parallel_loop3A_857 : i32 to index
      %parallel_loop3A_961 = arith.constant 64 : index
      %parallel_loop3A_962 = tpu.vector_load %arg8[%parallel_loop3A_959, %parallel_loop3A_960, %parallel_loop3A_961] {strides = array<i32>} : memref<4x64x128xf32, #tpu.memory_space<vmem>>, vector<1x1x16xf32>,
      %parallel_loop3A_963 = vector.shape_cast %parallel_loop3A_962 : vector<1x1x16xf32> to vector<16xf32>
      %parallel_loop3A_964 = arith.constant 3 : i32
      %parallel_loop3A_965 = arith.index_cast %parallel_loop3A_964 : i32 to index
      %parallel_loop3A_966 = arith.index_cast %parallel_loop3A_857 : i32 to index
      %parallel_loop3A_967 = arith.constant 64 : index
      %parallel_loop3A_968 = tpu.vector_load %arg9[%parallel_loop3A_965, %parallel_loop3A_966, %parallel_loop3A_967] {strides = array<i32>} : memref<4x64x128xf32, #tpu.memory_space<vmem>>, vector<1x1x16xf32>,
      %parallel_loop3A_969 = vector.shape_cast %parallel_loop3A_968 : vector<1x1x16xf32> to vector<16xf32>
      %parallel_loop3A_970 = arith.constant 3 : i32
      %parallel_loop3A_971 = arith.index_cast %parallel_loop3A_970 : i32 to index
      %parallel_loop3A_972 = arith.index_cast %parallel_loop3A_857 : i32 to index
      %parallel_loop3A_973 = arith.constant 64 : index
      %parallel_loop3A_974 = tpu.vector_load %arg10[%parallel_loop3A_971, %parallel_loop3A_972, %parallel_loop3A_973] {strides = array<i32>} : memref<4x64x128xf32, #tpu.memory_space<vmem>>, vector<1x1x16xf32>,
      %parallel_loop3A_975 = vector.shape_cast %parallel_loop3A_974 : vector<1x1x16xf32> to vector<16xf32>
      %parallel_loop3A_976 = arith.subf %parallel_loop3A_963, %parallel_loop3A_969 : vector<16xf32>
      %parallel_loop3A_977 = arith.subf %parallel_loop3A_963, %parallel_loop3A_975 : vector<16xf32>
      %parallel_loop3A_978 = arith.mulf %parallel_loop3A_976, %parallel_loop3A_976 : vector<16xf32>
      %parallel_loop3A_979 = arith.addf %parallel_loop3A_931, %parallel_loop3A_978 : vector<16xf32>
      %parallel_loop3A_980 = arith.mulf %parallel_loop3A_977, %parallel_loop3A_977 : vector<16xf32>
      %parallel_loop3A_981 = arith.addf %parallel_loop3A_933, %parallel_loop3A_980 : vector<16xf32>
      %parallel_loop3A_982 = arith.constant 3 : i32
      %parallel_loop3A_983 = arith.index_cast %parallel_loop3A_982 : i32 to index
      %parallel_loop3A_984 = arith.index_cast %parallel_loop3A_857 : i32 to index
      %parallel_loop3A_985 = arith.constant 80 : index
      %parallel_loop3A_986 = tpu.vector_load %arg8[%parallel_loop3A_983, %parallel_loop3A_984, %parallel_loop3A_985] {strides = array<i32>} : memref<4x64x128xf32, #tpu.memory_space<vmem>>, vector<1x1x16xf32>,
      %parallel_loop3A_987 = vector.shape_cast %parallel_loop3A_986 : vector<1x1x16xf32> to vector<16xf32>
      %parallel_loop3A_988 = arith.constant 3 : i32
      %parallel_loop3A_989 = arith.index_cast %parallel_loop3A_988 : i32 to index
      %parallel_loop3A_990 = arith.index_cast %parallel_loop3A_857 : i32 to index
      %parallel_loop3A_991 = arith.constant 80 : index
      %parallel_loop3A_992 = tpu.vector_load %arg9[%parallel_loop3A_989, %parallel_loop3A_990, %parallel_loop3A_991] {strides = array<i32>} : memref<4x64x128xf32, #tpu.memory_space<vmem>>, vector<1x1x16xf32>,
      %parallel_loop3A_993 = vector.shape_cast %parallel_loop3A_992 : vector<1x1x16xf32> to vector<16xf32>
      %parallel_loop3A_994 = arith.constant 3 : i32
      %parallel_loop3A_995 = arith.index_cast %parallel_loop3A_994 : i32 to index
      %parallel_loop3A_996 = arith.index_cast %parallel_loop3A_857 : i32 to index
      %parallel_loop3A_997 = arith.constant 80 : index
      %parallel_loop3A_998 = tpu.vector_load %arg10[%parallel_loop3A_995, %parallel_loop3A_996, %parallel_loop3A_997] {strides = array<i32>} : memref<4x64x128xf32, #tpu.memory_space<vmem>>, vector<1x1x16xf32>,
      %parallel_loop3A_999 = vector.shape_cast %parallel_loop3A_998 : vector<1x1x16xf32> to vector<16xf32>
      %parallel_loop3A_1000 = arith.subf %parallel_loop3A_987, %parallel_loop3A_993 : vector<16xf32>
      %parallel_loop3A_1001 = arith.subf %parallel_loop3A_987, %parallel_loop3A_999 : vector<16xf32>
      %parallel_loop3A_1002 = arith.mulf %parallel_loop3A_1000, %parallel_loop3A_1000 : vector<16xf32>
      %parallel_loop3A_1003 = arith.addf %parallel_loop3A_955, %parallel_loop3A_1002 : vector<16xf32>
      %parallel_loop3A_1004 = arith.mulf %parallel_loop3A_1001, %parallel_loop3A_1001 : vector<16xf32>
      %parallel_loop3A_1005 = arith.addf %parallel_loop3A_957, %parallel_loop3A_1004 : vector<16xf32>
      %parallel_loop3A_1006 = arith.constant 3 : i32
      %parallel_loop3A_1007 = arith.index_cast %parallel_loop3A_1006 : i32 to index
      %parallel_loop3A_1008 = arith.index_cast %parallel_loop3A_857 : i32 to index
      %parallel_loop3A_1009 = arith.constant 96 : index
      %parallel_loop3A_1010 = tpu.vector_load %arg8[%parallel_loop3A_1007, %parallel_loop3A_1008, %parallel_loop3A_1009] {strides = array<i32>} : memref<4x64x128xf32, #tpu.memory_space<vmem>>, vector<1x1x16xf32>,
      %parallel_loop3A_1011 = vector.shape_cast %parallel_loop3A_1010 : vector<1x1x16xf32> to vector<16xf32>
      %parallel_loop3A_1012 = arith.constant 3 : i32
      %parallel_loop3A_1013 = arith.index_cast %parallel_loop3A_1012 : i32 to index
      %parallel_loop3A_1014 = arith.index_cast %parallel_loop3A_857 : i32 to index
      %parallel_loop3A_1015 = arith.constant 96 : index
      %parallel_loop3A_1016 = tpu.vector_load %arg9[%parallel_loop3A_1013, %parallel_loop3A_1014, %parallel_loop3A_1015] {strides = array<i32>} : memref<4x64x128xf32, #tpu.memory_space<vmem>>, vector<1x1x16xf32>,
      %parallel_loop3A_1017 = vector.shape_cast %parallel_loop3A_1016 : vector<1x1x16xf32> to vector<16xf32>
      %parallel_loop3A_1018 = arith.constant 3 : i32
      %parallel_loop3A_1019 = arith.index_cast %parallel_loop3A_1018 : i32 to index
      %parallel_loop3A_1020 = arith.index_cast %parallel_loop3A_857 : i32 to index
      %parallel_loop3A_1021 = arith.constant 96 : index
      %parallel_loop3A_1022 = tpu.vector_load %arg10[%parallel_loop3A_1019, %parallel_loop3A_1020, %parallel_loop3A_1021] {strides = array<i32>} : memref<4x64x128xf32, #tpu.memory_space<vmem>>, vector<1x1x16xf32>,
      %parallel_loop3A_1023 = vector.shape_cast %parallel_loop3A_1022 : vector<1x1x16xf32> to vector<16xf32>
      %parallel_loop3A_1024 = arith.subf %parallel_loop3A_1011, %parallel_loop3A_1017 : vector<16xf32>
      %parallel_loop3A_1025 = arith.subf %parallel_loop3A_1011, %parallel_loop3A_1023 : vector<16xf32>
      %parallel_loop3A_1026 = arith.mulf %parallel_loop3A_1024, %parallel_loop3A_1024 : vector<16xf32>
      %parallel_loop3A_1027 = arith.addf %parallel_loop3A_979, %parallel_loop3A_1026 : vector<16xf32>
      %parallel_loop3A_1028 = arith.mulf %parallel_loop3A_1025, %parallel_loop3A_1025 : vector<16xf32>
      %parallel_loop3A_1029 = arith.addf %parallel_loop3A_981, %parallel_loop3A_1028 : vector<16xf32>
      %parallel_loop3A_1030 = arith.constant 3 : i32
      %parallel_loop3A_1031 = arith.index_cast %parallel_loop3A_1030 : i32 to index
      %parallel_loop3A_1032 = arith.index_cast %parallel_loop3A_857 : i32 to index
      %parallel_loop3A_1033 = arith.constant 112 : index
      %parallel_loop3A_1034 = tpu.vector_load %arg8[%parallel_loop3A_1031, %parallel_loop3A_1032, %parallel_loop3A_1033] {strides = array<i32>} : memref<4x64x128xf32, #tpu.memory_space<vmem>>, vector<1x1x16xf32>,
      %parallel_loop3A_1035 = vector.shape_cast %parallel_loop3A_1034 : vector<1x1x16xf32> to vector<16xf32>
      %parallel_loop3A_1036 = arith.constant 3 : i32
      %parallel_loop3A_1037 = arith.index_cast %parallel_loop3A_1036 : i32 to index
      %parallel_loop3A_1038 = arith.index_cast %parallel_loop3A_857 : i32 to index
      %parallel_loop3A_1039 = arith.constant 112 : index
      %parallel_loop3A_1040 = tpu.vector_load %arg9[%parallel_loop3A_1037, %parallel_loop3A_1038, %parallel_loop3A_1039] {strides = array<i32>} : memref<4x64x128xf32, #tpu.memory_space<vmem>>, vector<1x1x16xf32>,
      %parallel_loop3A_1041 = vector.shape_cast %parallel_loop3A_1040 : vector<1x1x16xf32> to vector<16xf32>
      %parallel_loop3A_1042 = arith.constant 3 : i32
      %parallel_loop3A_1043 = arith.index_cast %parallel_loop3A_1042 : i32 to index
      %parallel_loop3A_1044 = arith.index_cast %parallel_loop3A_857 : i32 to index
      %parallel_loop3A_1045 = arith.constant 112 : index
      %parallel_loop3A_1046 = tpu.vector_load %arg10[%parallel_loop3A_1043, %parallel_loop3A_1044, %parallel_loop3A_1045] {strides = array<i32>} : memref<4x64x128xf32, #tpu.memory_space<vmem>>, vector<1x1x16xf32>,
      %parallel_loop3A_1047 = vector.shape_cast %parallel_loop3A_1046 : vector<1x1x16xf32> to vector<16xf32>
      %parallel_loop3A_1048 = arith.subf %parallel_loop3A_1035, %parallel_loop3A_1041 : vector<16xf32>
      %parallel_loop3A_1049 = arith.subf %parallel_loop3A_1035, %parallel_loop3A_1047 : vector<16xf32>
      %parallel_loop3A_1050 = arith.mulf %parallel_loop3A_1048, %parallel_loop3A_1048 : vector<16xf32>
      %parallel_loop3A_1051 = arith.addf %parallel_loop3A_1003, %parallel_loop3A_1050 : vector<16xf32>
      %parallel_loop3A_1052 = arith.mulf %parallel_loop3A_1049, %parallel_loop3A_1049 : vector<16xf32>
      %parallel_loop3A_1053 = arith.addf %parallel_loop3A_1005, %parallel_loop3A_1052 : vector<16xf32>
      scf.yield %parallel_loop3A_1027, %parallel_loop3A_1051, %parallel_loop3A_1029, %parallel_loop3A_1053 : vector<16xf32>, vector<16xf32>, vector<16xf32>, vector<16xf32>
    } {sc.loop_unroll_factor = 2 : i64, sc.parallel_access}
    %add3A_851 = arith.addf %parallel_loop3A_850#0, %parallel_loop3A_850#1 : vector<16xf32>
    %add3A_852 = arith.addf %parallel_loop3A_850#2, %parallel_loop3A_850#3 : vector<16xf32>
    %add3A_853 = arith.addf %add3A_851, %add3A_852 : vector<16xf32>
    %swap3A = arith.constant 0 : index
    %swap3A_854 = tpu.vector_load %arg11[%swap3A] {strides = array<i32>} : memref<16xf32, #tpu.memory_space<vmem>>, vector<16xf32>,
    %swap3A_855 = vector.shape_cast %swap3A_854 : vector<16xf32> to vector<16xf32>
    %swap3A_856 = vector.shape_cast %add3A_853 : vector<16xf32> to vector<16xf32>
    tpu.vector_store %arg11[%swap3A], %swap3A_856 {strides = array<i32>} : memref<16xf32, #tpu.memory_space<vmem>>, vector<16xf32>,
    "tpu.region"() ({
      %run_scoped3A = tpu.sem_alloc : memref<!tpu.dma_semaphore, #tpu.memory_space<semaphore_mem>>
      %dma_start3A_857 = arith.constant 0 : i32
      %dma_start3A_858 = tpu.memref_slice %arg6[%add3A, %dma_start3A_857] : memref<32x16xf32, #tpu.memory_space<hbm>> -> memref<1x16xf32, #tpu.memory_space<hbm>>
      %dma_start3A_859 = tpu.memref_squeeze %dma_start3A_858 : memref<1x16xf32, #tpu.memory_space<hbm>> -> memref<16xf32, #tpu.memory_space<hbm>>
      %dma_start3A_860 = arith.constant 0 : i32
      %dma_start3A_861 = tpu.memref_slice %arg6[%add3A, %dma_start3A_860] : memref<32x16xf32, #tpu.memory_space<hbm>> -> memref<1x16xf32, #tpu.memory_space<hbm>>
      %dma_start3A_862 = tpu.memref_squeeze %dma_start3A_861 : memref<1x16xf32, #tpu.memory_space<hbm>> -> memref<16xf32, #tpu.memory_space<hbm>>
      tpu.enqueue_dma source(%arg11 : memref<16xf32, #tpu.memory_space<vmem>>) target(%dma_start3A_862 : memref<16xf32, #tpu.memory_space<hbm>>) target_semaphore(%run_scoped3A : memref<!tpu.dma_semaphore, #tpu.memory_space<semaphore_mem>>)
      %dma_wait3A_863 = arith.constant 0 : i32
      %dma_wait3A_864 = tpu.memref_slice %arg6[%add3A, %dma_wait3A_863] : memref<32x16xf32, #tpu.memory_space<hbm>> -> memref<1x16xf32, #tpu.memory_space<hbm>>
      %dma_wait3A_865 = tpu.memref_squeeze %dma_wait3A_864 : memref<1x16xf32, #tpu.memory_space<hbm>> -> memref<16xf32, #tpu.memory_space<hbm>>
      %dma_wait3A_866 = arith.constant 0 : i32
      %dma_wait3A_867 = tpu.memref_slice %arg6[%add3A, %dma_wait3A_866] : memref<32x16xf32, #tpu.memory_space<hbm>> -> memref<1x16xf32, #tpu.memory_space<hbm>>
      %dma_wait3A_868 = tpu.memref_squeeze %dma_wait3A_867 : memref<1x16xf32, #tpu.memory_space<hbm>> -> memref<16xf32, #tpu.memory_space<hbm>>
      tpu.wait_dma2 semaphore(%run_scoped3A : memref<!tpu.dma_semaphore, #tpu.memory_space<semaphore_mem>>) src(%arg11 : memref<16xf32, #tpu.memory_space<vmem>>) dst(%dma_wait3A_868 : memref<16xf32, #tpu.memory_space<hbm>>)
      tpu.yield
    }) : () -> ()
    return
  }
}

</mosaic_0001>

<sc_bundles>
// kernel: _quant_loss.3.cloned.1.call-start
scs
__scs_entry_jumppad:
0x0: {  	(pc) =	sbr.rel $0x88, $3  }
0x1: {  	(tag) =	ssettag $0x0;
	lr =	simm.s32 $0x1  }
0x2: {  	[smem:$0x3F9D] =	sst lr;
	_ =	strace $0xD0000000  }
0x3: {  	_ = 	snop  }
0x4: {  	_ = 	snop  }
0x5: {  	_ = 	snop  }
0x6: {  	_ = 	snop  }
0x7: {  	_ = 	snop  }
__scs_overlays_trampoline_lowered:
0x8: {  	[smem:$0x3FAC] =	sst s0  }
0x9: {  	[smem:$0x3FAD] =	sst s1  }
0xa: {  	[smem:$0x3FAE] =	sst s2  }
0xb: {  	[smem:$0x3FAF] =	sst s3  }
0xc: {  	[smem:$0x3FB0] =	sst s4  }
0xd: {  	[smem:$0x3FB1] =	sst s5  }
0xe: {  	[smem:$0x3FB2] =	sst s6  }
0xf: {  	[smem:$0x3FB3] =	sst s7  }
0x10: {  	[smem:$0x3FB4] =	sst s8  }
0x11: {  	[smem:$0x3FB5] =	sst s9;
	s0 =	simm.s32 @!p0 $0x0  }
0x12: {  	s1 =	sld [smem:$0x3F9B];
	s0 =	simm.s32 @p0 $0x1  }
0x13: {  	[smem:$0x3FB6] =	sst s0;
	s0 =	simm.s32 @!p1 $0x0  }
0x14: {  	s2 =	sld [smem:$0x3F9A];
	s0 =	simm.s32 @p1 $0x1  }
0x15: {  	[smem:$0x3FB7] =	sst s0;
	s0 =	simm.s32 @!p2 $0x0  }
0x16: {  	s3 =	sld [smem:$0x3FDB];
	s0 =	simm.s32 @p2 $0x1  }
0x17: {  	s4 =	simm.s32 $0x1BF5;
	[smem:$0x3FB9] =	sst s0  }
0x18: {  	s0 =	sld [smem:$0x3F9C];
	_ =	swait.ge [sflag:s4], $0x0  }
0x19: {  	s7 =	sld [smem:$0x3F9D]  }
0x1a: {  	s8 =	sadd.s32 $0xFFFFE003, lr  }
0x1b: {  	s9 =	sadd.s32 $0xFFFFFEF7, lr;
	s5 =	simm.s32 $0xFFFFFFFF;
	p2 =	slt.u32 s8, $0xFFFFF086  }
0x1c: {  	p1 =	slt.u32 s9, $0xF7A;
	s5 =	simm.s32 @!p2 $0x0  }
0x1d: {  	s5 =	simm.s32 @p1 $0x1;
	p0 =	seq.s32 s7, s2  }
0x1e: {  	s7 =	smul.u32 @!p0 $0xF7A, s2;
	p2 =	seq.s32 @!p0 s5, $0x0  }
0x1f: {  	s9 =	smul.u32 $0xF7A, s1;
	s8 =	simm.s32 @!p0 $0x1BF5;
	p2 =	por !p2, p0  }
0x20: {  	[sflag:s8] =	ssyncset.s32 @!p0 $0xFFFFF086;
	s6 =	sadd.s32 @!p0 s3, s7;
	s7 =	simm.s32 @!p0 $0x108  }
0x21: {  	s3 =	sadd.s32 s3, s9;
	s6 =	sadd.s32 @!p0 $0x88, s6;
	s7 =	simm.s32 @p2 $0x1082  }
0x22: {  	[simem:s7], [sflag:s8] =	dma.local @!p0 [hbm:s6], $0xF7A  }
0x23: {  	s9 =	sor.u32 $0xD0000000, s2;
	s6 =	simm.s32 $0x108;
	_ =	swait.ge @!p0 [sflag:s8], $0x0  }
0x24: {  	s3 =	sadd.s32 $0x88, s3;
	s6 =	simm.s32 @!p1 $0x1082;
	[sflag:s4] =	ssyncset.s32 $0xFFFFF086  }
0x25: {  	[simem:s6], [sflag:s4] =	dma.local [hbm:s3], $0xF7A  }
0x26: {  	[smem:$0x3F9D] =	sst s1;
	(tag) =	ssettag s2;
	_ =	strace s9  }
0x27: {  	s1 =	sld [smem:$0x3FAD]  }
0x28: {  	s2 =	sld [smem:$0x3FAE]  }
0x29: {  	s4 =	sld [smem:$0x3FB0]  }
0x2a: {  	p0 =	seq.s32 s5, $0x0;
	s5 =	sld [smem:$0x3FB1]  }
0x2b: {  	s6 =	sld [smem:$0x3FB2]  }
0x2c: {  	s7 =	sld [smem:$0x3FB3]  }
0x2d: {  	s3 =	simm.s32 $0x108;
	s8 =	sld [smem:$0x3FB4]  }
0x2e: {  	s3 =	simm.s32 @!p0 $0x1082;
	s9 =	sld [smem:$0x3FB5]  }
0x2f: {  	lr =	sadd.s32 s0, s3;
	s0 =	sld [smem:$0x3FAC]  }
0x30: {  	s3 =	sld [smem:$0x3FAF]  }
0x31: {  	[smem:$0x3FB8] =	sst s10  }
0x32: {  	s10 =	sld [smem:$0x3FB6];
	_ =	sdelay $0x3  }
0x33: {  	p0 =	seq.s32 s10, $0x1;
	s10 =	sld [smem:$0x3FB8];
	_ =	sdelay $0x3  }
0x34: {  	[smem:$0x3FB8] =	sst s10  }
0x35: {  	s10 =	sld [smem:$0x3FB7];
	_ =	sdelay $0x3  }
0x36: {  	p1 =	seq.s32 s10, $0x1;
	s10 =	sld [smem:$0x3FB8];
	_ =	sdelay $0x3  }
0x37: {  	[smem:$0x3FB8] =	sst s10  }
0x38: {  	s10 =	sld [smem:$0x3FB9]  }
0x39: {  	_ = 	snop;
	(pc) =	sbr.ind lr, $3  }
0x3a: {  	_ = 	snop  }
0x3b: {  	_ = 	snop  }
0x3c: {  	p2 =	seq.s32 s10, $0x1;
	s10 =	sld [smem:$0x3FB8]  }
0x3d: {  	_ =	shalt  }
0x3e: {  	_ =	shalt  }
0x3f: {  	_ =	shalt  }
0x40: {  	_ =	shalt  }
0x41: {  	_ =	shalt  }
0x42: {  	_ =	shalt  }
0x43: {  	_ =	shalt  }
0x44: {  	_ =	shalt  }
0x45: {  	_ =	shalt  }
0x46: {  	_ =	shalt  }
0x47: {  	_ =	shalt  }
0x48: {  	_ =	shalt  }
0x49: {  	_ =	shalt  }
0x4a: {  	_ =	shalt  }
0x4b: {  	_ =	shalt  }
0x4c: {  	_ =	shalt  }
0x4d: {  	_ =	shalt  }
0x4e: {  	_ =	shalt  }
0x4f: {  	_ =	shalt  }
0x50: {  	_ =	shalt  }
0x51: {  	_ =	shalt  }
0x52: {  	_ =	shalt  }
0x53: {  	_ =	shalt  }
0x54: {  	_ =	shalt  }
0x55: {  	_ =	shalt  }
0x56: {  	_ =	shalt  }
0x57: {  	_ =	shalt  }
0x58: {  	_ =	shalt  }
0x59: {  	_ =	shalt  }
0x5a: {  	_ =	shalt  }
0x5b: {  	_ =	shalt  }
0x5c: {  	_ =	shalt  }
0x5d: {  	_ =	shalt  }
0x5e: {  	_ =	shalt  }
0x5f: {  	_ =	shalt  }
0x60: {  	_ =	shalt  }
0x61: {  	_ =	shalt  }
0x62: {  	_ =	shalt  }
0x63: {  	_ =	shalt  }
0x64: {  	_ =	shalt  }
0x65: {  	_ =	shalt  }
0x66: {  	_ =	shalt  }
0x67: {  	_ =	shalt  }
0x68: {  	_ =	shalt  }
0x69: {  	_ =	shalt  }
0x6a: {  	_ =	shalt  }
0x6b: {  	_ =	shalt  }
0x6c: {  	_ =	shalt  }
0x6d: {  	_ =	shalt  }
0x6e: {  	_ =	shalt  }
0x6f: {  	_ =	shalt  }
0x70: {  	_ =	shalt  }
0x71: {  	_ =	shalt  }
0x72: {  	_ =	shalt  }
0x73: {  	_ =	shalt  }
0x74: {  	_ =	shalt  }
0x75: {  	_ =	shalt  }
0x76: {  	_ =	shalt  }
0x77: {  	_ =	shalt  }
0x78: {  	_ =	shalt  }
0x79: {  	_ =	shalt  }
0x7a: {  	_ =	shalt  }
0x7b: {  	_ =	shalt  }
0x7c: {  	_ =	shalt  }
0x7d: {  	_ =	shalt  }
0x7e: {  	_ =	shalt  }
0x7f: {  	_ =	shalt  }
0x80: {  	_ =	shalt  }
0x81: {  	_ =	shalt  }
0x82: {  	_ =	shalt  }
0x83: {  	_ =	shalt  }
0x84: {  	_ =	shalt  }
0x85: {  	_ =	shalt  }
0x86: {  	_ =	shalt  }
0x87: {  	_ =	shalt  }
.Lfunc_end0:
.L_simem_size_0:
called_computation_lowered:
.L_overlay_start_0:
0x88: {  	s2 =	sld [smem:$0x3FD9]  }
0x89: {  	s3 =	sld [smem:$0x3FFE];
	_ =	sdelay $0x1  }
0x8a: {  	s1 =	srdreg.scid  }
0x8b: {  	s0 =	sand.u32 $0x1, s1  }
0x8c: {  	s17 =	sshll.u32 s0, $0xA;
	s2 =	sadd.s32 s3, s2  }
0x8d: {  	s2 =	sadd.s32 s2, s17  }
0x8e: {  	[smem:$0x3FC4] =	sst s2  }
0x8f: {  	_ = 	snop  }
0x90: {  	s2 =	sld [smem:$0x3FC9]  }
0x91: {  	s18 =	sld [smem:$0x3FC8]  }
0x92: {  	s4 =	sld [smem:$0x3FC7]  }
0x93: {  	s5 =	sld [smem:$0x3FC6];
	(tm) =	ssettm $0x1  }
0x94: {  	s6 =	sld [smem:$0x3FFB];
	_ =	sdelay $0x3  }
0x95: {  	_ =	strace s6  }
0x96: {  	s6 =	sld [smem:$0x3FFC];
	_ =	sdelay $0x3  }
0x97: {  	_ =	strace s6  }
0x98: {  	s6 =	sld [smem:$0x3FFD];
	_ =	sdelay $0x3  }
0x99: {  	_ =	strace s6  }
0x9a: {  	_ =	strace $0x8FFFFFFF  }
0x9b: {  	s19 =	sld [smem:$0x3FDB];
	_ =	sdelay $0x1  }
0x9c: {  	s7 =	simm.s32 $_scs_section_size  }
0x9d: {  	s8 =	simm.s32 $_size__tile_overlayer_lowered;
	s9 =	simm.s32 $_tile_overlayer_lowered  }
0x9e: {  	s22 =	simm.s32 $0x1BFF;
	s21 =	sshll.u32 s9, $0x1;
	s6 =	sadd.s32 s7, s19  }
0x9f: {  	s10 =	simm.s32 $0x0;
	s20 =	sshll.u32 s8, $0x1;
	s8 =	sadd.s32 s21, s6  }
0xa0: {  	[timem:s10], [sflag:s22] =	dma.local [hbm:s8], s20  }
0xa1: {  	_ =	swait.ge [sflag:s22], s20  }
0xa2: {  	s7 =	ssub.s32 $0x0, s20;
	[sflag:s22] =	ssyncset.done $0x0  }
0xa3: {  	[sflag:s22] =	ssyncadd.s32 s7;
	_ =	sdelay $0x1  }
0xa4: {  	s23 =	simm.s32 $0x1B8B  }
0xa5: {  	_ =	swait.ge [sflag:s23], $0x1  }
0xa6: {  	[sflag:s23] =	ssyncset.done $0x0  }
0xa7: {  	s25 =	simm.s32 $0x1B8E;
	s24 =	sld [smem:$0x3FFE];
	[sflag:s23] =	ssyncadd.s32 $0xFFFFFFFF  }
0xa8: {  	s26 =	simm.s32 $execute0_lowered;
	[smem:$0x3FD2] =	sst s25  }
0xa9: {  	s8 =	sshll.u32 s26, $0x1;
	_ =	strace $0x80000046;
	[dreg:$0x1] =	wrdreg $0xFFFFFFFF  }
0xaa: {  	s28 =	simm.s32 $_size_execute0_lowered;
	s6 =	sadd.s32 s6, s8;
	[dreg:$0x0] =	wrdreg $0x0  }
0xab: {  	s8 =	sshll.u32 s28, $0x1;
	[dreg:$0x2] =	wrdreg s6  }
0xac: {  	[dreg:$0x3] =	wrdreg s8  }
0xad: {  	[dreg:$0x4] =	wrdreg $0xC0  }
0xae: {  	_ =	task [dreg:s10], $0x5FFFF  }
0xaf: {  	[dreg:$0x1] =	wrdreg $0xFFFFFFFF  }
0xb0: {  	[dreg:$0x0] =	wrdreg $0x60  }
0xb1: {  	[dreg:$0x2] =	wrdreg s2  }
0xb2: {  	[dreg:$0x3] =	wrdreg s18  }
0xb3: {  	[dreg:$0x4] =	wrdreg s4  }
0xb4: {  	[dreg:$0x5] =	wrdreg s5  }
0xb5: {  	[dreg:$0x6] =	wrdreg s24  }
0xb6: {  	[dreg:$0x7] =	wrdreg $0x9  }
0xb7: {  	_ =	task.clear_ibuf [dreg:s10], $0x8FFFF;
	_ =	strace $0x90000046  }
0xb8: {  	s29 =	simm.s32 $0x9;
	_ =	strace $0x80000048  }
0xb9: {  	_ =	swait.ge [sflag:s29], $0x1  }
0xba: {  	[sflag:s29] =	ssyncadd.s32 $0xFFFFFFFF  }
0xbb: {  	_ =	strace $0x90000048  }
0xbc: {  	_ =	sfence  }
0xbd: {  	s30 =	sld [smem:$0x0];
	_ =	sdelay $0x2  }
0xbe: {  	s31 =	sshll.u32 s1, $0xD;
	s1 =	sshrl.u32 s1, $0x2  }
0xbf: {  	s3 =	sand.u32 $0x4000, s31;
	s1 =	sadd.s32 s1, s30  }
0xc0: {  	s0 =	sor.u32 s3, s0;
	s1 =	sshll.u32 s1, $0x11  }
0xc1: {  	s0 =	sor.u32 s1, s0  }
0xc2: {  	s0 =	sadd.s32 $0x8F2B, s0  }
0xc3: {  	[sflag:s0] =	ssyncadd.remote.s32 $0x1  }
0xc4: {  	_ =	sfence.sel $0xFFFF  }
0xc5: {  	[dreg:$0x0] =	wrdreg $0xFFFFFFFF;
	(pc) =	sbr.abs _section_cstart, $3  }
0xc6: {  	[dreg:$0x1] =	wrdreg $0xFFFFFFFF  }
0xc7: {  	_ =	task.clear_ibuf [dreg:s10], $0x2FFFF;
	_ =	strace $0x9FFFFFFF  }
0xc8: {  	(tm) =	ssettm $0x7FFFFFFF  }
0xc9: {  	_ =	shalt  }
tec
execute0_lowered:
.L_overlay_start_1:
0x0: {  	(tag) =	ssettag $0x1  }
0x1: {  	s0 =	rddreg [dreg:$0x0]  }
0x2: {  	s3 =	rddreg [dreg:$0x1]  }
0x3: {  	s4 =	rddreg [dreg:$0x2]  }
0x4: {  	s1 =	rddreg [dreg:$0x3]  }
0x5: {  	s5 =	rddreg [dreg:$0x4];
	s2 =	simm.s32 $0x0;
	s6 =	srdreg.scid  }
0x6: {  	s11 =	stileid.u32;
	s28 =	simm.s32 $0x6;
	s29 =	simm.s32 $0x8  }
0x7: {  	s30 =	simm.s32 $0xA;
	s31 =	simm.s32 $0xC;
	[smem:$0x7FF] =	sst s2  }
0x8: {  	s6 =	sand.u32 $0x1, s6;
	s8 =	sshll.u32 s11, $0x6;
	_ =	strace $0x80000047  }
0x9: {  	s7 =	sshll.u32 s6, $0x4;
	s6 =	ssub.s32 $0x2, s6;
	s8 =	sand.u32 $0x40, s8  }
0xa: {  	s7 =	sor.u32 s11, s7;
	s9 =	sshrl.u32 s6, $0x1;
	s0 =	sadd.s32 s0, s8  }
0xb: {  	s8 =	simm.s32 $0x6200;
	s10 =	sshll.u32 s7, $0x6;
	s21 =	sshll.u32 s7, $0xD  }
0xc: {  	s6 =	ssub.s32 s6, s9;
	s9 =	simm.s32 $0xE200;
	s10 =	sand.u32 $0x780, s10  }
0xd: {  	s22 =	sadd.s32 s3, s21;
	s23 =	sadd.s32 s4, s21;
	s24 =	sor.u32 $0x400, s21  }
0xe: {  	s25 =	sor.u32 $0x800, s21;
	s13 =	sor.u32 $0xC00, s21;
	[dreg:$0x7] =	wrdreg s22  }
0xf: {  	s14 =	sor.u32 $0x1000, s21;
	s0 =	sadd.s32 s10, s0;
	[dreg:$0x8] =	wrdreg s23  }
0x10: {  	s18 =	sor.u32 $0x1400, s21;
	s26 =	sadd.s32 s3, s24;
	[dreg:$0x6] =	wrdreg s0  }
0x11: {  	s19 =	sor.u32 $0x1800, s21;
	s10 =	sadd.s32 s3, s25;
	[dreg:$0x9] =	wrdreg s26  }
0x12: {  	s21 =	sor.u32 $0x1C00, s21;
	s12 =	sadd.s32 s4, s25;
	[dreg:$0xb] =	wrdreg s10  }
0x13: {  	s15 =	sadd.s32 s3, s13;
	s16 =	sadd.s32 s3, s14;
	[dreg:$0xc] =	wrdreg s12  }
0x14: {  	s17 =	sadd.s32 s4, s14;
	s20 =	sadd.s32 s3, s18;
	[dreg:$0xd] =	wrdreg s15  }
0x15: {  	s22 =	sshll.u32 s11, $0x4;
	s23 =	sshll.u32 s7, $0x4;
	[dreg:$0xf] =	wrdreg s16  }
0x16: {  	s7 =	simm.s32 $0x3;
	s11 =	simm.s32 $0x7;
	[dreg:$0x10] =	wrdreg s17  }
0x17: {  	s14 =	simm.s32 $0x0;
	s0 =	sadd.s32 s4, s24;
	[dreg:$0x11] =	wrdreg s20  }
0x18: {  	s16 =	sadd.s32 s4, s18;
	s17 =	sadd.s32 s3, s19;
	s18 =	sadd.s32 s4, s19  }
0x19: {  	s19 =	sadd.s32 s3, s21;
	s24 =	sand.u32 $0x70, s22;
	s20 =	sadd.s32 s4, s21  }
0x1a: {  	s25 =	sand.u32 $0x180, s23;
	s22 =	smax.u32 s6, $0x1;
	s23 =	simm.s32 $0xD  }
0x1b: {  	s15 =	simm.s32 $0x10200;
	s6 =	simm.s32 $0x2;
	s10 =	simm.s32 $0x16200  }
0x1c: {  	s12 =	simm.s32 $0x9;
	[dreg:$0xa] =	wrdreg s0;
	s0 =	sadd.s32 s4, s13  }
0x1d: {  	s26 =	sadd.s32 s5, s24;
	s24 =	simm.s32 $0x40;
	s4 =	simm.s32 $0x12200  }
0x1e: {  	s5 =	simm.s32 $0x1;
	s13 =	simm.s32 $0xB;
	[dreg:$0xe] =	wrdreg s0  }
0x1f: {  	s21 =	sadd.s32 s25, s26;
	s25 =	simm.s32 $0x4;
	s26 =	simm.s32 $0x5  }
.LBB2_1:
0x20: {  	s0 =	rddreg [dreg:$0x6]  }
0x21: {  	[tilespmem:s2], [sflag:$0xD] =	stream.linear.gather [hbm4b:s0+s2], $0x200, $0x38;
	[tilespmem:$0x18280] =	vst v63  }
0x22: {  	_ =	swait.ge [sflag:s23], $0x200  }
0x23: {  	[sflag:s23] =	ssyncset.done $0x0  }
0x24: {  	s3 =	simm.s32 $0x200;
	[sflag:s23] =	ssyncadd.s32 $0xFFFFFE00  }
0x25: {  	[tilespmem:s3], [sflag:$0x1] =	stream.indirect.gather [hbm4b:s1+s24], $0x80, s2, s24, $0xb8;
	[tilespmem:$0x18280] =	vst v63  }
0x26: {  	s0 =	rddreg [dreg:$0x7];
	s3 =	simm.s32 $0x8200  }
0x27: {  	[tilespmem:s3], [sflag:$0x2] =	stream.linear.gather [hbm4b:s0+s2], $0x2000, $0x38;
	[tilespmem:$0x18280] =	vst v63  }
0x28: {  	s3 =	rddreg [dreg:$0x8]  }
0x29: {  	[tilespmem:s15], [sflag:$0x3] =	stream.linear.gather [hbm4b:s3+s2], $0x2000, $0x38;
	[tilespmem:$0x18280] =	vst v63  }
0x2a: {  	s15 =	simm.s32 $0x2200  }
0x2b: {  	[tilespmem:s15], [sflag:$0x4] =	stream.indirect.gather [hbm4b:s1+s24], $0x80, s24, s24, $0xb8;
	[tilespmem:$0x18280] =	vst v63  }
0x2c: {  	s3 =	rddreg [dreg:$0x9];
	s15 =	simm.s32 $0xA200  }
0x2d: {  	[tilespmem:s15], [sflag:$0x5] =	stream.linear.gather [hbm4b:s3+s2], $0x2000, $0x38;
	[tilespmem:$0x18280] =	vst v63  }
0x2e: {  	s3 =	rddreg [dreg:$0xa]  }
0x2f: {  	[tilespmem:s4], [sflag:$0x6] =	stream.linear.gather [hbm4b:s3+s2], $0x2000, $0x38;
	[tilespmem:$0x18280] =	vst v63  }
0x30: {  	s15 =	simm.s32 $0x4200;
	s4 =	simm.s32 $0x80  }
0x31: {  	[tilespmem:s15], [sflag:$0x7] =	stream.indirect.gather [hbm4b:s1+s24], $0x80, s4, s24, $0xb8;
	[tilespmem:$0x18280] =	vst v63  }
0x32: {  	s4 =	rddreg [dreg:$0xb];
	s15 =	simm.s32 $0xC200  }
0x33: {  	[tilespmem:s15], [sflag:$0x8] =	stream.linear.gather [hbm4b:s4+s2], $0x2000, $0x38;
	[tilespmem:$0x18280] =	vst v63  }
0x34: {  	s4 =	rddreg [dreg:$0xc];
	s15 =	simm.s32 $0x14200  }
0x35: {  	[tilespmem:s15], [sflag:$0x9] =	stream.linear.gather [hbm4b:s4+s2], $0x2000, $0x38;
	[tilespmem:$0x18280] =	vst v63  }
0x36: {  	_ =	swait.ge [sflag:s5], $0x2000  }
0x37: {  	[sflag:s5] =	ssyncset.done $0x0  }
0x38: {  	[sflag:s5] =	ssyncadd.s32 $0xFFFFE000  }
0x39: {  	_ =	swait.ge [sflag:s6], $0x2000  }
0x3a: {  	[sflag:s6] =	ssyncset.done $0x0  }
0x3b: {  	[sflag:s6] =	ssyncadd.s32 $0xFFFFE000  }
0x3c: {  	_ =	swait.ge [sflag:s7], $0x2000  }
0x3d: {  	[sflag:s7] =	ssyncset.done $0x0  }
0x3e: {  	s3 =	simm.s32 $0xC0;
	[sflag:s7] =	ssyncadd.s32 $0xFFFFE000  }
0x3f: {  	[tilespmem:s8], [sflag:$0xA] =	stream.indirect.gather [hbm4b:s1+s24], $0x80, s3, s24, $0xb8;
	[tilespmem:$0x18280] =	vst v63  }
0x40: {  	s4 =	rddreg [dreg:$0xd]  }
0x41: {  	[tilespmem:s9], [sflag:$0xB] =	stream.linear.gather [hbm4b:s4+s2], $0x2000, $0x38;
	[tilespmem:$0x18280] =	vst v63  }
0x42: {  	s15 =	rddreg [dreg:$0xe];
	s3 =	simm.s32 $0x0  }
0x43: {  	[tilespmem:s10], [sflag:$0xC] =	stream.linear.gather [hbm4b:s15+s2], $0x2000, $0x38;
	[tilespmem:$0x18280] =	vst v63  }
0x44: {  	v0 =	vld [tilespmem:s3+$0x260]  }
0x45: {  	v1 =	vld [tilespmem:s3+$0x8260]  }
0x46: {  	v3 =	vld [tilespmem:s3+$0x10260]  }
0x47: {  	v5 =	vld [tilespmem:s3+$0x270]  }
0x48: {  	v4 =	vld [tilespmem:s3+$0x8270]  }
0x49: {  	v6 =	vld [tilespmem:s3+$0x10270]  }
0x4a: {  	v2 =	vld [tilespmem:s3+$0x240]  }
0x4b: {  	v13 =	vld [tilespmem:s3+$0x8240]  }
0x4c: {  	v11 =	vld [tilespmem:s3+$0x10240]  }
0x4d: {  	v8 =	vld [tilespmem:s3+$0x250]  }
0x4e: {  	v15 =	vld [tilespmem:s3+$0x8250]  }
0x4f: {  	v14 =	vld [tilespmem:s3+$0x10250]  }
0x50: {  	v12 =	vld [tilespmem:s3+$0x220]  }
0x51: {  	v19 =	vld [tilespmem:s3+$0x8220]  }
0x52: {  	v16 =	vld [tilespmem:s3+$0x10220]  }
0x53: {  	v7 =	vld [tilespmem:s3+$0x230]  }
0x54: {  	v17 =	vld [tilespmem:s3+$0x200]  }
0x55: {  	v21 =	vld [tilespmem:s3+$0x8200];
	v9 =	vsub.f32 v0, v1  }
0x56: {  	v20 =	vld [tilespmem:s3+$0x10200];
	v10 =	vsub.f32 v0, v3;
	v1 =	vsub.f32 v5, v4  }
0x57: {  	v18 =	vld [tilespmem:s3+$0x210];
	v4 =	vimm.f32 $0.0e+00;
	v13 =	vsub.f32 v2, v13;
	v0 =	vsub.f32 v5, v6  }
0x58: {  	s0 =	simm.s32 $0x200;
	v22 =	vld [tilespmem:s3+$0x8210];
	v6 =	vimm.f32 $0.0e+00;
	v5 =	vimm.f32 $0.0e+00;
	v3 =	vimm.f32 $0.0e+00  }
.LBB2_2:
0x59: {  	p0 =	sne.s32 s0, $0x7E00;
	v23 =	vld [tilespmem:s3+$0x10210];
	v2 =	vsub.f32 v2, v11;
	v11 =	vsub.f32 v8, v15  }
0x5a: {  	v15 =	vsub.f32 v12, v19;
	v8 =	vsub.f32 v8, v14;
	v19 =	vld [tilespmem:s3+$0x8230]  }
0x5b: {  	v12 =	vsub.f32 v12, v16;
	v14 =	vsub.f32 v17, v21;
	v16 =	vld [tilespmem:s3+$0x10230];
	s3 =	sshra.s32 s0, $0x2  }
0x5c: {  	v9 =	vmul.f32 v9, v9;
	v10 =	vmul.f32 v10, v10;
	v17 =	vsub.f32 v17, v20;
	v24 =	vld [tilespmem:s3+$0x260]  }
0x5d: {  	v13 =	vmul.f32 v13, v13;
	v21 =	vmul.f32 v2, v2;
	v25 =	vld [tilespmem:s3+$0x8260];
	v20 =	vsub.f32 v18, v22  }
0x5e: {  	v15 =	vmul.f32 v15, v15;
	v12 =	vmul.f32 v12, v12;
	v22 =	vld [tilespmem:s3+$0x10260];
	v2 =	vsub.f32 v18, v23  }
0x5f: {  	v14 =	vmul.f32 v14, v14;
	v17 =	vmul.f32 v17, v17;
	v23 =	vld [tilespmem:s3+$0x270];
	v18 =	vsub.f32 v7, v19  }
0x60: {  	v19 =	vmul.f32 v20, v20;
	v26 =	vld [tilespmem:s3+$0x8270];
	v20 =	vmul.f32 v2, v2;
	v7 =	vsub.f32 v7, v16  }
0x61: {  	v4 =	vadd.f32 v14, v4;
	v6 =	vadd.f32 v17, v6;
	v27 =	vld [tilespmem:s3+$0x10270];
	v14 =	vmul.f32 v18, v18  }
0x62: {  	v5 =	vadd.f32 v19, v5;
	v2 =	vld [tilespmem:s3+$0x240];
	v3 =	vadd.f32 v20, v3;
	v7 =	vmul.f32 v7, v7  }
0x63: {  	v4 =	vadd.f32 v15, v4;
	v6 =	vadd.f32 v12, v6;
	v12 =	vmul.f32 v11, v11;
	v28 =	vld [tilespmem:s3+$0x8240]  }
0x64: {  	v5 =	vadd.f32 v14, v5;
	v11 =	vld [tilespmem:s3+$0x10240];
	v3 =	vadd.f32 v7, v3;
	v7 =	vmul.f32 v8, v8  }
0x65: {  	v1 =	vmul.f32 v1, v1;
	v4 =	vadd.f32 v13, v4;
	v6 =	vadd.f32 v21, v6;
	v8 =	vld [tilespmem:s3+$0x250]  }
0x66: {  	v0 =	vmul.f32 v0, v0;
	v5 =	vadd.f32 v12, v5;
	v15 =	vld [tilespmem:s3+$0x8250];
	v3 =	vadd.f32 v7, v3  }
0x67: {  	v4 =	vadd.f32 v9, v4;
	v6 =	vadd.f32 v10, v6;
	v14 =	vld [tilespmem:s3+$0x10250]  }
0x68: {  	v5 =	vadd.f32 v1, v5;
	v12 =	vld [tilespmem:s3+$0x220];
	v3 =	vadd.f32 v0, v3  }
0x69: {  	v19 =	vld [tilespmem:s3+$0x8220]  }
0x6a: {  	v16 =	vld [tilespmem:s3+$0x10220]  }
0x6b: {  	v7 =	vld [tilespmem:s3+$0x230]  }
.Ltmp0:
0x6c: {  	v17 =	vld [tilespmem:s3+$0x200];
	(pc) =	sbr.rel @p0 .LBB2_2-.Ltmp0, $4  }
0x6d: {  	v21 =	vld [tilespmem:s3+$0x8200]  }
0x6e: {  	v9 =	vsub.f32 v24, v25;
	v20 =	vld [tilespmem:s3+$0x10200]  }
0x6f: {  	v10 =	vsub.f32 v24, v22;
	v1 =	vsub.f32 v23, v26;
	v18 =	vld [tilespmem:s3+$0x210]  }
0x70: {  	s0 =	sadd.s32 $0x200, s0;
	v13 =	vsub.f32 v2, v28;
	v0 =	vsub.f32 v23, v27;
	v22 =	vld [tilespmem:s3+$0x8210]  }
0x71: {  	v23 =	vld [tilespmem:s3+$0x10210]  }
0x72: {  	v24 =	vld [tilespmem:s3+$0x8230]  }
0x73: {  	v25 =	vld [tilespmem:s3+$0x10230];
	_ =	swait.ge [sflag:s25], $0x2000  }
0x74: {  	[sflag:s25] =	ssyncset.done $0x0  }
0x75: {  	[sflag:s25] =	ssyncadd.s32 $0xFFFFE000  }
0x76: {  	_ =	swait.ge [sflag:s26], $0x2000  }
0x77: {  	[sflag:s26] =	ssyncset.done $0x0  }
0x78: {  	[sflag:s26] =	ssyncadd.s32 $0xFFFFE000  }
0x79: {  	_ =	swait.ge [sflag:s28], $0x2000  }
0x7a: {  	[sflag:s28] =	ssyncset.done $0x0  }
0x7b: {  	s0 =	simm.s32 $0x200;
	s15 =	simm.s32 $0x100;
	[sflag:s28] =	ssyncadd.s32 $0xFFFFE000  }
0x7c: {  	[tilespmem:s0], [sflag:$0x1] =	stream.indirect.gather [hbm4b:s1+s24], $0x80, s15, s24, $0xb8;
	[tilespmem:$0x18280] =	vst v63  }
0x7d: {  	s4 =	rddreg [dreg:$0xf];
	s0 =	simm.s32 $0x0;
	s15 =	simm.s32 $0x8200  }
0x7e: {  	[tilespmem:s15], [sflag:$0x2] =	stream.linear.gather [hbm4b:s4+s0], $0x2000, $0x38;
	[tilespmem:$0x18280] =	vst v63  }
0x7f: {  	s3 =	simm.s32 $0x0;
	s4 =	rddreg [dreg:$0x10];
	s15 =	simm.s32 $0x10200  }
0x80: {  	[tilespmem:s15], [sflag:$0x3] =	stream.linear.gather [hbm4b:s4+s0], $0x2000, $0x38;
	[tilespmem:$0x18280] =	vst v63  }
0x81: {  	v26 =	vld [tilespmem:s3+$0x2260]  }
0x82: {  	v27 =	vld [tilespmem:s3+$0xA260]  }
0x83: {  	v29 =	vld [tilespmem:s3+$0x12260]  }
0x84: {  	v28 =	vsub.f32 v2, v11;
	v11 =	vsub.f32 v12, v19;
	v30 =	vld [tilespmem:s3+$0x2270]  }
0x85: {  	v12 =	vsub.f32 v12, v16;
	v2 =	vsub.f32 v17, v21;
	v31 =	vld [tilespmem:s3+$0xA270]  }
0x86: {  	v15 =	vsub.f32 v8, v15;
	v19 =	vsub.f32 v8, v14;
	v10 =	vmul.f32 v10, v10;
	v32 =	vld [tilespmem:s3+$0x12270]  }
0x87: {  	v8 =	vsub.f32 v17, v20;
	v12 =	vmul.f32 v12, v12;
	v17 =	vmul.f32 v2, v2;
	v2 =	vld [tilespmem:s3+$0x2240]  }
0x88: {  	v19 =	vmul.f32 v19, v19;
	v14 =	vsub.f32 v18, v22;
	v16 =	vsub.f32 v18, v23;
	v23 =	vld [tilespmem:s3+$0xA240]  }
0x89: {  	v18 =	vmul.f32 v8, v8;
	v20 =	vsub.f32 v7, v24;
	v21 =	vsub.f32 v7, v25;
	v8 =	vld [tilespmem:s3+$0x12240]  }
0x8a: {  	v4 =	vadd.f32 v17, v4;
	v17 =	vmul.f32 v11, v11;
	v14 =	vmul.f32 v14, v14;
	v7 =	vld [tilespmem:s3+$0x2250]  }
0x8b: {  	v16 =	vmul.f32 v16, v16;
	v6 =	vadd.f32 v18, v6;
	v18 =	vmul.f32 v20, v20;
	v11 =	vld [tilespmem:s3+$0xA250]  }
0x8c: {  	v20 =	vmul.f32 v21, v21;
	v4 =	vadd.f32 v17, v4;
	v5 =	vadd.f32 v14, v5;
	v14 =	vld [tilespmem:s3+$0x12250]  }
0x8d: {  	v3 =	vadd.f32 v16, v3;
	v16 =	vmul.f32 v13, v13;
	v6 =	vadd.f32 v12, v6;
	v13 =	vld [tilespmem:s3+$0x2220]  }
0x8e: {  	v12 =	vmul.f32 v28, v28;
	v5 =	vadd.f32 v18, v5;
	v18 =	vmul.f32 v15, v15;
	v17 =	vld [tilespmem:s3+$0xA220]  }
0x8f: {  	v3 =	vadd.f32 v20, v3;
	v4 =	vadd.f32 v16, v4;
	v16 =	vmul.f32 v9, v9;
	v15 =	vld [tilespmem:s3+$0x12220]  }
0x90: {  	v1 =	vmul.f32 v1, v1;
	v6 =	vadd.f32 v12, v6;
	v12 =	vadd.f32 v18, v5;
	v9 =	vld [tilespmem:s3+$0x2230]  }
0x91: {  	v0 =	vmul.f32 v0, v0;
	v3 =	vadd.f32 v19, v3;
	v5 =	vadd.f32 v16, v4;
	v18 =	vld [tilespmem:s3+$0x2200]  }
0x92: {  	v6 =	vadd.f32 v10, v6;
	v4 =	vadd.f32 v1, v12;
	v21 =	vld [tilespmem:s3+$0xA200]  }
0x93: {  	v20 =	vld [tilespmem:s3+$0x12200];
	v3 =	vadd.f32 v0, v3;
	v10 =	vsub.f32 v26, v27  }
0x94: {  	v19 =	vld [tilespmem:s3+$0x2210];
	v12 =	vsub.f32 v26, v29;
	v1 =	vsub.f32 v30, v31  }
0x95: {  	s0 =	simm.s32 $0x200;
	v22 =	vld [tilespmem:s3+$0xA210];
	v16 =	vsub.f32 v2, v23;
	v0 =	vsub.f32 v30, v32  }
.LBB2_4:
0x96: {  	p0 =	sne.s32 s0, $0x7E00;
	v23 =	vld [tilespmem:s3+$0x12210];
	v2 =	vsub.f32 v2, v8;
	v8 =	vsub.f32 v7, v11  }
0x97: {  	v11 =	vsub.f32 v13, v17;
	v7 =	vsub.f32 v7, v14;
	v17 =	vld [tilespmem:s3+$0xA230]  }
0x98: {  	v13 =	vsub.f32 v13, v15;
	v14 =	vsub.f32 v18, v21;
	v15 =	vld [tilespmem:s3+$0x12230];
	s3 =	sshra.s32 s0, $0x2  }
0x99: {  	v10 =	vmul.f32 v10, v10;
	v12 =	vmul.f32 v12, v12;
	v18 =	vsub.f32 v18, v20;
	v24 =	vld [tilespmem:s3+$0x2260]  }
0x9a: {  	v16 =	vmul.f32 v16, v16;
	v21 =	vmul.f32 v2, v2;
	v25 =	vld [tilespmem:s3+$0xA260];
	v20 =	vsub.f32 v19, v22  }
0x9b: {  	v11 =	vmul.f32 v11, v11;
	v13 =	vmul.f32 v13, v13;
	v22 =	vld [tilespmem:s3+$0x12260];
	v2 =	vsub.f32 v19, v23  }
0x9c: {  	v14 =	vmul.f32 v14, v14;
	v18 =	vmul.f32 v18, v18;
	v23 =	vld [tilespmem:s3+$0x2270];
	v17 =	vsub.f32 v9, v17  }
0x9d: {  	v19 =	vmul.f32 v20, v20;
	v26 =	vld [tilespmem:s3+$0xA270];
	v20 =	vmul.f32 v2, v2;
	v9 =	vsub.f32 v9, v15  }
0x9e: {  	v5 =	vadd.f32 v14, v5;
	v6 =	vadd.f32 v18, v6;
	v27 =	vld [tilespmem:s3+$0x12270];
	v14 =	vmul.f32 v17, v17  }
0x9f: {  	v4 =	vadd.f32 v19, v4;
	v2 =	vld [tilespmem:s3+$0x2240];
	v3 =	vadd.f32 v20, v3;
	v9 =	vmul.f32 v9, v9  }
0xa0: {  	v5 =	vadd.f32 v11, v5;
	v6 =	vadd.f32 v13, v6;
	v13 =	vmul.f32 v8, v8;
	v28 =	vld [tilespmem:s3+$0xA240]  }
0xa1: {  	v4 =	vadd.f32 v14, v4;
	v8 =	vld [tilespmem:s3+$0x12240];
	v3 =	vadd.f32 v9, v3;
	v9 =	vmul.f32 v7, v7  }
0xa2: {  	v1 =	vmul.f32 v1, v1;
	v5 =	vadd.f32 v16, v5;
	v6 =	vadd.f32 v21, v6;
	v7 =	vld [tilespmem:s3+$0x2250]  }
0xa3: {  	v0 =	vmul.f32 v0, v0;
	v4 =	vadd.f32 v13, v4;
	v11 =	vld [tilespmem:s3+$0xA250];
	v3 =	vadd.f32 v9, v3  }
0xa4: {  	v5 =	vadd.f32 v10, v5;
	v6 =	vadd.f32 v12, v6;
	v14 =	vld [tilespmem:s3+$0x12250]  }
0xa5: {  	v4 =	vadd.f32 v1, v4;
	v13 =	vld [tilespmem:s3+$0x2220];
	v3 =	vadd.f32 v0, v3  }
0xa6: {  	v17 =	vld [tilespmem:s3+$0xA220]  }
0xa7: {  	v15 =	vld [tilespmem:s3+$0x12220]  }
0xa8: {  	v9 =	vld [tilespmem:s3+$0x2230]  }
.Ltmp1:
0xa9: {  	v18 =	vld [tilespmem:s3+$0x2200];
	(pc) =	sbr.rel @p0 .LBB2_4-.Ltmp1, $4  }
0xaa: {  	v21 =	vld [tilespmem:s3+$0xA200]  }
0xab: {  	v10 =	vsub.f32 v24, v25;
	v20 =	vld [tilespmem:s3+$0x12200]  }
0xac: {  	v12 =	vsub.f32 v24, v22;
	v1 =	vsub.f32 v23, v26;
	v19 =	vld [tilespmem:s3+$0x2210]  }
0xad: {  	s0 =	sadd.s32 $0x200, s0;
	v16 =	vsub.f32 v2, v28;
	v0 =	vsub.f32 v23, v27;
	v22 =	vld [tilespmem:s3+$0xA210]  }
0xae: {  	v23 =	vld [tilespmem:s3+$0x12210]  }
0xaf: {  	v24 =	vld [tilespmem:s3+$0xA230]  }
0xb0: {  	v25 =	vld [tilespmem:s3+$0x12230];
	_ =	swait.ge [sflag:s11], $0x2000  }
0xb1: {  	[sflag:s11] =	ssyncset.done $0x0  }
0xb2: {  	[sflag:s11] =	ssyncadd.s32 $0xFFFFE000  }
0xb3: {  	_ =	swait.ge [sflag:s29], $0x2000  }
0xb4: {  	[sflag:s29] =	ssyncset.done $0x0  }
0xb5: {  	[sflag:s29] =	ssyncadd.s32 $0xFFFFE000  }
0xb6: {  	_ =	swait.ge [sflag:s12], $0x2000  }
0xb7: {  	[sflag:s12] =	ssyncset.done $0x0  }
0xb8: {  	s0 =	simm.s32 $0x2200;
	s4 =	simm.s32 $0x140;
	[sflag:s12] =	ssyncadd.s32 $0xFFFFE000  }
0xb9: {  	[tilespmem:s0], [sflag:$0x4] =	stream.indirect.gather [hbm4b:s1+s24], $0x80, s4, s24, $0xb8;
	[tilespmem:$0x18280] =	vst v63  }
0xba: {  	s3 =	rddreg [dreg:$0x11];
	s0 =	simm.s32 $0x0;
	s4 =	simm.s32 $0xA200  }
0xbb: {  	[tilespmem:s4], [sflag:$0x5] =	stream.linear.gather [hbm4b:s3+s0], $0x2000, $0x38;
	[tilespmem:$0x18280] =	vst v63  }
0xbc: {  	s4 =	simm.s32 $0x12200;
	s3 =	simm.s32 $0x0  }
0xbd: {  	[tilespmem:s4], [sflag:$0x6] =	stream.linear.gather [hbm4b:s16+s0], $0x2000, $0x38;
	[tilespmem:$0x18280] =	vst v63  }
0xbe: {  	v26 =	vld [tilespmem:s3+$0x4260]  }
0xbf: {  	v27 =	vld [tilespmem:s3+$0xC260]  }
0xc0: {  	v28 =	vsub.f32 v2, v8;
	v29 =	vld [tilespmem:s3+$0x14260]  }
0xc1: {  	v30 =	vsub.f32 v7, v11;
	v11 =	vsub.f32 v13, v17;
	v31 =	vld [tilespmem:s3+$0x4270]  }
0xc2: {  	v32 =	vsub.f32 v7, v14;
	v2 =	vsub.f32 v18, v21;
	v33 =	vld [tilespmem:s3+$0xC270]  }
0xc3: {  	v13 =	vsub.f32 v13, v15;
	v7 =	vsub.f32 v18, v20;
	v34 =	vld [tilespmem:s3+$0x14270]  }
0xc4: {  	v10 =	vmul.f32 v10, v10;
	v15 =	vmul.f32 v2, v2;
	v8 =	vsub.f32 v19, v22;
	v2 =	vld [tilespmem:s3+$0x4240]  }
0xc5: {  	v16 =	vmul.f32 v16, v16;
	v7 =	vmul.f32 v7, v7;
	v14 =	vsub.f32 v19, v23;
	v23 =	vld [tilespmem:s3+$0xC240]  }
0xc6: {  	v13 =	vmul.f32 v13, v13;
	v17 =	vsub.f32 v9, v24;
	v18 =	vmul.f32 v8, v8;
	v8 =	vld [tilespmem:s3+$0x14240]  }
0xc7: {  	v9 =	vsub.f32 v9, v25;
	v6 =	vadd.f32 v7, v6;
	v14 =	vmul.f32 v14, v14;
	v7 =	vld [tilespmem:s3+$0x4250]  }
0xc8: {  	v5 =	vadd.f32 v15, v5;
	v15 =	vmul.f32 v11, v11;
	v17 =	vmul.f32 v17, v17;
	v11 =	vld [tilespmem:s3+$0xC250]  }
0xc9: {  	v9 =	vmul.f32 v9, v9;
	v4 =	vadd.f32 v18, v4;
	v3 =	vadd.f32 v14, v3;
	v14 =	vld [tilespmem:s3+$0x14250]  }
0xca: {  	v5 =	vadd.f32 v15, v5;
	v15 =	vmul.f32 v28, v28;
	v6 =	vadd.f32 v13, v6;
	v13 =	vld [tilespmem:s3+$0x4220]  }
0xcb: {  	v4 =	vadd.f32 v17, v4;
	v3 =	vadd.f32 v9, v3;
	v9 =	vmul.f32 v30, v30;
	v17 =	vld [tilespmem:s3+$0xC220]  }
0xcc: {  	v5 =	vadd.f32 v16, v5;
	v16 =	vmul.f32 v32, v32;
	v6 =	vadd.f32 v15, v6;
	v15 =	vld [tilespmem:s3+$0x14220]  }
0xcd: {  	v12 =	vmul.f32 v12, v12;
	v1 =	vmul.f32 v1, v1;
	v4 =	vadd.f32 v9, v4;
	v9 =	vld [tilespmem:s3+$0x4230]  }
0xce: {  	v0 =	vmul.f32 v0, v0;
	v5 =	vadd.f32 v10, v5;
	v3 =	vadd.f32 v16, v3;
	v18 =	vld [tilespmem:s3+$0x4200]  }
0xcf: {  	v6 =	vadd.f32 v12, v6;
	v21 =	vld [tilespmem:s3+$0xC200];
	v4 =	vadd.f32 v1, v4  }
0xd0: {  	v20 =	vld [tilespmem:s3+$0x14200];
	v3 =	vadd.f32 v0, v3;
	v10 =	vsub.f32 v26, v27  }
0xd1: {  	v19 =	vld [tilespmem:s3+$0x4210];
	v12 =	vsub.f32 v26, v29;
	v1 =	vsub.f32 v31, v33  }
0xd2: {  	s0 =	simm.s32 $0x200;
	v22 =	vld [tilespmem:s3+$0xC210];
	v16 =	vsub.f32 v2, v23;
	v0 =	vsub.f32 v31, v34  }
.LBB2_6:
0xd3: {  	p0 =	sne.s32 s0, $0x7E00;
	v23 =	vld [tilespmem:s3+$0x14210];
	v2 =	vsub.f32 v2, v8;
	v8 =	vsub.f32 v7, v11  }
0xd4: {  	v11 =	vsub.f32 v13, v17;
	v7 =	vsub.f32 v7, v14;
	v17 =	vld [tilespmem:s3+$0xC230]  }
0xd5: {  	v13 =	vsub.f32 v13, v15;
	v14 =	vsub.f32 v18, v21;
	v15 =	vld [tilespmem:s3+$0x14230];
	s3 =	sshra.s32 s0, $0x2  }
0xd6: {  	v10 =	vmul.f32 v10, v10;
	v12 =	vmul.f32 v12, v12;
	v18 =	vsub.f32 v18, v20;
	v24 =	vld [tilespmem:s3+$0x4260]  }
0xd7: {  	v16 =	vmul.f32 v16, v16;
	v21 =	vmul.f32 v2, v2;
	v25 =	vld [tilespmem:s3+$0xC260];
	v20 =	vsub.f32 v19, v22  }
0xd8: {  	v11 =	vmul.f32 v11, v11;
	v13 =	vmul.f32 v13, v13;
	v22 =	vld [tilespmem:s3+$0x14260];
	v2 =	vsub.f32 v19, v23  }
0xd9: {  	v14 =	vmul.f32 v14, v14;
	v18 =	vmul.f32 v18, v18;
	v23 =	vld [tilespmem:s3+$0x4270];
	v17 =	vsub.f32 v9, v17  }
0xda: {  	v19 =	vmul.f32 v20, v20;
	v26 =	vld [tilespmem:s3+$0xC270];
	v20 =	vmul.f32 v2, v2;
	v9 =	vsub.f32 v9, v15  }
0xdb: {  	v5 =	vadd.f32 v14, v5;
	v6 =	vadd.f32 v18, v6;
	v27 =	vld [tilespmem:s3+$0x14270];
	v14 =	vmul.f32 v17, v17  }
0xdc: {  	v4 =	vadd.f32 v19, v4;
	v2 =	vld [tilespmem:s3+$0x4240];
	v3 =	vadd.f32 v20, v3;
	v9 =	vmul.f32 v9, v9  }
0xdd: {  	v5 =	vadd.f32 v11, v5;
	v6 =	vadd.f32 v13, v6;
	v13 =	vmul.f32 v8, v8;
	v28 =	vld [tilespmem:s3+$0xC240]  }
0xde: {  	v4 =	vadd.f32 v14, v4;
	v8 =	vld [tilespmem:s3+$0x14240];
	v3 =	vadd.f32 v9, v3;
	v9 =	vmul.f32 v7, v7  }
0xdf: {  	v1 =	vmul.f32 v1, v1;
	v5 =	vadd.f32 v16, v5;
	v6 =	vadd.f32 v21, v6;
	v7 =	vld [tilespmem:s3+$0x4250]  }
0xe0: {  	v0 =	vmul.f32 v0, v0;
	v4 =	vadd.f32 v13, v4;
	v11 =	vld [tilespmem:s3+$0xC250];
	v3 =	vadd.f32 v9, v3  }
0xe1: {  	v5 =	vadd.f32 v10, v5;
	v6 =	vadd.f32 v12, v6;
	v14 =	vld [tilespmem:s3+$0x14250]  }
0xe2: {  	v4 =	vadd.f32 v1, v4;
	v13 =	vld [tilespmem:s3+$0x4220];
	v3 =	vadd.f32 v0, v3  }
0xe3: {  	v17 =	vld [tilespmem:s3+$0xC220]  }
0xe4: {  	v15 =	vld [tilespmem:s3+$0x14220]  }
0xe5: {  	v9 =	vld [tilespmem:s3+$0x4230]  }
.Ltmp2:
0xe6: {  	v18 =	vld [tilespmem:s3+$0x4200];
	(pc) =	sbr.rel @p0 .LBB2_6-.Ltmp2, $4  }
0xe7: {  	v21 =	vld [tilespmem:s3+$0xC200]  }
0xe8: {  	v10 =	vsub.f32 v24, v25;
	v20 =	vld [tilespmem:s3+$0x14200]  }
0xe9: {  	v12 =	vsub.f32 v24, v22;
	v1 =	vsub.f32 v23, v26;
	v19 =	vld [tilespmem:s3+$0x4210]  }
0xea: {  	s0 =	sadd.s32 $0x200, s0;
	v16 =	vsub.f32 v2, v28;
	v0 =	vsub.f32 v23, v27;
	v22 =	vld [tilespmem:s3+$0xC210]  }
0xeb: {  	v23 =	vld [tilespmem:s3+$0x14210]  }
0xec: {  	v24 =	vld [tilespmem:s3+$0xC230]  }
0xed: {  	v25 =	vld [tilespmem:s3+$0x14230];
	_ =	swait.ge [sflag:s30], $0x2000  }
0xee: {  	[sflag:s30] =	ssyncset.done $0x0  }
0xef: {  	[sflag:s30] =	ssyncadd.s32 $0xFFFFE000  }
0xf0: {  	_ =	swait.ge [sflag:s13], $0x2000  }
0xf1: {  	[sflag:s13] =	ssyncset.done $0x0  }
0xf2: {  	[sflag:s13] =	ssyncadd.s32 $0xFFFFE000  }
0xf3: {  	_ =	swait.ge [sflag:s31], $0x2000  }
0xf4: {  	[sflag:s31] =	ssyncset.done $0x0  }
0xf5: {  	s0 =	simm.s32 $0x4200;
	s3 =	simm.s32 $0x180;
	[sflag:s31] =	ssyncadd.s32 $0xFFFFE000  }
0xf6: {  	[tilespmem:s0], [sflag:$0x7] =	stream.indirect.gather [hbm4b:s1+s24], $0x80, s3, s24, $0xb8;
	[tilespmem:$0x18280] =	vst v63  }
0xf7: {  	s0 =	simm.s32 $0x0;
	s3 =	simm.s32 $0xC200  }
0xf8: {  	[tilespmem:s3], [sflag:$0x8] =	stream.linear.gather [hbm4b:s17+s0], $0x2000, $0x38;
	[tilespmem:$0x18280] =	vst v63  }
0xf9: {  	s3 =	simm.s32 $0x14200  }
0xfa: {  	[tilespmem:s3], [sflag:$0x9] =	stream.linear.gather [hbm4b:s18+s0], $0x2000, $0x38;
	[tilespmem:$0x18280] =	vst v63  }
0xfb: {  	s3 =	simm.s32 $0x0  }
0xfc: {  	v26 =	vld [tilespmem:s3+$0x6260]  }
0xfd: {  	v27 =	vld [tilespmem:s3+$0xE260]  }
0xfe: {  	v28 =	vsub.f32 v2, v8;
	v29 =	vld [tilespmem:s3+$0x16260]  }
0xff: {  	v30 =	vsub.f32 v7, v11;
	v11 =	vsub.f32 v13, v17;
	v31 =	vld [tilespmem:s3+$0x6270]  }
0x100: {  	v32 =	vsub.f32 v7, v14;
	v2 =	vsub.f32 v18, v21;
	v33 =	vld [tilespmem:s3+$0xE270]  }
0x101: {  	v13 =	vsub.f32 v13, v15;
	v7 =	vsub.f32 v18, v20;
	v34 =	vld [tilespmem:s3+$0x16270]  }
0x102: {  	v10 =	vmul.f32 v10, v10;
	v15 =	vmul.f32 v2, v2;
	v8 =	vsub.f32 v19, v22;
	v2 =	vld [tilespmem:s3+$0x6240]  }
0x103: {  	v16 =	vmul.f32 v16, v16;
	v7 =	vmul.f32 v7, v7;
	v14 =	vsub.f32 v19, v23;
	v23 =	vld [tilespmem:s3+$0xE240]  }
0x104: {  	v13 =	vmul.f32 v13, v13;
	v17 =	vsub.f32 v9, v24;
	v18 =	vmul.f32 v8, v8;
	v8 =	vld [tilespmem:s3+$0x16240]  }
0x105: {  	v9 =	vsub.f32 v9, v25;
	v6 =	vadd.f32 v7, v6;
	v14 =	vmul.f32 v14, v14;
	v7 =	vld [tilespmem:s3+$0x6250]  }
0x106: {  	v5 =	vadd.f32 v15, v5;
	v15 =	vmul.f32 v11, v11;
	v17 =	vmul.f32 v17, v17;
	v11 =	vld [tilespmem:s3+$0xE250]  }
0x107: {  	v9 =	vmul.f32 v9, v9;
	v4 =	vadd.f32 v18, v4;
	v3 =	vadd.f32 v14, v3;
	v14 =	vld [tilespmem:s3+$0x16250]  }
0x108: {  	v5 =	vadd.f32 v15, v5;
	v15 =	vmul.f32 v28, v28;
	v6 =	vadd.f32 v13, v6;
	v13 =	vld [tilespmem:s3+$0x6220]  }
0x109: {  	v4 =	vadd.f32 v17, v4;
	v3 =	vadd.f32 v9, v3;
	v9 =	vmul.f32 v30, v30;
	v17 =	vld [tilespmem:s3+$0xE220]  }
0x10a: {  	v5 =	vadd.f32 v16, v5;
	v16 =	vmul.f32 v32, v32;
	v6 =	vadd.f32 v15, v6;
	v15 =	vld [tilespmem:s3+$0x16220]  }
0x10b: {  	v12 =	vmul.f32 v12, v12;
	v1 =	vmul.f32 v1, v1;
	v4 =	vadd.f32 v9, v4;
	v9 =	vld [tilespmem:s3+$0x6230]  }
0x10c: {  	v0 =	vmul.f32 v0, v0;
	v5 =	vadd.f32 v10, v5;
	v3 =	vadd.f32 v16, v3;
	v18 =	vld [tilespmem:s3+$0x6200]  }
0x10d: {  	v6 =	vadd.f32 v12, v6;
	v21 =	vld [tilespmem:s3+$0xE200];
	v4 =	vadd.f32 v1, v4  }
0x10e: {  	v20 =	vld [tilespmem:s3+$0x16200];
	v3 =	vadd.f32 v0, v3;
	v10 =	vsub.f32 v26, v27  }
0x10f: {  	v19 =	vld [tilespmem:s3+$0x6210];
	v12 =	vsub.f32 v26, v29;
	v1 =	vsub.f32 v31, v33  }
0x110: {  	s0 =	simm.s32 $0x200;
	v22 =	vld [tilespmem:s3+$0xE210];
	v16 =	vsub.f32 v2, v23;
	v0 =	vsub.f32 v31, v34  }
.LBB2_8:
0x111: {  	p0 =	sne.s32 s0, $0x7E00;
	v23 =	vld [tilespmem:s3+$0x16210];
	v2 =	vsub.f32 v2, v8;
	v8 =	vsub.f32 v7, v11  }
0x112: {  	v11 =	vsub.f32 v13, v17;
	v7 =	vsub.f32 v7, v14;
	v17 =	vld [tilespmem:s3+$0xE230]  }
0x113: {  	v13 =	vsub.f32 v13, v15;
	v14 =	vsub.f32 v18, v21;
	v15 =	vld [tilespmem:s3+$0x16230];
	s3 =	sshra.s32 s0, $0x2  }
0x114: {  	v10 =	vmul.f32 v10, v10;
	v12 =	vmul.f32 v12, v12;
	v18 =	vsub.f32 v18, v20;
	v24 =	vld [tilespmem:s3+$0x6260]  }
0x115: {  	v16 =	vmul.f32 v16, v16;
	v21 =	vmul.f32 v2, v2;
	v25 =	vld [tilespmem:s3+$0xE260];
	v20 =	vsub.f32 v19, v22  }
0x116: {  	v11 =	vmul.f32 v11, v11;
	v13 =	vmul.f32 v13, v13;
	v22 =	vld [tilespmem:s3+$0x16260];
	v2 =	vsub.f32 v19, v23  }
0x117: {  	v14 =	vmul.f32 v14, v14;
	v18 =	vmul.f32 v18, v18;
	v23 =	vld [tilespmem:s3+$0x6270];
	v17 =	vsub.f32 v9, v17  }
0x118: {  	v19 =	vmul.f32 v20, v20;
	v26 =	vld [tilespmem:s3+$0xE270];
	v20 =	vmul.f32 v2, v2;
	v9 =	vsub.f32 v9, v15  }
0x119: {  	v5 =	vadd.f32 v14, v5;
	v6 =	vadd.f32 v18, v6;
	v27 =	vld [tilespmem:s3+$0x16270];
	v14 =	vmul.f32 v17, v17  }
0x11a: {  	v4 =	vadd.f32 v19, v4;
	v2 =	vld [tilespmem:s3+$0x6240];
	v3 =	vadd.f32 v20, v3;
	v9 =	vmul.f32 v9, v9  }
0x11b: {  	v5 =	vadd.f32 v11, v5;
	v6 =	vadd.f32 v13, v6;
	v13 =	vmul.f32 v8, v8;
	v28 =	vld [tilespmem:s3+$0xE240]  }
0x11c: {  	v4 =	vadd.f32 v14, v4;
	v8 =	vld [tilespmem:s3+$0x16240];
	v3 =	vadd.f32 v9, v3;
	v9 =	vmul.f32 v7, v7  }
0x11d: {  	v1 =	vmul.f32 v1, v1;
	v5 =	vadd.f32 v16, v5;
	v6 =	vadd.f32 v21, v6;
	v7 =	vld [tilespmem:s3+$0x6250]  }
0x11e: {  	v0 =	vmul.f32 v0, v0;
	v4 =	vadd.f32 v13, v4;
	v11 =	vld [tilespmem:s3+$0xE250];
	v3 =	vadd.f32 v9, v3  }
0x11f: {  	v5 =	vadd.f32 v10, v5;
	v6 =	vadd.f32 v12, v6;
	v14 =	vld [tilespmem:s3+$0x16250]  }
0x120: {  	v4 =	vadd.f32 v1, v4;
	v13 =	vld [tilespmem:s3+$0x6220];
	v3 =	vadd.f32 v0, v3  }
0x121: {  	v17 =	vld [tilespmem:s3+$0xE220]  }
0x122: {  	v15 =	vld [tilespmem:s3+$0x16220]  }
0x123: {  	v9 =	vld [tilespmem:s3+$0x6230]  }
.Ltmp3:
0x124: {  	v18 =	vld [tilespmem:s3+$0x6200];
	(pc) =	sbr.rel @p0 .LBB2_8-.Ltmp3, $4  }
0x125: {  	v21 =	vld [tilespmem:s3+$0xE200]  }
0x126: {  	v10 =	vsub.f32 v24, v25;
	v20 =	vld [tilespmem:s3+$0x16200]  }
0x127: {  	v12 =	vsub.f32 v24, v22;
	v1 =	vsub.f32 v23, v26;
	v19 =	vld [tilespmem:s3+$0x6210]  }
0x128: {  	s0 =	sadd.s32 $0x200, s0;
	v16 =	vsub.f32 v2, v28;
	v0 =	vsub.f32 v23, v27;
	v22 =	vld [tilespmem:s3+$0xE210]  }
0x129: {  	v23 =	vld [tilespmem:s3+$0x16210]  }
0x12a: {  	v24 =	vld [tilespmem:s3+$0xE230]  }
0x12b: {  	v25 =	vld [tilespmem:s3+$0x16230];
	_ =	swait.ge [sflag:s5], $0x2000  }
0x12c: {  	[sflag:s5] =	ssyncset.done $0x0  }
0x12d: {  	[sflag:s5] =	ssyncadd.s32 $0xFFFFE000  }
0x12e: {  	_ =	swait.ge [sflag:s6], $0x2000  }
0x12f: {  	[sflag:s6] =	ssyncset.done $0x0  }
0x130: {  	[sflag:s6] =	ssyncadd.s32 $0xFFFFE000  }
0x131: {  	_ =	swait.ge [sflag:s7], $0x2000  }
0x132: {  	[sflag:s7] =	ssyncset.done $0x0  }
0x133: {  	s0 =	simm.s32 $0x1C0;
	[sflag:s7] =	ssyncadd.s32 $0xFFFFE000  }
0x134: {  	[tilespmem:s8], [sflag:$0xA] =	stream.indirect.gather [hbm4b:s1+s24], $0x80, s0, s24, $0xb8;
	[tilespmem:$0x18280] =	vst v63  }
0x135: {  	s3 =	simm.s32 $0x0  }
0x136: {  	[tilespmem:s9], [sflag:$0xB] =	stream.linear.gather [hbm4b:s19+s3], $0x2000, $0x38;
	[tilespmem:$0x18280] =	vst v63  }
0x137: {  	_ = 	snop  }
0x138: {  	[tilespmem:s10], [sflag:$0xC] =	stream.linear.gather [hbm4b:s20+s3], $0x2000, $0x38;
	[tilespmem:$0x18280] =	vst v63  }
0x139: {  	s3 =	simm.s32 $0x0  }
0x13a: {  	v26 =	vld [tilespmem:s3+$0x260]  }
0x13b: {  	v27 =	vld [tilespmem:s3+$0x8260]  }
0x13c: {  	v28 =	vsub.f32 v2, v8;
	v29 =	vld [tilespmem:s3+$0x10260]  }
0x13d: {  	v30 =	vsub.f32 v7, v11;
	v11 =	vsub.f32 v13, v17;
	v31 =	vld [tilespmem:s3+$0x270]  }
0x13e: {  	v32 =	vsub.f32 v7, v14;
	v2 =	vsub.f32 v18, v21;
	v33 =	vld [tilespmem:s3+$0x8270]  }
0x13f: {  	v13 =	vsub.f32 v13, v15;
	v7 =	vsub.f32 v18, v20;
	v34 =	vld [tilespmem:s3+$0x10270]  }
0x140: {  	v10 =	vmul.f32 v10, v10;
	v15 =	vmul.f32 v2, v2;
	v8 =	vsub.f32 v19, v22;
	v2 =	vld [tilespmem:s3+$0x240]  }
0x141: {  	v16 =	vmul.f32 v16, v16;
	v7 =	vmul.f32 v7, v7;
	v14 =	vsub.f32 v19, v23;
	v23 =	vld [tilespmem:s3+$0x8240]  }
0x142: {  	v13 =	vmul.f32 v13, v13;
	v17 =	vsub.f32 v9, v24;
	v18 =	vmul.f32 v8, v8;
	v8 =	vld [tilespmem:s3+$0x10240]  }
0x143: {  	v9 =	vsub.f32 v9, v25;
	v6 =	vadd.f32 v7, v6;
	v14 =	vmul.f32 v14, v14;
	v7 =	vld [tilespmem:s3+$0x250]  }
0x144: {  	v5 =	vadd.f32 v15, v5;
	v15 =	vmul.f32 v11, v11;
	v17 =	vmul.f32 v17, v17;
	v11 =	vld [tilespmem:s3+$0x8250]  }
0x145: {  	v9 =	vmul.f32 v9, v9;
	v4 =	vadd.f32 v18, v4;
	v3 =	vadd.f32 v14, v3;
	v14 =	vld [tilespmem:s3+$0x10250]  }
0x146: {  	v5 =	vadd.f32 v15, v5;
	v15 =	vmul.f32 v28, v28;
	v6 =	vadd.f32 v13, v6;
	v13 =	vld [tilespmem:s3+$0x220]  }
0x147: {  	v4 =	vadd.f32 v17, v4;
	v3 =	vadd.f32 v9, v3;
	v9 =	vmul.f32 v30, v30;
	v17 =	vld [tilespmem:s3+$0x8220]  }
0x148: {  	v5 =	vadd.f32 v16, v5;
	v16 =	vmul.f32 v32, v32;
	v6 =	vadd.f32 v15, v6;
	v15 =	vld [tilespmem:s3+$0x10220]  }
0x149: {  	v12 =	vmul.f32 v12, v12;
	v1 =	vmul.f32 v1, v1;
	v4 =	vadd.f32 v9, v4;
	v9 =	vld [tilespmem:s3+$0x230]  }
0x14a: {  	v0 =	vmul.f32 v0, v0;
	v5 =	vadd.f32 v10, v5;
	v3 =	vadd.f32 v16, v3;
	v18 =	vld [tilespmem:s3+$0x200]  }
0x14b: {  	v6 =	vadd.f32 v12, v6;
	v21 =	vld [tilespmem:s3+$0x8200];
	v4 =	vadd.f32 v1, v4  }
0x14c: {  	v20 =	vld [tilespmem:s3+$0x10200];
	v3 =	vadd.f32 v0, v3;
	v10 =	vsub.f32 v26, v27  }
0x14d: {  	v19 =	vld [tilespmem:s3+$0x210];
	v12 =	vsub.f32 v26, v29;
	v1 =	vsub.f32 v31, v33  }
0x14e: {  	s0 =	simm.s32 $0x200;
	v22 =	vld [tilespmem:s3+$0x8210];
	v16 =	vsub.f32 v2, v23;
	v0 =	vsub.f32 v31, v34  }
.LBB2_10:
0x14f: {  	p0 =	sne.s32 s0, $0x7E00;
	v23 =	vld [tilespmem:s3+$0x10210];
	v2 =	vsub.f32 v2, v8;
	v8 =	vsub.f32 v7, v11  }
0x150: {  	v11 =	vsub.f32 v13, v17;
	v7 =	vsub.f32 v7, v14;
	v17 =	vld [tilespmem:s3+$0x8230]  }
0x151: {  	v13 =	vsub.f32 v13, v15;
	v14 =	vsub.f32 v18, v21;
	v15 =	vld [tilespmem:s3+$0x10230];
	s3 =	sshra.s32 s0, $0x2  }
0x152: {  	v10 =	vmul.f32 v10, v10;
	v12 =	vmul.f32 v12, v12;
	v18 =	vsub.f32 v18, v20;
	v24 =	vld [tilespmem:s3+$0x260]  }
0x153: {  	v16 =	vmul.f32 v16, v16;
	v21 =	vmul.f32 v2, v2;
	v25 =	vld [tilespmem:s3+$0x8260];
	v20 =	vsub.f32 v19, v22  }
0x154: {  	v11 =	vmul.f32 v11, v11;
	v13 =	vmul.f32 v13, v13;
	v22 =	vld [tilespmem:s3+$0x10260];
	v2 =	vsub.f32 v19, v23  }
0x155: {  	v14 =	vmul.f32 v14, v14;
	v18 =	vmul.f32 v18, v18;
	v23 =	vld [tilespmem:s3+$0x270];
	v17 =	vsub.f32 v9, v17  }
0x156: {  	v19 =	vmul.f32 v20, v20;
	v26 =	vld [tilespmem:s3+$0x8270];
	v20 =	vmul.f32 v2, v2;
	v9 =	vsub.f32 v9, v15  }
0x157: {  	v5 =	vadd.f32 v14, v5;
	v6 =	vadd.f32 v18, v6;
	v27 =	vld [tilespmem:s3+$0x10270];
	v14 =	vmul.f32 v17, v17  }
0x158: {  	v4 =	vadd.f32 v19, v4;
	v2 =	vld [tilespmem:s3+$0x240];
	v3 =	vadd.f32 v20, v3;
	v9 =	vmul.f32 v9, v9  }
0x159: {  	v5 =	vadd.f32 v11, v5;
	v6 =	vadd.f32 v13, v6;
	v13 =	vmul.f32 v8, v8;
	v28 =	vld [tilespmem:s3+$0x8240]  }
0x15a: {  	v4 =	vadd.f32 v14, v4;
	v8 =	vld [tilespmem:s3+$0x10240];
	v3 =	vadd.f32 v9, v3;
	v9 =	vmul.f32 v7, v7  }
0x15b: {  	v1 =	vmul.f32 v1, v1;
	v5 =	vadd.f32 v16, v5;
	v6 =	vadd.f32 v21, v6;
	v7 =	vld [tilespmem:s3+$0x250]  }
0x15c: {  	v0 =	vmul.f32 v0, v0;
	v4 =	vadd.f32 v13, v4;
	v11 =	vld [tilespmem:s3+$0x8250];
	v3 =	vadd.f32 v9, v3  }
0x15d: {  	v5 =	vadd.f32 v10, v5;
	v6 =	vadd.f32 v12, v6;
	v14 =	vld [tilespmem:s3+$0x10250]  }
0x15e: {  	v4 =	vadd.f32 v1, v4;
	v13 =	vld [tilespmem:s3+$0x220];
	v3 =	vadd.f32 v0, v3  }
0x15f: {  	v17 =	vld [tilespmem:s3+$0x8220]  }
0x160: {  	v15 =	vld [tilespmem:s3+$0x10220]  }
0x161: {  	v9 =	vld [tilespmem:s3+$0x230]  }
.Ltmp4:
0x162: {  	v18 =	vld [tilespmem:s3+$0x200];
	(pc) =	sbr.rel @p0 .LBB2_10-.Ltmp4, $4  }
0x163: {  	v21 =	vld [tilespmem:s3+$0x8200]  }
0x164: {  	v10 =	vsub.f32 v24, v25;
	v20 =	vld [tilespmem:s3+$0x10200]  }
0x165: {  	v12 =	vsub.f32 v24, v22;
	v1 =	vsub.f32 v23, v26;
	v19 =	vld [tilespmem:s3+$0x210]  }
0x166: {  	s0 =	sadd.s32 $0x200, s0;
	v16 =	vsub.f32 v2, v28;
	v0 =	vsub.f32 v23, v27;
	v22 =	vld [tilespmem:s3+$0x8210]  }
0x167: {  	v23 =	vld [tilespmem:s3+$0x10210]  }
0x168: {  	v24 =	vld [tilespmem:s3+$0x8230]  }
0x169: {  	v25 =	vld [tilespmem:s3+$0x10230];
	_ =	swait.ge [sflag:s25], $0x2000  }
0x16a: {  	[sflag:s25] =	ssyncset.done $0x0  }
0x16b: {  	[sflag:s25] =	ssyncadd.s32 $0xFFFFE000  }
0x16c: {  	_ =	swait.ge [sflag:s26], $0x2000  }
0x16d: {  	[sflag:s26] =	ssyncset.done $0x0  }
0x16e: {  	[sflag:s26] =	ssyncadd.s32 $0xFFFFE000  }
0x16f: {  	_ =	swait.ge [sflag:s28], $0x2000  }
0x170: {  	[sflag:s28] =	ssyncset.done $0x0  }
0x171: {  	s3 =	simm.s32 $0x0;
	[sflag:s28] =	ssyncadd.s32 $0xFFFFE000  }
0x172: {  	v26 =	vld [tilespmem:s3+$0x2260]  }
0x173: {  	v27 =	vld [tilespmem:s3+$0xA260]  }
0x174: {  	v28 =	vsub.f32 v2, v8;
	v29 =	vld [tilespmem:s3+$0x12260]  }
0x175: {  	v30 =	vsub.f32 v7, v11;
	v11 =	vsub.f32 v13, v17;
	v31 =	vld [tilespmem:s3+$0x2270]  }
0x176: {  	v32 =	vsub.f32 v7, v14;
	v2 =	vsub.f32 v18, v21;
	v33 =	vld [tilespmem:s3+$0xA270]  }
0x177: {  	v13 =	vsub.f32 v13, v15;
	v7 =	vsub.f32 v18, v20;
	v34 =	vld [tilespmem:s3+$0x12270]  }
0x178: {  	v10 =	vmul.f32 v10, v10;
	v15 =	vmul.f32 v2, v2;
	v8 =	vsub.f32 v19, v22;
	v2 =	vld [tilespmem:s3+$0x2240]  }
0x179: {  	v16 =	vmul.f32 v16, v16;
	v7 =	vmul.f32 v7, v7;
	v14 =	vsub.f32 v19, v23;
	v23 =	vld [tilespmem:s3+$0xA240]  }
0x17a: {  	v5 =	vadd.f32 v15, v5;
	v15 =	vmul.f32 v11, v11;
	v18 =	vmul.f32 v8, v8;
	v8 =	vld [tilespmem:s3+$0x12240]  }
0x17b: {  	v17 =	vsub.f32 v9, v24;
	v6 =	vadd.f32 v7, v6;
	v14 =	vmul.f32 v14, v14;
	v7 =	vld [tilespmem:s3+$0x2250]  }
0x17c: {  	v13 =	vmul.f32 v13, v13;
	v9 =	vsub.f32 v9, v25;
	v5 =	vadd.f32 v15, v5;
	v11 =	vld [tilespmem:s3+$0xA250]  }
0x17d: {  	v17 =	vmul.f32 v17, v17;
	v4 =	vadd.f32 v18, v4;
	v3 =	vadd.f32 v14, v3;
	v14 =	vld [tilespmem:s3+$0x12250]  }
0x17e: {  	v9 =	vmul.f32 v9, v9;
	v15 =	vmul.f32 v28, v28;
	v6 =	vadd.f32 v13, v6;
	v13 =	vld [tilespmem:s3+$0x2220]  }
0x17f: {  	v12 =	vmul.f32 v12, v12;
	v5 =	vadd.f32 v16, v5;
	v18 =	vld [tilespmem:s3+$0x2200];
	v4 =	vadd.f32 v17, v4  }
0x180: {  	v21 =	vld [tilespmem:s3+$0xA200];
	v6 =	vadd.f32 v15, v6;
	v3 =	vadd.f32 v9, v3;
	v9 =	vmul.f32 v30, v30  }
0x181: {  	v16 =	vmul.f32 v32, v32;
	v20 =	vld [tilespmem:s3+$0x12200];
	v5 =	vadd.f32 v10, v5  }
0x182: {  	v1 =	vmul.f32 v1, v1;
	v19 =	vld [tilespmem:s3+$0x2210];
	v6 =	vadd.f32 v12, v6;
	v4 =	vadd.f32 v9, v4  }
0x183: {  	v0 =	vmul.f32 v0, v0;
	v17 =	vld [tilespmem:s3+$0xA220];
	v3 =	vadd.f32 v16, v3;
	v10 =	vsub.f32 v26, v27  }
0x184: {  	v15 =	vld [tilespmem:s3+$0x12220];
	v12 =	vsub.f32 v26, v29;
	v16 =	vsub.f32 v2, v23  }
0x185: {  	v22 =	vld [tilespmem:s3+$0xA210];
	v4 =	vadd.f32 v1, v4;
	v3 =	vadd.f32 v0, v3  }
0x186: {  	s0 =	simm.s32 $0x200;
	v9 =	vld [tilespmem:s3+$0x2230];
	v1 =	vsub.f32 v31, v33;
	v0 =	vsub.f32 v31, v34  }
.LBB2_12:
0x187: {  	p0 =	sne.s32 s0, $0x7E00;
	v23 =	vld [tilespmem:s3+$0x12210];
	v2 =	vsub.f32 v2, v8;
	v8 =	vsub.f32 v7, v11  }
0x188: {  	v11 =	vsub.f32 v13, v17;
	v7 =	vsub.f32 v7, v14;
	v17 =	vld [tilespmem:s3+$0xA230]  }
0x189: {  	v13 =	vsub.f32 v13, v15;
	v14 =	vsub.f32 v18, v21;
	v15 =	vld [tilespmem:s3+$0x12230];
	s3 =	sshra.s32 s0, $0x2  }
0x18a: {  	v10 =	vmul.f32 v10, v10;
	v12 =	vmul.f32 v12, v12;
	v18 =	vsub.f32 v18, v20;
	v24 =	vld [tilespmem:s3+$0x2260]  }
0x18b: {  	v16 =	vmul.f32 v16, v16;
	v21 =	vmul.f32 v2, v2;
	v25 =	vld [tilespmem:s3+$0xA260];
	v20 =	vsub.f32 v19, v22  }
0x18c: {  	v11 =	vmul.f32 v11, v11;
	v13 =	vmul.f32 v13, v13;
	v22 =	vld [tilespmem:s3+$0x12260];
	v2 =	vsub.f32 v19, v23  }
0x18d: {  	v14 =	vmul.f32 v14, v14;
	v18 =	vmul.f32 v18, v18;
	v23 =	vld [tilespmem:s3+$0x2270];
	v17 =	vsub.f32 v9, v17  }
0x18e: {  	v19 =	vmul.f32 v20, v20;
	v26 =	vld [tilespmem:s3+$0xA270];
	v20 =	vmul.f32 v2, v2;
	v9 =	vsub.f32 v9, v15  }
0x18f: {  	v5 =	vadd.f32 v14, v5;
	v6 =	vadd.f32 v18, v6;
	v27 =	vld [tilespmem:s3+$0x12270];
	v14 =	vmul.f32 v17, v17  }
0x190: {  	v4 =	vadd.f32 v19, v4;
	v2 =	vld [tilespmem:s3+$0x2240];
	v3 =	vadd.f32 v20, v3;
	v9 =	vmul.f32 v9, v9  }
0x191: {  	v5 =	vadd.f32 v11, v5;
	v6 =	vadd.f32 v13, v6;
	v13 =	vmul.f32 v8, v8;
	v28 =	vld [tilespmem:s3+$0xA240]  }
0x192: {  	v4 =	vadd.f32 v14, v4;
	v8 =	vld [tilespmem:s3+$0x12240];
	v3 =	vadd.f32 v9, v3;
	v9 =	vmul.f32 v7, v7  }
0x193: {  	v1 =	vmul.f32 v1, v1;
	v5 =	vadd.f32 v16, v5;
	v6 =	vadd.f32 v21, v6;
	v7 =	vld [tilespmem:s3+$0x2250]  }
0x194: {  	v0 =	vmul.f32 v0, v0;
	v4 =	vadd.f32 v13, v4;
	v11 =	vld [tilespmem:s3+$0xA250];
	v3 =	vadd.f32 v9, v3  }
0x195: {  	v5 =	vadd.f32 v10, v5;
	v6 =	vadd.f32 v12, v6;
	v14 =	vld [tilespmem:s3+$0x12250]  }
0x196: {  	v4 =	vadd.f32 v1, v4;
	v13 =	vld [tilespmem:s3+$0x2220];
	v3 =	vadd.f32 v0, v3  }
0x197: {  	v17 =	vld [tilespmem:s3+$0xA220]  }
0x198: {  	v15 =	vld [tilespmem:s3+$0x12220]  }
0x199: {  	v9 =	vld [tilespmem:s3+$0x2230]  }
.Ltmp5:
0x19a: {  	v18 =	vld [tilespmem:s3+$0x2200];
	(pc) =	sbr.rel @p0 .LBB2_12-.Ltmp5, $4  }
0x19b: {  	v21 =	vld [tilespmem:s3+$0xA200]  }
0x19c: {  	v10 =	vsub.f32 v24, v25;
	v20 =	vld [tilespmem:s3+$0x12200]  }
0x19d: {  	v12 =	vsub.f32 v24, v22;
	v1 =	vsub.f32 v23, v26;
	v19 =	vld [tilespmem:s3+$0x2210]  }
0x19e: {  	s0 =	sadd.s32 $0x200, s0;
	v16 =	vsub.f32 v2, v28;
	v0 =	vsub.f32 v23, v27;
	v22 =	vld [tilespmem:s3+$0xA210]  }
0x19f: {  	v23 =	vld [tilespmem:s3+$0x12210]  }
0x1a0: {  	v24 =	vld [tilespmem:s3+$0xA230]  }
0x1a1: {  	v25 =	vld [tilespmem:s3+$0x12230];
	_ =	swait.ge [sflag:s11], $0x2000  }
0x1a2: {  	[sflag:s11] =	ssyncset.done $0x0  }
0x1a3: {  	[sflag:s11] =	ssyncadd.s32 $0xFFFFE000  }
0x1a4: {  	_ =	swait.ge [sflag:s29], $0x2000  }
0x1a5: {  	[sflag:s29] =	ssyncset.done $0x0  }
0x1a6: {  	[sflag:s29] =	ssyncadd.s32 $0xFFFFE000  }
0x1a7: {  	_ =	swait.ge [sflag:s12], $0x2000  }
0x1a8: {  	[sflag:s12] =	ssyncset.done $0x0  }
0x1a9: {  	s3 =	simm.s32 $0x0;
	[sflag:s12] =	ssyncadd.s32 $0xFFFFE000  }
0x1aa: {  	v26 =	vld [tilespmem:s3+$0x4260]  }
0x1ab: {  	v27 =	vld [tilespmem:s3+$0xC260]  }
0x1ac: {  	v28 =	vsub.f32 v2, v8;
	v29 =	vld [tilespmem:s3+$0x14260]  }
0x1ad: {  	v30 =	vsub.f32 v7, v11;
	v11 =	vsub.f32 v13, v17;
	v31 =	vld [tilespmem:s3+$0x4270]  }
0x1ae: {  	v32 =	vsub.f32 v7, v14;
	v2 =	vsub.f32 v18, v21;
	v33 =	vld [tilespmem:s3+$0xC270]  }
0x1af: {  	v13 =	vsub.f32 v13, v15;
	v7 =	vsub.f32 v18, v20;
	v34 =	vld [tilespmem:s3+$0x14270]  }
0x1b0: {  	v10 =	vmul.f32 v10, v10;
	v15 =	vmul.f32 v2, v2;
	v8 =	vsub.f32 v19, v22;
	v2 =	vld [tilespmem:s3+$0x4240]  }
0x1b1: {  	v16 =	vmul.f32 v16, v16;
	v7 =	vmul.f32 v7, v7;
	v14 =	vsub.f32 v19, v23;
	v23 =	vld [tilespmem:s3+$0xC240]  }
0x1b2: {  	v5 =	vadd.f32 v15, v5;
	v15 =	vmul.f32 v11, v11;
	v18 =	vmul.f32 v8, v8;
	v8 =	vld [tilespmem:s3+$0x14240]  }
0x1b3: {  	v17 =	vsub.f32 v9, v24;
	v6 =	vadd.f32 v7, v6;
	v14 =	vmul.f32 v14, v14;
	v7 =	vld [tilespmem:s3+$0x4250]  }
0x1b4: {  	v13 =	vmul.f32 v13, v13;
	v9 =	vsub.f32 v9, v25;
	v5 =	vadd.f32 v15, v5;
	v11 =	vld [tilespmem:s3+$0xC250]  }
0x1b5: {  	v17 =	vmul.f32 v17, v17;
	v4 =	vadd.f32 v18, v4;
	v3 =	vadd.f32 v14, v3;
	v14 =	vld [tilespmem:s3+$0x14250]  }
0x1b6: {  	v9 =	vmul.f32 v9, v9;
	v15 =	vmul.f32 v28, v28;
	v6 =	vadd.f32 v13, v6;
	v13 =	vld [tilespmem:s3+$0x4220]  }
0x1b7: {  	v12 =	vmul.f32 v12, v12;
	v5 =	vadd.f32 v16, v5;
	v18 =	vld [tilespmem:s3+$0x4200];
	v4 =	vadd.f32 v17, v4  }
0x1b8: {  	v21 =	vld [tilespmem:s3+$0xC200];
	v6 =	vadd.f32 v15, v6;
	v3 =	vadd.f32 v9, v3;
	v9 =	vmul.f32 v30, v30  }
0x1b9: {  	v16 =	vmul.f32 v32, v32;
	v20 =	vld [tilespmem:s3+$0x14200];
	v5 =	vadd.f32 v10, v5  }
0x1ba: {  	v1 =	vmul.f32 v1, v1;
	v19 =	vld [tilespmem:s3+$0x4210];
	v6 =	vadd.f32 v12, v6;
	v4 =	vadd.f32 v9, v4  }
0x1bb: {  	v0 =	vmul.f32 v0, v0;
	v17 =	vld [tilespmem:s3+$0xC220];
	v3 =	vadd.f32 v16, v3;
	v10 =	vsub.f32 v26, v27  }
0x1bc: {  	v15 =	vld [tilespmem:s3+$0x14220];
	v12 =	vsub.f32 v26, v29;
	v16 =	vsub.f32 v2, v23  }
0x1bd: {  	v22 =	vld [tilespmem:s3+$0xC210];
	v4 =	vadd.f32 v1, v4;
	v3 =	vadd.f32 v0, v3  }
0x1be: {  	s0 =	simm.s32 $0x200;
	v9 =	vld [tilespmem:s3+$0x4230];
	v1 =	vsub.f32 v31, v33;
	v0 =	vsub.f32 v31, v34  }
.LBB2_14:
0x1bf: {  	p0 =	sne.s32 s0, $0x7E00;
	v23 =	vld [tilespmem:s3+$0x14210];
	v2 =	vsub.f32 v2, v8;
	v8 =	vsub.f32 v7, v11  }
0x1c0: {  	v11 =	vsub.f32 v13, v17;
	v7 =	vsub.f32 v7, v14;
	v17 =	vld [tilespmem:s3+$0xC230]  }
0x1c1: {  	v13 =	vsub.f32 v13, v15;
	v14 =	vsub.f32 v18, v21;
	v15 =	vld [tilespmem:s3+$0x14230];
	s3 =	sshra.s32 s0, $0x2  }
0x1c2: {  	v10 =	vmul.f32 v10, v10;
	v12 =	vmul.f32 v12, v12;
	v18 =	vsub.f32 v18, v20;
	v24 =	vld [tilespmem:s3+$0x4260]  }
0x1c3: {  	v16 =	vmul.f32 v16, v16;
	v21 =	vmul.f32 v2, v2;
	v25 =	vld [tilespmem:s3+$0xC260];
	v20 =	vsub.f32 v19, v22  }
0x1c4: {  	v11 =	vmul.f32 v11, v11;
	v13 =	vmul.f32 v13, v13;
	v22 =	vld [tilespmem:s3+$0x14260];
	v2 =	vsub.f32 v19, v23  }
0x1c5: {  	v14 =	vmul.f32 v14, v14;
	v18 =	vmul.f32 v18, v18;
	v23 =	vld [tilespmem:s3+$0x4270];
	v17 =	vsub.f32 v9, v17  }
0x1c6: {  	v19 =	vmul.f32 v20, v20;
	v26 =	vld [tilespmem:s3+$0xC270];
	v20 =	vmul.f32 v2, v2;
	v9 =	vsub.f32 v9, v15  }
0x1c7: {  	v5 =	vadd.f32 v14, v5;
	v6 =	vadd.f32 v18, v6;
	v27 =	vld [tilespmem:s3+$0x14270];
	v14 =	vmul.f32 v17, v17  }
0x1c8: {  	v4 =	vadd.f32 v19, v4;
	v2 =	vld [tilespmem:s3+$0x4240];
	v3 =	vadd.f32 v20, v3;
	v9 =	vmul.f32 v9, v9  }
0x1c9: {  	v5 =	vadd.f32 v11, v5;
	v6 =	vadd.f32 v13, v6;
	v13 =	vmul.f32 v8, v8;
	v28 =	vld [tilespmem:s3+$0xC240]  }
0x1ca: {  	v4 =	vadd.f32 v14, v4;
	v8 =	vld [tilespmem:s3+$0x14240];
	v3 =	vadd.f32 v9, v3;
	v9 =	vmul.f32 v7, v7  }
0x1cb: {  	v1 =	vmul.f32 v1, v1;
	v5 =	vadd.f32 v16, v5;
	v6 =	vadd.f32 v21, v6;
	v7 =	vld [tilespmem:s3+$0x4250]  }
0x1cc: {  	v0 =	vmul.f32 v0, v0;
	v4 =	vadd.f32 v13, v4;
	v11 =	vld [tilespmem:s3+$0xC250];
	v3 =	vadd.f32 v9, v3  }
0x1cd: {  	v5 =	vadd.f32 v10, v5;
	v6 =	vadd.f32 v12, v6;
	v14 =	vld [tilespmem:s3+$0x14250]  }
0x1ce: {  	v4 =	vadd.f32 v1, v4;
	v13 =	vld [tilespmem:s3+$0x4220];
	v3 =	vadd.f32 v0, v3  }
0x1cf: {  	v17 =	vld [tilespmem:s3+$0xC220]  }
0x1d0: {  	v15 =	vld [tilespmem:s3+$0x14220]  }
0x1d1: {  	v9 =	vld [tilespmem:s3+$0x4230]  }
.Ltmp6:
0x1d2: {  	v18 =	vld [tilespmem:s3+$0x4200];
	(pc) =	sbr.rel @p0 .LBB2_14-.Ltmp6, $4  }
0x1d3: {  	v21 =	vld [tilespmem:s3+$0xC200]  }
0x1d4: {  	v10 =	vsub.f32 v24, v25;
	v20 =	vld [tilespmem:s3+$0x14200]  }
0x1d5: {  	v12 =	vsub.f32 v24, v22;
	v1 =	vsub.f32 v23, v26;
	v19 =	vld [tilespmem:s3+$0x4210]  }
0x1d6: {  	s0 =	sadd.s32 $0x200, s0;
	v16 =	vsub.f32 v2, v28;
	v0 =	vsub.f32 v23, v27;
	v22 =	vld [tilespmem:s3+$0xC210]  }
0x1d7: {  	v23 =	vld [tilespmem:s3+$0x14210]  }
0x1d8: {  	v24 =	vld [tilespmem:s3+$0xC230]  }
0x1d9: {  	v25 =	vld [tilespmem:s3+$0x14230];
	_ =	swait.ge [sflag:s30], $0x2000  }
0x1da: {  	[sflag:s30] =	ssyncset.done $0x0  }
0x1db: {  	[sflag:s30] =	ssyncadd.s32 $0xFFFFE000  }
0x1dc: {  	_ =	swait.ge [sflag:s13], $0x2000  }
0x1dd: {  	[sflag:s13] =	ssyncset.done $0x0  }
0x1de: {  	[sflag:s13] =	ssyncadd.s32 $0xFFFFE000  }
0x1df: {  	_ =	swait.ge [sflag:s31], $0x2000  }
0x1e0: {  	[sflag:s31] =	ssyncset.done $0x0  }
0x1e1: {  	s3 =	simm.s32 $0x0;
	[sflag:s31] =	ssyncadd.s32 $0xFFFFE000  }
0x1e2: {  	v26 =	vld [tilespmem:s3+$0x6260]  }
0x1e3: {  	v27 =	vld [tilespmem:s3+$0xE260]  }
0x1e4: {  	v28 =	vsub.f32 v2, v8;
	v29 =	vld [tilespmem:s3+$0x16260]  }
0x1e5: {  	v30 =	vsub.f32 v7, v11;
	v11 =	vsub.f32 v13, v17;
	v31 =	vld [tilespmem:s3+$0x6270]  }
0x1e6: {  	v7 =	vsub.f32 v7, v14;
	v2 =	vsub.f32 v18, v21;
	v21 =	vld [tilespmem:s3+$0xE270]  }
0x1e7: {  	v13 =	vsub.f32 v13, v15;
	v8 =	vsub.f32 v18, v20;
	v32 =	vld [tilespmem:s3+$0x16270]  }
0x1e8: {  	v17 =	vmul.f32 v2, v2;
	v14 =	vsub.f32 v19, v22;
	v15 =	vsub.f32 v19, v23;
	v2 =	vld [tilespmem:s3+$0x6240]  }
0x1e9: {  	v18 =	vmul.f32 v8, v8;
	v19 =	vsub.f32 v9, v24;
	v20 =	vsub.f32 v9, v25;
	v23 =	vld [tilespmem:s3+$0xE240]  }
0x1ea: {  	v5 =	vadd.f32 v17, v5;
	v17 =	vmul.f32 v11, v11;
	v14 =	vmul.f32 v14, v14;
	v8 =	vld [tilespmem:s3+$0x16240]  }
0x1eb: {  	v6 =	vadd.f32 v18, v6;
	v15 =	vmul.f32 v15, v15;
	v18 =	vmul.f32 v19, v19;
	v9 =	vld [tilespmem:s3+$0x6250]  }
0x1ec: {  	v5 =	vadd.f32 v17, v5;
	v4 =	vadd.f32 v14, v4;
	v14 =	vmul.f32 v13, v13;
	v11 =	vld [tilespmem:s3+$0xE250]  }
0x1ed: {  	v3 =	vadd.f32 v15, v3;
	v15 =	vmul.f32 v16, v16;
	v16 =	vmul.f32 v20, v20;
	v13 =	vld [tilespmem:s3+$0x16250]  }
0x1ee: {  	v17 =	vmul.f32 v28, v28;
	v19 =	vmul.f32 v7, v7;
	v7 =	vld [tilespmem:s3+$0x6230];
	v6 =	vadd.f32 v14, v6  }
0x1ef: {  	v22 =	vld [tilespmem:s3+$0xE200];
	v4 =	vadd.f32 v18, v4;
	v3 =	vadd.f32 v16, v3;
	v16 =	vmul.f32 v30, v30  }
0x1f0: {  	v12 =	vmul.f32 v12, v12;
	v20 =	vld [tilespmem:s3+$0xE210];
	v18 =	vmul.f32 v10, v10;
	v5 =	vadd.f32 v15, v5  }
0x1f1: {  	v1 =	vmul.f32 v1, v1;
	v14 =	vld [tilespmem:s3+$0x6220];
	v6 =	vadd.f32 v17, v6;
	v17 =	vadd.f32 v16, v4  }
0x1f2: {  	v0 =	vmul.f32 v0, v0;
	v10 =	vld [tilespmem:s3+$0x16220];
	v19 =	vadd.f32 v19, v3;
	v4 =	vadd.f32 v18, v5  }
0x1f3: {  	v15 =	vld [tilespmem:s3+$0xE220];
	v6 =	vadd.f32 v12, v6;
	v18 =	vsub.f32 v26, v27  }
0x1f4: {  	v16 =	vld [tilespmem:s3+$0x6200];
	v3 =	vadd.f32 v1, v17;
	v5 =	vadd.f32 v0, v19  }
0x1f5: {  	v17 =	vld [tilespmem:s3+$0x16200];
	v19 =	vsub.f32 v26, v29;
	v1 =	vsub.f32 v31, v21  }
0x1f6: {  	s0 =	simm.s32 $0x200;
	v12 =	vld [tilespmem:s3+$0x6210];
	v21 =	vsub.f32 v2, v23;
	v0 =	vsub.f32 v31, v32  }
.LBB2_16:
0x1f7: {  	p0 =	sne.s32 s0, $0x7E00;
	v23 =	vld [tilespmem:s3+$0x16210];
	v2 =	vsub.f32 v2, v8;
	v8 =	vsub.f32 v9, v11  }
0x1f8: {  	v11 =	vsub.f32 v14, v15;
	v9 =	vsub.f32 v9, v13;
	v15 =	vld [tilespmem:s3+$0xE230]  }
0x1f9: {  	v10 =	vsub.f32 v14, v10;
	v13 =	vsub.f32 v16, v22;
	v14 =	vld [tilespmem:s3+$0x16230];
	s3 =	sshra.s32 s0, $0x2  }
0x1fa: {  	v16 =	vsub.f32 v16, v17;
	v17 =	vmul.f32 v18, v18;
	v18 =	vmul.f32 v19, v19;
	v24 =	vld [tilespmem:s3+$0x6260]  }
0x1fb: {  	v21 =	vmul.f32 v21, v21;
	v22 =	vmul.f32 v2, v2;
	v19 =	vld [tilespmem:s3+$0xE260];
	v20 =	vsub.f32 v12, v20  }
0x1fc: {  	v11 =	vmul.f32 v11, v11;
	v10 =	vmul.f32 v10, v10;
	v25 =	vld [tilespmem:s3+$0x16260];
	v2 =	vsub.f32 v12, v23  }
0x1fd: {  	v12 =	vmul.f32 v13, v13;
	v13 =	vmul.f32 v16, v16;
	v23 =	vld [tilespmem:s3+$0x6270];
	v15 =	vsub.f32 v7, v15  }
0x1fe: {  	v16 =	vmul.f32 v20, v20;
	v26 =	vld [tilespmem:s3+$0xE270];
	v20 =	vmul.f32 v2, v2;
	v7 =	vsub.f32 v7, v14  }
0x1ff: {  	v4 =	vadd.f32 v12, v4;
	v6 =	vadd.f32 v13, v6;
	v27 =	vld [tilespmem:s3+$0x16270];
	v12 =	vmul.f32 v15, v15  }
0x200: {  	v3 =	vadd.f32 v16, v3;
	v2 =	vld [tilespmem:s3+$0x6240];
	v5 =	vadd.f32 v20, v5;
	v7 =	vmul.f32 v7, v7  }
0x201: {  	v4 =	vadd.f32 v11, v4;
	v6 =	vadd.f32 v10, v6;
	v10 =	vmul.f32 v8, v8;
	v28 =	vld [tilespmem:s3+$0xE240]  }
0x202: {  	v3 =	vadd.f32 v12, v3;
	v8 =	vld [tilespmem:s3+$0x16240];
	v5 =	vadd.f32 v7, v5;
	v7 =	vmul.f32 v9, v9  }
0x203: {  	v1 =	vmul.f32 v1, v1;
	v4 =	vadd.f32 v21, v4;
	v6 =	vadd.f32 v22, v6;
	v9 =	vld [tilespmem:s3+$0x6250]  }
0x204: {  	v0 =	vmul.f32 v0, v0;
	v3 =	vadd.f32 v10, v3;
	v11 =	vld [tilespmem:s3+$0xE250];
	v5 =	vadd.f32 v7, v5  }
0x205: {  	v4 =	vadd.f32 v17, v4;
	v6 =	vadd.f32 v18, v6;
	v13 =	vld [tilespmem:s3+$0x16250]  }
0x206: {  	v3 =	vadd.f32 v1, v3;
	v14 =	vld [tilespmem:s3+$0x6220];
	v5 =	vadd.f32 v0, v5  }
0x207: {  	v15 =	vld [tilespmem:s3+$0xE220]  }
0x208: {  	v10 =	vld [tilespmem:s3+$0x16220]  }
0x209: {  	v7 =	vld [tilespmem:s3+$0x6230]  }
.Ltmp7:
0x20a: {  	v16 =	vld [tilespmem:s3+$0x6200];
	(pc) =	sbr.rel @p0 .LBB2_16-.Ltmp7, $4  }
0x20b: {  	v22 =	vld [tilespmem:s3+$0xE200]  }
0x20c: {  	v18 =	vsub.f32 v24, v19;
	v17 =	vld [tilespmem:s3+$0x16200]  }
0x20d: {  	v19 =	vsub.f32 v24, v25;
	v1 =	vsub.f32 v23, v26;
	v12 =	vld [tilespmem:s3+$0x6210]  }
0x20e: {  	s0 =	sadd.s32 $0x200, s0;
	v21 =	vsub.f32 v2, v28;
	v0 =	vsub.f32 v23, v27;
	v20 =	vld [tilespmem:s3+$0xE210]  }
0x20f: {  	v23 =	vld [tilespmem:s3+$0x16210];
	v2 =	vsub.f32 v2, v8  }
0x210: {  	v49 =	vsub.f32 v9, v11;
	v50 =	vsub.f32 v14, v15;
	v51 =	vld [tilespmem:s3+$0xE230]  }
0x211: {  	v52 =	vsub.f32 v9, v13;
	v10 =	vsub.f32 v14, v10;
	v54 =	vld [tilespmem:s3+$0x16230];
	v56 =	vmul.f32 v18, v18  }
0x212: {  	v57 =	vmul.f32 v19, v19;
	v53 =	vsub.f32 v16, v22;
	v59 =	vmul.f32 v21, v21  }
0x213: {  	v55 =	vsub.f32 v16, v17;
	v2 =	vmul.f32 v2, v2;
	v11 =	vmul.f32 v50, v50  }
0x214: {  	v10 =	vmul.f32 v10, v10;
	v58 =	vsub.f32 v12, v20;
	v60 =	vsub.f32 v12, v23  }
0x215: {  	v13 =	vmul.f32 v53, v53;
	v16 =	vmul.f32 v55, v55;
	v15 =	vsub.f32 v7, v51  }
0x216: {  	v61 =	vsub.f32 v7, v54;
	v19 =	vmul.f32 v58, v58;
	v12 =	vmul.f32 v60, v60  }
0x217: {  	v4 =	vadd.f32 v13, v4;
	v6 =	vadd.f32 v16, v6;
	v62 =	vmul.f32 v15, v15  }
0x218: {  	v7 =	vmul.f32 v61, v61;
	v3 =	vadd.f32 v19, v3;
	v5 =	vadd.f32 v12, v5  }
0x219: {  	v8 =	vmul.f32 v49, v49;
	v4 =	vadd.f32 v11, v4;
	v6 =	vadd.f32 v10, v6  }
0x21a: {  	v63 =	vmul.f32 v52, v52;
	v3 =	vadd.f32 v62, v3;
	v5 =	vadd.f32 v7, v5  }
0x21b: {  	v1 =	vmul.f32 v1, v1;
	v4 =	vadd.f32 v59, v4;
	v2 =	vadd.f32 v2, v6  }
0x21c: {  	v0 =	vmul.f32 v0, v0;
	v3 =	vadd.f32 v8, v3;
	v5 =	vadd.f32 v63, v5  }
0x21d: {  	v4 =	vadd.f32 v56, v4;
	v2 =	vadd.f32 v57, v2  }
0x21e: {  	v1 =	vadd.f32 v1, v3;
	v0 =	vadd.f32 v0, v5;
	_ =	sdelay $0x1  }
0x21f: {  	v1 =	vadd.f32 v1, v4;
	v0 =	vadd.f32 v0, v2;
	_ =	sdelay $0x1  }
0x220: {  	s14 =	sadd.s32 $0x1, s14;
	v0 =	vadd.f32 v0, v1  }
0x221: {  	p0 =	sne.s32 s14, s22  }
.Ltmp8:
0x222: {  	s0 =	simm.s32 $0x18200;
	[tilespmem:$0x18200] =	vst v0;
	(pc) =	sbr.rel @p0 .LBB2_1-.Ltmp8, $4  }
0x223: {  	[hbm4b:s21+s2] =	stream.linear.scatter [tilespmem:s0], [sflag:$0xD], $0x80, $0x38;
	[tilespmem:$0x18280] =	vst v63  }
0x224: {  	_ =	swait.ge [sflag:s23], $0x80  }
0x225: {  	[sflag:s23] =	ssyncset.done $0x0  }
0x226: {  	[sflag:s23] =	ssyncadd.s32 $0xFFFFFF80  }
0x227: {  	_ =	sfence.sel $0x180000  }
0x228: {  	[bflag:$0x0] =	sbarrier.arrive $0xFFFF  }
0x229: {  	_ =	strace $0x90000047  }
0x22a: {  	s0 =	stileid.u32;
	[bflag:$0x2] =	sbarrier.arrive $0xFFFF  }
0x22b: {  	p0 =	sne.s32 s0, $0x0;
	s0 =	rddreg [dreg:$0x5]  }
0x22c: {  	s0 =	sadd.s32 @!p0 $0x100000, s0  }
0x22d: {  	[sflag:s0] =	ssyncadd.tile.s32 @!p0 $0x1;
	_ =	shalt  }
.Lfunc_end2:
_tile_overlayer_lowered:
.L_overlay_start_2:
0x22e: {  	(tag) =	ssettag $0x2  }
0x22f: {  	s0 =	rddreg [dreg:$0x0];
	s2 =	stileid.u32  }
0x230: {  	s1 =	rddreg [dreg:$0x1];
	p0 =	sne.s32 s2, $0x0  }
0x231: {  	s3 =	rddreg [dreg:$0x2];
	[bflag:$0x3] =	sbarrier.arrive $0xFFFF;
	s2 =	simm.s32 @!p0 $0x1C0D  }
0x232: {  	[timem:s3], [sflag:s2] =	dma.local @!p0 [hbm:s0], s1  }
0x233: {  	s0 =	simm.s32 @!p0 $0xD  }
0x234: {  	_ =	swait.ge @!p0 [sflag:s0], s1  }
0x235: {  	s1 =	ssub.s32 @!p0 $0x0, s1;
	[sflag:s0] =	ssyncset.done @!p0 $0x0  }
0x236: {  	[sflag:s0] =	ssyncadd.s32 @!p0 s1  }
0x237: {  	[bflag:$0x3] =	sbarrier.arrive $0xFFFF  }
0x238: {  	_ =	shalt  }

</sc_bundles>
